<compile_context>
chip_gen: v7x
topology: tpu7x:2x2x1
jax: 0.10.2.dev20260603
libtpu: 0.0.44.dev20260713+nightly
codegen_flags: <defaults>
</compile_context>

<pallas_src>
import jax
import jax.numpy as jnp
from jax import lax
from jax.experimental import pallas as pl
from jax.experimental.pallas import tpu as pltpu
from jax.experimental.pallas import tpu_sc as plsc

B, C, E, O, K = 1, 128, 160000, 128, 5

NC, NS = 2, 16
NW = NC * NS
CH = 128
NCH = E // CH

NSPLIT = 5
ES = E // NSPLIT
NCH_S = NCH // NSPLIT
ITERS = (NCH_S + NW - 1) // NW

BE = 3200
NBLK_S = ES // BE


def _sc_gather_body(xT_ref, idx_ref, g_ref, idx_v, rows_v,
                    gs0, gs1, gs2, gs3, ws0, ws1, ws2, ws3, isem):
    gsem = (gs0, gs1, gs2, gs3)
    wsem = (ws0, ws1, ws2, ws3)
    cid = lax.axis_index("c")
    sid = lax.axis_index("s")
    wid = sid * NC + cid

    pltpu.async_copy(idx_ref.at[wid], idx_v.at[0], isem)

    def chunk_body(i, carry):
        c = wid + i * NW
        p = lax.rem(i, 2)

        @pl.when(c < NCH_S)
        def _():
            pltpu.make_async_copy(idx_ref.at[c], idx_v.at[p], isem).wait()

            @pl.when(c + NW < NCH_S)
            def _():
                pltpu.async_copy(idx_ref.at[c + NW], idx_v.at[1 - p], isem)

            for j in range(4):
                @pl.when(i >= 1)
                def _():
                    pltpu.make_async_copy(
                        rows_v.at[j], g_ref.at[j, pl.ds(0, CH), :], wsem[j]
                    ).wait()

                pltpu.async_copy(
                    xT_ref.at[idx_v.at[p, j]], rows_v.at[j], gsem[j]
                )
            for j in range(4):
                pltpu.make_async_copy(
                    xT_ref.at[idx_v.at[p, j]], rows_v.at[j], gsem[j]
                ).wait()
                pltpu.async_copy(
                    rows_v.at[j], g_ref.at[j, pl.ds(c * CH, CH), :], wsem[j]
                )

        return carry

    lax.fori_loop(0, ITERS, chunk_body, 0)
    for j in range(4):
        pltpu.make_async_copy(
            rows_v.at[j], g_ref.at[j, pl.ds(0, CH), :], wsem[j]
        ).wait()


_gather = pl.kernel(
    _sc_gather_body,
    out_type=jax.ShapeDtypeStruct((4, ES, C), jnp.float32),
    mesh=plsc.VectorSubcoreMesh(
        core_axis_name="c", subcore_axis_name="s", num_cores=NC, num_subcores=NS
    ),
    scratch_types=[
        pltpu.VMEM((2, 4, CH), jnp.int32),
        pltpu.VMEM((4, CH, C), jnp.float32),
    ] + [pltpu.SemaphoreType.DMA] * 9,
)


def _tc_conv_body(x_ref, g_ref, w_ref, b_ref, *rest):
    o_ref = rest[-1]
    r1 = g_ref[0]
    r2 = g_ref[1]
    r3 = g_ref[2]
    r4 = g_ref[3]
    dn = (((1,), (1,)), ((), ()))
    a = jnp.dot(w_ref[0], x_ref[...], preferred_element_type=jnp.float32)
    a += lax.dot_general(w_ref[1], r1 + r3, dn, preferred_element_type=jnp.float32)
    a += lax.dot_general(w_ref[2], r2 + r4, dn, preferred_element_type=jnp.float32)
    a += lax.dot_general(w_ref[3], jnp.abs(r1 - r3), dn, preferred_element_type=jnp.float32)
    a += lax.dot_general(w_ref[4], jnp.abs(r2 - r4), dn, preferred_element_type=jnp.float32)
    o_ref[...] = a + b_ref[...]


def _make_conv(k):
    off = k * NBLK_S
    in_specs = [
        pl.BlockSpec((C, BE), lambda i: (0, i + off)),
        pl.BlockSpec((4, BE, C), lambda i: (0, i, 0)),
        pl.BlockSpec((K, O, C), lambda i: (0, 0, 0)),
        pl.BlockSpec((O, 1), lambda i: (0, 0)),
    ]
    aliases = {}
    if k > 0:
        in_specs.append(pl.BlockSpec(memory_space=pl.ANY))
        aliases = {4: 0}
    return pl.pallas_call(
        _tc_conv_body,
        grid=(NBLK_S,),
        in_specs=in_specs,
        out_specs=pl.BlockSpec((O, BE), lambda i: (0, i + off)),
        out_shape=jax.ShapeDtypeStruct((O, E), jnp.float32),
        input_output_aliases=aliases,
    )


_convs = [_make_conv(k) for k in range(NSPLIT)]


def kernel(x, gemm_edges, W, b):
    x2 = x[0]
    xT = x2.T
    idx_arr = gemm_edges[0].reshape(NCH, CH, 4).transpose(0, 2, 1)
    Wst = jnp.transpose(W[:, :, 0, :], (2, 0, 1))
    b2 = b.reshape(O, 1)

    gs = [
        _gather(xT, idx_arr[k * NCH_S:(k + 1) * NCH_S])
        for k in range(NSPLIT)
    ]
    out2 = _convs[0](x2, gs[0], Wst, b2)
    for k in range(1, NSPLIT):
        out2 = _convs[k](x2, gs[k], Wst, b2, out2)
    return out2[None, :, :, None]

# --- scband reference (transcript-rebuilt; emitter-appended) ---
"""Pipeline reference for scband-mesh-conv-80607946211848 (READ-ONLY COPY).

The authoritative reference and input builder live on the scoring server;
editing this copy changes nothing except your own understanding.
"""

import jax, jax.numpy as jnp
import numpy as np

B, C, E, O, K = 1, 128, 160000, 128, 5

def setup_inputs(seed: int = 0) -> dict:
    key = jax.random.key(seed)
    k1, k2, k3, k4 = jax.random.split(key, 4)
    x = jax.random.normal(k1, (B, C, E), dtype=jnp.float32)
    gemm_edges = jax.random.randint(k2, (B, E, 4), 0, E, dtype=jnp.int32)
    W = jax.random.normal(k3, (O, C, 1, K), dtype=jnp.float32) * 0.04
    b = jax.random.normal(k4, (O,), dtype=jnp.float32) * 0.01
    return {"x": x, "gemm_edges": gemm_edges, "W": W, "b": b}

def reference(x, gemm_edges, W, b):
    # x: [B, C, E] edge features; gemm_edges: [B, E, 4] 1-ring neighbor edge ids
    Bs, Cs, Es = x.shape
    ne = Es + 1
    # pad_gemm: prepend self edge-id -> [B, E, 5]
    self_idx = jnp.broadcast_to(jnp.arange(Es, dtype=jnp.int32)[None, :, None], (Bs, Es, 1))
    G = jnp.concatenate([self_idx, gemm_edges.astype(jnp.int32)], axis=2)
    # create_GeMM: shift by +1 for zero-padding column, flatten indices across batch
    Gi = G + 1
    offs = (jnp.arange(Bs, dtype=jnp.int32) * ne)[:, None, None]
    Gi_flat = (Gi + offs).reshape(-1)
    xp = jnp.concatenate([jnp.zeros((Bs, Cs, 1), dtype=x.dtype), x], axis=2)  # [B, C, E+1]
    xf = jnp.transpose(xp, (0, 2, 1)).reshape(Bs * ne, Cs)
    f = jnp.take(xf, Gi_flat, axis=0).reshape(Bs, Es, 5, Cs)
    f = jnp.transpose(f, (0, 3, 1, 2))  # [B, C, E, 5]
    # symmetric functions for order invariance
    x1 = f[..., 1] + f[..., 3]
    x2 = f[..., 2] + f[..., 4]
    x3 = jnp.abs(f[..., 1] - f[..., 3])
    x4 = jnp.abs(f[..., 2] - f[..., 4])
    G2 = jnp.stack([f[..., 0], x1, x2, x3, x4], axis=3)  # [B, C, E, 5]
    # Conv2d with kernel (1, 5) == contraction over (C, 5)
    out = jnp.einsum('bcek,ock->boe', G2, W[:, :, 0, :]) + b[None, :, None]
    return out[..., None]  # [B, O, E, 1]

if __name__ == "__main__":
    import jax
    _d = setup_inputs()
    print(jax.jit(kernel)(*tuple(_d.values())))

</pallas_src>

<mosaic_0001>
#map = affine_map<(d0, d1) -> (0, 0)>
#map1 = affine_map<(d0, d1) -> (0, 0, 0)>
module attributes {stable_mosaic.version = 14 : i64} {
  func.func @_sc_gather_body(%arg0: i32, %arg1: i32, %arg2: memref<160000x128xf32, #tpu.memory_space<hbm>>, %arg3: memref<250x4x128xi32, #tpu.memory_space<hbm>>, %arg4: memref<4x32000x128xf32, #tpu.memory_space<hbm>>, %arg5: memref<2x4x128xi32, #tpu.memory_space<vmem>>, %arg6: memref<4x128x128xf32, #tpu.memory_space<vmem>>, %arg7: memref<!tpu.dma_semaphore, #tpu.memory_space<semaphore_mem>>, %arg8: memref<!tpu.dma_semaphore, #tpu.memory_space<semaphore_mem>>, %arg9: memref<!tpu.dma_semaphore, #tpu.memory_space<semaphore_mem>>, %arg10: memref<!tpu.dma_semaphore, #tpu.memory_space<semaphore_mem>>, %arg11: memref<!tpu.dma_semaphore, #tpu.memory_space<semaphore_mem>>, %arg12: memref<!tpu.dma_semaphore, #tpu.memory_space<semaphore_mem>>, %arg13: memref<!tpu.dma_semaphore, #tpu.memory_space<semaphore_mem>>, %arg14: memref<!tpu.dma_semaphore, #tpu.memory_space<semaphore_mem>>, %arg15: memref<!tpu.dma_semaphore, #tpu.memory_space<semaphore_mem>>) attributes {dimension_semantics = [#tpu.dimension_semantics<core_parallel>, #tpu.dimension_semantics<subcore_parallel>], iteration_bounds = array<i64: 2, 16>, scalar_prefetch = 0 : i64, scratch_operands = 11 : i64, tpu.core_type = #tpu.core_type<sc_vector_subcore>, window_params = [{transform_indices = #map}, {transform_indices = #map1}, {transform_indices = #map1}]} {
    %mul3A = arith.constant 2 : i32
    %mul3A_0 = arith.muli %arg1, %mul3A : i32
    %add3A = arith.addi %mul3A_0, %arg0 : i32
    %dma_start3A = arith.constant 0 : i32
    %dma_start3A_1 = arith.constant 0 : i32
    %dma_start3A_2 = arith.constant 0 : i32
    %dma_start3A_3 = tpu.memref_slice %arg5[%dma_start3A, %dma_start3A_1, %dma_start3A_2] : memref<2x4x128xi32, #tpu.memory_space<vmem>> -> memref<1x4x128xi32, #tpu.memory_space<vmem>>
    %dma_start3A_4 = tpu.memref_squeeze %dma_start3A_3 : memref<1x4x128xi32, #tpu.memory_space<vmem>> -> memref<4x128xi32, #tpu.memory_space<vmem>>
    %dma_start3A_5 = arith.constant 0 : i32
    %dma_start3A_6 = arith.constant 0 : i32
    %dma_start3A_7 = tpu.memref_slice %arg3[%add3A, %dma_start3A_5, %dma_start3A_6] : memref<250x4x128xi32, #tpu.memory_space<hbm>> -> memref<1x4x128xi32, #tpu.memory_space<hbm>>
    %dma_start3A_8 = tpu.memref_squeeze %dma_start3A_7 : memref<1x4x128xi32, #tpu.memory_space<hbm>> -> memref<4x128xi32, #tpu.memory_space<hbm>>
    %dma_start3A_9 = arith.constant 0 : i32
    %dma_start3A_10 = arith.constant 0 : i32
    %dma_start3A_11 = tpu.memref_slice %arg5[%dma_start3A, %dma_start3A_9, %dma_start3A_10] : memref<2x4x128xi32, #tpu.memory_space<vmem>> -> memref<1x4x128xi32, #tpu.memory_space<vmem>>
    %dma_start3A_12 = tpu.memref_squeeze %dma_start3A_11 : memref<1x4x128xi32, #tpu.memory_space<vmem>> -> memref<4x128xi32, #tpu.memory_space<vmem>>
    %dma_start3A_13 = arith.constant 0 : i32
    %dma_start3A_14 = arith.constant 0 : i32
    %dma_start3A_15 = tpu.memref_slice %arg3[%add3A, %dma_start3A_13, %dma_start3A_14] : memref<250x4x128xi32, #tpu.memory_space<hbm>> -> memref<1x4x128xi32, #tpu.memory_space<hbm>>
    %dma_start3A_16 = tpu.memref_squeeze %dma_start3A_15 : memref<1x4x128xi32, #tpu.memory_space<hbm>> -> memref<4x128xi32, #tpu.memory_space<hbm>>
    tpu.enqueue_dma source(%dma_start3A_16 : memref<4x128xi32, #tpu.memory_space<hbm>>) target(%dma_start3A_12 : memref<4x128xi32, #tpu.memory_space<vmem>>) target_semaphore(%arg15 : memref<!tpu.dma_semaphore, #tpu.memory_space<semaphore_mem>>)
    %scan3A = arith.constant 0 : i32
    %scan3A_17 = arith.constant 0 : i32
    %scan3A_18 = arith.constant 8 : i32
    %scan3A_19 = arith.addi %scan3A_17, %scan3A_18 : i32
    %scan3A_20 = arith.constant 1 : i32
    scf.for %scan3A_93 = %scan3A_17 to %scan3A_19 step %scan3A_20  : i32 {
      %mul3A_94 = arith.constant 32 : i32
      %mul3A_95 = arith.muli %scan3A_93, %mul3A_94 : i32
      %add3A_96 = arith.addi %add3A, %mul3A_95 : i32
      %rem3A = arith.constant 2 : i32
      %rem3A_97 = arith.remsi %scan3A_93, %rem3A : i32
      %lt3A = arith.constant 250 : i32
      %lt3A_98 = arith.cmpi slt, %add3A_96, %lt3A : i32
      %convert_element_type3A = arith.extui %lt3A_98 : i1 to i32
      %cond3A = arith.constant 0 : i32
      %cond3A_99 = arith.cmpi ne, %convert_element_type3A, %cond3A : i32
      scf.if %cond3A_99 {
        %dma_wait3A_100 = arith.constant 0 : i32
        %dma_wait3A_101 = arith.constant 0 : i32
        %dma_wait3A_102 = tpu.memref_slice %arg5[%rem3A_97, %dma_wait3A_100, %dma_wait3A_101] : memref<2x4x128xi32, #tpu.memory_space<vmem>> -> memref<1x4x128xi32, #tpu.memory_space<vmem>>
        %dma_wait3A_103 = tpu.memref_squeeze %dma_wait3A_102 : memref<1x4x128xi32, #tpu.memory_space<vmem>> -> memref<4x128xi32, #tpu.memory_space<vmem>>
        %dma_wait3A_104 = arith.constant 0 : i32
        %dma_wait3A_105 = arith.constant 0 : i32
        %dma_wait3A_106 = tpu.memref_slice %arg3[%add3A_96, %dma_wait3A_104, %dma_wait3A_105] : memref<250x4x128xi32, #tpu.memory_space<hbm>> -> memref<1x4x128xi32, #tpu.memory_space<hbm>>
        %dma_wait3A_107 = tpu.memref_squeeze %dma_wait3A_106 : memref<1x4x128xi32, #tpu.memory_space<hbm>> -> memref<4x128xi32, #tpu.memory_space<hbm>>
        %dma_wait3A_108 = arith.constant 0 : i32
        %dma_wait3A_109 = arith.constant 0 : i32
        %dma_wait3A_110 = tpu.memref_slice %arg5[%rem3A_97, %dma_wait3A_108, %dma_wait3A_109] : memref<2x4x128xi32, #tpu.memory_space<vmem>> -> memref<1x4x128xi32, #tpu.memory_space<vmem>>
        %dma_wait3A_111 = tpu.memref_squeeze %dma_wait3A_110 : memref<1x4x128xi32, #tpu.memory_space<vmem>> -> memref<4x128xi32, #tpu.memory_space<vmem>>
        %dma_wait3A_112 = arith.constant 0 : i32
        %dma_wait3A_113 = arith.constant 0 : i32
        %dma_wait3A_114 = tpu.memref_slice %arg3[%add3A_96, %dma_wait3A_112, %dma_wait3A_113] : memref<250x4x128xi32, #tpu.memory_space<hbm>> -> memref<1x4x128xi32, #tpu.memory_space<hbm>>
        %dma_wait3A_115 = tpu.memref_squeeze %dma_wait3A_114 : memref<1x4x128xi32, #tpu.memory_space<hbm>> -> memref<4x128xi32, #tpu.memory_space<hbm>>
        tpu.wait_dma2 semaphore(%arg15 : memref<!tpu.dma_semaphore, #tpu.memory_space<semaphore_mem>>) src(%dma_wait3A_115 : memref<4x128xi32, #tpu.memory_space<hbm>>) dst(%dma_wait3A_111 : memref<4x128xi32, #tpu.memory_space<vmem>>)
        %add3A_116 = arith.constant 32 : i32
        %add3A_117 = arith.addi %add3A_96, %add3A_116 : i32
        %lt3A_118 = arith.constant 250 : i32
        %lt3A_119 = arith.cmpi slt, %add3A_117, %lt3A_118 : i32
        %convert_element_type3A_120 = arith.extui %lt3A_119 : i1 to i32
        %cond3A_121 = arith.constant 0 : i32
        %cond3A_122 = arith.cmpi ne, %convert_element_type3A_120, %cond3A_121 : i32
        scf.if %cond3A_122 {
          %add3A_310 = arith.constant 32 : i32
          %add3A_311 = arith.addi %add3A_96, %add3A_310 : i32
          %sub3A = arith.constant 1 : i32
          %sub3A_312 = arith.subi %sub3A, %rem3A_97 : i32
          %dma_start3A_313 = arith.constant 0 : i32
          %dma_start3A_314 = arith.constant 0 : i32
          %dma_start3A_315 = tpu.memref_slice %arg5[%sub3A_312, %dma_start3A_313, %dma_start3A_314] : memref<2x4x128xi32, #tpu.memory_space<vmem>> -> memref<1x4x128xi32, #tpu.memory_space<vmem>>
          %dma_start3A_316 = tpu.memref_squeeze %dma_start3A_315 : memref<1x4x128xi32, #tpu.memory_space<vmem>> -> memref<4x128xi32, #tpu.memory_space<vmem>>
          %dma_start3A_317 = arith.constant 0 : i32
          %dma_start3A_318 = arith.constant 0 : i32
          %dma_start3A_319 = tpu.memref_slice %arg3[%add3A_311, %dma_start3A_317, %dma_start3A_318] : memref<250x4x128xi32, #tpu.memory_space<hbm>> -> memref<1x4x128xi32, #tpu.memory_space<hbm>>
          %dma_start3A_320 = tpu.memref_squeeze %dma_start3A_319 : memref<1x4x128xi32, #tpu.memory_space<hbm>> -> memref<4x128xi32, #tpu.memory_space<hbm>>
          %dma_start3A_321 = arith.constant 0 : i32
          %dma_start3A_322 = arith.constant 0 : i32
          %dma_start3A_323 = tpu.memref_slice %arg5[%sub3A_312, %dma_start3A_321, %dma_start3A_322] : memref<2x4x128xi32, #tpu.memory_space<vmem>> -> memref<1x4x128xi32, #tpu.memory_space<vmem>>
          %dma_start3A_324 = tpu.memref_squeeze %dma_start3A_323 : memref<1x4x128xi32, #tpu.memory_space<vmem>> -> memref<4x128xi32, #tpu.memory_space<vmem>>
          %dma_start3A_325 = arith.constant 0 : i32
          %dma_start3A_326 = arith.constant 0 : i32
          %dma_start3A_327 = tpu.memref_slice %arg3[%add3A_311, %dma_start3A_325, %dma_start3A_326] : memref<250x4x128xi32, #tpu.memory_space<hbm>> -> memref<1x4x128xi32, #tpu.memory_space<hbm>>
          %dma_start3A_328 = tpu.memref_squeeze %dma_start3A_327 : memref<1x4x128xi32, #tpu.memory_space<hbm>> -> memref<4x128xi32, #tpu.memory_space<hbm>>
          tpu.enqueue_dma source(%dma_start3A_328 : memref<4x128xi32, #tpu.memory_space<hbm>>) target(%dma_start3A_324 : memref<4x128xi32, #tpu.memory_space<vmem>>) target_semaphore(%arg15 : memref<!tpu.dma_semaphore, #tpu.memory_space<semaphore_mem>>)
        } else {
        }
        %ge3A = arith.constant 1 : i32
        %ge3A_123 = arith.cmpi sge, %scan3A_93, %ge3A : i32
        %convert_element_type3A_124 = arith.extui %ge3A_123 : i1 to i32
        %cond3A_125 = arith.constant 0 : i32
        %cond3A_126 = arith.cmpi ne, %convert_element_type3A_124, %cond3A_125 : i32
        scf.if %cond3A_126 {
          %dma_wait3A_310 = arith.constant 0 : i32
          %dma_wait3A_311 = arith.constant 0 : i32
          %dma_wait3A_312 = arith.constant 0 : i32
          %dma_wait3A_313 = arith.constant 0 : i32
          %dma_wait3A_314 = tpu.memref_slice %arg6[%dma_wait3A_310, %dma_wait3A_312, %dma_wait3A_313] : memref<4x128x128xf32, #tpu.memory_space<vmem>> -> memref<1x128x128xf32, #tpu.memory_space<vmem>>
          %dma_wait3A_315 = tpu.memref_squeeze %dma_wait3A_314 : memref<1x128x128xf32, #tpu.memory_space<vmem>> -> memref<128x128xf32, #tpu.memory_space<vmem>>
          %dma_wait3A_316 = arith.constant 0 : i32
          %dma_wait3A_317 = arith.constant 0 : i32
          %dma_wait3A_318 = tpu.memref_slice %arg4[%dma_wait3A_311, %dma_wait3A_316, %dma_wait3A_317] : memref<4x32000x128xf32, #tpu.memory_space<hbm>> -> memref<1x128x128xf32, #tpu.memory_space<hbm>>
          %dma_wait3A_319 = tpu.memref_squeeze %dma_wait3A_318 : memref<1x128x128xf32, #tpu.memory_space<hbm>> -> memref<128x128xf32, #tpu.memory_space<hbm>>
          %dma_wait3A_320 = arith.constant 0 : i32
          %dma_wait3A_321 = arith.constant 0 : i32
          %dma_wait3A_322 = tpu.memref_slice %arg4[%dma_wait3A_311, %dma_wait3A_320, %dma_wait3A_321] : memref<4x32000x128xf32, #tpu.memory_space<hbm>> -> memref<1x128x128xf32, #tpu.memory_space<hbm>>
          %dma_wait3A_323 = tpu.memref_squeeze %dma_wait3A_322 : memref<1x128x128xf32, #tpu.memory_space<hbm>> -> memref<128x128xf32, #tpu.memory_space<hbm>>
          %dma_wait3A_324 = arith.constant 0 : i32
          %dma_wait3A_325 = arith.constant 0 : i32
          %dma_wait3A_326 = tpu.memref_slice %arg6[%dma_wait3A_310, %dma_wait3A_324, %dma_wait3A_325] : memref<4x128x128xf32, #tpu.memory_space<vmem>> -> memref<1x128x128xf32, #tpu.memory_space<vmem>>
          %dma_wait3A_327 = tpu.memref_squeeze %dma_wait3A_326 : memref<1x128x128xf32, #tpu.memory_space<vmem>> -> memref<128x128xf32, #tpu.memory_space<vmem>>
          tpu.wait_dma2 semaphore(%arg11 : memref<!tpu.dma_semaphore, #tpu.memory_space<semaphore_mem>>) src(%dma_wait3A_327 : memref<128x128xf32, #tpu.memory_space<vmem>>) dst(%dma_wait3A_323 : memref<128x128xf32, #tpu.memory_space<hbm>>)
        } else {
        }
        %dma_start3A_127 = arith.constant 0 : i32
        %dma_start3A_128 = arith.constant 0 : i32
        %dma_start3A_129 = arith.constant 0 : i32
        %dma_start3A_130 = arith.constant 0 : i32
        %dma_start3A_131 = tpu.memref_slice %arg6[%dma_start3A_128, %dma_start3A_129, %dma_start3A_130] : memref<4x128x128xf32, #tpu.memory_space<vmem>> -> memref<1x128x128xf32, #tpu.memory_space<vmem>>
        %dma_start3A_132 = tpu.memref_squeeze %dma_start3A_131 : memref<1x128x128xf32, #tpu.memory_space<vmem>> -> memref<128x128xf32, #tpu.memory_space<vmem>>
        %dma_start3A_133 = arith.constant 0 : i32
        %dma_start3A_134 = tpu.memref_slice %arg5[%rem3A_97, %dma_start3A_127, %dma_start3A_133] : memref<2x4x128xi32, #tpu.memory_space<vmem>> -> memref<1x1x128xi32, #tpu.memory_space<vmem>>
        %dma_start3A_135 = tpu.memref_squeeze %dma_start3A_134 : memref<1x1x128xi32, #tpu.memory_space<vmem>> -> memref<128xi32, #tpu.memory_space<vmem>>
        %dma_start3A_136 = arith.constant 0 : i32
        %dma_start3A_137 = arith.constant 0 : i32
        %dma_start3A_138 = tpu.memref_slice %arg2[%dma_start3A_136, %dma_start3A_137] : memref<160000x128xf32, #tpu.memory_space<hbm>> -> memref<160000x128xf32, #tpu.memory_space<hbm>>
        tpu.enqueue_indirect_dma source(%dma_start3A_138 : memref<160000x128xf32, #tpu.memory_space<hbm>>) target(%dma_start3A_132 : memref<128x128xf32, #tpu.memory_space<vmem>>) offsets(%dma_start3A_135 : memref<128xi32, #tpu.memory_space<vmem>>) semaphore(%arg7 : memref<!tpu.dma_semaphore, #tpu.memory_space<semaphore_mem>>)
        %ge3A_139 = arith.constant 1 : i32
        %ge3A_140 = arith.cmpi sge, %scan3A_93, %ge3A_139 : i32
        %convert_element_type3A_141 = arith.extui %ge3A_140 : i1 to i32
        %cond3A_142 = arith.constant 0 : i32
        %cond3A_143 = arith.cmpi ne, %convert_element_type3A_141, %cond3A_142 : i32
        scf.if %cond3A_143 {
          %dma_wait3A_310 = arith.constant 1 : i32
          %dma_wait3A_311 = arith.constant 1 : i32
          %dma_wait3A_312 = arith.constant 0 : i32
          %dma_wait3A_313 = arith.constant 0 : i32
          %dma_wait3A_314 = tpu.memref_slice %arg6[%dma_wait3A_310, %dma_wait3A_312, %dma_wait3A_313] : memref<4x128x128xf32, #tpu.memory_space<vmem>> -> memref<1x128x128xf32, #tpu.memory_space<vmem>>
          %dma_wait3A_315 = tpu.memref_squeeze %dma_wait3A_314 : memref<1x128x128xf32, #tpu.memory_space<vmem>> -> memref<128x128xf32, #tpu.memory_space<vmem>>
          %dma_wait3A_316 = arith.constant 0 : i32
          %dma_wait3A_317 = arith.constant 0 : i32
          %dma_wait3A_318 = tpu.memref_slice %arg4[%dma_wait3A_311, %dma_wait3A_316, %dma_wait3A_317] : memref<4x32000x128xf32, #tpu.memory_space<hbm>> -> memref<1x128x128xf32, #tpu.memory_space<hbm>>
          %dma_wait3A_319 = tpu.memref_squeeze %dma_wait3A_318 : memref<1x128x128xf32, #tpu.memory_space<hbm>> -> memref<128x128xf32, #tpu.memory_space<hbm>>
          %dma_wait3A_320 = arith.constant 0 : i32
          %dma_wait3A_321 = arith.constant 0 : i32
          %dma_wait3A_322 = tpu.memref_slice %arg4[%dma_wait3A_311, %dma_wait3A_320, %dma_wait3A_321] : memref<4x32000x128xf32, #tpu.memory_space<hbm>> -> memref<1x128x128xf32, #tpu.memory_space<hbm>>
          %dma_wait3A_323 = tpu.memref_squeeze %dma_wait3A_322 : memref<1x128x128xf32, #tpu.memory_space<hbm>> -> memref<128x128xf32, #tpu.memory_space<hbm>>
          %dma_wait3A_324 = arith.constant 0 : i32
          %dma_wait3A_325 = arith.constant 0 : i32
          %dma_wait3A_326 = tpu.memref_slice %arg6[%dma_wait3A_310, %dma_wait3A_324, %dma_wait3A_325] : memref<4x128x128xf32, #tpu.memory_space<vmem>> -> memref<1x128x128xf32, #tpu.memory_space<vmem>>
          %dma_wait3A_327 = tpu.memref_squeeze %dma_wait3A_326 : memref<1x128x128xf32, #tpu.memory_space<vmem>> -> memref<128x128xf32, #tpu.memory_space<vmem>>
          tpu.wait_dma2 semaphore(%arg12 : memref<!tpu.dma_semaphore, #tpu.memory_space<semaphore_mem>>) src(%dma_wait3A_327 : memref<128x128xf32, #tpu.memory_space<vmem>>) dst(%dma_wait3A_323 : memref<128x128xf32, #tpu.memory_space<hbm>>)
        } else {
        }
        %dma_start3A_144 = arith.constant 1 : i32
        %dma_start3A_145 = arith.constant 1 : i32
        %dma_start3A_146 = arith.constant 0 : i32
        %dma_start3A_147 = arith.constant 0 : i32
        %dma_start3A_148 = tpu.memref_slice %arg6[%dma_start3A_145, %dma_start3A_146, %dma_start3A_147] : memref<4x128x128xf32, #tpu.memory_space<vmem>> -> memref<1x128x128xf32, #tpu.memory_space<vmem>>
        %dma_start3A_149 = tpu.memref_squeeze %dma_start3A_148 : memref<1x128x128xf32, #tpu.memory_space<vmem>> -> memref<128x128xf32, #tpu.memory_space<vmem>>
        %dma_start3A_150 = arith.constant 0 : i32
        %dma_start3A_151 = tpu.memref_slice %arg5[%rem3A_97, %dma_start3A_144, %dma_start3A_150] : memref<2x4x128xi32, #tpu.memory_space<vmem>> -> memref<1x1x128xi32, #tpu.memory_space<vmem>>
        %dma_start3A_152 = tpu.memref_squeeze %dma_start3A_151 : memref<1x1x128xi32, #tpu.memory_space<vmem>> -> memref<128xi32, #tpu.memory_space<vmem>>
        %dma_start3A_153 = arith.constant 0 : i32
        %dma_start3A_154 = arith.constant 0 : i32
        %dma_start3A_155 = tpu.memref_slice %arg2[%dma_start3A_153, %dma_start3A_154] : memref<160000x128xf32, #tpu.memory_space<hbm>> -> memref<160000x128xf32, #tpu.memory_space<hbm>>
        tpu.enqueue_indirect_dma source(%dma_start3A_155 : memref<160000x128xf32, #tpu.memory_space<hbm>>) target(%dma_start3A_149 : memref<128x128xf32, #tpu.memory_space<vmem>>) offsets(%dma_start3A_152 : memref<128xi32, #tpu.memory_space<vmem>>) semaphore(%arg8 : memref<!tpu.dma_semaphore, #tpu.memory_space<semaphore_mem>>)
        %ge3A_156 = arith.constant 1 : i32
        %ge3A_157 = arith.cmpi sge, %scan3A_93, %ge3A_156 : i32
        %convert_element_type3A_158 = arith.extui %ge3A_157 : i1 to i32
        %cond3A_159 = arith.constant 0 : i32
        %cond3A_160 = arith.cmpi ne, %convert_element_type3A_158, %cond3A_159 : i32
        scf.if %cond3A_160 {
          %dma_wait3A_310 = arith.constant 2 : i32
          %dma_wait3A_311 = arith.constant 2 : i32
          %dma_wait3A_312 = arith.constant 0 : i32
          %dma_wait3A_313 = arith.constant 0 : i32
          %dma_wait3A_314 = tpu.memref_slice %arg6[%dma_wait3A_310, %dma_wait3A_312, %dma_wait3A_313] : memref<4x128x128xf32, #tpu.memory_space<vmem>> -> memref<1x128x128xf32, #tpu.memory_space<vmem>>
          %dma_wait3A_315 = tpu.memref_squeeze %dma_wait3A_314 : memref<1x128x128xf32, #tpu.memory_space<vmem>> -> memref<128x128xf32, #tpu.memory_space<vmem>>
          %dma_wait3A_316 = arith.constant 0 : i32
          %dma_wait3A_317 = arith.constant 0 : i32
          %dma_wait3A_318 = tpu.memref_slice %arg4[%dma_wait3A_311, %dma_wait3A_316, %dma_wait3A_317] : memref<4x32000x128xf32, #tpu.memory_space<hbm>> -> memref<1x128x128xf32, #tpu.memory_space<hbm>>
          %dma_wait3A_319 = tpu.memref_squeeze %dma_wait3A_318 : memref<1x128x128xf32, #tpu.memory_space<hbm>> -> memref<128x128xf32, #tpu.memory_space<hbm>>
          %dma_wait3A_320 = arith.constant 0 : i32
          %dma_wait3A_321 = arith.constant 0 : i32
          %dma_wait3A_322 = tpu.memref_slice %arg4[%dma_wait3A_311, %dma_wait3A_320, %dma_wait3A_321] : memref<4x32000x128xf32, #tpu.memory_space<hbm>> -> memref<1x128x128xf32, #tpu.memory_space<hbm>>
          %dma_wait3A_323 = tpu.memref_squeeze %dma_wait3A_322 : memref<1x128x128xf32, #tpu.memory_space<hbm>> -> memref<128x128xf32, #tpu.memory_space<hbm>>
          %dma_wait3A_324 = arith.constant 0 : i32
          %dma_wait3A_325 = arith.constant 0 : i32
          %dma_wait3A_326 = tpu.memref_slice %arg6[%dma_wait3A_310, %dma_wait3A_324, %dma_wait3A_325] : memref<4x128x128xf32, #tpu.memory_space<vmem>> -> memref<1x128x128xf32, #tpu.memory_space<vmem>>
          %dma_wait3A_327 = tpu.memref_squeeze %dma_wait3A_326 : memref<1x128x128xf32, #tpu.memory_space<vmem>> -> memref<128x128xf32, #tpu.memory_space<vmem>>
          tpu.wait_dma2 semaphore(%arg13 : memref<!tpu.dma_semaphore, #tpu.memory_space<semaphore_mem>>) src(%dma_wait3A_327 : memref<128x128xf32, #tpu.memory_space<vmem>>) dst(%dma_wait3A_323 : memref<128x128xf32, #tpu.memory_space<hbm>>)
        } else {
        }
        %dma_start3A_161 = arith.constant 2 : i32
        %dma_start3A_162 = arith.constant 2 : i32
        %dma_start3A_163 = arith.constant 0 : i32
        %dma_start3A_164 = arith.constant 0 : i32
        %dma_start3A_165 = tpu.memref_slice %arg6[%dma_start3A_162, %dma_start3A_163, %dma_start3A_164] : memref<4x128x128xf32, #tpu.memory_space<vmem>> -> memref<1x128x128xf32, #tpu.memory_space<vmem>>
        %dma_start3A_166 = tpu.memref_squeeze %dma_start3A_165 : memref<1x128x128xf32, #tpu.memory_space<vmem>> -> memref<128x128xf32, #tpu.memory_space<vmem>>
        %dma_start3A_167 = arith.constant 0 : i32
        %dma_start3A_168 = tpu.memref_slice %arg5[%rem3A_97, %dma_start3A_161, %dma_start3A_167] : memref<2x4x128xi32, #tpu.memory_space<vmem>> -> memref<1x1x128xi32, #tpu.memory_space<vmem>>
        %dma_start3A_169 = tpu.memref_squeeze %dma_start3A_168 : memref<1x1x128xi32, #tpu.memory_space<vmem>> -> memref<128xi32, #tpu.memory_space<vmem>>
        %dma_start3A_170 = arith.constant 0 : i32
        %dma_start3A_171 = arith.constant 0 : i32
        %dma_start3A_172 = tpu.memref_slice %arg2[%dma_start3A_170, %dma_start3A_171] : memref<160000x128xf32, #tpu.memory_space<hbm>> -> memref<160000x128xf32, #tpu.memory_space<hbm>>
        tpu.enqueue_indirect_dma source(%dma_start3A_172 : memref<160000x128xf32, #tpu.memory_space<hbm>>) target(%dma_start3A_166 : memref<128x128xf32, #tpu.memory_space<vmem>>) offsets(%dma_start3A_169 : memref<128xi32, #tpu.memory_space<vmem>>) semaphore(%arg9 : memref<!tpu.dma_semaphore, #tpu.memory_space<semaphore_mem>>)
        %ge3A_173 = arith.constant 1 : i32
        %ge3A_174 = arith.cmpi sge, %scan3A_93, %ge3A_173 : i32
        %convert_element_type3A_175 = arith.extui %ge3A_174 : i1 to i32
        %cond3A_176 = arith.constant 0 : i32
        %cond3A_177 = arith.cmpi ne, %convert_element_type3A_175, %cond3A_176 : i32
        scf.if %cond3A_177 {
          %dma_wait3A_310 = arith.constant 3 : i32
          %dma_wait3A_311 = arith.constant 3 : i32
          %dma_wait3A_312 = arith.constant 0 : i32
          %dma_wait3A_313 = arith.constant 0 : i32
          %dma_wait3A_314 = tpu.memref_slice %arg6[%dma_wait3A_310, %dma_wait3A_312, %dma_wait3A_313] : memref<4x128x128xf32, #tpu.memory_space<vmem>> -> memref<1x128x128xf32, #tpu.memory_space<vmem>>
          %dma_wait3A_315 = tpu.memref_squeeze %dma_wait3A_314 : memref<1x128x128xf32, #tpu.memory_space<vmem>> -> memref<128x128xf32, #tpu.memory_space<vmem>>
          %dma_wait3A_316 = arith.constant 0 : i32
          %dma_wait3A_317 = arith.constant 0 : i32
          %dma_wait3A_318 = tpu.memref_slice %arg4[%dma_wait3A_311, %dma_wait3A_316, %dma_wait3A_317] : memref<4x32000x128xf32, #tpu.memory_space<hbm>> -> memref<1x128x128xf32, #tpu.memory_space<hbm>>
          %dma_wait3A_319 = tpu.memref_squeeze %dma_wait3A_318 : memref<1x128x128xf32, #tpu.memory_space<hbm>> -> memref<128x128xf32, #tpu.memory_space<hbm>>
          %dma_wait3A_320 = arith.constant 0 : i32
          %dma_wait3A_321 = arith.constant 0 : i32
          %dma_wait3A_322 = tpu.memref_slice %arg4[%dma_wait3A_311, %dma_wait3A_320, %dma_wait3A_321] : memref<4x32000x128xf32, #tpu.memory_space<hbm>> -> memref<1x128x128xf32, #tpu.memory_space<hbm>>
          %dma_wait3A_323 = tpu.memref_squeeze %dma_wait3A_322 : memref<1x128x128xf32, #tpu.memory_space<hbm>> -> memref<128x128xf32, #tpu.memory_space<hbm>>
          %dma_wait3A_324 = arith.constant 0 : i32
          %dma_wait3A_325 = arith.constant 0 : i32
          %dma_wait3A_326 = tpu.memref_slice %arg6[%dma_wait3A_310, %dma_wait3A_324, %dma_wait3A_325] : memref<4x128x128xf32, #tpu.memory_space<vmem>> -> memref<1x128x128xf32, #tpu.memory_space<vmem>>
          %dma_wait3A_327 = tpu.memref_squeeze %dma_wait3A_326 : memref<1x128x128xf32, #tpu.memory_space<vmem>> -> memref<128x128xf32, #tpu.memory_space<vmem>>
          tpu.wait_dma2 semaphore(%arg14 : memref<!tpu.dma_semaphore, #tpu.memory_space<semaphore_mem>>) src(%dma_wait3A_327 : memref<128x128xf32, #tpu.memory_space<vmem>>) dst(%dma_wait3A_323 : memref<128x128xf32, #tpu.memory_space<hbm>>)
        } else {
        }
        %dma_start3A_178 = arith.constant 3 : i32
        %dma_start3A_179 = arith.constant 3 : i32
        %dma_start3A_180 = arith.constant 0 : i32
        %dma_start3A_181 = arith.constant 0 : i32
        %dma_start3A_182 = tpu.memref_slice %arg6[%dma_start3A_179, %dma_start3A_180, %dma_start3A_181] : memref<4x128x128xf32, #tpu.memory_space<vmem>> -> memref<1x128x128xf32, #tpu.memory_space<vmem>>
        %dma_start3A_183 = tpu.memref_squeeze %dma_start3A_182 : memref<1x128x128xf32, #tpu.memory_space<vmem>> -> memref<128x128xf32, #tpu.memory_space<vmem>>
        %dma_start3A_184 = arith.constant 0 : i32
        %dma_start3A_185 = tpu.memref_slice %arg5[%rem3A_97, %dma_start3A_178, %dma_start3A_184] : memref<2x4x128xi32, #tpu.memory_space<vmem>> -> memref<1x1x128xi32, #tpu.memory_space<vmem>>
        %dma_start3A_186 = tpu.memref_squeeze %dma_start3A_185 : memref<1x1x128xi32, #tpu.memory_space<vmem>> -> memref<128xi32, #tpu.memory_space<vmem>>
        %dma_start3A_187 = arith.constant 0 : i32
        %dma_start3A_188 = arith.constant 0 : i32
        %dma_start3A_189 = tpu.memref_slice %arg2[%dma_start3A_187, %dma_start3A_188] : memref<160000x128xf32, #tpu.memory_space<hbm>> -> memref<160000x128xf32, #tpu.memory_space<hbm>>
        tpu.enqueue_indirect_dma source(%dma_start3A_189 : memref<160000x128xf32, #tpu.memory_space<hbm>>) target(%dma_start3A_183 : memref<128x128xf32, #tpu.memory_space<vmem>>) offsets(%dma_start3A_186 : memref<128xi32, #tpu.memory_space<vmem>>) semaphore(%arg10 : memref<!tpu.dma_semaphore, #tpu.memory_space<semaphore_mem>>)
        %dma_wait3A_190 = arith.constant 0 : i32
        %dma_wait3A_191 = arith.constant 0 : i32
        %dma_wait3A_192 = arith.constant 0 : i32
        %dma_wait3A_193 = arith.constant 0 : i32
        %dma_wait3A_194 = tpu.memref_slice %arg6[%dma_wait3A_191, %dma_wait3A_192, %dma_wait3A_193] : memref<4x128x128xf32, #tpu.memory_space<vmem>> -> memref<1x128x128xf32, #tpu.memory_space<vmem>>
        %dma_wait3A_195 = tpu.memref_squeeze %dma_wait3A_194 : memref<1x128x128xf32, #tpu.memory_space<vmem>> -> memref<128x128xf32, #tpu.memory_space<vmem>>
        %dma_wait3A_196 = arith.constant 0 : i32
        %dma_wait3A_197 = tpu.memref_slice %arg5[%rem3A_97, %dma_wait3A_190, %dma_wait3A_196] : memref<2x4x128xi32, #tpu.memory_space<vmem>> -> memref<1x1x128xi32, #tpu.memory_space<vmem>>
        %dma_wait3A_198 = tpu.memref_squeeze %dma_wait3A_197 : memref<1x1x128xi32, #tpu.memory_space<vmem>> -> memref<128xi32, #tpu.memory_space<vmem>>
        %dma_wait3A_199 = arith.constant 0 : i32
        %dma_wait3A_200 = arith.constant 0 : i32
        %dma_wait3A_201 = tpu.memref_slice %arg2[%dma_wait3A_199, %dma_wait3A_200] : memref<160000x128xf32, #tpu.memory_space<hbm>> -> memref<160000x128xf32, #tpu.memory_space<hbm>>
        tpu.wait_indirect_dma semaphore(%arg7 : memref<!tpu.dma_semaphore, #tpu.memory_space<semaphore_mem>>) src(%dma_wait3A_201 : memref<160000x128xf32, #tpu.memory_space<hbm>>) dst(%dma_wait3A_195 : memref<128x128xf32, #tpu.memory_space<vmem>>)
        %mul3A_202 = arith.constant 128 : i32
        %mul3A_203 = arith.muli %add3A_96, %mul3A_202 : i32
        %dma_start3A_204 = arith.constant 0 : i32
        %dma_start3A_205 = arith.constant 0 : i32
        %dma_start3A_206 = arith.constant 0 : i32
        %dma_start3A_207 = arith.constant 0 : i32
        %dma_start3A_208 = tpu.memref_slice %arg6[%dma_start3A_204, %dma_start3A_206, %dma_start3A_207] : memref<4x128x128xf32, #tpu.memory_space<vmem>> -> memref<1x128x128xf32, #tpu.memory_space<vmem>>
        %dma_start3A_209 = tpu.memref_squeeze %dma_start3A_208 : memref<1x128x128xf32, #tpu.memory_space<vmem>> -> memref<128x128xf32, #tpu.memory_space<vmem>>
        %dma_start3A_210 = arith.constant 0 : i32
        %dma_start3A_211 = tpu.memref_slice %arg4[%dma_start3A_205, %mul3A_203, %dma_start3A_210] : memref<4x32000x128xf32, #tpu.memory_space<hbm>> -> memref<1x128x128xf32, #tpu.memory_space<hbm>>
        %dma_start3A_212 = tpu.memref_squeeze %dma_start3A_211 : memref<1x128x128xf32, #tpu.memory_space<hbm>> -> memref<128x128xf32, #tpu.memory_space<hbm>>
        %dma_start3A_213 = arith.constant 0 : i32
        %dma_start3A_214 = tpu.memref_slice %arg4[%dma_start3A_205, %mul3A_203, %dma_start3A_213] : memref<4x32000x128xf32, #tpu.memory_space<hbm>> -> memref<1x128x128xf32, #tpu.memory_space<hbm>>
        %dma_start3A_215 = tpu.memref_squeeze %dma_start3A_214 : memref<1x128x128xf32, #tpu.memory_space<hbm>> -> memref<128x128xf32, #tpu.memory_space<hbm>>
        %dma_start3A_216 = arith.constant 0 : i32
        %dma_start3A_217 = arith.constant 0 : i32
        %dma_start3A_218 = tpu.memref_slice %arg6[%dma_start3A_204, %dma_start3A_216, %dma_start3A_217] : memref<4x128x128xf32, #tpu.memory_space<vmem>> -> memref<1x128x128xf32, #tpu.memory_space<vmem>>
        %dma_start3A_219 = tpu.memref_squeeze %dma_start3A_218 : memref<1x128x128xf32, #tpu.memory_space<vmem>> -> memref<128x128xf32, #tpu.memory_space<vmem>>
        tpu.enqueue_dma source(%dma_start3A_219 : memref<128x128xf32, #tpu.memory_space<vmem>>) target(%dma_start3A_215 : memref<128x128xf32, #tpu.memory_space<hbm>>) target_semaphore(%arg11 : memref<!tpu.dma_semaphore, #tpu.memory_space<semaphore_mem>>)
        %dma_wait3A_220 = arith.constant 1 : i32
        %dma_wait3A_221 = arith.constant 1 : i32
        %dma_wait3A_222 = arith.constant 0 : i32
        %dma_wait3A_223 = arith.constant 0 : i32
        %dma_wait3A_224 = tpu.memref_slice %arg6[%dma_wait3A_221, %dma_wait3A_222, %dma_wait3A_223] : memref<4x128x128xf32, #tpu.memory_space<vmem>> -> memref<1x128x128xf32, #tpu.memory_space<vmem>>
        %dma_wait3A_225 = tpu.memref_squeeze %dma_wait3A_224 : memref<1x128x128xf32, #tpu.memory_space<vmem>> -> memref<128x128xf32, #tpu.memory_space<vmem>>
        %dma_wait3A_226 = arith.constant 0 : i32
        %dma_wait3A_227 = tpu.memref_slice %arg5[%rem3A_97, %dma_wait3A_220, %dma_wait3A_226] : memref<2x4x128xi32, #tpu.memory_space<vmem>> -> memref<1x1x128xi32, #tpu.memory_space<vmem>>
        %dma_wait3A_228 = tpu.memref_squeeze %dma_wait3A_227 : memref<1x1x128xi32, #tpu.memory_space<vmem>> -> memref<128xi32, #tpu.memory_space<vmem>>
        %dma_wait3A_229 = arith.constant 0 : i32
        %dma_wait3A_230 = arith.constant 0 : i32
        %dma_wait3A_231 = tpu.memref_slice %arg2[%dma_wait3A_229, %dma_wait3A_230] : memref<160000x128xf32, #tpu.memory_space<hbm>> -> memref<160000x128xf32, #tpu.memory_space<hbm>>
        tpu.wait_indirect_dma semaphore(%arg8 : memref<!tpu.dma_semaphore, #tpu.memory_space<semaphore_mem>>) src(%dma_wait3A_231 : memref<160000x128xf32, #tpu.memory_space<hbm>>) dst(%dma_wait3A_225 : memref<128x128xf32, #tpu.memory_space<vmem>>)
        %mul3A_232 = arith.constant 128 : i32
        %mul3A_233 = arith.muli %add3A_96, %mul3A_232 : i32
        %dma_start3A_234 = arith.constant 1 : i32
        %dma_start3A_235 = arith.constant 1 : i32
        %dma_start3A_236 = arith.constant 0 : i32
        %dma_start3A_237 = arith.constant 0 : i32
        %dma_start3A_238 = tpu.memref_slice %arg6[%dma_start3A_234, %dma_start3A_236, %dma_start3A_237] : memref<4x128x128xf32, #tpu.memory_space<vmem>> -> memref<1x128x128xf32, #tpu.memory_space<vmem>>
        %dma_start3A_239 = tpu.memref_squeeze %dma_start3A_238 : memref<1x128x128xf32, #tpu.memory_space<vmem>> -> memref<128x128xf32, #tpu.memory_space<vmem>>
        %dma_start3A_240 = arith.constant 0 : i32
        %dma_start3A_241 = tpu.memref_slice %arg4[%dma_start3A_235, %mul3A_233, %dma_start3A_240] : memref<4x32000x128xf32, #tpu.memory_space<hbm>> -> memref<1x128x128xf32, #tpu.memory_space<hbm>>
        %dma_start3A_242 = tpu.memref_squeeze %dma_start3A_241 : memref<1x128x128xf32, #tpu.memory_space<hbm>> -> memref<128x128xf32, #tpu.memory_space<hbm>>
        %dma_start3A_243 = arith.constant 0 : i32
        %dma_start3A_244 = tpu.memref_slice %arg4[%dma_start3A_235, %mul3A_233, %dma_start3A_243] : memref<4x32000x128xf32, #tpu.memory_space<hbm>> -> memref<1x128x128xf32, #tpu.memory_space<hbm>>
        %dma_start3A_245 = tpu.memref_squeeze %dma_start3A_244 : memref<1x128x128xf32, #tpu.memory_space<hbm>> -> memref<128x128xf32, #tpu.memory_space<hbm>>
        %dma_start3A_246 = arith.constant 0 : i32
        %dma_start3A_247 = arith.constant 0 : i32
        %dma_start3A_248 = tpu.memref_slice %arg6[%dma_start3A_234, %dma_start3A_246, %dma_start3A_247] : memref<4x128x128xf32, #tpu.memory_space<vmem>> -> memref<1x128x128xf32, #tpu.memory_space<vmem>>
        %dma_start3A_249 = tpu.memref_squeeze %dma_start3A_248 : memref<1x128x128xf32, #tpu.memory_space<vmem>> -> memref<128x128xf32, #tpu.memory_space<vmem>>
        tpu.enqueue_dma source(%dma_start3A_249 : memref<128x128xf32, #tpu.memory_space<vmem>>) target(%dma_start3A_245 : memref<128x128xf32, #tpu.memory_space<hbm>>) target_semaphore(%arg12 : memref<!tpu.dma_semaphore, #tpu.memory_space<semaphore_mem>>)
        %dma_wait3A_250 = arith.constant 2 : i32
        %dma_wait3A_251 = arith.constant 2 : i32
        %dma_wait3A_252 = arith.constant 0 : i32
        %dma_wait3A_253 = arith.constant 0 : i32
        %dma_wait3A_254 = tpu.memref_slice %arg6[%dma_wait3A_251, %dma_wait3A_252, %dma_wait3A_253] : memref<4x128x128xf32, #tpu.memory_space<vmem>> -> memref<1x128x128xf32, #tpu.memory_space<vmem>>
        %dma_wait3A_255 = tpu.memref_squeeze %dma_wait3A_254 : memref<1x128x128xf32, #tpu.memory_space<vmem>> -> memref<128x128xf32, #tpu.memory_space<vmem>>
        %dma_wait3A_256 = arith.constant 0 : i32
        %dma_wait3A_257 = tpu.memref_slice %arg5[%rem3A_97, %dma_wait3A_250, %dma_wait3A_256] : memref<2x4x128xi32, #tpu.memory_space<vmem>> -> memref<1x1x128xi32, #tpu.memory_space<vmem>>
        %dma_wait3A_258 = tpu.memref_squeeze %dma_wait3A_257 : memref<1x1x128xi32, #tpu.memory_space<vmem>> -> memref<128xi32, #tpu.memory_space<vmem>>
        %dma_wait3A_259 = arith.constant 0 : i32
        %dma_wait3A_260 = arith.constant 0 : i32
        %dma_wait3A_261 = tpu.memref_slice %arg2[%dma_wait3A_259, %dma_wait3A_260] : memref<160000x128xf32, #tpu.memory_space<hbm>> -> memref<160000x128xf32, #tpu.memory_space<hbm>>
        tpu.wait_indirect_dma semaphore(%arg9 : memref<!tpu.dma_semaphore, #tpu.memory_space<semaphore_mem>>) src(%dma_wait3A_261 : memref<160000x128xf32, #tpu.memory_space<hbm>>) dst(%dma_wait3A_255 : memref<128x128xf32, #tpu.memory_space<vmem>>)
        %mul3A_262 = arith.constant 128 : i32
        %mul3A_263 = arith.muli %add3A_96, %mul3A_262 : i32
        %dma_start3A_264 = arith.constant 2 : i32
        %dma_start3A_265 = arith.constant 2 : i32
        %dma_start3A_266 = arith.constant 0 : i32
        %dma_start3A_267 = arith.constant 0 : i32
        %dma_start3A_268 = tpu.memref_slice %arg6[%dma_start3A_264, %dma_start3A_266, %dma_start3A_267] : memref<4x128x128xf32, #tpu.memory_space<vmem>> -> memref<1x128x128xf32, #tpu.memory_space<vmem>>
        %dma_start3A_269 = tpu.memref_squeeze %dma_start3A_268 : memref<1x128x128xf32, #tpu.memory_space<vmem>> -> memref<128x128xf32, #tpu.memory_space<vmem>>
        %dma_start3A_270 = arith.constant 0 : i32
        %dma_start3A_271 = tpu.memref_slice %arg4[%dma_start3A_265, %mul3A_263, %dma_start3A_270] : memref<4x32000x128xf32, #tpu.memory_space<hbm>> -> memref<1x128x128xf32, #tpu.memory_space<hbm>>
        %dma_start3A_272 = tpu.memref_squeeze %dma_start3A_271 : memref<1x128x128xf32, #tpu.memory_space<hbm>> -> memref<128x128xf32, #tpu.memory_space<hbm>>
        %dma_start3A_273 = arith.constant 0 : i32
        %dma_start3A_274 = tpu.memref_slice %arg4[%dma_start3A_265, %mul3A_263, %dma_start3A_273] : memref<4x32000x128xf32, #tpu.memory_space<hbm>> -> memref<1x128x128xf32, #tpu.memory_space<hbm>>
        %dma_start3A_275 = tpu.memref_squeeze %dma_start3A_274 : memref<1x128x128xf32, #tpu.memory_space<hbm>> -> memref<128x128xf32, #tpu.memory_space<hbm>>
        %dma_start3A_276 = arith.constant 0 : i32
        %dma_start3A_277 = arith.constant 0 : i32
        %dma_start3A_278 = tpu.memref_slice %arg6[%dma_start3A_264, %dma_start3A_276, %dma_start3A_277] : memref<4x128x128xf32, #tpu.memory_space<vmem>> -> memref<1x128x128xf32, #tpu.memory_space<vmem>>
        %dma_start3A_279 = tpu.memref_squeeze %dma_start3A_278 : memref<1x128x128xf32, #tpu.memory_space<vmem>> -> memref<128x128xf32, #tpu.memory_space<vmem>>
        tpu.enqueue_dma source(%dma_start3A_279 : memref<128x128xf32, #tpu.memory_space<vmem>>) target(%dma_start3A_275 : memref<128x128xf32, #tpu.memory_space<hbm>>) target_semaphore(%arg13 : memref<!tpu.dma_semaphore, #tpu.memory_space<semaphore_mem>>)
        %dma_wait3A_280 = arith.constant 3 : i32
        %dma_wait3A_281 = arith.constant 3 : i32
        %dma_wait3A_282 = arith.constant 0 : i32
        %dma_wait3A_283 = arith.constant 0 : i32
        %dma_wait3A_284 = tpu.memref_slice %arg6[%dma_wait3A_281, %dma_wait3A_282, %dma_wait3A_283] : memref<4x128x128xf32, #tpu.memory_space<vmem>> -> memref<1x128x128xf32, #tpu.memory_space<vmem>>
        %dma_wait3A_285 = tpu.memref_squeeze %dma_wait3A_284 : memref<1x128x128xf32, #tpu.memory_space<vmem>> -> memref<128x128xf32, #tpu.memory_space<vmem>>
        %dma_wait3A_286 = arith.constant 0 : i32
        %dma_wait3A_287 = tpu.memref_slice %arg5[%rem3A_97, %dma_wait3A_280, %dma_wait3A_286] : memref<2x4x128xi32, #tpu.memory_space<vmem>> -> memref<1x1x128xi32, #tpu.memory_space<vmem>>
        %dma_wait3A_288 = tpu.memref_squeeze %dma_wait3A_287 : memref<1x1x128xi32, #tpu.memory_space<vmem>> -> memref<128xi32, #tpu.memory_space<vmem>>
        %dma_wait3A_289 = arith.constant 0 : i32
        %dma_wait3A_290 = arith.constant 0 : i32
        %dma_wait3A_291 = tpu.memref_slice %arg2[%dma_wait3A_289, %dma_wait3A_290] : memref<160000x128xf32, #tpu.memory_space<hbm>> -> memref<160000x128xf32, #tpu.memory_space<hbm>>
        tpu.wait_indirect_dma semaphore(%arg10 : memref<!tpu.dma_semaphore, #tpu.memory_space<semaphore_mem>>) src(%dma_wait3A_291 : memref<160000x128xf32, #tpu.memory_space<hbm>>) dst(%dma_wait3A_285 : memref<128x128xf32, #tpu.memory_space<vmem>>)
        %mul3A_292 = arith.constant 128 : i32
        %mul3A_293 = arith.muli %add3A_96, %mul3A_292 : i32
        %dma_start3A_294 = arith.constant 3 : i32
        %dma_start3A_295 = arith.constant 3 : i32
        %dma_start3A_296 = arith.constant 0 : i32
        %dma_start3A_297 = arith.constant 0 : i32
        %dma_start3A_298 = tpu.memref_slice %arg6[%dma_start3A_294, %dma_start3A_296, %dma_start3A_297] : memref<4x128x128xf32, #tpu.memory_space<vmem>> -> memref<1x128x128xf32, #tpu.memory_space<vmem>>
        %dma_start3A_299 = tpu.memref_squeeze %dma_start3A_298 : memref<1x128x128xf32, #tpu.memory_space<vmem>> -> memref<128x128xf32, #tpu.memory_space<vmem>>
        %dma_start3A_300 = arith.constant 0 : i32
        %dma_start3A_301 = tpu.memref_slice %arg4[%dma_start3A_295, %mul3A_293, %dma_start3A_300] : memref<4x32000x128xf32, #tpu.memory_space<hbm>> -> memref<1x128x128xf32, #tpu.memory_space<hbm>>
        %dma_start3A_302 = tpu.memref_squeeze %dma_start3A_301 : memref<1x128x128xf32, #tpu.memory_space<hbm>> -> memref<128x128xf32, #tpu.memory_space<hbm>>
        %dma_start3A_303 = arith.constant 0 : i32
        %dma_start3A_304 = tpu.memref_slice %arg4[%dma_start3A_295, %mul3A_293, %dma_start3A_303] : memref<4x32000x128xf32, #tpu.memory_space<hbm>> -> memref<1x128x128xf32, #tpu.memory_space<hbm>>
        %dma_start3A_305 = tpu.memref_squeeze %dma_start3A_304 : memref<1x128x128xf32, #tpu.memory_space<hbm>> -> memref<128x128xf32, #tpu.memory_space<hbm>>
        %dma_start3A_306 = arith.constant 0 : i32
        %dma_start3A_307 = arith.constant 0 : i32
        %dma_start3A_308 = tpu.memref_slice %arg6[%dma_start3A_294, %dma_start3A_306, %dma_start3A_307] : memref<4x128x128xf32, #tpu.memory_space<vmem>> -> memref<1x128x128xf32, #tpu.memory_space<vmem>>
        %dma_start3A_309 = tpu.memref_squeeze %dma_start3A_308 : memref<1x128x128xf32, #tpu.memory_space<vmem>> -> memref<128x128xf32, #tpu.memory_space<vmem>>
        tpu.enqueue_dma source(%dma_start3A_309 : memref<128x128xf32, #tpu.memory_space<vmem>>) target(%dma_start3A_305 : memref<128x128xf32, #tpu.memory_space<hbm>>) target_semaphore(%arg14 : memref<!tpu.dma_semaphore, #tpu.memory_space<semaphore_mem>>)
      } else {
      }
    }
    %scan3A_21 = arith.constant 8 : i32
    %dma_wait3A = arith.constant 0 : i32
    %dma_wait3A_22 = arith.constant 0 : i32
    %dma_wait3A_23 = arith.constant 0 : i32
    %dma_wait3A_24 = arith.constant 0 : i32
    %dma_wait3A_25 = tpu.memref_slice %arg6[%dma_wait3A, %dma_wait3A_23, %dma_wait3A_24] : memref<4x128x128xf32, #tpu.memory_space<vmem>> -> memref<1x128x128xf32, #tpu.memory_space<vmem>>
    %dma_wait3A_26 = tpu.memref_squeeze %dma_wait3A_25 : memref<1x128x128xf32, #tpu.memory_space<vmem>> -> memref<128x128xf32, #tpu.memory_space<vmem>>
    %dma_wait3A_27 = arith.constant 0 : i32
    %dma_wait3A_28 = arith.constant 0 : i32
    %dma_wait3A_29 = tpu.memref_slice %arg4[%dma_wait3A_22, %dma_wait3A_27, %dma_wait3A_28] : memref<4x32000x128xf32, #tpu.memory_space<hbm>> -> memref<1x128x128xf32, #tpu.memory_space<hbm>>
    %dma_wait3A_30 = tpu.memref_squeeze %dma_wait3A_29 : memref<1x128x128xf32, #tpu.memory_space<hbm>> -> memref<128x128xf32, #tpu.memory_space<hbm>>
    %dma_wait3A_31 = arith.constant 0 : i32
    %dma_wait3A_32 = arith.constant 0 : i32
    %dma_wait3A_33 = tpu.memref_slice %arg4[%dma_wait3A_22, %dma_wait3A_31, %dma_wait3A_32] : memref<4x32000x128xf32, #tpu.memory_space<hbm>> -> memref<1x128x128xf32, #tpu.memory_space<hbm>>
    %dma_wait3A_34 = tpu.memref_squeeze %dma_wait3A_33 : memref<1x128x128xf32, #tpu.memory_space<hbm>> -> memref<128x128xf32, #tpu.memory_space<hbm>>
    %dma_wait3A_35 = arith.constant 0 : i32
    %dma_wait3A_36 = arith.constant 0 : i32
    %dma_wait3A_37 = tpu.memref_slice %arg6[%dma_wait3A, %dma_wait3A_35, %dma_wait3A_36] : memref<4x128x128xf32, #tpu.memory_space<vmem>> -> memref<1x128x128xf32, #tpu.memory_space<vmem>>
    %dma_wait3A_38 = tpu.memref_squeeze %dma_wait3A_37 : memref<1x128x128xf32, #tpu.memory_space<vmem>> -> memref<128x128xf32, #tpu.memory_space<vmem>>
    tpu.wait_dma2 semaphore(%arg11 : memref<!tpu.dma_semaphore, #tpu.memory_space<semaphore_mem>>) src(%dma_wait3A_38 : memref<128x128xf32, #tpu.memory_space<vmem>>) dst(%dma_wait3A_34 : memref<128x128xf32, #tpu.memory_space<hbm>>)
    %dma_wait3A_39 = arith.constant 1 : i32
    %dma_wait3A_40 = arith.constant 1 : i32
    %dma_wait3A_41 = arith.constant 0 : i32
    %dma_wait3A_42 = arith.constant 0 : i32
    %dma_wait3A_43 = tpu.memref_slice %arg6[%dma_wait3A_39, %dma_wait3A_41, %dma_wait3A_42] : memref<4x128x128xf32, #tpu.memory_space<vmem>> -> memref<1x128x128xf32, #tpu.memory_space<vmem>>
    %dma_wait3A_44 = tpu.memref_squeeze %dma_wait3A_43 : memref<1x128x128xf32, #tpu.memory_space<vmem>> -> memref<128x128xf32, #tpu.memory_space<vmem>>
    %dma_wait3A_45 = arith.constant 0 : i32
    %dma_wait3A_46 = arith.constant 0 : i32
    %dma_wait3A_47 = tpu.memref_slice %arg4[%dma_wait3A_40, %dma_wait3A_45, %dma_wait3A_46] : memref<4x32000x128xf32, #tpu.memory_space<hbm>> -> memref<1x128x128xf32, #tpu.memory_space<hbm>>
    %dma_wait3A_48 = tpu.memref_squeeze %dma_wait3A_47 : memref<1x128x128xf32, #tpu.memory_space<hbm>> -> memref<128x128xf32, #tpu.memory_space<hbm>>
    %dma_wait3A_49 = arith.constant 0 : i32
    %dma_wait3A_50 = arith.constant 0 : i32
    %dma_wait3A_51 = tpu.memref_slice %arg4[%dma_wait3A_40, %dma_wait3A_49, %dma_wait3A_50] : memref<4x32000x128xf32, #tpu.memory_space<hbm>> -> memref<1x128x128xf32, #tpu.memory_space<hbm>>
    %dma_wait3A_52 = tpu.memref_squeeze %dma_wait3A_51 : memref<1x128x128xf32, #tpu.memory_space<hbm>> -> memref<128x128xf32, #tpu.memory_space<hbm>>
    %dma_wait3A_53 = arith.constant 0 : i32
    %dma_wait3A_54 = arith.constant 0 : i32
    %dma_wait3A_55 = tpu.memref_slice %arg6[%dma_wait3A_39, %dma_wait3A_53, %dma_wait3A_54] : memref<4x128x128xf32, #tpu.memory_space<vmem>> -> memref<1x128x128xf32, #tpu.memory_space<vmem>>
    %dma_wait3A_56 = tpu.memref_squeeze %dma_wait3A_55 : memref<1x128x128xf32, #tpu.memory_space<vmem>> -> memref<128x128xf32, #tpu.memory_space<vmem>>
    tpu.wait_dma2 semaphore(%arg12 : memref<!tpu.dma_semaphore, #tpu.memory_space<semaphore_mem>>) src(%dma_wait3A_56 : memref<128x128xf32, #tpu.memory_space<vmem>>) dst(%dma_wait3A_52 : memref<128x128xf32, #tpu.memory_space<hbm>>)
    %dma_wait3A_57 = arith.constant 2 : i32
    %dma_wait3A_58 = arith.constant 2 : i32
    %dma_wait3A_59 = arith.constant 0 : i32
    %dma_wait3A_60 = arith.constant 0 : i32
    %dma_wait3A_61 = tpu.memref_slice %arg6[%dma_wait3A_57, %dma_wait3A_59, %dma_wait3A_60] : memref<4x128x128xf32, #tpu.memory_space<vmem>> -> memref<1x128x128xf32, #tpu.memory_space<vmem>>
    %dma_wait3A_62 = tpu.memref_squeeze %dma_wait3A_61 : memref<1x128x128xf32, #tpu.memory_space<vmem>> -> memref<128x128xf32, #tpu.memory_space<vmem>>
    %dma_wait3A_63 = arith.constant 0 : i32
    %dma_wait3A_64 = arith.constant 0 : i32
    %dma_wait3A_65 = tpu.memref_slice %arg4[%dma_wait3A_58, %dma_wait3A_63, %dma_wait3A_64] : memref<4x32000x128xf32, #tpu.memory_space<hbm>> -> memref<1x128x128xf32, #tpu.memory_space<hbm>>
    %dma_wait3A_66 = tpu.memref_squeeze %dma_wait3A_65 : memref<1x128x128xf32, #tpu.memory_space<hbm>> -> memref<128x128xf32, #tpu.memory_space<hbm>>
    %dma_wait3A_67 = arith.constant 0 : i32
    %dma_wait3A_68 = arith.constant 0 : i32
    %dma_wait3A_69 = tpu.memref_slice %arg4[%dma_wait3A_58, %dma_wait3A_67, %dma_wait3A_68] : memref<4x32000x128xf32, #tpu.memory_space<hbm>> -> memref<1x128x128xf32, #tpu.memory_space<hbm>>
    %dma_wait3A_70 = tpu.memref_squeeze %dma_wait3A_69 : memref<1x128x128xf32, #tpu.memory_space<hbm>> -> memref<128x128xf32, #tpu.memory_space<hbm>>
    %dma_wait3A_71 = arith.constant 0 : i32
    %dma_wait3A_72 = arith.constant 0 : i32
    %dma_wait3A_73 = tpu.memref_slice %arg6[%dma_wait3A_57, %dma_wait3A_71, %dma_wait3A_72] : memref<4x128x128xf32, #tpu.memory_space<vmem>> -> memref<1x128x128xf32, #tpu.memory_space<vmem>>
    %dma_wait3A_74 = tpu.memref_squeeze %dma_wait3A_73 : memref<1x128x128xf32, #tpu.memory_space<vmem>> -> memref<128x128xf32, #tpu.memory_space<vmem>>
    tpu.wait_dma2 semaphore(%arg13 : memref<!tpu.dma_semaphore, #tpu.memory_space<semaphore_mem>>) src(%dma_wait3A_74 : memref<128x128xf32, #tpu.memory_space<vmem>>) dst(%dma_wait3A_70 : memref<128x128xf32, #tpu.memory_space<hbm>>)
    %dma_wait3A_75 = arith.constant 3 : i32
    %dma_wait3A_76 = arith.constant 3 : i32
    %dma_wait3A_77 = arith.constant 0 : i32
    %dma_wait3A_78 = arith.constant 0 : i32
    %dma_wait3A_79 = tpu.memref_slice %arg6[%dma_wait3A_75, %dma_wait3A_77, %dma_wait3A_78] : memref<4x128x128xf32, #tpu.memory_space<vmem>> -> memref<1x128x128xf32, #tpu.memory_space<vmem>>
    %dma_wait3A_80 = tpu.memref_squeeze %dma_wait3A_79 : memref<1x128x128xf32, #tpu.memory_space<vmem>> -> memref<128x128xf32, #tpu.memory_space<vmem>>
    %dma_wait3A_81 = arith.constant 0 : i32
    %dma_wait3A_82 = arith.constant 0 : i32
    %dma_wait3A_83 = tpu.memref_slice %arg4[%dma_wait3A_76, %dma_wait3A_81, %dma_wait3A_82] : memref<4x32000x128xf32, #tpu.memory_space<hbm>> -> memref<1x128x128xf32, #tpu.memory_space<hbm>>
    %dma_wait3A_84 = tpu.memref_squeeze %dma_wait3A_83 : memref<1x128x128xf32, #tpu.memory_space<hbm>> -> memref<128x128xf32, #tpu.memory_space<hbm>>
    %dma_wait3A_85 = arith.constant 0 : i32
    %dma_wait3A_86 = arith.constant 0 : i32
    %dma_wait3A_87 = tpu.memref_slice %arg4[%dma_wait3A_76, %dma_wait3A_85, %dma_wait3A_86] : memref<4x32000x128xf32, #tpu.memory_space<hbm>> -> memref<1x128x128xf32, #tpu.memory_space<hbm>>
    %dma_wait3A_88 = tpu.memref_squeeze %dma_wait3A_87 : memref<1x128x128xf32, #tpu.memory_space<hbm>> -> memref<128x128xf32, #tpu.memory_space<hbm>>
    %dma_wait3A_89 = arith.constant 0 : i32
    %dma_wait3A_90 = arith.constant 0 : i32
    %dma_wait3A_91 = tpu.memref_slice %arg6[%dma_wait3A_75, %dma_wait3A_89, %dma_wait3A_90] : memref<4x128x128xf32, #tpu.memory_space<vmem>> -> memref<1x128x128xf32, #tpu.memory_space<vmem>>
    %dma_wait3A_92 = tpu.memref_squeeze %dma_wait3A_91 : memref<1x128x128xf32, #tpu.memory_space<vmem>> -> memref<128x128xf32, #tpu.memory_space<vmem>>
    tpu.wait_dma2 semaphore(%arg14 : memref<!tpu.dma_semaphore, #tpu.memory_space<semaphore_mem>>) src(%dma_wait3A_92 : memref<128x128xf32, #tpu.memory_space<vmem>>) dst(%dma_wait3A_88 : memref<128x128xf32, #tpu.memory_space<hbm>>)
    return
  }
}

#map = affine_map<(d0, d1) -> (0, 0)>
#map1 = affine_map<(d0, d1) -> (0, 0, 0)>
module attributes {stable_mosaic.version = 14 : i64} {
  func.func @_sc_gather_body(%arg0: i32, %arg1: i32, %arg2: memref<160000x128xf32, #tpu.memory_space<hbm>>, %arg3: memref<250x4x128xi32, #tpu.memory_space<hbm>>, %arg4: memref<4x32000x128xf32, #tpu.memory_space<hbm>>, %arg5: memref<2x4x128xi32, #tpu.memory_space<vmem>>, %arg6: memref<4x128x128xf32, #tpu.memory_space<vmem>>, %arg7: memref<!tpu.dma_semaphore, #tpu.memory_space<semaphore_mem>>, %arg8: memref<!tpu.dma_semaphore, #tpu.memory_space<semaphore_mem>>, %arg9: memref<!tpu.dma_semaphore, #tpu.memory_space<semaphore_mem>>, %arg10: memref<!tpu.dma_semaphore, #tpu.memory_space<semaphore_mem>>, %arg11: memref<!tpu.dma_semaphore, #tpu.memory_space<semaphore_mem>>, %arg12: memref<!tpu.dma_semaphore, #tpu.memory_space<semaphore_mem>>, %arg13: memref<!tpu.dma_semaphore, #tpu.memory_space<semaphore_mem>>, %arg14: memref<!tpu.dma_semaphore, #tpu.memory_space<semaphore_mem>>, %arg15: memref<!tpu.dma_semaphore, #tpu.memory_space<semaphore_mem>>) attributes {dimension_semantics = [#tpu.dimension_semantics<core_parallel>, #tpu.dimension_semantics<subcore_parallel>], iteration_bounds = array<i64: 2, 16>, scalar_prefetch = 0 : i64, scratch_operands = 11 : i64, tpu.core_type = #tpu.core_type<sc_vector_subcore>, window_params = [{transform_indices = #map}, {transform_indices = #map1}, {transform_indices = #map1}]} {
    %mul3A = arith.constant 2 : i32
    %mul3A_0 = arith.muli %arg1, %mul3A : i32
    %add3A = arith.addi %mul3A_0, %arg0 : i32
    %dma_start3A = arith.constant 0 : i32
    %dma_start3A_1 = arith.constant 0 : i32
    %dma_start3A_2 = arith.constant 0 : i32
    %dma_start3A_3 = tpu.memref_slice %arg5[%dma_start3A, %dma_start3A_1, %dma_start3A_2] : memref<2x4x128xi32, #tpu.memory_space<vmem>> -> memref<1x4x128xi32, #tpu.memory_space<vmem>>
    %dma_start3A_4 = tpu.memref_squeeze %dma_start3A_3 : memref<1x4x128xi32, #tpu.memory_space<vmem>> -> memref<4x128xi32, #tpu.memory_space<vmem>>
    %dma_start3A_5 = arith.constant 0 : i32
    %dma_start3A_6 = arith.constant 0 : i32
    %dma_start3A_7 = tpu.memref_slice %arg3[%add3A, %dma_start3A_5, %dma_start3A_6] : memref<250x4x128xi32, #tpu.memory_space<hbm>> -> memref<1x4x128xi32, #tpu.memory_space<hbm>>
    %dma_start3A_8 = tpu.memref_squeeze %dma_start3A_7 : memref<1x4x128xi32, #tpu.memory_space<hbm>> -> memref<4x128xi32, #tpu.memory_space<hbm>>
    %dma_start3A_9 = arith.constant 0 : i32
    %dma_start3A_10 = arith.constant 0 : i32
    %dma_start3A_11 = tpu.memref_slice %arg5[%dma_start3A, %dma_start3A_9, %dma_start3A_10] : memref<2x4x128xi32, #tpu.memory_space<vmem>> -> memref<1x4x128xi32, #tpu.memory_space<vmem>>
    %dma_start3A_12 = tpu.memref_squeeze %dma_start3A_11 : memref<1x4x128xi32, #tpu.memory_space<vmem>> -> memref<4x128xi32, #tpu.memory_space<vmem>>
    %dma_start3A_13 = arith.constant 0 : i32
    %dma_start3A_14 = arith.constant 0 : i32
    %dma_start3A_15 = tpu.memref_slice %arg3[%add3A, %dma_start3A_13, %dma_start3A_14] : memref<250x4x128xi32, #tpu.memory_space<hbm>> -> memref<1x4x128xi32, #tpu.memory_space<hbm>>
    %dma_start3A_16 = tpu.memref_squeeze %dma_start3A_15 : memref<1x4x128xi32, #tpu.memory_space<hbm>> -> memref<4x128xi32, #tpu.memory_space<hbm>>
    tpu.enqueue_dma source(%dma_start3A_16 : memref<4x128xi32, #tpu.memory_space<hbm>>) target(%dma_start3A_12 : memref<4x128xi32, #tpu.memory_space<vmem>>) target_semaphore(%arg15 : memref<!tpu.dma_semaphore, #tpu.memory_space<semaphore_mem>>)
    %scan3A = arith.constant 0 : i32
    %scan3A_17 = arith.constant 0 : i32
    %scan3A_18 = arith.constant 8 : i32
    %scan3A_19 = arith.addi %scan3A_17, %scan3A_18 : i32
    %scan3A_20 = arith.constant 1 : i32
    scf.for %scan3A_93 = %scan3A_17 to %scan3A_19 step %scan3A_20  : i32 {
      %mul3A_94 = arith.constant 32 : i32
      %mul3A_95 = arith.muli %scan3A_93, %mul3A_94 : i32
      %add3A_96 = arith.addi %add3A, %mul3A_95 : i32
      %rem3A = arith.constant 2 : i32
      %rem3A_97 = arith.remsi %scan3A_93, %rem3A : i32
      %lt3A = arith.constant 250 : i32
      %lt3A_98 = arith.cmpi slt, %add3A_96, %lt3A : i32
      %convert_element_type3A = arith.extui %lt3A_98 : i1 to i32
      %cond3A = arith.constant 0 : i32
      %cond3A_99 = arith.cmpi ne, %convert_element_type3A, %cond3A : i32
      scf.if %cond3A_99 {
        %dma_wait3A_100 = arith.constant 0 : i32
        %dma_wait3A_101 = arith.constant 0 : i32
        %dma_wait3A_102 = tpu.memref_slice %arg5[%rem3A_97, %dma_wait3A_100, %dma_wait3A_101] : memref<2x4x128xi32, #tpu.memory_space<vmem>> -> memref<1x4x128xi32, #tpu.memory_space<vmem>>
        %dma_wait3A_103 = tpu.memref_squeeze %dma_wait3A_102 : memref<1x4x128xi32, #tpu.memory_space<vmem>> -> memref<4x128xi32, #tpu.memory_space<vmem>>
        %dma_wait3A_104 = arith.constant 0 : i32
        %dma_wait3A_105 = arith.constant 0 : i32
        %dma_wait3A_106 = tpu.memref_slice %arg3[%add3A_96, %dma_wait3A_104, %dma_wait3A_105] : memref<250x4x128xi32, #tpu.memory_space<hbm>> -> memref<1x4x128xi32, #tpu.memory_space<hbm>>
        %dma_wait3A_107 = tpu.memref_squeeze %dma_wait3A_106 : memref<1x4x128xi32, #tpu.memory_space<hbm>> -> memref<4x128xi32, #tpu.memory_space<hbm>>
        %dma_wait3A_108 = arith.constant 0 : i32
        %dma_wait3A_109 = arith.constant 0 : i32
        %dma_wait3A_110 = tpu.memref_slice %arg5[%rem3A_97, %dma_wait3A_108, %dma_wait3A_109] : memref<2x4x128xi32, #tpu.memory_space<vmem>> -> memref<1x4x128xi32, #tpu.memory_space<vmem>>
        %dma_wait3A_111 = tpu.memref_squeeze %dma_wait3A_110 : memref<1x4x128xi32, #tpu.memory_space<vmem>> -> memref<4x128xi32, #tpu.memory_space<vmem>>
        %dma_wait3A_112 = arith.constant 0 : i32
        %dma_wait3A_113 = arith.constant 0 : i32
        %dma_wait3A_114 = tpu.memref_slice %arg3[%add3A_96, %dma_wait3A_112, %dma_wait3A_113] : memref<250x4x128xi32, #tpu.memory_space<hbm>> -> memref<1x4x128xi32, #tpu.memory_space<hbm>>
        %dma_wait3A_115 = tpu.memref_squeeze %dma_wait3A_114 : memref<1x4x128xi32, #tpu.memory_space<hbm>> -> memref<4x128xi32, #tpu.memory_space<hbm>>
        tpu.wait_dma2 semaphore(%arg15 : memref<!tpu.dma_semaphore, #tpu.memory_space<semaphore_mem>>) src(%dma_wait3A_115 : memref<4x128xi32, #tpu.memory_space<hbm>>) dst(%dma_wait3A_111 : memref<4x128xi32, #tpu.memory_space<vmem>>)
        %add3A_116 = arith.constant 32 : i32
        %add3A_117 = arith.addi %add3A_96, %add3A_116 : i32
        %lt3A_118 = arith.constant 250 : i32
        %lt3A_119 = arith.cmpi slt, %add3A_117, %lt3A_118 : i32
        %convert_element_type3A_120 = arith.extui %lt3A_119 : i1 to i32
        %cond3A_121 = arith.constant 0 : i32
        %cond3A_122 = arith.cmpi ne, %convert_element_type3A_120, %cond3A_121 : i32
        scf.if %cond3A_122 {
          %add3A_310 = arith.constant 32 : i32
          %add3A_311 = arith.addi %add3A_96, %add3A_310 : i32
          %sub3A = arith.constant 1 : i32
          %sub3A_312 = arith.subi %sub3A, %rem3A_97 : i32
          %dma_start3A_313 = arith.constant 0 : i32
          %dma_start3A_314 = arith.constant 0 : i32
          %dma_start3A_315 = tpu.memref_slice %arg5[%sub3A_312, %dma_start3A_313, %dma_start3A_314] : memref<2x4x128xi32, #tpu.memory_space<vmem>> -> memref<1x4x128xi32, #tpu.memory_space<vmem>>
          %dma_start3A_316 = tpu.memref_squeeze %dma_start3A_315 : memref<1x4x128xi32, #tpu.memory_space<vmem>> -> memref<4x128xi32, #tpu.memory_space<vmem>>
          %dma_start3A_317 = arith.constant 0 : i32
          %dma_start3A_318 = arith.constant 0 : i32
          %dma_start3A_319 = tpu.memref_slice %arg3[%add3A_311, %dma_start3A_317, %dma_start3A_318] : memref<250x4x128xi32, #tpu.memory_space<hbm>> -> memref<1x4x128xi32, #tpu.memory_space<hbm>>
          %dma_start3A_320 = tpu.memref_squeeze %dma_start3A_319 : memref<1x4x128xi32, #tpu.memory_space<hbm>> -> memref<4x128xi32, #tpu.memory_space<hbm>>
          %dma_start3A_321 = arith.constant 0 : i32
          %dma_start3A_322 = arith.constant 0 : i32
          %dma_start3A_323 = tpu.memref_slice %arg5[%sub3A_312, %dma_start3A_321, %dma_start3A_322] : memref<2x4x128xi32, #tpu.memory_space<vmem>> -> memref<1x4x128xi32, #tpu.memory_space<vmem>>
          %dma_start3A_324 = tpu.memref_squeeze %dma_start3A_323 : memref<1x4x128xi32, #tpu.memory_space<vmem>> -> memref<4x128xi32, #tpu.memory_space<vmem>>
          %dma_start3A_325 = arith.constant 0 : i32
          %dma_start3A_326 = arith.constant 0 : i32
          %dma_start3A_327 = tpu.memref_slice %arg3[%add3A_311, %dma_start3A_325, %dma_start3A_326] : memref<250x4x128xi32, #tpu.memory_space<hbm>> -> memref<1x4x128xi32, #tpu.memory_space<hbm>>
          %dma_start3A_328 = tpu.memref_squeeze %dma_start3A_327 : memref<1x4x128xi32, #tpu.memory_space<hbm>> -> memref<4x128xi32, #tpu.memory_space<hbm>>
          tpu.enqueue_dma source(%dma_start3A_328 : memref<4x128xi32, #tpu.memory_space<hbm>>) target(%dma_start3A_324 : memref<4x128xi32, #tpu.memory_space<vmem>>) target_semaphore(%arg15 : memref<!tpu.dma_semaphore, #tpu.memory_space<semaphore_mem>>)
        } else {
        }
        %ge3A = arith.constant 1 : i32
        %ge3A_123 = arith.cmpi sge, %scan3A_93, %ge3A : i32
        %convert_element_type3A_124 = arith.extui %ge3A_123 : i1 to i32
        %cond3A_125 = arith.constant 0 : i32
        %cond3A_126 = arith.cmpi ne, %convert_element_type3A_124, %cond3A_125 : i32
        scf.if %cond3A_126 {
          %dma_wait3A_310 = arith.constant 0 : i32
          %dma_wait3A_311 = arith.constant 0 : i32
          %dma_wait3A_312 = arith.constant 0 : i32
          %dma_wait3A_313 = arith.constant 0 : i32
          %dma_wait3A_314 = tpu.memref_slice %arg6[%dma_wait3A_310, %dma_wait3A_312, %dma_wait3A_313] : memref<4x128x128xf32, #tpu.memory_space<vmem>> -> memref<1x128x128xf32, #tpu.memory_space<vmem>>
          %dma_wait3A_315 = tpu.memref_squeeze %dma_wait3A_314 : memref<1x128x128xf32, #tpu.memory_space<vmem>> -> memref<128x128xf32, #tpu.memory_space<vmem>>
          %dma_wait3A_316 = arith.constant 0 : i32
          %dma_wait3A_317 = arith.constant 0 : i32
          %dma_wait3A_318 = tpu.memref_slice %arg4[%dma_wait3A_311, %dma_wait3A_316, %dma_wait3A_317] : memref<4x32000x128xf32, #tpu.memory_space<hbm>> -> memref<1x128x128xf32, #tpu.memory_space<hbm>>
          %dma_wait3A_319 = tpu.memref_squeeze %dma_wait3A_318 : memref<1x128x128xf32, #tpu.memory_space<hbm>> -> memref<128x128xf32, #tpu.memory_space<hbm>>
          %dma_wait3A_320 = arith.constant 0 : i32
          %dma_wait3A_321 = arith.constant 0 : i32
          %dma_wait3A_322 = tpu.memref_slice %arg4[%dma_wait3A_311, %dma_wait3A_320, %dma_wait3A_321] : memref<4x32000x128xf32, #tpu.memory_space<hbm>> -> memref<1x128x128xf32, #tpu.memory_space<hbm>>
          %dma_wait3A_323 = tpu.memref_squeeze %dma_wait3A_322 : memref<1x128x128xf32, #tpu.memory_space<hbm>> -> memref<128x128xf32, #tpu.memory_space<hbm>>
          %dma_wait3A_324 = arith.constant 0 : i32
          %dma_wait3A_325 = arith.constant 0 : i32
          %dma_wait3A_326 = tpu.memref_slice %arg6[%dma_wait3A_310, %dma_wait3A_324, %dma_wait3A_325] : memref<4x128x128xf32, #tpu.memory_space<vmem>> -> memref<1x128x128xf32, #tpu.memory_space<vmem>>
          %dma_wait3A_327 = tpu.memref_squeeze %dma_wait3A_326 : memref<1x128x128xf32, #tpu.memory_space<vmem>> -> memref<128x128xf32, #tpu.memory_space<vmem>>
          tpu.wait_dma2 semaphore(%arg11 : memref<!tpu.dma_semaphore, #tpu.memory_space<semaphore_mem>>) src(%dma_wait3A_327 : memref<128x128xf32, #tpu.memory_space<vmem>>) dst(%dma_wait3A_323 : memref<128x128xf32, #tpu.memory_space<hbm>>)
        } else {
        }
        %dma_start3A_127 = arith.constant 0 : i32
        %dma_start3A_128 = arith.constant 0 : i32
        %dma_start3A_129 = arith.constant 0 : i32
        %dma_start3A_130 = arith.constant 0 : i32
        %dma_start3A_131 = tpu.memref_slice %arg6[%dma_start3A_128, %dma_start3A_129, %dma_start3A_130] : memref<4x128x128xf32, #tpu.memory_space<vmem>> -> memref<1x128x128xf32, #tpu.memory_space<vmem>>
        %dma_start3A_132 = tpu.memref_squeeze %dma_start3A_131 : memref<1x128x128xf32, #tpu.memory_space<vmem>> -> memref<128x128xf32, #tpu.memory_space<vmem>>
        %dma_start3A_133 = arith.constant 0 : i32
        %dma_start3A_134 = tpu.memref_slice %arg5[%rem3A_97, %dma_start3A_127, %dma_start3A_133] : memref<2x4x128xi32, #tpu.memory_space<vmem>> -> memref<1x1x128xi32, #tpu.memory_space<vmem>>
        %dma_start3A_135 = tpu.memref_squeeze %dma_start3A_134 : memref<1x1x128xi32, #tpu.memory_space<vmem>> -> memref<128xi32, #tpu.memory_space<vmem>>
        %dma_start3A_136 = arith.constant 0 : i32
        %dma_start3A_137 = arith.constant 0 : i32
        %dma_start3A_138 = tpu.memref_slice %arg2[%dma_start3A_136, %dma_start3A_137] : memref<160000x128xf32, #tpu.memory_space<hbm>> -> memref<160000x128xf32, #tpu.memory_space<hbm>>
        tpu.enqueue_indirect_dma source(%dma_start3A_138 : memref<160000x128xf32, #tpu.memory_space<hbm>>) target(%dma_start3A_132 : memref<128x128xf32, #tpu.memory_space<vmem>>) offsets(%dma_start3A_135 : memref<128xi32, #tpu.memory_space<vmem>>) semaphore(%arg7 : memref<!tpu.dma_semaphore, #tpu.memory_space<semaphore_mem>>)
        %ge3A_139 = arith.constant 1 : i32
        %ge3A_140 = arith.cmpi sge, %scan3A_93, %ge3A_139 : i32
        %convert_element_type3A_141 = arith.extui %ge3A_140 : i1 to i32
        %cond3A_142 = arith.constant 0 : i32
        %cond3A_143 = arith.cmpi ne, %convert_element_type3A_141, %cond3A_142 : i32
        scf.if %cond3A_143 {
          %dma_wait3A_310 = arith.constant 1 : i32
          %dma_wait3A_311 = arith.constant 1 : i32
          %dma_wait3A_312 = arith.constant 0 : i32
          %dma_wait3A_313 = arith.constant 0 : i32
          %dma_wait3A_314 = tpu.memref_slice %arg6[%dma_wait3A_310, %dma_wait3A_312, %dma_wait3A_313] : memref<4x128x128xf32, #tpu.memory_space<vmem>> -> memref<1x128x128xf32, #tpu.memory_space<vmem>>
          %dma_wait3A_315 = tpu.memref_squeeze %dma_wait3A_314 : memref<1x128x128xf32, #tpu.memory_space<vmem>> -> memref<128x128xf32, #tpu.memory_space<vmem>>
          %dma_wait3A_316 = arith.constant 0 : i32
          %dma_wait3A_317 = arith.constant 0 : i32
          %dma_wait3A_318 = tpu.memref_slice %arg4[%dma_wait3A_311, %dma_wait3A_316, %dma_wait3A_317] : memref<4x32000x128xf32, #tpu.memory_space<hbm>> -> memref<1x128x128xf32, #tpu.memory_space<hbm>>
          %dma_wait3A_319 = tpu.memref_squeeze %dma_wait3A_318 : memref<1x128x128xf32, #tpu.memory_space<hbm>> -> memref<128x128xf32, #tpu.memory_space<hbm>>
          %dma_wait3A_320 = arith.constant 0 : i32
          %dma_wait3A_321 = arith.constant 0 : i32
          %dma_wait3A_322 = tpu.memref_slice %arg4[%dma_wait3A_311, %dma_wait3A_320, %dma_wait3A_321] : memref<4x32000x128xf32, #tpu.memory_space<hbm>> -> memref<1x128x128xf32, #tpu.memory_space<hbm>>
          %dma_wait3A_323 = tpu.memref_squeeze %dma_wait3A_322 : memref<1x128x128xf32, #tpu.memory_space<hbm>> -> memref<128x128xf32, #tpu.memory_space<hbm>>
          %dma_wait3A_324 = arith.constant 0 : i32
          %dma_wait3A_325 = arith.constant 0 : i32
          %dma_wait3A_326 = tpu.memref_slice %arg6[%dma_wait3A_310, %dma_wait3A_324, %dma_wait3A_325] : memref<4x128x128xf32, #tpu.memory_space<vmem>> -> memref<1x128x128xf32, #tpu.memory_space<vmem>>
          %dma_wait3A_327 = tpu.memref_squeeze %dma_wait3A_326 : memref<1x128x128xf32, #tpu.memory_space<vmem>> -> memref<128x128xf32, #tpu.memory_space<vmem>>
          tpu.wait_dma2 semaphore(%arg12 : memref<!tpu.dma_semaphore, #tpu.memory_space<semaphore_mem>>) src(%dma_wait3A_327 : memref<128x128xf32, #tpu.memory_space<vmem>>) dst(%dma_wait3A_323 : memref<128x128xf32, #tpu.memory_space<hbm>>)
        } else {
        }
        %dma_start3A_144 = arith.constant 1 : i32
        %dma_start3A_145 = arith.constant 1 : i32
        %dma_start3A_146 = arith.constant 0 : i32
        %dma_start3A_147 = arith.constant 0 : i32
        %dma_start3A_148 = tpu.memref_slice %arg6[%dma_start3A_145, %dma_start3A_146, %dma_start3A_147] : memref<4x128x128xf32, #tpu.memory_space<vmem>> -> memref<1x128x128xf32, #tpu.memory_space<vmem>>
        %dma_start3A_149 = tpu.memref_squeeze %dma_start3A_148 : memref<1x128x128xf32, #tpu.memory_space<vmem>> -> memref<128x128xf32, #tpu.memory_space<vmem>>
        %dma_start3A_150 = arith.constant 0 : i32
        %dma_start3A_151 = tpu.memref_slice %arg5[%rem3A_97, %dma_start3A_144, %dma_start3A_150] : memref<2x4x128xi32, #tpu.memory_space<vmem>> -> memref<1x1x128xi32, #tpu.memory_space<vmem>>
        %dma_start3A_152 = tpu.memref_squeeze %dma_start3A_151 : memref<1x1x128xi32, #tpu.memory_space<vmem>> -> memref<128xi32, #tpu.memory_space<vmem>>
        %dma_start3A_153 = arith.constant 0 : i32
        %dma_start3A_154 = arith.constant 0 : i32
        %dma_start3A_155 = tpu.memref_slice %arg2[%dma_start3A_153, %dma_start3A_154] : memref<160000x128xf32, #tpu.memory_space<hbm>> -> memref<160000x128xf32, #tpu.memory_space<hbm>>
        tpu.enqueue_indirect_dma source(%dma_start3A_155 : memref<160000x128xf32, #tpu.memory_space<hbm>>) target(%dma_start3A_149 : memref<128x128xf32, #tpu.memory_space<vmem>>) offsets(%dma_start3A_152 : memref<128xi32, #tpu.memory_space<vmem>>) semaphore(%arg8 : memref<!tpu.dma_semaphore, #tpu.memory_space<semaphore_mem>>)
        %ge3A_156 = arith.constant 1 : i32
        %ge3A_157 = arith.cmpi sge, %scan3A_93, %ge3A_156 : i32
        %convert_element_type3A_158 = arith.extui %ge3A_157 : i1 to i32
        %cond3A_159 = arith.constant 0 : i32
        %cond3A_160 = arith.cmpi ne, %convert_element_type3A_158, %cond3A_159 : i32
        scf.if %cond3A_160 {
          %dma_wait3A_310 = arith.constant 2 : i32
          %dma_wait3A_311 = arith.constant 2 : i32
          %dma_wait3A_312 = arith.constant 0 : i32
          %dma_wait3A_313 = arith.constant 0 : i32
          %dma_wait3A_314 = tpu.memref_slice %arg6[%dma_wait3A_310, %dma_wait3A_312, %dma_wait3A_313] : memref<4x128x128xf32, #tpu.memory_space<vmem>> -> memref<1x128x128xf32, #tpu.memory_space<vmem>>
          %dma_wait3A_315 = tpu.memref_squeeze %dma_wait3A_314 : memref<1x128x128xf32, #tpu.memory_space<vmem>> -> memref<128x128xf32, #tpu.memory_space<vmem>>
          %dma_wait3A_316 = arith.constant 0 : i32
          %dma_wait3A_317 = arith.constant 0 : i32
          %dma_wait3A_318 = tpu.memref_slice %arg4[%dma_wait3A_311, %dma_wait3A_316, %dma_wait3A_317] : memref<4x32000x128xf32, #tpu.memory_space<hbm>> -> memref<1x128x128xf32, #tpu.memory_space<hbm>>
          %dma_wait3A_319 = tpu.memref_squeeze %dma_wait3A_318 : memref<1x128x128xf32, #tpu.memory_space<hbm>> -> memref<128x128xf32, #tpu.memory_space<hbm>>
          %dma_wait3A_320 = arith.constant 0 : i32
          %dma_wait3A_321 = arith.constant 0 : i32
          %dma_wait3A_322 = tpu.memref_slice %arg4[%dma_wait3A_311, %dma_wait3A_320, %dma_wait3A_321] : memref<4x32000x128xf32, #tpu.memory_space<hbm>> -> memref<1x128x128xf32, #tpu.memory_space<hbm>>
          %dma_wait3A_323 = tpu.memref_squeeze %dma_wait3A_322 : memref<1x128x128xf32, #tpu.memory_space<hbm>> -> memref<128x128xf32, #tpu.memory_space<hbm>>
          %dma_wait3A_324 = arith.constant 0 : i32
          %dma_wait3A_325 = arith.constant 0 : i32
          %dma_wait3A_326 = tpu.memref_slice %arg6[%dma_wait3A_310, %dma_wait3A_324, %dma_wait3A_325] : memref<4x128x128xf32, #tpu.memory_space<vmem>> -> memref<1x128x128xf32, #tpu.memory_space<vmem>>
          %dma_wait3A_327 = tpu.memref_squeeze %dma_wait3A_326 : memref<1x128x128xf32, #tpu.memory_space<vmem>> -> memref<128x128xf32, #tpu.memory_space<vmem>>
          tpu.wait_dma2 semaphore(%arg13 : memref<!tpu.dma_semaphore, #tpu.memory_space<semaphore_mem>>) src(%dma_wait3A_327 : memref<128x128xf32, #tpu.memory_space<vmem>>) dst(%dma_wait3A_323 : memref<128x128xf32, #tpu.memory_space<hbm>>)
        } else {
        }
        %dma_start3A_161 = arith.constant 2 : i32
        %dma_start3A_162 = arith.constant 2 : i32
        %dma_start3A_163 = arith.constant 0 : i32
        %dma_start3A_164 = arith.constant 0 : i32
        %dma_start3A_165 = tpu.memref_slice %arg6[%dma_start3A_162, %dma_start3A_163, %dma_start3A_164] : memref<4x128x128xf32, #tpu.memory_space<vmem>> -> memref<1x128x128xf32, #tpu.memory_space<vmem>>
        %dma_start3A_166 = tpu.memref_squeeze %dma_start3A_165 : memref<1x128x128xf32, #tpu.memory_space<vmem>> -> memref<128x128xf32, #tpu.memory_space<vmem>>
        %dma_start3A_167 = arith.constant 0 : i32
        %dma_start3A_168 = tpu.memref_slice %arg5[%rem3A_97, %dma_start3A_161, %dma_start3A_167] : memref<2x4x128xi32, #tpu.memory_space<vmem>> -> memref<1x1x128xi32, #tpu.memory_space<vmem>>
        %dma_start3A_169 = tpu.memref_squeeze %dma_start3A_168 : memref<1x1x128xi32, #tpu.memory_space<vmem>> -> memref<128xi32, #tpu.memory_space<vmem>>
        %dma_start3A_170 = arith.constant 0 : i32
        %dma_start3A_171 = arith.constant 0 : i32
        %dma_start3A_172 = tpu.memref_slice %arg2[%dma_start3A_170, %dma_start3A_171] : memref<160000x128xf32, #tpu.memory_space<hbm>> -> memref<160000x128xf32, #tpu.memory_space<hbm>>
        tpu.enqueue_indirect_dma source(%dma_start3A_172 : memref<160000x128xf32, #tpu.memory_space<hbm>>) target(%dma_start3A_166 : memref<128x128xf32, #tpu.memory_space<vmem>>) offsets(%dma_start3A_169 : memref<128xi32, #tpu.memory_space<vmem>>) semaphore(%arg9 : memref<!tpu.dma_semaphore, #tpu.memory_space<semaphore_mem>>)
        %ge3A_173 = arith.constant 1 : i32
        %ge3A_174 = arith.cmpi sge, %scan3A_93, %ge3A_173 : i32
        %convert_element_type3A_175 = arith.extui %ge3A_174 : i1 to i32
        %cond3A_176 = arith.constant 0 : i32
        %cond3A_177 = arith.cmpi ne, %convert_element_type3A_175, %cond3A_176 : i32
        scf.if %cond3A_177 {
          %dma_wait3A_310 = arith.constant 3 : i32
          %dma_wait3A_311 = arith.constant 3 : i32
          %dma_wait3A_312 = arith.constant 0 : i32
          %dma_wait3A_313 = arith.constant 0 : i32
          %dma_wait3A_314 = tpu.memref_slice %arg6[%dma_wait3A_310, %dma_wait3A_312, %dma_wait3A_313] : memref<4x128x128xf32, #tpu.memory_space<vmem>> -> memref<1x128x128xf32, #tpu.memory_space<vmem>>
          %dma_wait3A_315 = tpu.memref_squeeze %dma_wait3A_314 : memref<1x128x128xf32, #tpu.memory_space<vmem>> -> memref<128x128xf32, #tpu.memory_space<vmem>>
          %dma_wait3A_316 = arith.constant 0 : i32
          %dma_wait3A_317 = arith.constant 0 : i32
          %dma_wait3A_318 = tpu.memref_slice %arg4[%dma_wait3A_311, %dma_wait3A_316, %dma_wait3A_317] : memref<4x32000x128xf32, #tpu.memory_space<hbm>> -> memref<1x128x128xf32, #tpu.memory_space<hbm>>
          %dma_wait3A_319 = tpu.memref_squeeze %dma_wait3A_318 : memref<1x128x128xf32, #tpu.memory_space<hbm>> -> memref<128x128xf32, #tpu.memory_space<hbm>>
          %dma_wait3A_320 = arith.constant 0 : i32
          %dma_wait3A_321 = arith.constant 0 : i32
          %dma_wait3A_322 = tpu.memref_slice %arg4[%dma_wait3A_311, %dma_wait3A_320, %dma_wait3A_321] : memref<4x32000x128xf32, #tpu.memory_space<hbm>> -> memref<1x128x128xf32, #tpu.memory_space<hbm>>
          %dma_wait3A_323 = tpu.memref_squeeze %dma_wait3A_322 : memref<1x128x128xf32, #tpu.memory_space<hbm>> -> memref<128x128xf32, #tpu.memory_space<hbm>>
          %dma_wait3A_324 = arith.constant 0 : i32
          %dma_wait3A_325 = arith.constant 0 : i32
          %dma_wait3A_326 = tpu.memref_slice %arg6[%dma_wait3A_310, %dma_wait3A_324, %dma_wait3A_325] : memref<4x128x128xf32, #tpu.memory_space<vmem>> -> memref<1x128x128xf32, #tpu.memory_space<vmem>>
          %dma_wait3A_327 = tpu.memref_squeeze %dma_wait3A_326 : memref<1x128x128xf32, #tpu.memory_space<vmem>> -> memref<128x128xf32, #tpu.memory_space<vmem>>
          tpu.wait_dma2 semaphore(%arg14 : memref<!tpu.dma_semaphore, #tpu.memory_space<semaphore_mem>>) src(%dma_wait3A_327 : memref<128x128xf32, #tpu.memory_space<vmem>>) dst(%dma_wait3A_323 : memref<128x128xf32, #tpu.memory_space<hbm>>)
        } else {
        }
        %dma_start3A_178 = arith.constant 3 : i32
        %dma_start3A_179 = arith.constant 3 : i32
        %dma_start3A_180 = arith.constant 0 : i32
        %dma_start3A_181 = arith.constant 0 : i32
        %dma_start3A_182 = tpu.memref_slice %arg6[%dma_start3A_179, %dma_start3A_180, %dma_start3A_181] : memref<4x128x128xf32, #tpu.memory_space<vmem>> -> memref<1x128x128xf32, #tpu.memory_space<vmem>>
        %dma_start3A_183 = tpu.memref_squeeze %dma_start3A_182 : memref<1x128x128xf32, #tpu.memory_space<vmem>> -> memref<128x128xf32, #tpu.memory_space<vmem>>
        %dma_start3A_184 = arith.constant 0 : i32
        %dma_start3A_185 = tpu.memref_slice %arg5[%rem3A_97, %dma_start3A_178, %dma_start3A_184] : memref<2x4x128xi32, #tpu.memory_space<vmem>> -> memref<1x1x128xi32, #tpu.memory_space<vmem>>
        %dma_start3A_186 = tpu.memref_squeeze %dma_start3A_185 : memref<1x1x128xi32, #tpu.memory_space<vmem>> -> memref<128xi32, #tpu.memory_space<vmem>>
        %dma_start3A_187 = arith.constant 0 : i32
        %dma_start3A_188 = arith.constant 0 : i32
        %dma_start3A_189 = tpu.memref_slice %arg2[%dma_start3A_187, %dma_start3A_188] : memref<160000x128xf32, #tpu.memory_space<hbm>> -> memref<160000x128xf32, #tpu.memory_space<hbm>>
        tpu.enqueue_indirect_dma source(%dma_start3A_189 : memref<160000x128xf32, #tpu.memory_space<hbm>>) target(%dma_start3A_183 : memref<128x128xf32, #tpu.memory_space<vmem>>) offsets(%dma_start3A_186 : memref<128xi32, #tpu.memory_space<vmem>>) semaphore(%arg10 : memref<!tpu.dma_semaphore, #tpu.memory_space<semaphore_mem>>)
        %dma_wait3A_190 = arith.constant 0 : i32
        %dma_wait3A_191 = arith.constant 0 : i32
        %dma_wait3A_192 = arith.constant 0 : i32
        %dma_wait3A_193 = arith.constant 0 : i32
        %dma_wait3A_194 = tpu.memref_slice %arg6[%dma_wait3A_191, %dma_wait3A_192, %dma_wait3A_193] : memref<4x128x128xf32, #tpu.memory_space<vmem>> -> memref<1x128x128xf32, #tpu.memory_space<vmem>>
        %dma_wait3A_195 = tpu.memref_squeeze %dma_wait3A_194 : memref<1x128x128xf32, #tpu.memory_space<vmem>> -> memref<128x128xf32, #tpu.memory_space<vmem>>
        %dma_wait3A_196 = arith.constant 0 : i32
        %dma_wait3A_197 = tpu.memref_slice %arg5[%rem3A_97, %dma_wait3A_190, %dma_wait3A_196] : memref<2x4x128xi32, #tpu.memory_space<vmem>> -> memref<1x1x128xi32, #tpu.memory_space<vmem>>
        %dma_wait3A_198 = tpu.memref_squeeze %dma_wait3A_197 : memref<1x1x128xi32, #tpu.memory_space<vmem>> -> memref<128xi32, #tpu.memory_space<vmem>>
        %dma_wait3A_199 = arith.constant 0 : i32
        %dma_wait3A_200 = arith.constant 0 : i32
        %dma_wait3A_201 = tpu.memref_slice %arg2[%dma_wait3A_199, %dma_wait3A_200] : memref<160000x128xf32, #tpu.memory_space<hbm>> -> memref<160000x128xf32, #tpu.memory_space<hbm>>
        tpu.wait_indirect_dma semaphore(%arg7 : memref<!tpu.dma_semaphore, #tpu.memory_space<semaphore_mem>>) src(%dma_wait3A_201 : memref<160000x128xf32, #tpu.memory_space<hbm>>) dst(%dma_wait3A_195 : memref<128x128xf32, #tpu.memory_space<vmem>>)
        %mul3A_202 = arith.constant 128 : i32
        %mul3A_203 = arith.muli %add3A_96, %mul3A_202 : i32
        %dma_start3A_204 = arith.constant 0 : i32
        %dma_start3A_205 = arith.constant 0 : i32
        %dma_start3A_206 = arith.constant 0 : i32
        %dma_start3A_207 = arith.constant 0 : i32
        %dma_start3A_208 = tpu.memref_slice %arg6[%dma_start3A_204, %dma_start3A_206, %dma_start3A_207] : memref<4x128x128xf32, #tpu.memory_space<vmem>> -> memref<1x128x128xf32, #tpu.memory_space<vmem>>
        %dma_start3A_209 = tpu.memref_squeeze %dma_start3A_208 : memref<1x128x128xf32, #tpu.memory_space<vmem>> -> memref<128x128xf32, #tpu.memory_space<vmem>>
        %dma_start3A_210 = arith.constant 0 : i32
        %dma_start3A_211 = tpu.memref_slice %arg4[%dma_start3A_205, %mul3A_203, %dma_start3A_210] : memref<4x32000x128xf32, #tpu.memory_space<hbm>> -> memref<1x128x128xf32, #tpu.memory_space<hbm>>
        %dma_start3A_212 = tpu.memref_squeeze %dma_start3A_211 : memref<1x128x128xf32, #tpu.memory_space<hbm>> -> memref<128x128xf32, #tpu.memory_space<hbm>>
        %dma_start3A_213 = arith.constant 0 : i32
        %dma_start3A_214 = tpu.memref_slice %arg4[%dma_start3A_205, %mul3A_203, %dma_start3A_213] : memref<4x32000x128xf32, #tpu.memory_space<hbm>> -> memref<1x128x128xf32, #tpu.memory_space<hbm>>
        %dma_start3A_215 = tpu.memref_squeeze %dma_start3A_214 : memref<1x128x128xf32, #tpu.memory_space<hbm>> -> memref<128x128xf32, #tpu.memory_space<hbm>>
        %dma_start3A_216 = arith.constant 0 : i32
        %dma_start3A_217 = arith.constant 0 : i32
        %dma_start3A_218 = tpu.memref_slice %arg6[%dma_start3A_204, %dma_start3A_216, %dma_start3A_217] : memref<4x128x128xf32, #tpu.memory_space<vmem>> -> memref<1x128x128xf32, #tpu.memory_space<vmem>>
        %dma_start3A_219 = tpu.memref_squeeze %dma_start3A_218 : memref<1x128x128xf32, #tpu.memory_space<vmem>> -> memref<128x128xf32, #tpu.memory_space<vmem>>
        tpu.enqueue_dma source(%dma_start3A_219 : memref<128x128xf32, #tpu.memory_space<vmem>>) target(%dma_start3A_215 : memref<128x128xf32, #tpu.memory_space<hbm>>) target_semaphore(%arg11 : memref<!tpu.dma_semaphore, #tpu.memory_space<semaphore_mem>>)
        %dma_wait3A_220 = arith.constant 1 : i32
        %dma_wait3A_221 = arith.constant 1 : i32
        %dma_wait3A_222 = arith.constant 0 : i32
        %dma_wait3A_223 = arith.constant 0 : i32
        %dma_wait3A_224 = tpu.memref_slice %arg6[%dma_wait3A_221, %dma_wait3A_222, %dma_wait3A_223] : memref<4x128x128xf32, #tpu.memory_space<vmem>> -> memref<1x128x128xf32, #tpu.memory_space<vmem>>
        %dma_wait3A_225 = tpu.memref_squeeze %dma_wait3A_224 : memref<1x128x128xf32, #tpu.memory_space<vmem>> -> memref<128x128xf32, #tpu.memory_space<vmem>>
        %dma_wait3A_226 = arith.constant 0 : i32
        %dma_wait3A_227 = tpu.memref_slice %arg5[%rem3A_97, %dma_wait3A_220, %dma_wait3A_226] : memref<2x4x128xi32, #tpu.memory_space<vmem>> -> memref<1x1x128xi32, #tpu.memory_space<vmem>>
        %dma_wait3A_228 = tpu.memref_squeeze %dma_wait3A_227 : memref<1x1x128xi32, #tpu.memory_space<vmem>> -> memref<128xi32, #tpu.memory_space<vmem>>
        %dma_wait3A_229 = arith.constant 0 : i32
        %dma_wait3A_230 = arith.constant 0 : i32
        %dma_wait3A_231 = tpu.memref_slice %arg2[%dma_wait3A_229, %dma_wait3A_230] : memref<160000x128xf32, #tpu.memory_space<hbm>> -> memref<160000x128xf32, #tpu.memory_space<hbm>>
        tpu.wait_indirect_dma semaphore(%arg8 : memref<!tpu.dma_semaphore, #tpu.memory_space<semaphore_mem>>) src(%dma_wait3A_231 : memref<160000x128xf32, #tpu.memory_space<hbm>>) dst(%dma_wait3A_225 : memref<128x128xf32, #tpu.memory_space<vmem>>)
        %mul3A_232 = arith.constant 128 : i32
        %mul3A_233 = arith.muli %add3A_96, %mul3A_232 : i32
        %dma_start3A_234 = arith.constant 1 : i32
        %dma_start3A_235 = arith.constant 1 : i32
        %dma_start3A_236 = arith.constant 0 : i32
        %dma_start3A_237 = arith.constant 0 : i32
        %dma_start3A_238 = tpu.memref_slice %arg6[%dma_start3A_234, %dma_start3A_236, %dma_start3A_237] : memref<4x128x128xf32, #tpu.memory_space<vmem>> -> memref<1x128x128xf32, #tpu.memory_space<vmem>>
        %dma_start3A_239 = tpu.memref_squeeze %dma_start3A_238 : memref<1x128x128xf32, #tpu.memory_space<vmem>> -> memref<128x128xf32, #tpu.memory_space<vmem>>
        %dma_start3A_240 = arith.constant 0 : i32
        %dma_start3A_241 = tpu.memref_slice %arg4[%dma_start3A_235, %mul3A_233, %dma_start3A_240] : memref<4x32000x128xf32, #tpu.memory_space<hbm>> -> memref<1x128x128xf32, #tpu.memory_space<hbm>>
        %dma_start3A_242 = tpu.memref_squeeze %dma_start3A_241 : memref<1x128x128xf32, #tpu.memory_space<hbm>> -> memref<128x128xf32, #tpu.memory_space<hbm>>
        %dma_start3A_243 = arith.constant 0 : i32
        %dma_start3A_244 = tpu.memref_slice %arg4[%dma_start3A_235, %mul3A_233, %dma_start3A_243] : memref<4x32000x128xf32, #tpu.memory_space<hbm>> -> memref<1x128x128xf32, #tpu.memory_space<hbm>>
        %dma_start3A_245 = tpu.memref_squeeze %dma_start3A_244 : memref<1x128x128xf32, #tpu.memory_space<hbm>> -> memref<128x128xf32, #tpu.memory_space<hbm>>
        %dma_start3A_246 = arith.constant 0 : i32
        %dma_start3A_247 = arith.constant 0 : i32
        %dma_start3A_248 = tpu.memref_slice %arg6[%dma_start3A_234, %dma_start3A_246, %dma_start3A_247] : memref<4x128x128xf32, #tpu.memory_space<vmem>> -> memref<1x128x128xf32, #tpu.memory_space<vmem>>
        %dma_start3A_249 = tpu.memref_squeeze %dma_start3A_248 : memref<1x128x128xf32, #tpu.memory_space<vmem>> -> memref<128x128xf32, #tpu.memory_space<vmem>>
        tpu.enqueue_dma source(%dma_start3A_249 : memref<128x128xf32, #tpu.memory_space<vmem>>) target(%dma_start3A_245 : memref<128x128xf32, #tpu.memory_space<hbm>>) target_semaphore(%arg12 : memref<!tpu.dma_semaphore, #tpu.memory_space<semaphore_mem>>)
        %dma_wait3A_250 = arith.constant 2 : i32
        %dma_wait3A_251 = arith.constant 2 : i32
        %dma_wait3A_252 = arith.constant 0 : i32
        %dma_wait3A_253 = arith.constant 0 : i32
        %dma_wait3A_254 = tpu.memref_slice %arg6[%dma_wait3A_251, %dma_wait3A_252, %dma_wait3A_253] : memref<4x128x128xf32, #tpu.memory_space<vmem>> -> memref<1x128x128xf32, #tpu.memory_space<vmem>>
        %dma_wait3A_255 = tpu.memref_squeeze %dma_wait3A_254 : memref<1x128x128xf32, #tpu.memory_space<vmem>> -> memref<128x128xf32, #tpu.memory_space<vmem>>
        %dma_wait3A_256 = arith.constant 0 : i32
        %dma_wait3A_257 = tpu.memref_slice %arg5[%rem3A_97, %dma_wait3A_250, %dma_wait3A_256] : memref<2x4x128xi32, #tpu.memory_space<vmem>> -> memref<1x1x128xi32, #tpu.memory_space<vmem>>
        %dma_wait3A_258 = tpu.memref_squeeze %dma_wait3A_257 : memref<1x1x128xi32, #tpu.memory_space<vmem>> -> memref<128xi32, #tpu.memory_space<vmem>>
        %dma_wait3A_259 = arith.constant 0 : i32
        %dma_wait3A_260 = arith.constant 0 : i32
        %dma_wait3A_261 = tpu.memref_slice %arg2[%dma_wait3A_259, %dma_wait3A_260] : memref<160000x128xf32, #tpu.memory_space<hbm>> -> memref<160000x128xf32, #tpu.memory_space<hbm>>
        tpu.wait_indirect_dma semaphore(%arg9 : memref<!tpu.dma_semaphore, #tpu.memory_space<semaphore_mem>>) src(%dma_wait3A_261 : memref<160000x128xf32, #tpu.memory_space<hbm>>) dst(%dma_wait3A_255 : memref<128x128xf32, #tpu.memory_space<vmem>>)
        %mul3A_262 = arith.constant 128 : i32
        %mul3A_263 = arith.muli %add3A_96, %mul3A_262 : i32
        %dma_start3A_264 = arith.constant 2 : i32
        %dma_start3A_265 = arith.constant 2 : i32
        %dma_start3A_266 = arith.constant 0 : i32
        %dma_start3A_267 = arith.constant 0 : i32
        %dma_start3A_268 = tpu.memref_slice %arg6[%dma_start3A_264, %dma_start3A_266, %dma_start3A_267] : memref<4x128x128xf32, #tpu.memory_space<vmem>> -> memref<1x128x128xf32, #tpu.memory_space<vmem>>
        %dma_start3A_269 = tpu.memref_squeeze %dma_start3A_268 : memref<1x128x128xf32, #tpu.memory_space<vmem>> -> memref<128x128xf32, #tpu.memory_space<vmem>>
        %dma_start3A_270 = arith.constant 0 : i32
        %dma_start3A_271 = tpu.memref_slice %arg4[%dma_start3A_265, %mul3A_263, %dma_start3A_270] : memref<4x32000x128xf32, #tpu.memory_space<hbm>> -> memref<1x128x128xf32, #tpu.memory_space<hbm>>
        %dma_start3A_272 = tpu.memref_squeeze %dma_start3A_271 : memref<1x128x128xf32, #tpu.memory_space<hbm>> -> memref<128x128xf32, #tpu.memory_space<hbm>>
        %dma_start3A_273 = arith.constant 0 : i32
        %dma_start3A_274 = tpu.memref_slice %arg4[%dma_start3A_265, %mul3A_263, %dma_start3A_273] : memref<4x32000x128xf32, #tpu.memory_space<hbm>> -> memref<1x128x128xf32, #tpu.memory_space<hbm>>
        %dma_start3A_275 = tpu.memref_squeeze %dma_start3A_274 : memref<1x128x128xf32, #tpu.memory_space<hbm>> -> memref<128x128xf32, #tpu.memory_space<hbm>>
        %dma_start3A_276 = arith.constant 0 : i32
        %dma_start3A_277 = arith.constant 0 : i32
        %dma_start3A_278 = tpu.memref_slice %arg6[%dma_start3A_264, %dma_start3A_276, %dma_start3A_277] : memref<4x128x128xf32, #tpu.memory_space<vmem>> -> memref<1x128x128xf32, #tpu.memory_space<vmem>>
        %dma_start3A_279 = tpu.memref_squeeze %dma_start3A_278 : memref<1x128x128xf32, #tpu.memory_space<vmem>> -> memref<128x128xf32, #tpu.memory_space<vmem>>
        tpu.enqueue_dma source(%dma_start3A_279 : memref<128x128xf32, #tpu.memory_space<vmem>>) target(%dma_start3A_275 : memref<128x128xf32, #tpu.memory_space<hbm>>) target_semaphore(%arg13 : memref<!tpu.dma_semaphore, #tpu.memory_space<semaphore_mem>>)
        %dma_wait3A_280 = arith.constant 3 : i32
        %dma_wait3A_281 = arith.constant 3 : i32
        %dma_wait3A_282 = arith.constant 0 : i32
        %dma_wait3A_283 = arith.constant 0 : i32
        %dma_wait3A_284 = tpu.memref_slice %arg6[%dma_wait3A_281, %dma_wait3A_282, %dma_wait3A_283] : memref<4x128x128xf32, #tpu.memory_space<vmem>> -> memref<1x128x128xf32, #tpu.memory_space<vmem>>
        %dma_wait3A_285 = tpu.memref_squeeze %dma_wait3A_284 : memref<1x128x128xf32, #tpu.memory_space<vmem>> -> memref<128x128xf32, #tpu.memory_space<vmem>>
        %dma_wait3A_286 = arith.constant 0 : i32
        %dma_wait3A_287 = tpu.memref_slice %arg5[%rem3A_97, %dma_wait3A_280, %dma_wait3A_286] : memref<2x4x128xi32, #tpu.memory_space<vmem>> -> memref<1x1x128xi32, #tpu.memory_space<vmem>>
        %dma_wait3A_288 = tpu.memref_squeeze %dma_wait3A_287 : memref<1x1x128xi32, #tpu.memory_space<vmem>> -> memref<128xi32, #tpu.memory_space<vmem>>
        %dma_wait3A_289 = arith.constant 0 : i32
        %dma_wait3A_290 = arith.constant 0 : i32
        %dma_wait3A_291 = tpu.memref_slice %arg2[%dma_wait3A_289, %dma_wait3A_290] : memref<160000x128xf32, #tpu.memory_space<hbm>> -> memref<160000x128xf32, #tpu.memory_space<hbm>>
        tpu.wait_indirect_dma semaphore(%arg10 : memref<!tpu.dma_semaphore, #tpu.memory_space<semaphore_mem>>) src(%dma_wait3A_291 : memref<160000x128xf32, #tpu.memory_space<hbm>>) dst(%dma_wait3A_285 : memref<128x128xf32, #tpu.memory_space<vmem>>)
        %mul3A_292 = arith.constant 128 : i32
        %mul3A_293 = arith.muli %add3A_96, %mul3A_292 : i32
        %dma_start3A_294 = arith.constant 3 : i32
        %dma_start3A_295 = arith.constant 3 : i32
        %dma_start3A_296 = arith.constant 0 : i32
        %dma_start3A_297 = arith.constant 0 : i32
        %dma_start3A_298 = tpu.memref_slice %arg6[%dma_start3A_294, %dma_start3A_296, %dma_start3A_297] : memref<4x128x128xf32, #tpu.memory_space<vmem>> -> memref<1x128x128xf32, #tpu.memory_space<vmem>>
        %dma_start3A_299 = tpu.memref_squeeze %dma_start3A_298 : memref<1x128x128xf32, #tpu.memory_space<vmem>> -> memref<128x128xf32, #tpu.memory_space<vmem>>
        %dma_start3A_300 = arith.constant 0 : i32
        %dma_start3A_301 = tpu.memref_slice %arg4[%dma_start3A_295, %mul3A_293, %dma_start3A_300] : memref<4x32000x128xf32, #tpu.memory_space<hbm>> -> memref<1x128x128xf32, #tpu.memory_space<hbm>>
        %dma_start3A_302 = tpu.memref_squeeze %dma_start3A_301 : memref<1x128x128xf32, #tpu.memory_space<hbm>> -> memref<128x128xf32, #tpu.memory_space<hbm>>
        %dma_start3A_303 = arith.constant 0 : i32
        %dma_start3A_304 = tpu.memref_slice %arg4[%dma_start3A_295, %mul3A_293, %dma_start3A_303] : memref<4x32000x128xf32, #tpu.memory_space<hbm>> -> memref<1x128x128xf32, #tpu.memory_space<hbm>>
        %dma_start3A_305 = tpu.memref_squeeze %dma_start3A_304 : memref<1x128x128xf32, #tpu.memory_space<hbm>> -> memref<128x128xf32, #tpu.memory_space<hbm>>
        %dma_start3A_306 = arith.constant 0 : i32
        %dma_start3A_307 = arith.constant 0 : i32
        %dma_start3A_308 = tpu.memref_slice %arg6[%dma_start3A_294, %dma_start3A_306, %dma_start3A_307] : memref<4x128x128xf32, #tpu.memory_space<vmem>> -> memref<1x128x128xf32, #tpu.memory_space<vmem>>
        %dma_start3A_309 = tpu.memref_squeeze %dma_start3A_308 : memref<1x128x128xf32, #tpu.memory_space<vmem>> -> memref<128x128xf32, #tpu.memory_space<vmem>>
        tpu.enqueue_dma source(%dma_start3A_309 : memref<128x128xf32, #tpu.memory_space<vmem>>) target(%dma_start3A_305 : memref<128x128xf32, #tpu.memory_space<hbm>>) target_semaphore(%arg14 : memref<!tpu.dma_semaphore, #tpu.memory_space<semaphore_mem>>)
      } else {
      }
    }
    %scan3A_21 = arith.constant 8 : i32
    %dma_wait3A = arith.constant 0 : i32
    %dma_wait3A_22 = arith.constant 0 : i32
    %dma_wait3A_23 = arith.constant 0 : i32
    %dma_wait3A_24 = arith.constant 0 : i32
    %dma_wait3A_25 = tpu.memref_slice %arg6[%dma_wait3A, %dma_wait3A_23, %dma_wait3A_24] : memref<4x128x128xf32, #tpu.memory_space<vmem>> -> memref<1x128x128xf32, #tpu.memory_space<vmem>>
    %dma_wait3A_26 = tpu.memref_squeeze %dma_wait3A_25 : memref<1x128x128xf32, #tpu.memory_space<vmem>> -> memref<128x128xf32, #tpu.memory_space<vmem>>
    %dma_wait3A_27 = arith.constant 0 : i32
    %dma_wait3A_28 = arith.constant 0 : i32
    %dma_wait3A_29 = tpu.memref_slice %arg4[%dma_wait3A_22, %dma_wait3A_27, %dma_wait3A_28] : memref<4x32000x128xf32, #tpu.memory_space<hbm>> -> memref<1x128x128xf32, #tpu.memory_space<hbm>>
    %dma_wait3A_30 = tpu.memref_squeeze %dma_wait3A_29 : memref<1x128x128xf32, #tpu.memory_space<hbm>> -> memref<128x128xf32, #tpu.memory_space<hbm>>
    %dma_wait3A_31 = arith.constant 0 : i32
    %dma_wait3A_32 = arith.constant 0 : i32
    %dma_wait3A_33 = tpu.memref_slice %arg4[%dma_wait3A_22, %dma_wait3A_31, %dma_wait3A_32] : memref<4x32000x128xf32, #tpu.memory_space<hbm>> -> memref<1x128x128xf32, #tpu.memory_space<hbm>>
    %dma_wait3A_34 = tpu.memref_squeeze %dma_wait3A_33 : memref<1x128x128xf32, #tpu.memory_space<hbm>> -> memref<128x128xf32, #tpu.memory_space<hbm>>
    %dma_wait3A_35 = arith.constant 0 : i32
    %dma_wait3A_36 = arith.constant 0 : i32
    %dma_wait3A_37 = tpu.memref_slice %arg6[%dma_wait3A, %dma_wait3A_35, %dma_wait3A_36] : memref<4x128x128xf32, #tpu.memory_space<vmem>> -> memref<1x128x128xf32, #tpu.memory_space<vmem>>
    %dma_wait3A_38 = tpu.memref_squeeze %dma_wait3A_37 : memref<1x128x128xf32, #tpu.memory_space<vmem>> -> memref<128x128xf32, #tpu.memory_space<vmem>>
    tpu.wait_dma2 semaphore(%arg11 : memref<!tpu.dma_semaphore, #tpu.memory_space<semaphore_mem>>) src(%dma_wait3A_38 : memref<128x128xf32, #tpu.memory_space<vmem>>) dst(%dma_wait3A_34 : memref<128x128xf32, #tpu.memory_space<hbm>>)
    %dma_wait3A_39 = arith.constant 1 : i32
    %dma_wait3A_40 = arith.constant 1 : i32
    %dma_wait3A_41 = arith.constant 0 : i32
    %dma_wait3A_42 = arith.constant 0 : i32
    %dma_wait3A_43 = tpu.memref_slice %arg6[%dma_wait3A_39, %dma_wait3A_41, %dma_wait3A_42] : memref<4x128x128xf32, #tpu.memory_space<vmem>> -> memref<1x128x128xf32, #tpu.memory_space<vmem>>
    %dma_wait3A_44 = tpu.memref_squeeze %dma_wait3A_43 : memref<1x128x128xf32, #tpu.memory_space<vmem>> -> memref<128x128xf32, #tpu.memory_space<vmem>>
    %dma_wait3A_45 = arith.constant 0 : i32
    %dma_wait3A_46 = arith.constant 0 : i32
    %dma_wait3A_47 = tpu.memref_slice %arg4[%dma_wait3A_40, %dma_wait3A_45, %dma_wait3A_46] : memref<4x32000x128xf32, #tpu.memory_space<hbm>> -> memref<1x128x128xf32, #tpu.memory_space<hbm>>
    %dma_wait3A_48 = tpu.memref_squeeze %dma_wait3A_47 : memref<1x128x128xf32, #tpu.memory_space<hbm>> -> memref<128x128xf32, #tpu.memory_space<hbm>>
    %dma_wait3A_49 = arith.constant 0 : i32
    %dma_wait3A_50 = arith.constant 0 : i32
    %dma_wait3A_51 = tpu.memref_slice %arg4[%dma_wait3A_40, %dma_wait3A_49, %dma_wait3A_50] : memref<4x32000x128xf32, #tpu.memory_space<hbm>> -> memref<1x128x128xf32, #tpu.memory_space<hbm>>
    %dma_wait3A_52 = tpu.memref_squeeze %dma_wait3A_51 : memref<1x128x128xf32, #tpu.memory_space<hbm>> -> memref<128x128xf32, #tpu.memory_space<hbm>>
    %dma_wait3A_53 = arith.constant 0 : i32
    %dma_wait3A_54 = arith.constant 0 : i32
    %dma_wait3A_55 = tpu.memref_slice %arg6[%dma_wait3A_39, %dma_wait3A_53, %dma_wait3A_54] : memref<4x128x128xf32, #tpu.memory_space<vmem>> -> memref<1x128x128xf32, #tpu.memory_space<vmem>>
    %dma_wait3A_56 = tpu.memref_squeeze %dma_wait3A_55 : memref<1x128x128xf32, #tpu.memory_space<vmem>> -> memref<128x128xf32, #tpu.memory_space<vmem>>
    tpu.wait_dma2 semaphore(%arg12 : memref<!tpu.dma_semaphore, #tpu.memory_space<semaphore_mem>>) src(%dma_wait3A_56 : memref<128x128xf32, #tpu.memory_space<vmem>>) dst(%dma_wait3A_52 : memref<128x128xf32, #tpu.memory_space<hbm>>)
    %dma_wait3A_57 = arith.constant 2 : i32
    %dma_wait3A_58 = arith.constant 2 : i32
    %dma_wait3A_59 = arith.constant 0 : i32
    %dma_wait3A_60 = arith.constant 0 : i32
    %dma_wait3A_61 = tpu.memref_slice %arg6[%dma_wait3A_57, %dma_wait3A_59, %dma_wait3A_60] : memref<4x128x128xf32, #tpu.memory_space<vmem>> -> memref<1x128x128xf32, #tpu.memory_space<vmem>>
    %dma_wait3A_62 = tpu.memref_squeeze %dma_wait3A_61 : memref<1x128x128xf32, #tpu.memory_space<vmem>> -> memref<128x128xf32, #tpu.memory_space<vmem>>
    %dma_wait3A_63 = arith.constant 0 : i32
    %dma_wait3A_64 = arith.constant 0 : i32
    %dma_wait3A_65 = tpu.memref_slice %arg4[%dma_wait3A_58, %dma_wait3A_63, %dma_wait3A_64] : memref<4x32000x128xf32, #tpu.memory_space<hbm>> -> memref<1x128x128xf32, #tpu.memory_space<hbm>>
    %dma_wait3A_66 = tpu.memref_squeeze %dma_wait3A_65 : memref<1x128x128xf32, #tpu.memory_space<hbm>> -> memref<128x128xf32, #tpu.memory_space<hbm>>
    %dma_wait3A_67 = arith.constant 0 : i32
    %dma_wait3A_68 = arith.constant 0 : i32
    %dma_wait3A_69 = tpu.memref_slice %arg4[%dma_wait3A_58, %dma_wait3A_67, %dma_wait3A_68] : memref<4x32000x128xf32, #tpu.memory_space<hbm>> -> memref<1x128x128xf32, #tpu.memory_space<hbm>>
    %dma_wait3A_70 = tpu.memref_squeeze %dma_wait3A_69 : memref<1x128x128xf32, #tpu.memory_space<hbm>> -> memref<128x128xf32, #tpu.memory_space<hbm>>
    %dma_wait3A_71 = arith.constant 0 : i32
    %dma_wait3A_72 = arith.constant 0 : i32
    %dma_wait3A_73 = tpu.memref_slice %arg6[%dma_wait3A_57, %dma_wait3A_71, %dma_wait3A_72] : memref<4x128x128xf32, #tpu.memory_space<vmem>> -> memref<1x128x128xf32, #tpu.memory_space<vmem>>
    %dma_wait3A_74 = tpu.memref_squeeze %dma_wait3A_73 : memref<1x128x128xf32, #tpu.memory_space<vmem>> -> memref<128x128xf32, #tpu.memory_space<vmem>>
    tpu.wait_dma2 semaphore(%arg13 : memref<!tpu.dma_semaphore, #tpu.memory_space<semaphore_mem>>) src(%dma_wait3A_74 : memref<128x128xf32, #tpu.memory_space<vmem>>) dst(%dma_wait3A_70 : memref<128x128xf32, #tpu.memory_space<hbm>>)
    %dma_wait3A_75 = arith.constant 3 : i32
    %dma_wait3A_76 = arith.constant 3 : i32
    %dma_wait3A_77 = arith.constant 0 : i32
    %dma_wait3A_78 = arith.constant 0 : i32
    %dma_wait3A_79 = tpu.memref_slice %arg6[%dma_wait3A_75, %dma_wait3A_77, %dma_wait3A_78] : memref<4x128x128xf32, #tpu.memory_space<vmem>> -> memref<1x128x128xf32, #tpu.memory_space<vmem>>
    %dma_wait3A_80 = tpu.memref_squeeze %dma_wait3A_79 : memref<1x128x128xf32, #tpu.memory_space<vmem>> -> memref<128x128xf32, #tpu.memory_space<vmem>>
    %dma_wait3A_81 = arith.constant 0 : i32
    %dma_wait3A_82 = arith.constant 0 : i32
    %dma_wait3A_83 = tpu.memref_slice %arg4[%dma_wait3A_76, %dma_wait3A_81, %dma_wait3A_82] : memref<4x32000x128xf32, #tpu.memory_space<hbm>> -> memref<1x128x128xf32, #tpu.memory_space<hbm>>
    %dma_wait3A_84 = tpu.memref_squeeze %dma_wait3A_83 : memref<1x128x128xf32, #tpu.memory_space<hbm>> -> memref<128x128xf32, #tpu.memory_space<hbm>>
    %dma_wait3A_85 = arith.constant 0 : i32
    %dma_wait3A_86 = arith.constant 0 : i32
    %dma_wait3A_87 = tpu.memref_slice %arg4[%dma_wait3A_76, %dma_wait3A_85, %dma_wait3A_86] : memref<4x32000x128xf32, #tpu.memory_space<hbm>> -> memref<1x128x128xf32, #tpu.memory_space<hbm>>
    %dma_wait3A_88 = tpu.memref_squeeze %dma_wait3A_87 : memref<1x128x128xf32, #tpu.memory_space<hbm>> -> memref<128x128xf32, #tpu.memory_space<hbm>>
    %dma_wait3A_89 = arith.constant 0 : i32
    %dma_wait3A_90 = arith.constant 0 : i32
    %dma_wait3A_91 = tpu.memref_slice %arg6[%dma_wait3A_75, %dma_wait3A_89, %dma_wait3A_90] : memref<4x128x128xf32, #tpu.memory_space<vmem>> -> memref<1x128x128xf32, #tpu.memory_space<vmem>>
    %dma_wait3A_92 = tpu.memref_squeeze %dma_wait3A_91 : memref<1x128x128xf32, #tpu.memory_space<vmem>> -> memref<128x128xf32, #tpu.memory_space<vmem>>
    tpu.wait_dma2 semaphore(%arg14 : memref<!tpu.dma_semaphore, #tpu.memory_space<semaphore_mem>>) src(%dma_wait3A_92 : memref<128x128xf32, #tpu.memory_space<vmem>>) dst(%dma_wait3A_88 : memref<128x128xf32, #tpu.memory_space<hbm>>)
    return
  }
}

#map = affine_map<(d0, d1) -> (0, 0)>
#map1 = affine_map<(d0, d1) -> (0, 0, 0)>
module attributes {stable_mosaic.version = 14 : i64} {
  func.func @_sc_gather_body(%arg0: i32, %arg1: i32, %arg2: memref<160000x128xf32, #tpu.memory_space<hbm>>, %arg3: memref<250x4x128xi32, #tpu.memory_space<hbm>>, %arg4: memref<4x32000x128xf32, #tpu.memory_space<hbm>>, %arg5: memref<2x4x128xi32, #tpu.memory_space<vmem>>, %arg6: memref<4x128x128xf32, #tpu.memory_space<vmem>>, %arg7: memref<!tpu.dma_semaphore, #tpu.memory_space<semaphore_mem>>, %arg8: memref<!tpu.dma_semaphore, #tpu.memory_space<semaphore_mem>>, %arg9: memref<!tpu.dma_semaphore, #tpu.memory_space<semaphore_mem>>, %arg10: memref<!tpu.dma_semaphore, #tpu.memory_space<semaphore_mem>>, %arg11: memref<!tpu.dma_semaphore, #tpu.memory_space<semaphore_mem>>, %arg12: memref<!tpu.dma_semaphore, #tpu.memory_space<semaphore_mem>>, %arg13: memref<!tpu.dma_semaphore, #tpu.memory_space<semaphore_mem>>, %arg14: memref<!tpu.dma_semaphore, #tpu.memory_space<semaphore_mem>>, %arg15: memref<!tpu.dma_semaphore, #tpu.memory_space<semaphore_mem>>) attributes {dimension_semantics = [#tpu.dimension_semantics<core_parallel>, #tpu.dimension_semantics<subcore_parallel>], iteration_bounds = array<i64: 2, 16>, scalar_prefetch = 0 : i64, scratch_operands = 11 : i64, tpu.core_type = #tpu.core_type<sc_vector_subcore>, window_params = [{transform_indices = #map}, {transform_indices = #map1}, {transform_indices = #map1}]} {
    %mul3A = arith.constant 2 : i32
    %mul3A_0 = arith.muli %arg1, %mul3A : i32
    %add3A = arith.addi %mul3A_0, %arg0 : i32
    %dma_start3A = arith.constant 0 : i32
    %dma_start3A_1 = arith.constant 0 : i32
    %dma_start3A_2 = arith.constant 0 : i32
    %dma_start3A_3 = tpu.memref_slice %arg5[%dma_start3A, %dma_start3A_1, %dma_start3A_2] : memref<2x4x128xi32, #tpu.memory_space<vmem>> -> memref<1x4x128xi32, #tpu.memory_space<vmem>>
    %dma_start3A_4 = tpu.memref_squeeze %dma_start3A_3 : memref<1x4x128xi32, #tpu.memory_space<vmem>> -> memref<4x128xi32, #tpu.memory_space<vmem>>
    %dma_start3A_5 = arith.constant 0 : i32
    %dma_start3A_6 = arith.constant 0 : i32
    %dma_start3A_7 = tpu.memref_slice %arg3[%add3A, %dma_start3A_5, %dma_start3A_6] : memref<250x4x128xi32, #tpu.memory_space<hbm>> -> memref<1x4x128xi32, #tpu.memory_space<hbm>>
    %dma_start3A_8 = tpu.memref_squeeze %dma_start3A_7 : memref<1x4x128xi32, #tpu.memory_space<hbm>> -> memref<4x128xi32, #tpu.memory_space<hbm>>
    %dma_start3A_9 = arith.constant 0 : i32
    %dma_start3A_10 = arith.constant 0 : i32
    %dma_start3A_11 = tpu.memref_slice %arg5[%dma_start3A, %dma_start3A_9, %dma_start3A_10] : memref<2x4x128xi32, #tpu.memory_space<vmem>> -> memref<1x4x128xi32, #tpu.memory_space<vmem>>
    %dma_start3A_12 = tpu.memref_squeeze %dma_start3A_11 : memref<1x4x128xi32, #tpu.memory_space<vmem>> -> memref<4x128xi32, #tpu.memory_space<vmem>>
    %dma_start3A_13 = arith.constant 0 : i32
    %dma_start3A_14 = arith.constant 0 : i32
    %dma_start3A_15 = tpu.memref_slice %arg3[%add3A, %dma_start3A_13, %dma_start3A_14] : memref<250x4x128xi32, #tpu.memory_space<hbm>> -> memref<1x4x128xi32, #tpu.memory_space<hbm>>
    %dma_start3A_16 = tpu.memref_squeeze %dma_start3A_15 : memref<1x4x128xi32, #tpu.memory_space<hbm>> -> memref<4x128xi32, #tpu.memory_space<hbm>>
    tpu.enqueue_dma source(%dma_start3A_16 : memref<4x128xi32, #tpu.memory_space<hbm>>) target(%dma_start3A_12 : memref<4x128xi32, #tpu.memory_space<vmem>>) target_semaphore(%arg15 : memref<!tpu.dma_semaphore, #tpu.memory_space<semaphore_mem>>)
    %scan3A = arith.constant 0 : i32
    %scan3A_17 = arith.constant 0 : i32
    %scan3A_18 = arith.constant 8 : i32
    %scan3A_19 = arith.addi %scan3A_17, %scan3A_18 : i32
    %scan3A_20 = arith.constant 1 : i32
    scf.for %scan3A_93 = %scan3A_17 to %scan3A_19 step %scan3A_20  : i32 {
      %mul3A_94 = arith.constant 32 : i32
      %mul3A_95 = arith.muli %scan3A_93, %mul3A_94 : i32
      %add3A_96 = arith.addi %add3A, %mul3A_95 : i32
      %rem3A = arith.constant 2 : i32
      %rem3A_97 = arith.remsi %scan3A_93, %rem3A : i32
      %lt3A = arith.constant 250 : i32
      %lt3A_98 = arith.cmpi slt, %add3A_96, %lt3A : i32
      %convert_element_type3A = arith.extui %lt3A_98 : i1 to i32
      %cond3A = arith.constant 0 : i32
      %cond3A_99 = arith.cmpi ne, %convert_element_type3A, %cond3A : i32
      scf.if %cond3A_99 {
        %dma_wait3A_100 = arith.constant 0 : i32
        %dma_wait3A_101 = arith.constant 0 : i32
        %dma_wait3A_102 = tpu.memref_slice %arg5[%rem3A_97, %dma_wait3A_100, %dma_wait3A_101] : memref<2x4x128xi32, #tpu.memory_space<vmem>> -> memref<1x4x128xi32, #tpu.memory_space<vmem>>
        %dma_wait3A_103 = tpu.memref_squeeze %dma_wait3A_102 : memref<1x4x128xi32, #tpu.memory_space<vmem>> -> memref<4x128xi32, #tpu.memory_space<vmem>>
        %dma_wait3A_104 = arith.constant 0 : i32
        %dma_wait3A_105 = arith.constant 0 : i32
        %dma_wait3A_106 = tpu.memref_slice %arg3[%add3A_96, %dma_wait3A_104, %dma_wait3A_105] : memref<250x4x128xi32, #tpu.memory_space<hbm>> -> memref<1x4x128xi32, #tpu.memory_space<hbm>>
        %dma_wait3A_107 = tpu.memref_squeeze %dma_wait3A_106 : memref<1x4x128xi32, #tpu.memory_space<hbm>> -> memref<4x128xi32, #tpu.memory_space<hbm>>
        %dma_wait3A_108 = arith.constant 0 : i32
        %dma_wait3A_109 = arith.constant 0 : i32
        %dma_wait3A_110 = tpu.memref_slice %arg5[%rem3A_97, %dma_wait3A_108, %dma_wait3A_109] : memref<2x4x128xi32, #tpu.memory_space<vmem>> -> memref<1x4x128xi32, #tpu.memory_space<vmem>>
        %dma_wait3A_111 = tpu.memref_squeeze %dma_wait3A_110 : memref<1x4x128xi32, #tpu.memory_space<vmem>> -> memref<4x128xi32, #tpu.memory_space<vmem>>
        %dma_wait3A_112 = arith.constant 0 : i32
        %dma_wait3A_113 = arith.constant 0 : i32
        %dma_wait3A_114 = tpu.memref_slice %arg3[%add3A_96, %dma_wait3A_112, %dma_wait3A_113] : memref<250x4x128xi32, #tpu.memory_space<hbm>> -> memref<1x4x128xi32, #tpu.memory_space<hbm>>
        %dma_wait3A_115 = tpu.memref_squeeze %dma_wait3A_114 : memref<1x4x128xi32, #tpu.memory_space<hbm>> -> memref<4x128xi32, #tpu.memory_space<hbm>>
        tpu.wait_dma2 semaphore(%arg15 : memref<!tpu.dma_semaphore, #tpu.memory_space<semaphore_mem>>) src(%dma_wait3A_115 : memref<4x128xi32, #tpu.memory_space<hbm>>) dst(%dma_wait3A_111 : memref<4x128xi32, #tpu.memory_space<vmem>>)
        %add3A_116 = arith.constant 32 : i32
        %add3A_117 = arith.addi %add3A_96, %add3A_116 : i32
        %lt3A_118 = arith.constant 250 : i32
        %lt3A_119 = arith.cmpi slt, %add3A_117, %lt3A_118 : i32
        %convert_element_type3A_120 = arith.extui %lt3A_119 : i1 to i32
        %cond3A_121 = arith.constant 0 : i32
        %cond3A_122 = arith.cmpi ne, %convert_element_type3A_120, %cond3A_121 : i32
        scf.if %cond3A_122 {
          %add3A_310 = arith.constant 32 : i32
          %add3A_311 = arith.addi %add3A_96, %add3A_310 : i32
          %sub3A = arith.constant 1 : i32
          %sub3A_312 = arith.subi %sub3A, %rem3A_97 : i32
          %dma_start3A_313 = arith.constant 0 : i32
          %dma_start3A_314 = arith.constant 0 : i32
          %dma_start3A_315 = tpu.memref_slice %arg5[%sub3A_312, %dma_start3A_313, %dma_start3A_314] : memref<2x4x128xi32, #tpu.memory_space<vmem>> -> memref<1x4x128xi32, #tpu.memory_space<vmem>>
          %dma_start3A_316 = tpu.memref_squeeze %dma_start3A_315 : memref<1x4x128xi32, #tpu.memory_space<vmem>> -> memref<4x128xi32, #tpu.memory_space<vmem>>
          %dma_start3A_317 = arith.constant 0 : i32
          %dma_start3A_318 = arith.constant 0 : i32
          %dma_start3A_319 = tpu.memref_slice %arg3[%add3A_311, %dma_start3A_317, %dma_start3A_318] : memref<250x4x128xi32, #tpu.memory_space<hbm>> -> memref<1x4x128xi32, #tpu.memory_space<hbm>>
          %dma_start3A_320 = tpu.memref_squeeze %dma_start3A_319 : memref<1x4x128xi32, #tpu.memory_space<hbm>> -> memref<4x128xi32, #tpu.memory_space<hbm>>
          %dma_start3A_321 = arith.constant 0 : i32
          %dma_start3A_322 = arith.constant 0 : i32
          %dma_start3A_323 = tpu.memref_slice %arg5[%sub3A_312, %dma_start3A_321, %dma_start3A_322] : memref<2x4x128xi32, #tpu.memory_space<vmem>> -> memref<1x4x128xi32, #tpu.memory_space<vmem>>
          %dma_start3A_324 = tpu.memref_squeeze %dma_start3A_323 : memref<1x4x128xi32, #tpu.memory_space<vmem>> -> memref<4x128xi32, #tpu.memory_space<vmem>>
          %dma_start3A_325 = arith.constant 0 : i32
          %dma_start3A_326 = arith.constant 0 : i32
          %dma_start3A_327 = tpu.memref_slice %arg3[%add3A_311, %dma_start3A_325, %dma_start3A_326] : memref<250x4x128xi32, #tpu.memory_space<hbm>> -> memref<1x4x128xi32, #tpu.memory_space<hbm>>
          %dma_start3A_328 = tpu.memref_squeeze %dma_start3A_327 : memref<1x4x128xi32, #tpu.memory_space<hbm>> -> memref<4x128xi32, #tpu.memory_space<hbm>>
          tpu.enqueue_dma source(%dma_start3A_328 : memref<4x128xi32, #tpu.memory_space<hbm>>) target(%dma_start3A_324 : memref<4x128xi32, #tpu.memory_space<vmem>>) target_semaphore(%arg15 : memref<!tpu.dma_semaphore, #tpu.memory_space<semaphore_mem>>)
        } else {
        }
        %ge3A = arith.constant 1 : i32
        %ge3A_123 = arith.cmpi sge, %scan3A_93, %ge3A : i32
        %convert_element_type3A_124 = arith.extui %ge3A_123 : i1 to i32
        %cond3A_125 = arith.constant 0 : i32
        %cond3A_126 = arith.cmpi ne, %convert_element_type3A_124, %cond3A_125 : i32
        scf.if %cond3A_126 {
          %dma_wait3A_310 = arith.constant 0 : i32
          %dma_wait3A_311 = arith.constant 0 : i32
          %dma_wait3A_312 = arith.constant 0 : i32
          %dma_wait3A_313 = arith.constant 0 : i32
          %dma_wait3A_314 = tpu.memref_slice %arg6[%dma_wait3A_310, %dma_wait3A_312, %dma_wait3A_313] : memref<4x128x128xf32, #tpu.memory_space<vmem>> -> memref<1x128x128xf32, #tpu.memory_space<vmem>>
          %dma_wait3A_315 = tpu.memref_squeeze %dma_wait3A_314 : memref<1x128x128xf32, #tpu.memory_space<vmem>> -> memref<128x128xf32, #tpu.memory_space<vmem>>
          %dma_wait3A_316 = arith.constant 0 : i32
          %dma_wait3A_317 = arith.constant 0 : i32
          %dma_wait3A_318 = tpu.memref_slice %arg4[%dma_wait3A_311, %dma_wait3A_316, %dma_wait3A_317] : memref<4x32000x128xf32, #tpu.memory_space<hbm>> -> memref<1x128x128xf32, #tpu.memory_space<hbm>>
          %dma_wait3A_319 = tpu.memref_squeeze %dma_wait3A_318 : memref<1x128x128xf32, #tpu.memory_space<hbm>> -> memref<128x128xf32, #tpu.memory_space<hbm>>
          %dma_wait3A_320 = arith.constant 0 : i32
          %dma_wait3A_321 = arith.constant 0 : i32
          %dma_wait3A_322 = tpu.memref_slice %arg4[%dma_wait3A_311, %dma_wait3A_320, %dma_wait3A_321] : memref<4x32000x128xf32, #tpu.memory_space<hbm>> -> memref<1x128x128xf32, #tpu.memory_space<hbm>>
          %dma_wait3A_323 = tpu.memref_squeeze %dma_wait3A_322 : memref<1x128x128xf32, #tpu.memory_space<hbm>> -> memref<128x128xf32, #tpu.memory_space<hbm>>
          %dma_wait3A_324 = arith.constant 0 : i32
          %dma_wait3A_325 = arith.constant 0 : i32
          %dma_wait3A_326 = tpu.memref_slice %arg6[%dma_wait3A_310, %dma_wait3A_324, %dma_wait3A_325] : memref<4x128x128xf32, #tpu.memory_space<vmem>> -> memref<1x128x128xf32, #tpu.memory_space<vmem>>
          %dma_wait3A_327 = tpu.memref_squeeze %dma_wait3A_326 : memref<1x128x128xf32, #tpu.memory_space<vmem>> -> memref<128x128xf32, #tpu.memory_space<vmem>>
          tpu.wait_dma2 semaphore(%arg11 : memref<!tpu.dma_semaphore, #tpu.memory_space<semaphore_mem>>) src(%dma_wait3A_327 : memref<128x128xf32, #tpu.memory_space<vmem>>) dst(%dma_wait3A_323 : memref<128x128xf32, #tpu.memory_space<hbm>>)
        } else {
        }
        %dma_start3A_127 = arith.constant 0 : i32
        %dma_start3A_128 = arith.constant 0 : i32
        %dma_start3A_129 = arith.constant 0 : i32
        %dma_start3A_130 = arith.constant 0 : i32
        %dma_start3A_131 = tpu.memref_slice %arg6[%dma_start3A_128, %dma_start3A_129, %dma_start3A_130] : memref<4x128x128xf32, #tpu.memory_space<vmem>> -> memref<1x128x128xf32, #tpu.memory_space<vmem>>
        %dma_start3A_132 = tpu.memref_squeeze %dma_start3A_131 : memref<1x128x128xf32, #tpu.memory_space<vmem>> -> memref<128x128xf32, #tpu.memory_space<vmem>>
        %dma_start3A_133 = arith.constant 0 : i32
        %dma_start3A_134 = tpu.memref_slice %arg5[%rem3A_97, %dma_start3A_127, %dma_start3A_133] : memref<2x4x128xi32, #tpu.memory_space<vmem>> -> memref<1x1x128xi32, #tpu.memory_space<vmem>>
        %dma_start3A_135 = tpu.memref_squeeze %dma_start3A_134 : memref<1x1x128xi32, #tpu.memory_space<vmem>> -> memref<128xi32, #tpu.memory_space<vmem>>
        %dma_start3A_136 = arith.constant 0 : i32
        %dma_start3A_137 = arith.constant 0 : i32
        %dma_start3A_138 = tpu.memref_slice %arg2[%dma_start3A_136, %dma_start3A_137] : memref<160000x128xf32, #tpu.memory_space<hbm>> -> memref<160000x128xf32, #tpu.memory_space<hbm>>
        tpu.enqueue_indirect_dma source(%dma_start3A_138 : memref<160000x128xf32, #tpu.memory_space<hbm>>) target(%dma_start3A_132 : memref<128x128xf32, #tpu.memory_space<vmem>>) offsets(%dma_start3A_135 : memref<128xi32, #tpu.memory_space<vmem>>) semaphore(%arg7 : memref<!tpu.dma_semaphore, #tpu.memory_space<semaphore_mem>>)
        %ge3A_139 = arith.constant 1 : i32
        %ge3A_140 = arith.cmpi sge, %scan3A_93, %ge3A_139 : i32
        %convert_element_type3A_141 = arith.extui %ge3A_140 : i1 to i32
        %cond3A_142 = arith.constant 0 : i32
        %cond3A_143 = arith.cmpi ne, %convert_element_type3A_141, %cond3A_142 : i32
        scf.if %cond3A_143 {
          %dma_wait3A_310 = arith.constant 1 : i32
          %dma_wait3A_311 = arith.constant 1 : i32
          %dma_wait3A_312 = arith.constant 0 : i32
          %dma_wait3A_313 = arith.constant 0 : i32
          %dma_wait3A_314 = tpu.memref_slice %arg6[%dma_wait3A_310, %dma_wait3A_312, %dma_wait3A_313] : memref<4x128x128xf32, #tpu.memory_space<vmem>> -> memref<1x128x128xf32, #tpu.memory_space<vmem>>
          %dma_wait3A_315 = tpu.memref_squeeze %dma_wait3A_314 : memref<1x128x128xf32, #tpu.memory_space<vmem>> -> memref<128x128xf32, #tpu.memory_space<vmem>>
          %dma_wait3A_316 = arith.constant 0 : i32
          %dma_wait3A_317 = arith.constant 0 : i32
          %dma_wait3A_318 = tpu.memref_slice %arg4[%dma_wait3A_311, %dma_wait3A_316, %dma_wait3A_317] : memref<4x32000x128xf32, #tpu.memory_space<hbm>> -> memref<1x128x128xf32, #tpu.memory_space<hbm>>
          %dma_wait3A_319 = tpu.memref_squeeze %dma_wait3A_318 : memref<1x128x128xf32, #tpu.memory_space<hbm>> -> memref<128x128xf32, #tpu.memory_space<hbm>>
          %dma_wait3A_320 = arith.constant 0 : i32
          %dma_wait3A_321 = arith.constant 0 : i32
          %dma_wait3A_322 = tpu.memref_slice %arg4[%dma_wait3A_311, %dma_wait3A_320, %dma_wait3A_321] : memref<4x32000x128xf32, #tpu.memory_space<hbm>> -> memref<1x128x128xf32, #tpu.memory_space<hbm>>
          %dma_wait3A_323 = tpu.memref_squeeze %dma_wait3A_322 : memref<1x128x128xf32, #tpu.memory_space<hbm>> -> memref<128x128xf32, #tpu.memory_space<hbm>>
          %dma_wait3A_324 = arith.constant 0 : i32
          %dma_wait3A_325 = arith.constant 0 : i32
          %dma_wait3A_326 = tpu.memref_slice %arg6[%dma_wait3A_310, %dma_wait3A_324, %dma_wait3A_325] : memref<4x128x128xf32, #tpu.memory_space<vmem>> -> memref<1x128x128xf32, #tpu.memory_space<vmem>>
          %dma_wait3A_327 = tpu.memref_squeeze %dma_wait3A_326 : memref<1x128x128xf32, #tpu.memory_space<vmem>> -> memref<128x128xf32, #tpu.memory_space<vmem>>
          tpu.wait_dma2 semaphore(%arg12 : memref<!tpu.dma_semaphore, #tpu.memory_space<semaphore_mem>>) src(%dma_wait3A_327 : memref<128x128xf32, #tpu.memory_space<vmem>>) dst(%dma_wait3A_323 : memref<128x128xf32, #tpu.memory_space<hbm>>)
        } else {
        }
        %dma_start3A_144 = arith.constant 1 : i32
        %dma_start3A_145 = arith.constant 1 : i32
        %dma_start3A_146 = arith.constant 0 : i32
        %dma_start3A_147 = arith.constant 0 : i32
        %dma_start3A_148 = tpu.memref_slice %arg6[%dma_start3A_145, %dma_start3A_146, %dma_start3A_147] : memref<4x128x128xf32, #tpu.memory_space<vmem>> -> memref<1x128x128xf32, #tpu.memory_space<vmem>>
        %dma_start3A_149 = tpu.memref_squeeze %dma_start3A_148 : memref<1x128x128xf32, #tpu.memory_space<vmem>> -> memref<128x128xf32, #tpu.memory_space<vmem>>
        %dma_start3A_150 = arith.constant 0 : i32
        %dma_start3A_151 = tpu.memref_slice %arg5[%rem3A_97, %dma_start3A_144, %dma_start3A_150] : memref<2x4x128xi32, #tpu.memory_space<vmem>> -> memref<1x1x128xi32, #tpu.memory_space<vmem>>
        %dma_start3A_152 = tpu.memref_squeeze %dma_start3A_151 : memref<1x1x128xi32, #tpu.memory_space<vmem>> -> memref<128xi32, #tpu.memory_space<vmem>>
        %dma_start3A_153 = arith.constant 0 : i32
        %dma_start3A_154 = arith.constant 0 : i32
        %dma_start3A_155 = tpu.memref_slice %arg2[%dma_start3A_153, %dma_start3A_154] : memref<160000x128xf32, #tpu.memory_space<hbm>> -> memref<160000x128xf32, #tpu.memory_space<hbm>>
        tpu.enqueue_indirect_dma source(%dma_start3A_155 : memref<160000x128xf32, #tpu.memory_space<hbm>>) target(%dma_start3A_149 : memref<128x128xf32, #tpu.memory_space<vmem>>) offsets(%dma_start3A_152 : memref<128xi32, #tpu.memory_space<vmem>>) semaphore(%arg8 : memref<!tpu.dma_semaphore, #tpu.memory_space<semaphore_mem>>)
        %ge3A_156 = arith.constant 1 : i32
        %ge3A_157 = arith.cmpi sge, %scan3A_93, %ge3A_156 : i32
        %convert_element_type3A_158 = arith.extui %ge3A_157 : i1 to i32
        %cond3A_159 = arith.constant 0 : i32
        %cond3A_160 = arith.cmpi ne, %convert_element_type3A_158, %cond3A_159 : i32
        scf.if %cond3A_160 {
          %dma_wait3A_310 = arith.constant 2 : i32
          %dma_wait3A_311 = arith.constant 2 : i32
          %dma_wait3A_312 = arith.constant 0 : i32
          %dma_wait3A_313 = arith.constant 0 : i32
          %dma_wait3A_314 = tpu.memref_slice %arg6[%dma_wait3A_310, %dma_wait3A_312, %dma_wait3A_313] : memref<4x128x128xf32, #tpu.memory_space<vmem>> -> memref<1x128x128xf32, #tpu.memory_space<vmem>>
          %dma_wait3A_315 = tpu.memref_squeeze %dma_wait3A_314 : memref<1x128x128xf32, #tpu.memory_space<vmem>> -> memref<128x128xf32, #tpu.memory_space<vmem>>
          %dma_wait3A_316 = arith.constant 0 : i32
          %dma_wait3A_317 = arith.constant 0 : i32
          %dma_wait3A_318 = tpu.memref_slice %arg4[%dma_wait3A_311, %dma_wait3A_316, %dma_wait3A_317] : memref<4x32000x128xf32, #tpu.memory_space<hbm>> -> memref<1x128x128xf32, #tpu.memory_space<hbm>>
          %dma_wait3A_319 = tpu.memref_squeeze %dma_wait3A_318 : memref<1x128x128xf32, #tpu.memory_space<hbm>> -> memref<128x128xf32, #tpu.memory_space<hbm>>
          %dma_wait3A_320 = arith.constant 0 : i32
          %dma_wait3A_321 = arith.constant 0 : i32
          %dma_wait3A_322 = tpu.memref_slice %arg4[%dma_wait3A_311, %dma_wait3A_320, %dma_wait3A_321] : memref<4x32000x128xf32, #tpu.memory_space<hbm>> -> memref<1x128x128xf32, #tpu.memory_space<hbm>>
          %dma_wait3A_323 = tpu.memref_squeeze %dma_wait3A_322 : memref<1x128x128xf32, #tpu.memory_space<hbm>> -> memref<128x128xf32, #tpu.memory_space<hbm>>
          %dma_wait3A_324 = arith.constant 0 : i32
          %dma_wait3A_325 = arith.constant 0 : i32
          %dma_wait3A_326 = tpu.memref_slice %arg6[%dma_wait3A_310, %dma_wait3A_324, %dma_wait3A_325] : memref<4x128x128xf32, #tpu.memory_space<vmem>> -> memref<1x128x128xf32, #tpu.memory_space<vmem>>
          %dma_wait3A_327 = tpu.memref_squeeze %dma_wait3A_326 : memref<1x128x128xf32, #tpu.memory_space<vmem>> -> memref<128x128xf32, #tpu.memory_space<vmem>>
          tpu.wait_dma2 semaphore(%arg13 : memref<!tpu.dma_semaphore, #tpu.memory_space<semaphore_mem>>) src(%dma_wait3A_327 : memref<128x128xf32, #tpu.memory_space<vmem>>) dst(%dma_wait3A_323 : memref<128x128xf32, #tpu.memory_space<hbm>>)
        } else {
        }
        %dma_start3A_161 = arith.constant 2 : i32
        %dma_start3A_162 = arith.constant 2 : i32
        %dma_start3A_163 = arith.constant 0 : i32
        %dma_start3A_164 = arith.constant 0 : i32
        %dma_start3A_165 = tpu.memref_slice %arg6[%dma_start3A_162, %dma_start3A_163, %dma_start3A_164] : memref<4x128x128xf32, #tpu.memory_space<vmem>> -> memref<1x128x128xf32, #tpu.memory_space<vmem>>
        %dma_start3A_166 = tpu.memref_squeeze %dma_start3A_165 : memref<1x128x128xf32, #tpu.memory_space<vmem>> -> memref<128x128xf32, #tpu.memory_space<vmem>>
        %dma_start3A_167 = arith.constant 0 : i32
        %dma_start3A_168 = tpu.memref_slice %arg5[%rem3A_97, %dma_start3A_161, %dma_start3A_167] : memref<2x4x128xi32, #tpu.memory_space<vmem>> -> memref<1x1x128xi32, #tpu.memory_space<vmem>>
        %dma_start3A_169 = tpu.memref_squeeze %dma_start3A_168 : memref<1x1x128xi32, #tpu.memory_space<vmem>> -> memref<128xi32, #tpu.memory_space<vmem>>
        %dma_start3A_170 = arith.constant 0 : i32
        %dma_start3A_171 = arith.constant 0 : i32
        %dma_start3A_172 = tpu.memref_slice %arg2[%dma_start3A_170, %dma_start3A_171] : memref<160000x128xf32, #tpu.memory_space<hbm>> -> memref<160000x128xf32, #tpu.memory_space<hbm>>
        tpu.enqueue_indirect_dma source(%dma_start3A_172 : memref<160000x128xf32, #tpu.memory_space<hbm>>) target(%dma_start3A_166 : memref<128x128xf32, #tpu.memory_space<vmem>>) offsets(%dma_start3A_169 : memref<128xi32, #tpu.memory_space<vmem>>) semaphore(%arg9 : memref<!tpu.dma_semaphore, #tpu.memory_space<semaphore_mem>>)
        %ge3A_173 = arith.constant 1 : i32
        %ge3A_174 = arith.cmpi sge, %scan3A_93, %ge3A_173 : i32
        %convert_element_type3A_175 = arith.extui %ge3A_174 : i1 to i32
        %cond3A_176 = arith.constant 0 : i32
        %cond3A_177 = arith.cmpi ne, %convert_element_type3A_175, %cond3A_176 : i32
        scf.if %cond3A_177 {
          %dma_wait3A_310 = arith.constant 3 : i32
          %dma_wait3A_311 = arith.constant 3 : i32
          %dma_wait3A_312 = arith.constant 0 : i32
          %dma_wait3A_313 = arith.constant 0 : i32
          %dma_wait3A_314 = tpu.memref_slice %arg6[%dma_wait3A_310, %dma_wait3A_312, %dma_wait3A_313] : memref<4x128x128xf32, #tpu.memory_space<vmem>> -> memref<1x128x128xf32, #tpu.memory_space<vmem>>
          %dma_wait3A_315 = tpu.memref_squeeze %dma_wait3A_314 : memref<1x128x128xf32, #tpu.memory_space<vmem>> -> memref<128x128xf32, #tpu.memory_space<vmem>>
          %dma_wait3A_316 = arith.constant 0 : i32
          %dma_wait3A_317 = arith.constant 0 : i32
          %dma_wait3A_318 = tpu.memref_slice %arg4[%dma_wait3A_311, %dma_wait3A_316, %dma_wait3A_317] : memref<4x32000x128xf32, #tpu.memory_space<hbm>> -> memref<1x128x128xf32, #tpu.memory_space<hbm>>
          %dma_wait3A_319 = tpu.memref_squeeze %dma_wait3A_318 : memref<1x128x128xf32, #tpu.memory_space<hbm>> -> memref<128x128xf32, #tpu.memory_space<hbm>>
          %dma_wait3A_320 = arith.constant 0 : i32
          %dma_wait3A_321 = arith.constant 0 : i32
          %dma_wait3A_322 = tpu.memref_slice %arg4[%dma_wait3A_311, %dma_wait3A_320, %dma_wait3A_321] : memref<4x32000x128xf32, #tpu.memory_space<hbm>> -> memref<1x128x128xf32, #tpu.memory_space<hbm>>
          %dma_wait3A_323 = tpu.memref_squeeze %dma_wait3A_322 : memref<1x128x128xf32, #tpu.memory_space<hbm>> -> memref<128x128xf32, #tpu.memory_space<hbm>>
          %dma_wait3A_324 = arith.constant 0 : i32
          %dma_wait3A_325 = arith.constant 0 : i32
          %dma_wait3A_326 = tpu.memref_slice %arg6[%dma_wait3A_310, %dma_wait3A_324, %dma_wait3A_325] : memref<4x128x128xf32, #tpu.memory_space<vmem>> -> memref<1x128x128xf32, #tpu.memory_space<vmem>>
          %dma_wait3A_327 = tpu.memref_squeeze %dma_wait3A_326 : memref<1x128x128xf32, #tpu.memory_space<vmem>> -> memref<128x128xf32, #tpu.memory_space<vmem>>
          tpu.wait_dma2 semaphore(%arg14 : memref<!tpu.dma_semaphore, #tpu.memory_space<semaphore_mem>>) src(%dma_wait3A_327 : memref<128x128xf32, #tpu.memory_space<vmem>>) dst(%dma_wait3A_323 : memref<128x128xf32, #tpu.memory_space<hbm>>)
        } else {
        }
        %dma_start3A_178 = arith.constant 3 : i32
        %dma_start3A_179 = arith.constant 3 : i32
        %dma_start3A_180 = arith.constant 0 : i32
        %dma_start3A_181 = arith.constant 0 : i32
        %dma_start3A_182 = tpu.memref_slice %arg6[%dma_start3A_179, %dma_start3A_180, %dma_start3A_181] : memref<4x128x128xf32, #tpu.memory_space<vmem>> -> memref<1x128x128xf32, #tpu.memory_space<vmem>>
        %dma_start3A_183 = tpu.memref_squeeze %dma_start3A_182 : memref<1x128x128xf32, #tpu.memory_space<vmem>> -> memref<128x128xf32, #tpu.memory_space<vmem>>
        %dma_start3A_184 = arith.constant 0 : i32
        %dma_start3A_185 = tpu.memref_slice %arg5[%rem3A_97, %dma_start3A_178, %dma_start3A_184] : memref<2x4x128xi32, #tpu.memory_space<vmem>> -> memref<1x1x128xi32, #tpu.memory_space<vmem>>
        %dma_start3A_186 = tpu.memref_squeeze %dma_start3A_185 : memref<1x1x128xi32, #tpu.memory_space<vmem>> -> memref<128xi32, #tpu.memory_space<vmem>>
        %dma_start3A_187 = arith.constant 0 : i32
        %dma_start3A_188 = arith.constant 0 : i32
        %dma_start3A_189 = tpu.memref_slice %arg2[%dma_start3A_187, %dma_start3A_188] : memref<160000x128xf32, #tpu.memory_space<hbm>> -> memref<160000x128xf32, #tpu.memory_space<hbm>>
        tpu.enqueue_indirect_dma source(%dma_start3A_189 : memref<160000x128xf32, #tpu.memory_space<hbm>>) target(%dma_start3A_183 : memref<128x128xf32, #tpu.memory_space<vmem>>) offsets(%dma_start3A_186 : memref<128xi32, #tpu.memory_space<vmem>>) semaphore(%arg10 : memref<!tpu.dma_semaphore, #tpu.memory_space<semaphore_mem>>)
        %dma_wait3A_190 = arith.constant 0 : i32
        %dma_wait3A_191 = arith.constant 0 : i32
        %dma_wait3A_192 = arith.constant 0 : i32
        %dma_wait3A_193 = arith.constant 0 : i32
        %dma_wait3A_194 = tpu.memref_slice %arg6[%dma_wait3A_191, %dma_wait3A_192, %dma_wait3A_193] : memref<4x128x128xf32, #tpu.memory_space<vmem>> -> memref<1x128x128xf32, #tpu.memory_space<vmem>>
        %dma_wait3A_195 = tpu.memref_squeeze %dma_wait3A_194 : memref<1x128x128xf32, #tpu.memory_space<vmem>> -> memref<128x128xf32, #tpu.memory_space<vmem>>
        %dma_wait3A_196 = arith.constant 0 : i32
        %dma_wait3A_197 = tpu.memref_slice %arg5[%rem3A_97, %dma_wait3A_190, %dma_wait3A_196] : memref<2x4x128xi32, #tpu.memory_space<vmem>> -> memref<1x1x128xi32, #tpu.memory_space<vmem>>
        %dma_wait3A_198 = tpu.memref_squeeze %dma_wait3A_197 : memref<1x1x128xi32, #tpu.memory_space<vmem>> -> memref<128xi32, #tpu.memory_space<vmem>>
        %dma_wait3A_199 = arith.constant 0 : i32
        %dma_wait3A_200 = arith.constant 0 : i32
        %dma_wait3A_201 = tpu.memref_slice %arg2[%dma_wait3A_199, %dma_wait3A_200] : memref<160000x128xf32, #tpu.memory_space<hbm>> -> memref<160000x128xf32, #tpu.memory_space<hbm>>
        tpu.wait_indirect_dma semaphore(%arg7 : memref<!tpu.dma_semaphore, #tpu.memory_space<semaphore_mem>>) src(%dma_wait3A_201 : memref<160000x128xf32, #tpu.memory_space<hbm>>) dst(%dma_wait3A_195 : memref<128x128xf32, #tpu.memory_space<vmem>>)
        %mul3A_202 = arith.constant 128 : i32
        %mul3A_203 = arith.muli %add3A_96, %mul3A_202 : i32
        %dma_start3A_204 = arith.constant 0 : i32
        %dma_start3A_205 = arith.constant 0 : i32
        %dma_start3A_206 = arith.constant 0 : i32
        %dma_start3A_207 = arith.constant 0 : i32
        %dma_start3A_208 = tpu.memref_slice %arg6[%dma_start3A_204, %dma_start3A_206, %dma_start3A_207] : memref<4x128x128xf32, #tpu.memory_space<vmem>> -> memref<1x128x128xf32, #tpu.memory_space<vmem>>
        %dma_start3A_209 = tpu.memref_squeeze %dma_start3A_208 : memref<1x128x128xf32, #tpu.memory_space<vmem>> -> memref<128x128xf32, #tpu.memory_space<vmem>>
        %dma_start3A_210 = arith.constant 0 : i32
        %dma_start3A_211 = tpu.memref_slice %arg4[%dma_start3A_205, %mul3A_203, %dma_start3A_210] : memref<4x32000x128xf32, #tpu.memory_space<hbm>> -> memref<1x128x128xf32, #tpu.memory_space<hbm>>
        %dma_start3A_212 = tpu.memref_squeeze %dma_start3A_211 : memref<1x128x128xf32, #tpu.memory_space<hbm>> -> memref<128x128xf32, #tpu.memory_space<hbm>>
        %dma_start3A_213 = arith.constant 0 : i32
        %dma_start3A_214 = tpu.memref_slice %arg4[%dma_start3A_205, %mul3A_203, %dma_start3A_213] : memref<4x32000x128xf32, #tpu.memory_space<hbm>> -> memref<1x128x128xf32, #tpu.memory_space<hbm>>
        %dma_start3A_215 = tpu.memref_squeeze %dma_start3A_214 : memref<1x128x128xf32, #tpu.memory_space<hbm>> -> memref<128x128xf32, #tpu.memory_space<hbm>>
        %dma_start3A_216 = arith.constant 0 : i32
        %dma_start3A_217 = arith.constant 0 : i32
        %dma_start3A_218 = tpu.memref_slice %arg6[%dma_start3A_204, %dma_start3A_216, %dma_start3A_217] : memref<4x128x128xf32, #tpu.memory_space<vmem>> -> memref<1x128x128xf32, #tpu.memory_space<vmem>>
        %dma_start3A_219 = tpu.memref_squeeze %dma_start3A_218 : memref<1x128x128xf32, #tpu.memory_space<vmem>> -> memref<128x128xf32, #tpu.memory_space<vmem>>
        tpu.enqueue_dma source(%dma_start3A_219 : memref<128x128xf32, #tpu.memory_space<vmem>>) target(%dma_start3A_215 : memref<128x128xf32, #tpu.memory_space<hbm>>) target_semaphore(%arg11 : memref<!tpu.dma_semaphore, #tpu.memory_space<semaphore_mem>>)
        %dma_wait3A_220 = arith.constant 1 : i32
        %dma_wait3A_221 = arith.constant 1 : i32
        %dma_wait3A_222 = arith.constant 0 : i32
        %dma_wait3A_223 = arith.constant 0 : i32
        %dma_wait3A_224 = tpu.memref_slice %arg6[%dma_wait3A_221, %dma_wait3A_222, %dma_wait3A_223] : memref<4x128x128xf32, #tpu.memory_space<vmem>> -> memref<1x128x128xf32, #tpu.memory_space<vmem>>
        %dma_wait3A_225 = tpu.memref_squeeze %dma_wait3A_224 : memref<1x128x128xf32, #tpu.memory_space<vmem>> -> memref<128x128xf32, #tpu.memory_space<vmem>>
        %dma_wait3A_226 = arith.constant 0 : i32
        %dma_wait3A_227 = tpu.memref_slice %arg5[%rem3A_97, %dma_wait3A_220, %dma_wait3A_226] : memref<2x4x128xi32, #tpu.memory_space<vmem>> -> memref<1x1x128xi32, #tpu.memory_space<vmem>>
        %dma_wait3A_228 = tpu.memref_squeeze %dma_wait3A_227 : memref<1x1x128xi32, #tpu.memory_space<vmem>> -> memref<128xi32, #tpu.memory_space<vmem>>
        %dma_wait3A_229 = arith.constant 0 : i32
        %dma_wait3A_230 = arith.constant 0 : i32
        %dma_wait3A_231 = tpu.memref_slice %arg2[%dma_wait3A_229, %dma_wait3A_230] : memref<160000x128xf32, #tpu.memory_space<hbm>> -> memref<160000x128xf32, #tpu.memory_space<hbm>>
        tpu.wait_indirect_dma semaphore(%arg8 : memref<!tpu.dma_semaphore, #tpu.memory_space<semaphore_mem>>) src(%dma_wait3A_231 : memref<160000x128xf32, #tpu.memory_space<hbm>>) dst(%dma_wait3A_225 : memref<128x128xf32, #tpu.memory_space<vmem>>)
        %mul3A_232 = arith.constant 128 : i32
        %mul3A_233 = arith.muli %add3A_96, %mul3A_232 : i32
        %dma_start3A_234 = arith.constant 1 : i32
        %dma_start3A_235 = arith.constant 1 : i32
        %dma_start3A_236 = arith.constant 0 : i32
        %dma_start3A_237 = arith.constant 0 : i32
        %dma_start3A_238 = tpu.memref_slice %arg6[%dma_start3A_234, %dma_start3A_236, %dma_start3A_237] : memref<4x128x128xf32, #tpu.memory_space<vmem>> -> memref<1x128x128xf32, #tpu.memory_space<vmem>>
        %dma_start3A_239 = tpu.memref_squeeze %dma_start3A_238 : memref<1x128x128xf32, #tpu.memory_space<vmem>> -> memref<128x128xf32, #tpu.memory_space<vmem>>
        %dma_start3A_240 = arith.constant 0 : i32
        %dma_start3A_241 = tpu.memref_slice %arg4[%dma_start3A_235, %mul3A_233, %dma_start3A_240] : memref<4x32000x128xf32, #tpu.memory_space<hbm>> -> memref<1x128x128xf32, #tpu.memory_space<hbm>>
        %dma_start3A_242 = tpu.memref_squeeze %dma_start3A_241 : memref<1x128x128xf32, #tpu.memory_space<hbm>> -> memref<128x128xf32, #tpu.memory_space<hbm>>
        %dma_start3A_243 = arith.constant 0 : i32
        %dma_start3A_244 = tpu.memref_slice %arg4[%dma_start3A_235, %mul3A_233, %dma_start3A_243] : memref<4x32000x128xf32, #tpu.memory_space<hbm>> -> memref<1x128x128xf32, #tpu.memory_space<hbm>>
        %dma_start3A_245 = tpu.memref_squeeze %dma_start3A_244 : memref<1x128x128xf32, #tpu.memory_space<hbm>> -> memref<128x128xf32, #tpu.memory_space<hbm>>
        %dma_start3A_246 = arith.constant 0 : i32
        %dma_start3A_247 = arith.constant 0 : i32
        %dma_start3A_248 = tpu.memref_slice %arg6[%dma_start3A_234, %dma_start3A_246, %dma_start3A_247] : memref<4x128x128xf32, #tpu.memory_space<vmem>> -> memref<1x128x128xf32, #tpu.memory_space<vmem>>
        %dma_start3A_249 = tpu.memref_squeeze %dma_start3A_248 : memref<1x128x128xf32, #tpu.memory_space<vmem>> -> memref<128x128xf32, #tpu.memory_space<vmem>>
        tpu.enqueue_dma source(%dma_start3A_249 : memref<128x128xf32, #tpu.memory_space<vmem>>) target(%dma_start3A_245 : memref<128x128xf32, #tpu.memory_space<hbm>>) target_semaphore(%arg12 : memref<!tpu.dma_semaphore, #tpu.memory_space<semaphore_mem>>)
        %dma_wait3A_250 = arith.constant 2 : i32
        %dma_wait3A_251 = arith.constant 2 : i32
        %dma_wait3A_252 = arith.constant 0 : i32
        %dma_wait3A_253 = arith.constant 0 : i32
        %dma_wait3A_254 = tpu.memref_slice %arg6[%dma_wait3A_251, %dma_wait3A_252, %dma_wait3A_253] : memref<4x128x128xf32, #tpu.memory_space<vmem>> -> memref<1x128x128xf32, #tpu.memory_space<vmem>>
        %dma_wait3A_255 = tpu.memref_squeeze %dma_wait3A_254 : memref<1x128x128xf32, #tpu.memory_space<vmem>> -> memref<128x128xf32, #tpu.memory_space<vmem>>
        %dma_wait3A_256 = arith.constant 0 : i32
        %dma_wait3A_257 = tpu.memref_slice %arg5[%rem3A_97, %dma_wait3A_250, %dma_wait3A_256] : memref<2x4x128xi32, #tpu.memory_space<vmem>> -> memref<1x1x128xi32, #tpu.memory_space<vmem>>
        %dma_wait3A_258 = tpu.memref_squeeze %dma_wait3A_257 : memref<1x1x128xi32, #tpu.memory_space<vmem>> -> memref<128xi32, #tpu.memory_space<vmem>>
        %dma_wait3A_259 = arith.constant 0 : i32
        %dma_wait3A_260 = arith.constant 0 : i32
        %dma_wait3A_261 = tpu.memref_slice %arg2[%dma_wait3A_259, %dma_wait3A_260] : memref<160000x128xf32, #tpu.memory_space<hbm>> -> memref<160000x128xf32, #tpu.memory_space<hbm>>
        tpu.wait_indirect_dma semaphore(%arg9 : memref<!tpu.dma_semaphore, #tpu.memory_space<semaphore_mem>>) src(%dma_wait3A_261 : memref<160000x128xf32, #tpu.memory_space<hbm>>) dst(%dma_wait3A_255 : memref<128x128xf32, #tpu.memory_space<vmem>>)
        %mul3A_262 = arith.constant 128 : i32
        %mul3A_263 = arith.muli %add3A_96, %mul3A_262 : i32
        %dma_start3A_264 = arith.constant 2 : i32
        %dma_start3A_265 = arith.constant 2 : i32
        %dma_start3A_266 = arith.constant 0 : i32
        %dma_start3A_267 = arith.constant 0 : i32
        %dma_start3A_268 = tpu.memref_slice %arg6[%dma_start3A_264, %dma_start3A_266, %dma_start3A_267] : memref<4x128x128xf32, #tpu.memory_space<vmem>> -> memref<1x128x128xf32, #tpu.memory_space<vmem>>
        %dma_start3A_269 = tpu.memref_squeeze %dma_start3A_268 : memref<1x128x128xf32, #tpu.memory_space<vmem>> -> memref<128x128xf32, #tpu.memory_space<vmem>>
        %dma_start3A_270 = arith.constant 0 : i32
        %dma_start3A_271 = tpu.memref_slice %arg4[%dma_start3A_265, %mul3A_263, %dma_start3A_270] : memref<4x32000x128xf32, #tpu.memory_space<hbm>> -> memref<1x128x128xf32, #tpu.memory_space<hbm>>
        %dma_start3A_272 = tpu.memref_squeeze %dma_start3A_271 : memref<1x128x128xf32, #tpu.memory_space<hbm>> -> memref<128x128xf32, #tpu.memory_space<hbm>>
        %dma_start3A_273 = arith.constant 0 : i32
        %dma_start3A_274 = tpu.memref_slice %arg4[%dma_start3A_265, %mul3A_263, %dma_start3A_273] : memref<4x32000x128xf32, #tpu.memory_space<hbm>> -> memref<1x128x128xf32, #tpu.memory_space<hbm>>
        %dma_start3A_275 = tpu.memref_squeeze %dma_start3A_274 : memref<1x128x128xf32, #tpu.memory_space<hbm>> -> memref<128x128xf32, #tpu.memory_space<hbm>>
        %dma_start3A_276 = arith.constant 0 : i32
        %dma_start3A_277 = arith.constant 0 : i32
        %dma_start3A_278 = tpu.memref_slice %arg6[%dma_start3A_264, %dma_start3A_276, %dma_start3A_277] : memref<4x128x128xf32, #tpu.memory_space<vmem>> -> memref<1x128x128xf32, #tpu.memory_space<vmem>>
        %dma_start3A_279 = tpu.memref_squeeze %dma_start3A_278 : memref<1x128x128xf32, #tpu.memory_space<vmem>> -> memref<128x128xf32, #tpu.memory_space<vmem>>
        tpu.enqueue_dma source(%dma_start3A_279 : memref<128x128xf32, #tpu.memory_space<vmem>>) target(%dma_start3A_275 : memref<128x128xf32, #tpu.memory_space<hbm>>) target_semaphore(%arg13 : memref<!tpu.dma_semaphore, #tpu.memory_space<semaphore_mem>>)
        %dma_wait3A_280 = arith.constant 3 : i32
        %dma_wait3A_281 = arith.constant 3 : i32
        %dma_wait3A_282 = arith.constant 0 : i32
        %dma_wait3A_283 = arith.constant 0 : i32
        %dma_wait3A_284 = tpu.memref_slice %arg6[%dma_wait3A_281, %dma_wait3A_282, %dma_wait3A_283] : memref<4x128x128xf32, #tpu.memory_space<vmem>> -> memref<1x128x128xf32, #tpu.memory_space<vmem>>
        %dma_wait3A_285 = tpu.memref_squeeze %dma_wait3A_284 : memref<1x128x128xf32, #tpu.memory_space<vmem>> -> memref<128x128xf32, #tpu.memory_space<vmem>>
        %dma_wait3A_286 = arith.constant 0 : i32
        %dma_wait3A_287 = tpu.memref_slice %arg5[%rem3A_97, %dma_wait3A_280, %dma_wait3A_286] : memref<2x4x128xi32, #tpu.memory_space<vmem>> -> memref<1x1x128xi32, #tpu.memory_space<vmem>>
        %dma_wait3A_288 = tpu.memref_squeeze %dma_wait3A_287 : memref<1x1x128xi32, #tpu.memory_space<vmem>> -> memref<128xi32, #tpu.memory_space<vmem>>
        %dma_wait3A_289 = arith.constant 0 : i32
        %dma_wait3A_290 = arith.constant 0 : i32
        %dma_wait3A_291 = tpu.memref_slice %arg2[%dma_wait3A_289, %dma_wait3A_290] : memref<160000x128xf32, #tpu.memory_space<hbm>> -> memref<160000x128xf32, #tpu.memory_space<hbm>>
        tpu.wait_indirect_dma semaphore(%arg10 : memref<!tpu.dma_semaphore, #tpu.memory_space<semaphore_mem>>) src(%dma_wait3A_291 : memref<160000x128xf32, #tpu.memory_space<hbm>>) dst(%dma_wait3A_285 : memref<128x128xf32, #tpu.memory_space<vmem>>)
        %mul3A_292 = arith.constant 128 : i32
        %mul3A_293 = arith.muli %add3A_96, %mul3A_292 : i32
        %dma_start3A_294 = arith.constant 3 : i32
        %dma_start3A_295 = arith.constant 3 : i32
        %dma_start3A_296 = arith.constant 0 : i32
        %dma_start3A_297 = arith.constant 0 : i32
        %dma_start3A_298 = tpu.memref_slice %arg6[%dma_start3A_294, %dma_start3A_296, %dma_start3A_297] : memref<4x128x128xf32, #tpu.memory_space<vmem>> -> memref<1x128x128xf32, #tpu.memory_space<vmem>>
        %dma_start3A_299 = tpu.memref_squeeze %dma_start3A_298 : memref<1x128x128xf32, #tpu.memory_space<vmem>> -> memref<128x128xf32, #tpu.memory_space<vmem>>
        %dma_start3A_300 = arith.constant 0 : i32
        %dma_start3A_301 = tpu.memref_slice %arg4[%dma_start3A_295, %mul3A_293, %dma_start3A_300] : memref<4x32000x128xf32, #tpu.memory_space<hbm>> -> memref<1x128x128xf32, #tpu.memory_space<hbm>>
        %dma_start3A_302 = tpu.memref_squeeze %dma_start3A_301 : memref<1x128x128xf32, #tpu.memory_space<hbm>> -> memref<128x128xf32, #tpu.memory_space<hbm>>
        %dma_start3A_303 = arith.constant 0 : i32
        %dma_start3A_304 = tpu.memref_slice %arg4[%dma_start3A_295, %mul3A_293, %dma_start3A_303] : memref<4x32000x128xf32, #tpu.memory_space<hbm>> -> memref<1x128x128xf32, #tpu.memory_space<hbm>>
        %dma_start3A_305 = tpu.memref_squeeze %dma_start3A_304 : memref<1x128x128xf32, #tpu.memory_space<hbm>> -> memref<128x128xf32, #tpu.memory_space<hbm>>
        %dma_start3A_306 = arith.constant 0 : i32
        %dma_start3A_307 = arith.constant 0 : i32
        %dma_start3A_308 = tpu.memref_slice %arg6[%dma_start3A_294, %dma_start3A_306, %dma_start3A_307] : memref<4x128x128xf32, #tpu.memory_space<vmem>> -> memref<1x128x128xf32, #tpu.memory_space<vmem>>
        %dma_start3A_309 = tpu.memref_squeeze %dma_start3A_308 : memref<1x128x128xf32, #tpu.memory_space<vmem>> -> memref<128x128xf32, #tpu.memory_space<vmem>>
        tpu.enqueue_dma source(%dma_start3A_309 : memref<128x128xf32, #tpu.memory_space<vmem>>) target(%dma_start3A_305 : memref<128x128xf32, #tpu.memory_space<hbm>>) target_semaphore(%arg14 : memref<!tpu.dma_semaphore, #tpu.memory_space<semaphore_mem>>)
      } else {
      }
    }
    %scan3A_21 = arith.constant 8 : i32
    %dma_wait3A = arith.constant 0 : i32
    %dma_wait3A_22 = arith.constant 0 : i32
    %dma_wait3A_23 = arith.constant 0 : i32
    %dma_wait3A_24 = arith.constant 0 : i32
    %dma_wait3A_25 = tpu.memref_slice %arg6[%dma_wait3A, %dma_wait3A_23, %dma_wait3A_24] : memref<4x128x128xf32, #tpu.memory_space<vmem>> -> memref<1x128x128xf32, #tpu.memory_space<vmem>>
    %dma_wait3A_26 = tpu.memref_squeeze %dma_wait3A_25 : memref<1x128x128xf32, #tpu.memory_space<vmem>> -> memref<128x128xf32, #tpu.memory_space<vmem>>
    %dma_wait3A_27 = arith.constant 0 : i32
    %dma_wait3A_28 = arith.constant 0 : i32
    %dma_wait3A_29 = tpu.memref_slice %arg4[%dma_wait3A_22, %dma_wait3A_27, %dma_wait3A_28] : memref<4x32000x128xf32, #tpu.memory_space<hbm>> -> memref<1x128x128xf32, #tpu.memory_space<hbm>>
    %dma_wait3A_30 = tpu.memref_squeeze %dma_wait3A_29 : memref<1x128x128xf32, #tpu.memory_space<hbm>> -> memref<128x128xf32, #tpu.memory_space<hbm>>
    %dma_wait3A_31 = arith.constant 0 : i32
    %dma_wait3A_32 = arith.constant 0 : i32
    %dma_wait3A_33 = tpu.memref_slice %arg4[%dma_wait3A_22, %dma_wait3A_31, %dma_wait3A_32] : memref<4x32000x128xf32, #tpu.memory_space<hbm>> -> memref<1x128x128xf32, #tpu.memory_space<hbm>>
    %dma_wait3A_34 = tpu.memref_squeeze %dma_wait3A_33 : memref<1x128x128xf32, #tpu.memory_space<hbm>> -> memref<128x128xf32, #tpu.memory_space<hbm>>
    %dma_wait3A_35 = arith.constant 0 : i32
    %dma_wait3A_36 = arith.constant 0 : i32
    %dma_wait3A_37 = tpu.memref_slice %arg6[%dma_wait3A, %dma_wait3A_35, %dma_wait3A_36] : memref<4x128x128xf32, #tpu.memory_space<vmem>> -> memref<1x128x128xf32, #tpu.memory_space<vmem>>
    %dma_wait3A_38 = tpu.memref_squeeze %dma_wait3A_37 : memref<1x128x128xf32, #tpu.memory_space<vmem>> -> memref<128x128xf32, #tpu.memory_space<vmem>>
    tpu.wait_dma2 semaphore(%arg11 : memref<!tpu.dma_semaphore, #tpu.memory_space<semaphore_mem>>) src(%dma_wait3A_38 : memref<128x128xf32, #tpu.memory_space<vmem>>) dst(%dma_wait3A_34 : memref<128x128xf32, #tpu.memory_space<hbm>>)
    %dma_wait3A_39 = arith.constant 1 : i32
    %dma_wait3A_40 = arith.constant 1 : i32
    %dma_wait3A_41 = arith.constant 0 : i32
    %dma_wait3A_42 = arith.constant 0 : i32
    %dma_wait3A_43 = tpu.memref_slice %arg6[%dma_wait3A_39, %dma_wait3A_41, %dma_wait3A_42] : memref<4x128x128xf32, #tpu.memory_space<vmem>> -> memref<1x128x128xf32, #tpu.memory_space<vmem>>
    %dma_wait3A_44 = tpu.memref_squeeze %dma_wait3A_43 : memref<1x128x128xf32, #tpu.memory_space<vmem>> -> memref<128x128xf32, #tpu.memory_space<vmem>>
    %dma_wait3A_45 = arith.constant 0 : i32
    %dma_wait3A_46 = arith.constant 0 : i32
    %dma_wait3A_47 = tpu.memref_slice %arg4[%dma_wait3A_40, %dma_wait3A_45, %dma_wait3A_46] : memref<4x32000x128xf32, #tpu.memory_space<hbm>> -> memref<1x128x128xf32, #tpu.memory_space<hbm>>
    %dma_wait3A_48 = tpu.memref_squeeze %dma_wait3A_47 : memref<1x128x128xf32, #tpu.memory_space<hbm>> -> memref<128x128xf32, #tpu.memory_space<hbm>>
    %dma_wait3A_49 = arith.constant 0 : i32
    %dma_wait3A_50 = arith.constant 0 : i32
    %dma_wait3A_51 = tpu.memref_slice %arg4[%dma_wait3A_40, %dma_wait3A_49, %dma_wait3A_50] : memref<4x32000x128xf32, #tpu.memory_space<hbm>> -> memref<1x128x128xf32, #tpu.memory_space<hbm>>
    %dma_wait3A_52 = tpu.memref_squeeze %dma_wait3A_51 : memref<1x128x128xf32, #tpu.memory_space<hbm>> -> memref<128x128xf32, #tpu.memory_space<hbm>>
    %dma_wait3A_53 = arith.constant 0 : i32
    %dma_wait3A_54 = arith.constant 0 : i32
    %dma_wait3A_55 = tpu.memref_slice %arg6[%dma_wait3A_39, %dma_wait3A_53, %dma_wait3A_54] : memref<4x128x128xf32, #tpu.memory_space<vmem>> -> memref<1x128x128xf32, #tpu.memory_space<vmem>>
    %dma_wait3A_56 = tpu.memref_squeeze %dma_wait3A_55 : memref<1x128x128xf32, #tpu.memory_space<vmem>> -> memref<128x128xf32, #tpu.memory_space<vmem>>
    tpu.wait_dma2 semaphore(%arg12 : memref<!tpu.dma_semaphore, #tpu.memory_space<semaphore_mem>>) src(%dma_wait3A_56 : memref<128x128xf32, #tpu.memory_space<vmem>>) dst(%dma_wait3A_52 : memref<128x128xf32, #tpu.memory_space<hbm>>)
    %dma_wait3A_57 = arith.constant 2 : i32
    %dma_wait3A_58 = arith.constant 2 : i32
    %dma_wait3A_59 = arith.constant 0 : i32
    %dma_wait3A_60 = arith.constant 0 : i32
    %dma_wait3A_61 = tpu.memref_slice %arg6[%dma_wait3A_57, %dma_wait3A_59, %dma_wait3A_60] : memref<4x128x128xf32, #tpu.memory_space<vmem>> -> memref<1x128x128xf32, #tpu.memory_space<vmem>>
    %dma_wait3A_62 = tpu.memref_squeeze %dma_wait3A_61 : memref<1x128x128xf32, #tpu.memory_space<vmem>> -> memref<128x128xf32, #tpu.memory_space<vmem>>
    %dma_wait3A_63 = arith.constant 0 : i32
    %dma_wait3A_64 = arith.constant 0 : i32
    %dma_wait3A_65 = tpu.memref_slice %arg4[%dma_wait3A_58, %dma_wait3A_63, %dma_wait3A_64] : memref<4x32000x128xf32, #tpu.memory_space<hbm>> -> memref<1x128x128xf32, #tpu.memory_space<hbm>>
    %dma_wait3A_66 = tpu.memref_squeeze %dma_wait3A_65 : memref<1x128x128xf32, #tpu.memory_space<hbm>> -> memref<128x128xf32, #tpu.memory_space<hbm>>
    %dma_wait3A_67 = arith.constant 0 : i32
    %dma_wait3A_68 = arith.constant 0 : i32
    %dma_wait3A_69 = tpu.memref_slice %arg4[%dma_wait3A_58, %dma_wait3A_67, %dma_wait3A_68] : memref<4x32000x128xf32, #tpu.memory_space<hbm>> -> memref<1x128x128xf32, #tpu.memory_space<hbm>>
    %dma_wait3A_70 = tpu.memref_squeeze %dma_wait3A_69 : memref<1x128x128xf32, #tpu.memory_space<hbm>> -> memref<128x128xf32, #tpu.memory_space<hbm>>
    %dma_wait3A_71 = arith.constant 0 : i32
    %dma_wait3A_72 = arith.constant 0 : i32
    %dma_wait3A_73 = tpu.memref_slice %arg6[%dma_wait3A_57, %dma_wait3A_71, %dma_wait3A_72] : memref<4x128x128xf32, #tpu.memory_space<vmem>> -> memref<1x128x128xf32, #tpu.memory_space<vmem>>
    %dma_wait3A_74 = tpu.memref_squeeze %dma_wait3A_73 : memref<1x128x128xf32, #tpu.memory_space<vmem>> -> memref<128x128xf32, #tpu.memory_space<vmem>>
    tpu.wait_dma2 semaphore(%arg13 : memref<!tpu.dma_semaphore, #tpu.memory_space<semaphore_mem>>) src(%dma_wait3A_74 : memref<128x128xf32, #tpu.memory_space<vmem>>) dst(%dma_wait3A_70 : memref<128x128xf32, #tpu.memory_space<hbm>>)
    %dma_wait3A_75 = arith.constant 3 : i32
    %dma_wait3A_76 = arith.constant 3 : i32
    %dma_wait3A_77 = arith.constant 0 : i32
    %dma_wait3A_78 = arith.constant 0 : i32
    %dma_wait3A_79 = tpu.memref_slice %arg6[%dma_wait3A_75, %dma_wait3A_77, %dma_wait3A_78] : memref<4x128x128xf32, #tpu.memory_space<vmem>> -> memref<1x128x128xf32, #tpu.memory_space<vmem>>
    %dma_wait3A_80 = tpu.memref_squeeze %dma_wait3A_79 : memref<1x128x128xf32, #tpu.memory_space<vmem>> -> memref<128x128xf32, #tpu.memory_space<vmem>>
    %dma_wait3A_81 = arith.constant 0 : i32
    %dma_wait3A_82 = arith.constant 0 : i32
    %dma_wait3A_83 = tpu.memref_slice %arg4[%dma_wait3A_76, %dma_wait3A_81, %dma_wait3A_82] : memref<4x32000x128xf32, #tpu.memory_space<hbm>> -> memref<1x128x128xf32, #tpu.memory_space<hbm>>
    %dma_wait3A_84 = tpu.memref_squeeze %dma_wait3A_83 : memref<1x128x128xf32, #tpu.memory_space<hbm>> -> memref<128x128xf32, #tpu.memory_space<hbm>>
    %dma_wait3A_85 = arith.constant 0 : i32
    %dma_wait3A_86 = arith.constant 0 : i32
    %dma_wait3A_87 = tpu.memref_slice %arg4[%dma_wait3A_76, %dma_wait3A_85, %dma_wait3A_86] : memref<4x32000x128xf32, #tpu.memory_space<hbm>> -> memref<1x128x128xf32, #tpu.memory_space<hbm>>
    %dma_wait3A_88 = tpu.memref_squeeze %dma_wait3A_87 : memref<1x128x128xf32, #tpu.memory_space<hbm>> -> memref<128x128xf32, #tpu.memory_space<hbm>>
    %dma_wait3A_89 = arith.constant 0 : i32
    %dma_wait3A_90 = arith.constant 0 : i32
    %dma_wait3A_91 = tpu.memref_slice %arg6[%dma_wait3A_75, %dma_wait3A_89, %dma_wait3A_90] : memref<4x128x128xf32, #tpu.memory_space<vmem>> -> memref<1x128x128xf32, #tpu.memory_space<vmem>>
    %dma_wait3A_92 = tpu.memref_squeeze %dma_wait3A_91 : memref<1x128x128xf32, #tpu.memory_space<vmem>> -> memref<128x128xf32, #tpu.memory_space<vmem>>
    tpu.wait_dma2 semaphore(%arg14 : memref<!tpu.dma_semaphore, #tpu.memory_space<semaphore_mem>>) src(%dma_wait3A_92 : memref<128x128xf32, #tpu.memory_space<vmem>>) dst(%dma_wait3A_88 : memref<128x128xf32, #tpu.memory_space<hbm>>)
    return
  }
}

#map = affine_map<(d0, d1) -> (0, 0)>
#map1 = affine_map<(d0, d1) -> (0, 0, 0)>
module attributes {stable_mosaic.version = 14 : i64} {
  func.func @_sc_gather_body(%arg0: i32, %arg1: i32, %arg2: memref<160000x128xf32, #tpu.memory_space<hbm>>, %arg3: memref<250x4x128xi32, #tpu.memory_space<hbm>>, %arg4: memref<4x32000x128xf32, #tpu.memory_space<hbm>>, %arg5: memref<2x4x128xi32, #tpu.memory_space<vmem>>, %arg6: memref<4x128x128xf32, #tpu.memory_space<vmem>>, %arg7: memref<!tpu.dma_semaphore, #tpu.memory_space<semaphore_mem>>, %arg8: memref<!tpu.dma_semaphore, #tpu.memory_space<semaphore_mem>>, %arg9: memref<!tpu.dma_semaphore, #tpu.memory_space<semaphore_mem>>, %arg10: memref<!tpu.dma_semaphore, #tpu.memory_space<semaphore_mem>>, %arg11: memref<!tpu.dma_semaphore, #tpu.memory_space<semaphore_mem>>, %arg12: memref<!tpu.dma_semaphore, #tpu.memory_space<semaphore_mem>>, %arg13: memref<!tpu.dma_semaphore, #tpu.memory_space<semaphore_mem>>, %arg14: memref<!tpu.dma_semaphore, #tpu.memory_space<semaphore_mem>>, %arg15: memref<!tpu.dma_semaphore, #tpu.memory_space<semaphore_mem>>) attributes {dimension_semantics = [#tpu.dimension_semantics<core_parallel>, #tpu.dimension_semantics<subcore_parallel>], iteration_bounds = array<i64: 2, 16>, scalar_prefetch = 0 : i64, scratch_operands = 11 : i64, tpu.core_type = #tpu.core_type<sc_vector_subcore>, window_params = [{transform_indices = #map}, {transform_indices = #map1}, {transform_indices = #map1}]} {
    %mul3A = arith.constant 2 : i32
    %mul3A_0 = arith.muli %arg1, %mul3A : i32
    %add3A = arith.addi %mul3A_0, %arg0 : i32
    %dma_start3A = arith.constant 0 : i32
    %dma_start3A_1 = arith.constant 0 : i32
    %dma_start3A_2 = arith.constant 0 : i32
    %dma_start3A_3 = tpu.memref_slice %arg5[%dma_start3A, %dma_start3A_1, %dma_start3A_2] : memref<2x4x128xi32, #tpu.memory_space<vmem>> -> memref<1x4x128xi32, #tpu.memory_space<vmem>>
    %dma_start3A_4 = tpu.memref_squeeze %dma_start3A_3 : memref<1x4x128xi32, #tpu.memory_space<vmem>> -> memref<4x128xi32, #tpu.memory_space<vmem>>
    %dma_start3A_5 = arith.constant 0 : i32
    %dma_start3A_6 = arith.constant 0 : i32
    %dma_start3A_7 = tpu.memref_slice %arg3[%add3A, %dma_start3A_5, %dma_start3A_6] : memref<250x4x128xi32, #tpu.memory_space<hbm>> -> memref<1x4x128xi32, #tpu.memory_space<hbm>>
    %dma_start3A_8 = tpu.memref_squeeze %dma_start3A_7 : memref<1x4x128xi32, #tpu.memory_space<hbm>> -> memref<4x128xi32, #tpu.memory_space<hbm>>
    %dma_start3A_9 = arith.constant 0 : i32
    %dma_start3A_10 = arith.constant 0 : i32
    %dma_start3A_11 = tpu.memref_slice %arg5[%dma_start3A, %dma_start3A_9, %dma_start3A_10] : memref<2x4x128xi32, #tpu.memory_space<vmem>> -> memref<1x4x128xi32, #tpu.memory_space<vmem>>
    %dma_start3A_12 = tpu.memref_squeeze %dma_start3A_11 : memref<1x4x128xi32, #tpu.memory_space<vmem>> -> memref<4x128xi32, #tpu.memory_space<vmem>>
    %dma_start3A_13 = arith.constant 0 : i32
    %dma_start3A_14 = arith.constant 0 : i32
    %dma_start3A_15 = tpu.memref_slice %arg3[%add3A, %dma_start3A_13, %dma_start3A_14] : memref<250x4x128xi32, #tpu.memory_space<hbm>> -> memref<1x4x128xi32, #tpu.memory_space<hbm>>
    %dma_start3A_16 = tpu.memref_squeeze %dma_start3A_15 : memref<1x4x128xi32, #tpu.memory_space<hbm>> -> memref<4x128xi32, #tpu.memory_space<hbm>>
    tpu.enqueue_dma source(%dma_start3A_16 : memref<4x128xi32, #tpu.memory_space<hbm>>) target(%dma_start3A_12 : memref<4x128xi32, #tpu.memory_space<vmem>>) target_semaphore(%arg15 : memref<!tpu.dma_semaphore, #tpu.memory_space<semaphore_mem>>)
    %scan3A = arith.constant 0 : i32
    %scan3A_17 = arith.constant 0 : i32
    %scan3A_18 = arith.constant 8 : i32
    %scan3A_19 = arith.addi %scan3A_17, %scan3A_18 : i32
    %scan3A_20 = arith.constant 1 : i32
    scf.for %scan3A_93 = %scan3A_17 to %scan3A_19 step %scan3A_20  : i32 {
      %mul3A_94 = arith.constant 32 : i32
      %mul3A_95 = arith.muli %scan3A_93, %mul3A_94 : i32
      %add3A_96 = arith.addi %add3A, %mul3A_95 : i32
      %rem3A = arith.constant 2 : i32
      %rem3A_97 = arith.remsi %scan3A_93, %rem3A : i32
      %lt3A = arith.constant 250 : i32
      %lt3A_98 = arith.cmpi slt, %add3A_96, %lt3A : i32
      %convert_element_type3A = arith.extui %lt3A_98 : i1 to i32
      %cond3A = arith.constant 0 : i32
      %cond3A_99 = arith.cmpi ne, %convert_element_type3A, %cond3A : i32
      scf.if %cond3A_99 {
        %dma_wait3A_100 = arith.constant 0 : i32
        %dma_wait3A_101 = arith.constant 0 : i32
        %dma_wait3A_102 = tpu.memref_slice %arg5[%rem3A_97, %dma_wait3A_100, %dma_wait3A_101] : memref<2x4x128xi32, #tpu.memory_space<vmem>> -> memref<1x4x128xi32, #tpu.memory_space<vmem>>
        %dma_wait3A_103 = tpu.memref_squeeze %dma_wait3A_102 : memref<1x4x128xi32, #tpu.memory_space<vmem>> -> memref<4x128xi32, #tpu.memory_space<vmem>>
        %dma_wait3A_104 = arith.constant 0 : i32
        %dma_wait3A_105 = arith.constant 0 : i32
        %dma_wait3A_106 = tpu.memref_slice %arg3[%add3A_96, %dma_wait3A_104, %dma_wait3A_105] : memref<250x4x128xi32, #tpu.memory_space<hbm>> -> memref<1x4x128xi32, #tpu.memory_space<hbm>>
        %dma_wait3A_107 = tpu.memref_squeeze %dma_wait3A_106 : memref<1x4x128xi32, #tpu.memory_space<hbm>> -> memref<4x128xi32, #tpu.memory_space<hbm>>
        %dma_wait3A_108 = arith.constant 0 : i32
        %dma_wait3A_109 = arith.constant 0 : i32
        %dma_wait3A_110 = tpu.memref_slice %arg5[%rem3A_97, %dma_wait3A_108, %dma_wait3A_109] : memref<2x4x128xi32, #tpu.memory_space<vmem>> -> memref<1x4x128xi32, #tpu.memory_space<vmem>>
        %dma_wait3A_111 = tpu.memref_squeeze %dma_wait3A_110 : memref<1x4x128xi32, #tpu.memory_space<vmem>> -> memref<4x128xi32, #tpu.memory_space<vmem>>
        %dma_wait3A_112 = arith.constant 0 : i32
        %dma_wait3A_113 = arith.constant 0 : i32
        %dma_wait3A_114 = tpu.memref_slice %arg3[%add3A_96, %dma_wait3A_112, %dma_wait3A_113] : memref<250x4x128xi32, #tpu.memory_space<hbm>> -> memref<1x4x128xi32, #tpu.memory_space<hbm>>
        %dma_wait3A_115 = tpu.memref_squeeze %dma_wait3A_114 : memref<1x4x128xi32, #tpu.memory_space<hbm>> -> memref<4x128xi32, #tpu.memory_space<hbm>>
        tpu.wait_dma2 semaphore(%arg15 : memref<!tpu.dma_semaphore, #tpu.memory_space<semaphore_mem>>) src(%dma_wait3A_115 : memref<4x128xi32, #tpu.memory_space<hbm>>) dst(%dma_wait3A_111 : memref<4x128xi32, #tpu.memory_space<vmem>>)
        %add3A_116 = arith.constant 32 : i32
        %add3A_117 = arith.addi %add3A_96, %add3A_116 : i32
        %lt3A_118 = arith.constant 250 : i32
        %lt3A_119 = arith.cmpi slt, %add3A_117, %lt3A_118 : i32
        %convert_element_type3A_120 = arith.extui %lt3A_119 : i1 to i32
        %cond3A_121 = arith.constant 0 : i32
        %cond3A_122 = arith.cmpi ne, %convert_element_type3A_120, %cond3A_121 : i32
        scf.if %cond3A_122 {
          %add3A_310 = arith.constant 32 : i32
          %add3A_311 = arith.addi %add3A_96, %add3A_310 : i32
          %sub3A = arith.constant 1 : i32
          %sub3A_312 = arith.subi %sub3A, %rem3A_97 : i32
          %dma_start3A_313 = arith.constant 0 : i32
          %dma_start3A_314 = arith.constant 0 : i32
          %dma_start3A_315 = tpu.memref_slice %arg5[%sub3A_312, %dma_start3A_313, %dma_start3A_314] : memref<2x4x128xi32, #tpu.memory_space<vmem>> -> memref<1x4x128xi32, #tpu.memory_space<vmem>>
          %dma_start3A_316 = tpu.memref_squeeze %dma_start3A_315 : memref<1x4x128xi32, #tpu.memory_space<vmem>> -> memref<4x128xi32, #tpu.memory_space<vmem>>
          %dma_start3A_317 = arith.constant 0 : i32
          %dma_start3A_318 = arith.constant 0 : i32
          %dma_start3A_319 = tpu.memref_slice %arg3[%add3A_311, %dma_start3A_317, %dma_start3A_318] : memref<250x4x128xi32, #tpu.memory_space<hbm>> -> memref<1x4x128xi32, #tpu.memory_space<hbm>>
          %dma_start3A_320 = tpu.memref_squeeze %dma_start3A_319 : memref<1x4x128xi32, #tpu.memory_space<hbm>> -> memref<4x128xi32, #tpu.memory_space<hbm>>
          %dma_start3A_321 = arith.constant 0 : i32
          %dma_start3A_322 = arith.constant 0 : i32
          %dma_start3A_323 = tpu.memref_slice %arg5[%sub3A_312, %dma_start3A_321, %dma_start3A_322] : memref<2x4x128xi32, #tpu.memory_space<vmem>> -> memref<1x4x128xi32, #tpu.memory_space<vmem>>
          %dma_start3A_324 = tpu.memref_squeeze %dma_start3A_323 : memref<1x4x128xi32, #tpu.memory_space<vmem>> -> memref<4x128xi32, #tpu.memory_space<vmem>>
          %dma_start3A_325 = arith.constant 0 : i32
          %dma_start3A_326 = arith.constant 0 : i32
          %dma_start3A_327 = tpu.memref_slice %arg3[%add3A_311, %dma_start3A_325, %dma_start3A_326] : memref<250x4x128xi32, #tpu.memory_space<hbm>> -> memref<1x4x128xi32, #tpu.memory_space<hbm>>
          %dma_start3A_328 = tpu.memref_squeeze %dma_start3A_327 : memref<1x4x128xi32, #tpu.memory_space<hbm>> -> memref<4x128xi32, #tpu.memory_space<hbm>>
          tpu.enqueue_dma source(%dma_start3A_328 : memref<4x128xi32, #tpu.memory_space<hbm>>) target(%dma_start3A_324 : memref<4x128xi32, #tpu.memory_space<vmem>>) target_semaphore(%arg15 : memref<!tpu.dma_semaphore, #tpu.memory_space<semaphore_mem>>)
        } else {
        }
        %ge3A = arith.constant 1 : i32
        %ge3A_123 = arith.cmpi sge, %scan3A_93, %ge3A : i32
        %convert_element_type3A_124 = arith.extui %ge3A_123 : i1 to i32
        %cond3A_125 = arith.constant 0 : i32
        %cond3A_126 = arith.cmpi ne, %convert_element_type3A_124, %cond3A_125 : i32
        scf.if %cond3A_126 {
          %dma_wait3A_310 = arith.constant 0 : i32
          %dma_wait3A_311 = arith.constant 0 : i32
          %dma_wait3A_312 = arith.constant 0 : i32
          %dma_wait3A_313 = arith.constant 0 : i32
          %dma_wait3A_314 = tpu.memref_slice %arg6[%dma_wait3A_310, %dma_wait3A_312, %dma_wait3A_313] : memref<4x128x128xf32, #tpu.memory_space<vmem>> -> memref<1x128x128xf32, #tpu.memory_space<vmem>>
          %dma_wait3A_315 = tpu.memref_squeeze %dma_wait3A_314 : memref<1x128x128xf32, #tpu.memory_space<vmem>> -> memref<128x128xf32, #tpu.memory_space<vmem>>
          %dma_wait3A_316 = arith.constant 0 : i32
          %dma_wait3A_317 = arith.constant 0 : i32
          %dma_wait3A_318 = tpu.memref_slice %arg4[%dma_wait3A_311, %dma_wait3A_316, %dma_wait3A_317] : memref<4x32000x128xf32, #tpu.memory_space<hbm>> -> memref<1x128x128xf32, #tpu.memory_space<hbm>>
          %dma_wait3A_319 = tpu.memref_squeeze %dma_wait3A_318 : memref<1x128x128xf32, #tpu.memory_space<hbm>> -> memref<128x128xf32, #tpu.memory_space<hbm>>
          %dma_wait3A_320 = arith.constant 0 : i32
          %dma_wait3A_321 = arith.constant 0 : i32
          %dma_wait3A_322 = tpu.memref_slice %arg4[%dma_wait3A_311, %dma_wait3A_320, %dma_wait3A_321] : memref<4x32000x128xf32, #tpu.memory_space<hbm>> -> memref<1x128x128xf32, #tpu.memory_space<hbm>>
          %dma_wait3A_323 = tpu.memref_squeeze %dma_wait3A_322 : memref<1x128x128xf32, #tpu.memory_space<hbm>> -> memref<128x128xf32, #tpu.memory_space<hbm>>
          %dma_wait3A_324 = arith.constant 0 : i32
          %dma_wait3A_325 = arith.constant 0 : i32
          %dma_wait3A_326 = tpu.memref_slice %arg6[%dma_wait3A_310, %dma_wait3A_324, %dma_wait3A_325] : memref<4x128x128xf32, #tpu.memory_space<vmem>> -> memref<1x128x128xf32, #tpu.memory_space<vmem>>
          %dma_wait3A_327 = tpu.memref_squeeze %dma_wait3A_326 : memref<1x128x128xf32, #tpu.memory_space<vmem>> -> memref<128x128xf32, #tpu.memory_space<vmem>>
          tpu.wait_dma2 semaphore(%arg11 : memref<!tpu.dma_semaphore, #tpu.memory_space<semaphore_mem>>) src(%dma_wait3A_327 : memref<128x128xf32, #tpu.memory_space<vmem>>) dst(%dma_wait3A_323 : memref<128x128xf32, #tpu.memory_space<hbm>>)
        } else {
        }
        %dma_start3A_127 = arith.constant 0 : i32
        %dma_start3A_128 = arith.constant 0 : i32
        %dma_start3A_129 = arith.constant 0 : i32
        %dma_start3A_130 = arith.constant 0 : i32
        %dma_start3A_131 = tpu.memref_slice %arg6[%dma_start3A_128, %dma_start3A_129, %dma_start3A_130] : memref<4x128x128xf32, #tpu.memory_space<vmem>> -> memref<1x128x128xf32, #tpu.memory_space<vmem>>
        %dma_start3A_132 = tpu.memref_squeeze %dma_start3A_131 : memref<1x128x128xf32, #tpu.memory_space<vmem>> -> memref<128x128xf32, #tpu.memory_space<vmem>>
        %dma_start3A_133 = arith.constant 0 : i32
        %dma_start3A_134 = tpu.memref_slice %arg5[%rem3A_97, %dma_start3A_127, %dma_start3A_133] : memref<2x4x128xi32, #tpu.memory_space<vmem>> -> memref<1x1x128xi32, #tpu.memory_space<vmem>>
        %dma_start3A_135 = tpu.memref_squeeze %dma_start3A_134 : memref<1x1x128xi32, #tpu.memory_space<vmem>> -> memref<128xi32, #tpu.memory_space<vmem>>
        %dma_start3A_136 = arith.constant 0 : i32
        %dma_start3A_137 = arith.constant 0 : i32
        %dma_start3A_138 = tpu.memref_slice %arg2[%dma_start3A_136, %dma_start3A_137] : memref<160000x128xf32, #tpu.memory_space<hbm>> -> memref<160000x128xf32, #tpu.memory_space<hbm>>
        tpu.enqueue_indirect_dma source(%dma_start3A_138 : memref<160000x128xf32, #tpu.memory_space<hbm>>) target(%dma_start3A_132 : memref<128x128xf32, #tpu.memory_space<vmem>>) offsets(%dma_start3A_135 : memref<128xi32, #tpu.memory_space<vmem>>) semaphore(%arg7 : memref<!tpu.dma_semaphore, #tpu.memory_space<semaphore_mem>>)
        %ge3A_139 = arith.constant 1 : i32
        %ge3A_140 = arith.cmpi sge, %scan3A_93, %ge3A_139 : i32
        %convert_element_type3A_141 = arith.extui %ge3A_140 : i1 to i32
        %cond3A_142 = arith.constant 0 : i32
        %cond3A_143 = arith.cmpi ne, %convert_element_type3A_141, %cond3A_142 : i32
        scf.if %cond3A_143 {
          %dma_wait3A_310 = arith.constant 1 : i32
          %dma_wait3A_311 = arith.constant 1 : i32
          %dma_wait3A_312 = arith.constant 0 : i32
          %dma_wait3A_313 = arith.constant 0 : i32
          %dma_wait3A_314 = tpu.memref_slice %arg6[%dma_wait3A_310, %dma_wait3A_312, %dma_wait3A_313] : memref<4x128x128xf32, #tpu.memory_space<vmem>> -> memref<1x128x128xf32, #tpu.memory_space<vmem>>
          %dma_wait3A_315 = tpu.memref_squeeze %dma_wait3A_314 : memref<1x128x128xf32, #tpu.memory_space<vmem>> -> memref<128x128xf32, #tpu.memory_space<vmem>>
          %dma_wait3A_316 = arith.constant 0 : i32
          %dma_wait3A_317 = arith.constant 0 : i32
          %dma_wait3A_318 = tpu.memref_slice %arg4[%dma_wait3A_311, %dma_wait3A_316, %dma_wait3A_317] : memref<4x32000x128xf32, #tpu.memory_space<hbm>> -> memref<1x128x128xf32, #tpu.memory_space<hbm>>
          %dma_wait3A_319 = tpu.memref_squeeze %dma_wait3A_318 : memref<1x128x128xf32, #tpu.memory_space<hbm>> -> memref<128x128xf32, #tpu.memory_space<hbm>>
          %dma_wait3A_320 = arith.constant 0 : i32
          %dma_wait3A_321 = arith.constant 0 : i32
          %dma_wait3A_322 = tpu.memref_slice %arg4[%dma_wait3A_311, %dma_wait3A_320, %dma_wait3A_321] : memref<4x32000x128xf32, #tpu.memory_space<hbm>> -> memref<1x128x128xf32, #tpu.memory_space<hbm>>
          %dma_wait3A_323 = tpu.memref_squeeze %dma_wait3A_322 : memref<1x128x128xf32, #tpu.memory_space<hbm>> -> memref<128x128xf32, #tpu.memory_space<hbm>>
          %dma_wait3A_324 = arith.constant 0 : i32
          %dma_wait3A_325 = arith.constant 0 : i32
          %dma_wait3A_326 = tpu.memref_slice %arg6[%dma_wait3A_310, %dma_wait3A_324, %dma_wait3A_325] : memref<4x128x128xf32, #tpu.memory_space<vmem>> -> memref<1x128x128xf32, #tpu.memory_space<vmem>>
          %dma_wait3A_327 = tpu.memref_squeeze %dma_wait3A_326 : memref<1x128x128xf32, #tpu.memory_space<vmem>> -> memref<128x128xf32, #tpu.memory_space<vmem>>
          tpu.wait_dma2 semaphore(%arg12 : memref<!tpu.dma_semaphore, #tpu.memory_space<semaphore_mem>>) src(%dma_wait3A_327 : memref<128x128xf32, #tpu.memory_space<vmem>>) dst(%dma_wait3A_323 : memref<128x128xf32, #tpu.memory_space<hbm>>)
        } else {
        }
        %dma_start3A_144 = arith.constant 1 : i32
        %dma_start3A_145 = arith.constant 1 : i32
        %dma_start3A_146 = arith.constant 0 : i32
        %dma_start3A_147 = arith.constant 0 : i32
        %dma_start3A_148 = tpu.memref_slice %arg6[%dma_start3A_145, %dma_start3A_146, %dma_start3A_147] : memref<4x128x128xf32, #tpu.memory_space<vmem>> -> memref<1x128x128xf32, #tpu.memory_space<vmem>>
        %dma_start3A_149 = tpu.memref_squeeze %dma_start3A_148 : memref<1x128x128xf32, #tpu.memory_space<vmem>> -> memref<128x128xf32, #tpu.memory_space<vmem>>
        %dma_start3A_150 = arith.constant 0 : i32
        %dma_start3A_151 = tpu.memref_slice %arg5[%rem3A_97, %dma_start3A_144, %dma_start3A_150] : memref<2x4x128xi32, #tpu.memory_space<vmem>> -> memref<1x1x128xi32, #tpu.memory_space<vmem>>
        %dma_start3A_152 = tpu.memref_squeeze %dma_start3A_151 : memref<1x1x128xi32, #tpu.memory_space<vmem>> -> memref<128xi32, #tpu.memory_space<vmem>>
        %dma_start3A_153 = arith.constant 0 : i32
        %dma_start3A_154 = arith.constant 0 : i32
        %dma_start3A_155 = tpu.memref_slice %arg2[%dma_start3A_153, %dma_start3A_154] : memref<160000x128xf32, #tpu.memory_space<hbm>> -> memref<160000x128xf32, #tpu.memory_space<hbm>>
        tpu.enqueue_indirect_dma source(%dma_start3A_155 : memref<160000x128xf32, #tpu.memory_space<hbm>>) target(%dma_start3A_149 : memref<128x128xf32, #tpu.memory_space<vmem>>) offsets(%dma_start3A_152 : memref<128xi32, #tpu.memory_space<vmem>>) semaphore(%arg8 : memref<!tpu.dma_semaphore, #tpu.memory_space<semaphore_mem>>)
        %ge3A_156 = arith.constant 1 : i32
        %ge3A_157 = arith.cmpi sge, %scan3A_93, %ge3A_156 : i32
        %convert_element_type3A_158 = arith.extui %ge3A_157 : i1 to i32
        %cond3A_159 = arith.constant 0 : i32
        %cond3A_160 = arith.cmpi ne, %convert_element_type3A_158, %cond3A_159 : i32
        scf.if %cond3A_160 {
          %dma_wait3A_310 = arith.constant 2 : i32
          %dma_wait3A_311 = arith.constant 2 : i32
          %dma_wait3A_312 = arith.constant 0 : i32
          %dma_wait3A_313 = arith.constant 0 : i32
          %dma_wait3A_314 = tpu.memref_slice %arg6[%dma_wait3A_310, %dma_wait3A_312, %dma_wait3A_313] : memref<4x128x128xf32, #tpu.memory_space<vmem>> -> memref<1x128x128xf32, #tpu.memory_space<vmem>>
          %dma_wait3A_315 = tpu.memref_squeeze %dma_wait3A_314 : memref<1x128x128xf32, #tpu.memory_space<vmem>> -> memref<128x128xf32, #tpu.memory_space<vmem>>
          %dma_wait3A_316 = arith.constant 0 : i32
          %dma_wait3A_317 = arith.constant 0 : i32
          %dma_wait3A_318 = tpu.memref_slice %arg4[%dma_wait3A_311, %dma_wait3A_316, %dma_wait3A_317] : memref<4x32000x128xf32, #tpu.memory_space<hbm>> -> memref<1x128x128xf32, #tpu.memory_space<hbm>>
          %dma_wait3A_319 = tpu.memref_squeeze %dma_wait3A_318 : memref<1x128x128xf32, #tpu.memory_space<hbm>> -> memref<128x128xf32, #tpu.memory_space<hbm>>
          %dma_wait3A_320 = arith.constant 0 : i32
          %dma_wait3A_321 = arith.constant 0 : i32
          %dma_wait3A_322 = tpu.memref_slice %arg4[%dma_wait3A_311, %dma_wait3A_320, %dma_wait3A_321] : memref<4x32000x128xf32, #tpu.memory_space<hbm>> -> memref<1x128x128xf32, #tpu.memory_space<hbm>>
          %dma_wait3A_323 = tpu.memref_squeeze %dma_wait3A_322 : memref<1x128x128xf32, #tpu.memory_space<hbm>> -> memref<128x128xf32, #tpu.memory_space<hbm>>
          %dma_wait3A_324 = arith.constant 0 : i32
          %dma_wait3A_325 = arith.constant 0 : i32
          %dma_wait3A_326 = tpu.memref_slice %arg6[%dma_wait3A_310, %dma_wait3A_324, %dma_wait3A_325] : memref<4x128x128xf32, #tpu.memory_space<vmem>> -> memref<1x128x128xf32, #tpu.memory_space<vmem>>
          %dma_wait3A_327 = tpu.memref_squeeze %dma_wait3A_326 : memref<1x128x128xf32, #tpu.memory_space<vmem>> -> memref<128x128xf32, #tpu.memory_space<vmem>>
          tpu.wait_dma2 semaphore(%arg13 : memref<!tpu.dma_semaphore, #tpu.memory_space<semaphore_mem>>) src(%dma_wait3A_327 : memref<128x128xf32, #tpu.memory_space<vmem>>) dst(%dma_wait3A_323 : memref<128x128xf32, #tpu.memory_space<hbm>>)
        } else {
        }
        %dma_start3A_161 = arith.constant 2 : i32
        %dma_start3A_162 = arith.constant 2 : i32
        %dma_start3A_163 = arith.constant 0 : i32
        %dma_start3A_164 = arith.constant 0 : i32
        %dma_start3A_165 = tpu.memref_slice %arg6[%dma_start3A_162, %dma_start3A_163, %dma_start3A_164] : memref<4x128x128xf32, #tpu.memory_space<vmem>> -> memref<1x128x128xf32, #tpu.memory_space<vmem>>
        %dma_start3A_166 = tpu.memref_squeeze %dma_start3A_165 : memref<1x128x128xf32, #tpu.memory_space<vmem>> -> memref<128x128xf32, #tpu.memory_space<vmem>>
        %dma_start3A_167 = arith.constant 0 : i32
        %dma_start3A_168 = tpu.memref_slice %arg5[%rem3A_97, %dma_start3A_161, %dma_start3A_167] : memref<2x4x128xi32, #tpu.memory_space<vmem>> -> memref<1x1x128xi32, #tpu.memory_space<vmem>>
        %dma_start3A_169 = tpu.memref_squeeze %dma_start3A_168 : memref<1x1x128xi32, #tpu.memory_space<vmem>> -> memref<128xi32, #tpu.memory_space<vmem>>
        %dma_start3A_170 = arith.constant 0 : i32
        %dma_start3A_171 = arith.constant 0 : i32
        %dma_start3A_172 = tpu.memref_slice %arg2[%dma_start3A_170, %dma_start3A_171] : memref<160000x128xf32, #tpu.memory_space<hbm>> -> memref<160000x128xf32, #tpu.memory_space<hbm>>
        tpu.enqueue_indirect_dma source(%dma_start3A_172 : memref<160000x128xf32, #tpu.memory_space<hbm>>) target(%dma_start3A_166 : memref<128x128xf32, #tpu.memory_space<vmem>>) offsets(%dma_start3A_169 : memref<128xi32, #tpu.memory_space<vmem>>) semaphore(%arg9 : memref<!tpu.dma_semaphore, #tpu.memory_space<semaphore_mem>>)
        %ge3A_173 = arith.constant 1 : i32
        %ge3A_174 = arith.cmpi sge, %scan3A_93, %ge3A_173 : i32
        %convert_element_type3A_175 = arith.extui %ge3A_174 : i1 to i32
        %cond3A_176 = arith.constant 0 : i32
        %cond3A_177 = arith.cmpi ne, %convert_element_type3A_175, %cond3A_176 : i32
        scf.if %cond3A_177 {
          %dma_wait3A_310 = arith.constant 3 : i32
          %dma_wait3A_311 = arith.constant 3 : i32
          %dma_wait3A_312 = arith.constant 0 : i32
          %dma_wait3A_313 = arith.constant 0 : i32
          %dma_wait3A_314 = tpu.memref_slice %arg6[%dma_wait3A_310, %dma_wait3A_312, %dma_wait3A_313] : memref<4x128x128xf32, #tpu.memory_space<vmem>> -> memref<1x128x128xf32, #tpu.memory_space<vmem>>
          %dma_wait3A_315 = tpu.memref_squeeze %dma_wait3A_314 : memref<1x128x128xf32, #tpu.memory_space<vmem>> -> memref<128x128xf32, #tpu.memory_space<vmem>>
          %dma_wait3A_316 = arith.constant 0 : i32
          %dma_wait3A_317 = arith.constant 0 : i32
          %dma_wait3A_318 = tpu.memref_slice %arg4[%dma_wait3A_311, %dma_wait3A_316, %dma_wait3A_317] : memref<4x32000x128xf32, #tpu.memory_space<hbm>> -> memref<1x128x128xf32, #tpu.memory_space<hbm>>
          %dma_wait3A_319 = tpu.memref_squeeze %dma_wait3A_318 : memref<1x128x128xf32, #tpu.memory_space<hbm>> -> memref<128x128xf32, #tpu.memory_space<hbm>>
          %dma_wait3A_320 = arith.constant 0 : i32
          %dma_wait3A_321 = arith.constant 0 : i32
          %dma_wait3A_322 = tpu.memref_slice %arg4[%dma_wait3A_311, %dma_wait3A_320, %dma_wait3A_321] : memref<4x32000x128xf32, #tpu.memory_space<hbm>> -> memref<1x128x128xf32, #tpu.memory_space<hbm>>
          %dma_wait3A_323 = tpu.memref_squeeze %dma_wait3A_322 : memref<1x128x128xf32, #tpu.memory_space<hbm>> -> memref<128x128xf32, #tpu.memory_space<hbm>>
          %dma_wait3A_324 = arith.constant 0 : i32
          %dma_wait3A_325 = arith.constant 0 : i32
          %dma_wait3A_326 = tpu.memref_slice %arg6[%dma_wait3A_310, %dma_wait3A_324, %dma_wait3A_325] : memref<4x128x128xf32, #tpu.memory_space<vmem>> -> memref<1x128x128xf32, #tpu.memory_space<vmem>>
          %dma_wait3A_327 = tpu.memref_squeeze %dma_wait3A_326 : memref<1x128x128xf32, #tpu.memory_space<vmem>> -> memref<128x128xf32, #tpu.memory_space<vmem>>
          tpu.wait_dma2 semaphore(%arg14 : memref<!tpu.dma_semaphore, #tpu.memory_space<semaphore_mem>>) src(%dma_wait3A_327 : memref<128x128xf32, #tpu.memory_space<vmem>>) dst(%dma_wait3A_323 : memref<128x128xf32, #tpu.memory_space<hbm>>)
        } else {
        }
        %dma_start3A_178 = arith.constant 3 : i32
        %dma_start3A_179 = arith.constant 3 : i32
        %dma_start3A_180 = arith.constant 0 : i32
        %dma_start3A_181 = arith.constant 0 : i32
        %dma_start3A_182 = tpu.memref_slice %arg6[%dma_start3A_179, %dma_start3A_180, %dma_start3A_181] : memref<4x128x128xf32, #tpu.memory_space<vmem>> -> memref<1x128x128xf32, #tpu.memory_space<vmem>>
        %dma_start3A_183 = tpu.memref_squeeze %dma_start3A_182 : memref<1x128x128xf32, #tpu.memory_space<vmem>> -> memref<128x128xf32, #tpu.memory_space<vmem>>
        %dma_start3A_184 = arith.constant 0 : i32
        %dma_start3A_185 = tpu.memref_slice %arg5[%rem3A_97, %dma_start3A_178, %dma_start3A_184] : memref<2x4x128xi32, #tpu.memory_space<vmem>> -> memref<1x1x128xi32, #tpu.memory_space<vmem>>
        %dma_start3A_186 = tpu.memref_squeeze %dma_start3A_185 : memref<1x1x128xi32, #tpu.memory_space<vmem>> -> memref<128xi32, #tpu.memory_space<vmem>>
        %dma_start3A_187 = arith.constant 0 : i32
        %dma_start3A_188 = arith.constant 0 : i32
        %dma_start3A_189 = tpu.memref_slice %arg2[%dma_start3A_187, %dma_start3A_188] : memref<160000x128xf32, #tpu.memory_space<hbm>> -> memref<160000x128xf32, #tpu.memory_space<hbm>>
        tpu.enqueue_indirect_dma source(%dma_start3A_189 : memref<160000x128xf32, #tpu.memory_space<hbm>>) target(%dma_start3A_183 : memref<128x128xf32, #tpu.memory_space<vmem>>) offsets(%dma_start3A_186 : memref<128xi32, #tpu.memory_space<vmem>>) semaphore(%arg10 : memref<!tpu.dma_semaphore, #tpu.memory_space<semaphore_mem>>)
        %dma_wait3A_190 = arith.constant 0 : i32
        %dma_wait3A_191 = arith.constant 0 : i32
        %dma_wait3A_192 = arith.constant 0 : i32
        %dma_wait3A_193 = arith.constant 0 : i32
        %dma_wait3A_194 = tpu.memref_slice %arg6[%dma_wait3A_191, %dma_wait3A_192, %dma_wait3A_193] : memref<4x128x128xf32, #tpu.memory_space<vmem>> -> memref<1x128x128xf32, #tpu.memory_space<vmem>>
        %dma_wait3A_195 = tpu.memref_squeeze %dma_wait3A_194 : memref<1x128x128xf32, #tpu.memory_space<vmem>> -> memref<128x128xf32, #tpu.memory_space<vmem>>
        %dma_wait3A_196 = arith.constant 0 : i32
        %dma_wait3A_197 = tpu.memref_slice %arg5[%rem3A_97, %dma_wait3A_190, %dma_wait3A_196] : memref<2x4x128xi32, #tpu.memory_space<vmem>> -> memref<1x1x128xi32, #tpu.memory_space<vmem>>
        %dma_wait3A_198 = tpu.memref_squeeze %dma_wait3A_197 : memref<1x1x128xi32, #tpu.memory_space<vmem>> -> memref<128xi32, #tpu.memory_space<vmem>>
        %dma_wait3A_199 = arith.constant 0 : i32
        %dma_wait3A_200 = arith.constant 0 : i32
        %dma_wait3A_201 = tpu.memref_slice %arg2[%dma_wait3A_199, %dma_wait3A_200] : memref<160000x128xf32, #tpu.memory_space<hbm>> -> memref<160000x128xf32, #tpu.memory_space<hbm>>
        tpu.wait_indirect_dma semaphore(%arg7 : memref<!tpu.dma_semaphore, #tpu.memory_space<semaphore_mem>>) src(%dma_wait3A_201 : memref<160000x128xf32, #tpu.memory_space<hbm>>) dst(%dma_wait3A_195 : memref<128x128xf32, #tpu.memory_space<vmem>>)
        %mul3A_202 = arith.constant 128 : i32
        %mul3A_203 = arith.muli %add3A_96, %mul3A_202 : i32
        %dma_start3A_204 = arith.constant 0 : i32
        %dma_start3A_205 = arith.constant 0 : i32
        %dma_start3A_206 = arith.constant 0 : i32
        %dma_start3A_207 = arith.constant 0 : i32
        %dma_start3A_208 = tpu.memref_slice %arg6[%dma_start3A_204, %dma_start3A_206, %dma_start3A_207] : memref<4x128x128xf32, #tpu.memory_space<vmem>> -> memref<1x128x128xf32, #tpu.memory_space<vmem>>
        %dma_start3A_209 = tpu.memref_squeeze %dma_start3A_208 : memref<1x128x128xf32, #tpu.memory_space<vmem>> -> memref<128x128xf32, #tpu.memory_space<vmem>>
        %dma_start3A_210 = arith.constant 0 : i32
        %dma_start3A_211 = tpu.memref_slice %arg4[%dma_start3A_205, %mul3A_203, %dma_start3A_210] : memref<4x32000x128xf32, #tpu.memory_space<hbm>> -> memref<1x128x128xf32, #tpu.memory_space<hbm>>
        %dma_start3A_212 = tpu.memref_squeeze %dma_start3A_211 : memref<1x128x128xf32, #tpu.memory_space<hbm>> -> memref<128x128xf32, #tpu.memory_space<hbm>>
        %dma_start3A_213 = arith.constant 0 : i32
        %dma_start3A_214 = tpu.memref_slice %arg4[%dma_start3A_205, %mul3A_203, %dma_start3A_213] : memref<4x32000x128xf32, #tpu.memory_space<hbm>> -> memref<1x128x128xf32, #tpu.memory_space<hbm>>
        %dma_start3A_215 = tpu.memref_squeeze %dma_start3A_214 : memref<1x128x128xf32, #tpu.memory_space<hbm>> -> memref<128x128xf32, #tpu.memory_space<hbm>>
        %dma_start3A_216 = arith.constant 0 : i32
        %dma_start3A_217 = arith.constant 0 : i32
        %dma_start3A_218 = tpu.memref_slice %arg6[%dma_start3A_204, %dma_start3A_216, %dma_start3A_217] : memref<4x128x128xf32, #tpu.memory_space<vmem>> -> memref<1x128x128xf32, #tpu.memory_space<vmem>>
        %dma_start3A_219 = tpu.memref_squeeze %dma_start3A_218 : memref<1x128x128xf32, #tpu.memory_space<vmem>> -> memref<128x128xf32, #tpu.memory_space<vmem>>
        tpu.enqueue_dma source(%dma_start3A_219 : memref<128x128xf32, #tpu.memory_space<vmem>>) target(%dma_start3A_215 : memref<128x128xf32, #tpu.memory_space<hbm>>) target_semaphore(%arg11 : memref<!tpu.dma_semaphore, #tpu.memory_space<semaphore_mem>>)
        %dma_wait3A_220 = arith.constant 1 : i32
        %dma_wait3A_221 = arith.constant 1 : i32
        %dma_wait3A_222 = arith.constant 0 : i32
        %dma_wait3A_223 = arith.constant 0 : i32
        %dma_wait3A_224 = tpu.memref_slice %arg6[%dma_wait3A_221, %dma_wait3A_222, %dma_wait3A_223] : memref<4x128x128xf32, #tpu.memory_space<vmem>> -> memref<1x128x128xf32, #tpu.memory_space<vmem>>
        %dma_wait3A_225 = tpu.memref_squeeze %dma_wait3A_224 : memref<1x128x128xf32, #tpu.memory_space<vmem>> -> memref<128x128xf32, #tpu.memory_space<vmem>>
        %dma_wait3A_226 = arith.constant 0 : i32
        %dma_wait3A_227 = tpu.memref_slice %arg5[%rem3A_97, %dma_wait3A_220, %dma_wait3A_226] : memref<2x4x128xi32, #tpu.memory_space<vmem>> -> memref<1x1x128xi32, #tpu.memory_space<vmem>>
        %dma_wait3A_228 = tpu.memref_squeeze %dma_wait3A_227 : memref<1x1x128xi32, #tpu.memory_space<vmem>> -> memref<128xi32, #tpu.memory_space<vmem>>
        %dma_wait3A_229 = arith.constant 0 : i32
        %dma_wait3A_230 = arith.constant 0 : i32
        %dma_wait3A_231 = tpu.memref_slice %arg2[%dma_wait3A_229, %dma_wait3A_230] : memref<160000x128xf32, #tpu.memory_space<hbm>> -> memref<160000x128xf32, #tpu.memory_space<hbm>>
        tpu.wait_indirect_dma semaphore(%arg8 : memref<!tpu.dma_semaphore, #tpu.memory_space<semaphore_mem>>) src(%dma_wait3A_231 : memref<160000x128xf32, #tpu.memory_space<hbm>>) dst(%dma_wait3A_225 : memref<128x128xf32, #tpu.memory_space<vmem>>)
        %mul3A_232 = arith.constant 128 : i32
        %mul3A_233 = arith.muli %add3A_96, %mul3A_232 : i32
        %dma_start3A_234 = arith.constant 1 : i32
        %dma_start3A_235 = arith.constant 1 : i32
        %dma_start3A_236 = arith.constant 0 : i32
        %dma_start3A_237 = arith.constant 0 : i32
        %dma_start3A_238 = tpu.memref_slice %arg6[%dma_start3A_234, %dma_start3A_236, %dma_start3A_237] : memref<4x128x128xf32, #tpu.memory_space<vmem>> -> memref<1x128x128xf32, #tpu.memory_space<vmem>>
        %dma_start3A_239 = tpu.memref_squeeze %dma_start3A_238 : memref<1x128x128xf32, #tpu.memory_space<vmem>> -> memref<128x128xf32, #tpu.memory_space<vmem>>
        %dma_start3A_240 = arith.constant 0 : i32
        %dma_start3A_241 = tpu.memref_slice %arg4[%dma_start3A_235, %mul3A_233, %dma_start3A_240] : memref<4x32000x128xf32, #tpu.memory_space<hbm>> -> memref<1x128x128xf32, #tpu.memory_space<hbm>>
        %dma_start3A_242 = tpu.memref_squeeze %dma_start3A_241 : memref<1x128x128xf32, #tpu.memory_space<hbm>> -> memref<128x128xf32, #tpu.memory_space<hbm>>
        %dma_start3A_243 = arith.constant 0 : i32
        %dma_start3A_244 = tpu.memref_slice %arg4[%dma_start3A_235, %mul3A_233, %dma_start3A_243] : memref<4x32000x128xf32, #tpu.memory_space<hbm>> -> memref<1x128x128xf32, #tpu.memory_space<hbm>>
        %dma_start3A_245 = tpu.memref_squeeze %dma_start3A_244 : memref<1x128x128xf32, #tpu.memory_space<hbm>> -> memref<128x128xf32, #tpu.memory_space<hbm>>
        %dma_start3A_246 = arith.constant 0 : i32
        %dma_start3A_247 = arith.constant 0 : i32
        %dma_start3A_248 = tpu.memref_slice %arg6[%dma_start3A_234, %dma_start3A_246, %dma_start3A_247] : memref<4x128x128xf32, #tpu.memory_space<vmem>> -> memref<1x128x128xf32, #tpu.memory_space<vmem>>
        %dma_start3A_249 = tpu.memref_squeeze %dma_start3A_248 : memref<1x128x128xf32, #tpu.memory_space<vmem>> -> memref<128x128xf32, #tpu.memory_space<vmem>>
        tpu.enqueue_dma source(%dma_start3A_249 : memref<128x128xf32, #tpu.memory_space<vmem>>) target(%dma_start3A_245 : memref<128x128xf32, #tpu.memory_space<hbm>>) target_semaphore(%arg12 : memref<!tpu.dma_semaphore, #tpu.memory_space<semaphore_mem>>)
        %dma_wait3A_250 = arith.constant 2 : i32
        %dma_wait3A_251 = arith.constant 2 : i32
        %dma_wait3A_252 = arith.constant 0 : i32
        %dma_wait3A_253 = arith.constant 0 : i32
        %dma_wait3A_254 = tpu.memref_slice %arg6[%dma_wait3A_251, %dma_wait3A_252, %dma_wait3A_253] : memref<4x128x128xf32, #tpu.memory_space<vmem>> -> memref<1x128x128xf32, #tpu.memory_space<vmem>>
        %dma_wait3A_255 = tpu.memref_squeeze %dma_wait3A_254 : memref<1x128x128xf32, #tpu.memory_space<vmem>> -> memref<128x128xf32, #tpu.memory_space<vmem>>
        %dma_wait3A_256 = arith.constant 0 : i32
        %dma_wait3A_257 = tpu.memref_slice %arg5[%rem3A_97, %dma_wait3A_250, %dma_wait3A_256] : memref<2x4x128xi32, #tpu.memory_space<vmem>> -> memref<1x1x128xi32, #tpu.memory_space<vmem>>
        %dma_wait3A_258 = tpu.memref_squeeze %dma_wait3A_257 : memref<1x1x128xi32, #tpu.memory_space<vmem>> -> memref<128xi32, #tpu.memory_space<vmem>>
        %dma_wait3A_259 = arith.constant 0 : i32
        %dma_wait3A_260 = arith.constant 0 : i32
        %dma_wait3A_261 = tpu.memref_slice %arg2[%dma_wait3A_259, %dma_wait3A_260] : memref<160000x128xf32, #tpu.memory_space<hbm>> -> memref<160000x128xf32, #tpu.memory_space<hbm>>
        tpu.wait_indirect_dma semaphore(%arg9 : memref<!tpu.dma_semaphore, #tpu.memory_space<semaphore_mem>>) src(%dma_wait3A_261 : memref<160000x128xf32, #tpu.memory_space<hbm>>) dst(%dma_wait3A_255 : memref<128x128xf32, #tpu.memory_space<vmem>>)
        %mul3A_262 = arith.constant 128 : i32
        %mul3A_263 = arith.muli %add3A_96, %mul3A_262 : i32
        %dma_start3A_264 = arith.constant 2 : i32
        %dma_start3A_265 = arith.constant 2 : i32
        %dma_start3A_266 = arith.constant 0 : i32
        %dma_start3A_267 = arith.constant 0 : i32
        %dma_start3A_268 = tpu.memref_slice %arg6[%dma_start3A_264, %dma_start3A_266, %dma_start3A_267] : memref<4x128x128xf32, #tpu.memory_space<vmem>> -> memref<1x128x128xf32, #tpu.memory_space<vmem>>
        %dma_start3A_269 = tpu.memref_squeeze %dma_start3A_268 : memref<1x128x128xf32, #tpu.memory_space<vmem>> -> memref<128x128xf32, #tpu.memory_space<vmem>>
        %dma_start3A_270 = arith.constant 0 : i32
        %dma_start3A_271 = tpu.memref_slice %arg4[%dma_start3A_265, %mul3A_263, %dma_start3A_270] : memref<4x32000x128xf32, #tpu.memory_space<hbm>> -> memref<1x128x128xf32, #tpu.memory_space<hbm>>
        %dma_start3A_272 = tpu.memref_squeeze %dma_start3A_271 : memref<1x128x128xf32, #tpu.memory_space<hbm>> -> memref<128x128xf32, #tpu.memory_space<hbm>>
        %dma_start3A_273 = arith.constant 0 : i32
        %dma_start3A_274 = tpu.memref_slice %arg4[%dma_start3A_265, %mul3A_263, %dma_start3A_273] : memref<4x32000x128xf32, #tpu.memory_space<hbm>> -> memref<1x128x128xf32, #tpu.memory_space<hbm>>
        %dma_start3A_275 = tpu.memref_squeeze %dma_start3A_274 : memref<1x128x128xf32, #tpu.memory_space<hbm>> -> memref<128x128xf32, #tpu.memory_space<hbm>>
        %dma_start3A_276 = arith.constant 0 : i32
        %dma_start3A_277 = arith.constant 0 : i32
        %dma_start3A_278 = tpu.memref_slice %arg6[%dma_start3A_264, %dma_start3A_276, %dma_start3A_277] : memref<4x128x128xf32, #tpu.memory_space<vmem>> -> memref<1x128x128xf32, #tpu.memory_space<vmem>>
        %dma_start3A_279 = tpu.memref_squeeze %dma_start3A_278 : memref<1x128x128xf32, #tpu.memory_space<vmem>> -> memref<128x128xf32, #tpu.memory_space<vmem>>
        tpu.enqueue_dma source(%dma_start3A_279 : memref<128x128xf32, #tpu.memory_space<vmem>>) target(%dma_start3A_275 : memref<128x128xf32, #tpu.memory_space<hbm>>) target_semaphore(%arg13 : memref<!tpu.dma_semaphore, #tpu.memory_space<semaphore_mem>>)
        %dma_wait3A_280 = arith.constant 3 : i32
        %dma_wait3A_281 = arith.constant 3 : i32
        %dma_wait3A_282 = arith.constant 0 : i32
        %dma_wait3A_283 = arith.constant 0 : i32
        %dma_wait3A_284 = tpu.memref_slice %arg6[%dma_wait3A_281, %dma_wait3A_282, %dma_wait3A_283] : memref<4x128x128xf32, #tpu.memory_space<vmem>> -> memref<1x128x128xf32, #tpu.memory_space<vmem>>
        %dma_wait3A_285 = tpu.memref_squeeze %dma_wait3A_284 : memref<1x128x128xf32, #tpu.memory_space<vmem>> -> memref<128x128xf32, #tpu.memory_space<vmem>>
        %dma_wait3A_286 = arith.constant 0 : i32
        %dma_wait3A_287 = tpu.memref_slice %arg5[%rem3A_97, %dma_wait3A_280, %dma_wait3A_286] : memref<2x4x128xi32, #tpu.memory_space<vmem>> -> memref<1x1x128xi32, #tpu.memory_space<vmem>>
        %dma_wait3A_288 = tpu.memref_squeeze %dma_wait3A_287 : memref<1x1x128xi32, #tpu.memory_space<vmem>> -> memref<128xi32, #tpu.memory_space<vmem>>
        %dma_wait3A_289 = arith.constant 0 : i32
        %dma_wait3A_290 = arith.constant 0 : i32
        %dma_wait3A_291 = tpu.memref_slice %arg2[%dma_wait3A_289, %dma_wait3A_290] : memref<160000x128xf32, #tpu.memory_space<hbm>> -> memref<160000x128xf32, #tpu.memory_space<hbm>>
        tpu.wait_indirect_dma semaphore(%arg10 : memref<!tpu.dma_semaphore, #tpu.memory_space<semaphore_mem>>) src(%dma_wait3A_291 : memref<160000x128xf32, #tpu.memory_space<hbm>>) dst(%dma_wait3A_285 : memref<128x128xf32, #tpu.memory_space<vmem>>)
        %mul3A_292 = arith.constant 128 : i32
        %mul3A_293 = arith.muli %add3A_96, %mul3A_292 : i32
        %dma_start3A_294 = arith.constant 3 : i32
        %dma_start3A_295 = arith.constant 3 : i32
        %dma_start3A_296 = arith.constant 0 : i32
        %dma_start3A_297 = arith.constant 0 : i32
        %dma_start3A_298 = tpu.memref_slice %arg6[%dma_start3A_294, %dma_start3A_296, %dma_start3A_297] : memref<4x128x128xf32, #tpu.memory_space<vmem>> -> memref<1x128x128xf32, #tpu.memory_space<vmem>>
        %dma_start3A_299 = tpu.memref_squeeze %dma_start3A_298 : memref<1x128x128xf32, #tpu.memory_space<vmem>> -> memref<128x128xf32, #tpu.memory_space<vmem>>
        %dma_start3A_300 = arith.constant 0 : i32
        %dma_start3A_301 = tpu.memref_slice %arg4[%dma_start3A_295, %mul3A_293, %dma_start3A_300] : memref<4x32000x128xf32, #tpu.memory_space<hbm>> -> memref<1x128x128xf32, #tpu.memory_space<hbm>>
        %dma_start3A_302 = tpu.memref_squeeze %dma_start3A_301 : memref<1x128x128xf32, #tpu.memory_space<hbm>> -> memref<128x128xf32, #tpu.memory_space<hbm>>
        %dma_start3A_303 = arith.constant 0 : i32
        %dma_start3A_304 = tpu.memref_slice %arg4[%dma_start3A_295, %mul3A_293, %dma_start3A_303] : memref<4x32000x128xf32, #tpu.memory_space<hbm>> -> memref<1x128x128xf32, #tpu.memory_space<hbm>>
        %dma_start3A_305 = tpu.memref_squeeze %dma_start3A_304 : memref<1x128x128xf32, #tpu.memory_space<hbm>> -> memref<128x128xf32, #tpu.memory_space<hbm>>
        %dma_start3A_306 = arith.constant 0 : i32
        %dma_start3A_307 = arith.constant 0 : i32
        %dma_start3A_308 = tpu.memref_slice %arg6[%dma_start3A_294, %dma_start3A_306, %dma_start3A_307] : memref<4x128x128xf32, #tpu.memory_space<vmem>> -> memref<1x128x128xf32, #tpu.memory_space<vmem>>
        %dma_start3A_309 = tpu.memref_squeeze %dma_start3A_308 : memref<1x128x128xf32, #tpu.memory_space<vmem>> -> memref<128x128xf32, #tpu.memory_space<vmem>>
        tpu.enqueue_dma source(%dma_start3A_309 : memref<128x128xf32, #tpu.memory_space<vmem>>) target(%dma_start3A_305 : memref<128x128xf32, #tpu.memory_space<hbm>>) target_semaphore(%arg14 : memref<!tpu.dma_semaphore, #tpu.memory_space<semaphore_mem>>)
      } else {
      }
    }
    %scan3A_21 = arith.constant 8 : i32
    %dma_wait3A = arith.constant 0 : i32
    %dma_wait3A_22 = arith.constant 0 : i32
    %dma_wait3A_23 = arith.constant 0 : i32
    %dma_wait3A_24 = arith.constant 0 : i32
    %dma_wait3A_25 = tpu.memref_slice %arg6[%dma_wait3A, %dma_wait3A_23, %dma_wait3A_24] : memref<4x128x128xf32, #tpu.memory_space<vmem>> -> memref<1x128x128xf32, #tpu.memory_space<vmem>>
    %dma_wait3A_26 = tpu.memref_squeeze %dma_wait3A_25 : memref<1x128x128xf32, #tpu.memory_space<vmem>> -> memref<128x128xf32, #tpu.memory_space<vmem>>
    %dma_wait3A_27 = arith.constant 0 : i32
    %dma_wait3A_28 = arith.constant 0 : i32
    %dma_wait3A_29 = tpu.memref_slice %arg4[%dma_wait3A_22, %dma_wait3A_27, %dma_wait3A_28] : memref<4x32000x128xf32, #tpu.memory_space<hbm>> -> memref<1x128x128xf32, #tpu.memory_space<hbm>>
    %dma_wait3A_30 = tpu.memref_squeeze %dma_wait3A_29 : memref<1x128x128xf32, #tpu.memory_space<hbm>> -> memref<128x128xf32, #tpu.memory_space<hbm>>
    %dma_wait3A_31 = arith.constant 0 : i32
    %dma_wait3A_32 = arith.constant 0 : i32
    %dma_wait3A_33 = tpu.memref_slice %arg4[%dma_wait3A_22, %dma_wait3A_31, %dma_wait3A_32] : memref<4x32000x128xf32, #tpu.memory_space<hbm>> -> memref<1x128x128xf32, #tpu.memory_space<hbm>>
    %dma_wait3A_34 = tpu.memref_squeeze %dma_wait3A_33 : memref<1x128x128xf32, #tpu.memory_space<hbm>> -> memref<128x128xf32, #tpu.memory_space<hbm>>
    %dma_wait3A_35 = arith.constant 0 : i32
    %dma_wait3A_36 = arith.constant 0 : i32
    %dma_wait3A_37 = tpu.memref_slice %arg6[%dma_wait3A, %dma_wait3A_35, %dma_wait3A_36] : memref<4x128x128xf32, #tpu.memory_space<vmem>> -> memref<1x128x128xf32, #tpu.memory_space<vmem>>
    %dma_wait3A_38 = tpu.memref_squeeze %dma_wait3A_37 : memref<1x128x128xf32, #tpu.memory_space<vmem>> -> memref<128x128xf32, #tpu.memory_space<vmem>>
    tpu.wait_dma2 semaphore(%arg11 : memref<!tpu.dma_semaphore, #tpu.memory_space<semaphore_mem>>) src(%dma_wait3A_38 : memref<128x128xf32, #tpu.memory_space<vmem>>) dst(%dma_wait3A_34 : memref<128x128xf32, #tpu.memory_space<hbm>>)
    %dma_wait3A_39 = arith.constant 1 : i32
    %dma_wait3A_40 = arith.constant 1 : i32
    %dma_wait3A_41 = arith.constant 0 : i32
    %dma_wait3A_42 = arith.constant 0 : i32
    %dma_wait3A_43 = tpu.memref_slice %arg6[%dma_wait3A_39, %dma_wait3A_41, %dma_wait3A_42] : memref<4x128x128xf32, #tpu.memory_space<vmem>> -> memref<1x128x128xf32, #tpu.memory_space<vmem>>
    %dma_wait3A_44 = tpu.memref_squeeze %dma_wait3A_43 : memref<1x128x128xf32, #tpu.memory_space<vmem>> -> memref<128x128xf32, #tpu.memory_space<vmem>>
    %dma_wait3A_45 = arith.constant 0 : i32
    %dma_wait3A_46 = arith.constant 0 : i32
    %dma_wait3A_47 = tpu.memref_slice %arg4[%dma_wait3A_40, %dma_wait3A_45, %dma_wait3A_46] : memref<4x32000x128xf32, #tpu.memory_space<hbm>> -> memref<1x128x128xf32, #tpu.memory_space<hbm>>
    %dma_wait3A_48 = tpu.memref_squeeze %dma_wait3A_47 : memref<1x128x128xf32, #tpu.memory_space<hbm>> -> memref<128x128xf32, #tpu.memory_space<hbm>>
    %dma_wait3A_49 = arith.constant 0 : i32
    %dma_wait3A_50 = arith.constant 0 : i32
    %dma_wait3A_51 = tpu.memref_slice %arg4[%dma_wait3A_40, %dma_wait3A_49, %dma_wait3A_50] : memref<4x32000x128xf32, #tpu.memory_space<hbm>> -> memref<1x128x128xf32, #tpu.memory_space<hbm>>
    %dma_wait3A_52 = tpu.memref_squeeze %dma_wait3A_51 : memref<1x128x128xf32, #tpu.memory_space<hbm>> -> memref<128x128xf32, #tpu.memory_space<hbm>>
    %dma_wait3A_53 = arith.constant 0 : i32
    %dma_wait3A_54 = arith.constant 0 : i32
    %dma_wait3A_55 = tpu.memref_slice %arg6[%dma_wait3A_39, %dma_wait3A_53, %dma_wait3A_54] : memref<4x128x128xf32, #tpu.memory_space<vmem>> -> memref<1x128x128xf32, #tpu.memory_space<vmem>>
    %dma_wait3A_56 = tpu.memref_squeeze %dma_wait3A_55 : memref<1x128x128xf32, #tpu.memory_space<vmem>> -> memref<128x128xf32, #tpu.memory_space<vmem>>
    tpu.wait_dma2 semaphore(%arg12 : memref<!tpu.dma_semaphore, #tpu.memory_space<semaphore_mem>>) src(%dma_wait3A_56 : memref<128x128xf32, #tpu.memory_space<vmem>>) dst(%dma_wait3A_52 : memref<128x128xf32, #tpu.memory_space<hbm>>)
    %dma_wait3A_57 = arith.constant 2 : i32
    %dma_wait3A_58 = arith.constant 2 : i32
    %dma_wait3A_59 = arith.constant 0 : i32
    %dma_wait3A_60 = arith.constant 0 : i32
    %dma_wait3A_61 = tpu.memref_slice %arg6[%dma_wait3A_57, %dma_wait3A_59, %dma_wait3A_60] : memref<4x128x128xf32, #tpu.memory_space<vmem>> -> memref<1x128x128xf32, #tpu.memory_space<vmem>>
    %dma_wait3A_62 = tpu.memref_squeeze %dma_wait3A_61 : memref<1x128x128xf32, #tpu.memory_space<vmem>> -> memref<128x128xf32, #tpu.memory_space<vmem>>
    %dma_wait3A_63 = arith.constant 0 : i32
    %dma_wait3A_64 = arith.constant 0 : i32
    %dma_wait3A_65 = tpu.memref_slice %arg4[%dma_wait3A_58, %dma_wait3A_63, %dma_wait3A_64] : memref<4x32000x128xf32, #tpu.memory_space<hbm>> -> memref<1x128x128xf32, #tpu.memory_space<hbm>>
    %dma_wait3A_66 = tpu.memref_squeeze %dma_wait3A_65 : memref<1x128x128xf32, #tpu.memory_space<hbm>> -> memref<128x128xf32, #tpu.memory_space<hbm>>
    %dma_wait3A_67 = arith.constant 0 : i32
    %dma_wait3A_68 = arith.constant 0 : i32
    %dma_wait3A_69 = tpu.memref_slice %arg4[%dma_wait3A_58, %dma_wait3A_67, %dma_wait3A_68] : memref<4x32000x128xf32, #tpu.memory_space<hbm>> -> memref<1x128x128xf32, #tpu.memory_space<hbm>>
    %dma_wait3A_70 = tpu.memref_squeeze %dma_wait3A_69 : memref<1x128x128xf32, #tpu.memory_space<hbm>> -> memref<128x128xf32, #tpu.memory_space<hbm>>
    %dma_wait3A_71 = arith.constant 0 : i32
    %dma_wait3A_72 = arith.constant 0 : i32
    %dma_wait3A_73 = tpu.memref_slice %arg6[%dma_wait3A_57, %dma_wait3A_71, %dma_wait3A_72] : memref<4x128x128xf32, #tpu.memory_space<vmem>> -> memref<1x128x128xf32, #tpu.memory_space<vmem>>
    %dma_wait3A_74 = tpu.memref_squeeze %dma_wait3A_73 : memref<1x128x128xf32, #tpu.memory_space<vmem>> -> memref<128x128xf32, #tpu.memory_space<vmem>>
    tpu.wait_dma2 semaphore(%arg13 : memref<!tpu.dma_semaphore, #tpu.memory_space<semaphore_mem>>) src(%dma_wait3A_74 : memref<128x128xf32, #tpu.memory_space<vmem>>) dst(%dma_wait3A_70 : memref<128x128xf32, #tpu.memory_space<hbm>>)
    %dma_wait3A_75 = arith.constant 3 : i32
    %dma_wait3A_76 = arith.constant 3 : i32
    %dma_wait3A_77 = arith.constant 0 : i32
    %dma_wait3A_78 = arith.constant 0 : i32
    %dma_wait3A_79 = tpu.memref_slice %arg6[%dma_wait3A_75, %dma_wait3A_77, %dma_wait3A_78] : memref<4x128x128xf32, #tpu.memory_space<vmem>> -> memref<1x128x128xf32, #tpu.memory_space<vmem>>
    %dma_wait3A_80 = tpu.memref_squeeze %dma_wait3A_79 : memref<1x128x128xf32, #tpu.memory_space<vmem>> -> memref<128x128xf32, #tpu.memory_space<vmem>>
    %dma_wait3A_81 = arith.constant 0 : i32
    %dma_wait3A_82 = arith.constant 0 : i32
    %dma_wait3A_83 = tpu.memref_slice %arg4[%dma_wait3A_76, %dma_wait3A_81, %dma_wait3A_82] : memref<4x32000x128xf32, #tpu.memory_space<hbm>> -> memref<1x128x128xf32, #tpu.memory_space<hbm>>
    %dma_wait3A_84 = tpu.memref_squeeze %dma_wait3A_83 : memref<1x128x128xf32, #tpu.memory_space<hbm>> -> memref<128x128xf32, #tpu.memory_space<hbm>>
    %dma_wait3A_85 = arith.constant 0 : i32
    %dma_wait3A_86 = arith.constant 0 : i32
    %dma_wait3A_87 = tpu.memref_slice %arg4[%dma_wait3A_76, %dma_wait3A_85, %dma_wait3A_86] : memref<4x32000x128xf32, #tpu.memory_space<hbm>> -> memref<1x128x128xf32, #tpu.memory_space<hbm>>
    %dma_wait3A_88 = tpu.memref_squeeze %dma_wait3A_87 : memref<1x128x128xf32, #tpu.memory_space<hbm>> -> memref<128x128xf32, #tpu.memory_space<hbm>>
    %dma_wait3A_89 = arith.constant 0 : i32
    %dma_wait3A_90 = arith.constant 0 : i32
    %dma_wait3A_91 = tpu.memref_slice %arg6[%dma_wait3A_75, %dma_wait3A_89, %dma_wait3A_90] : memref<4x128x128xf32, #tpu.memory_space<vmem>> -> memref<1x128x128xf32, #tpu.memory_space<vmem>>
    %dma_wait3A_92 = tpu.memref_squeeze %dma_wait3A_91 : memref<1x128x128xf32, #tpu.memory_space<vmem>> -> memref<128x128xf32, #tpu.memory_space<vmem>>
    tpu.wait_dma2 semaphore(%arg14 : memref<!tpu.dma_semaphore, #tpu.memory_space<semaphore_mem>>) src(%dma_wait3A_92 : memref<128x128xf32, #tpu.memory_space<vmem>>) dst(%dma_wait3A_88 : memref<128x128xf32, #tpu.memory_space<hbm>>)
    return
  }
}

#map = affine_map<(d0, d1) -> (0, 0)>
#map1 = affine_map<(d0, d1) -> (0, 0, 0)>
module attributes {stable_mosaic.version = 14 : i64} {
  func.func @_sc_gather_body(%arg0: i32, %arg1: i32, %arg2: memref<160000x128xf32, #tpu.memory_space<hbm>>, %arg3: memref<250x4x128xi32, #tpu.memory_space<hbm>>, %arg4: memref<4x32000x128xf32, #tpu.memory_space<hbm>>, %arg5: memref<2x4x128xi32, #tpu.memory_space<vmem>>, %arg6: memref<4x128x128xf32, #tpu.memory_space<vmem>>, %arg7: memref<!tpu.dma_semaphore, #tpu.memory_space<semaphore_mem>>, %arg8: memref<!tpu.dma_semaphore, #tpu.memory_space<semaphore_mem>>, %arg9: memref<!tpu.dma_semaphore, #tpu.memory_space<semaphore_mem>>, %arg10: memref<!tpu.dma_semaphore, #tpu.memory_space<semaphore_mem>>, %arg11: memref<!tpu.dma_semaphore, #tpu.memory_space<semaphore_mem>>, %arg12: memref<!tpu.dma_semaphore, #tpu.memory_space<semaphore_mem>>, %arg13: memref<!tpu.dma_semaphore, #tpu.memory_space<semaphore_mem>>, %arg14: memref<!tpu.dma_semaphore, #tpu.memory_space<semaphore_mem>>, %arg15: memref<!tpu.dma_semaphore, #tpu.memory_space<semaphore_mem>>) attributes {dimension_semantics = [#tpu.dimension_semantics<core_parallel>, #tpu.dimension_semantics<subcore_parallel>], iteration_bounds = array<i64: 2, 16>, scalar_prefetch = 0 : i64, scratch_operands = 11 : i64, tpu.core_type = #tpu.core_type<sc_vector_subcore>, window_params = [{transform_indices = #map}, {transform_indices = #map1}, {transform_indices = #map1}]} {
    %mul3A = arith.constant 2 : i32
    %mul3A_0 = arith.muli %arg1, %mul3A : i32
    %add3A = arith.addi %mul3A_0, %arg0 : i32
    %dma_start3A = arith.constant 0 : i32
    %dma_start3A_1 = arith.constant 0 : i32
    %dma_start3A_2 = arith.constant 0 : i32
    %dma_start3A_3 = tpu.memref_slice %arg5[%dma_start3A, %dma_start3A_1, %dma_start3A_2] : memref<2x4x128xi32, #tpu.memory_space<vmem>> -> memref<1x4x128xi32, #tpu.memory_space<vmem>>
    %dma_start3A_4 = tpu.memref_squeeze %dma_start3A_3 : memref<1x4x128xi32, #tpu.memory_space<vmem>> -> memref<4x128xi32, #tpu.memory_space<vmem>>
    %dma_start3A_5 = arith.constant 0 : i32
    %dma_start3A_6 = arith.constant 0 : i32
    %dma_start3A_7 = tpu.memref_slice %arg3[%add3A, %dma_start3A_5, %dma_start3A_6] : memref<250x4x128xi32, #tpu.memory_space<hbm>> -> memref<1x4x128xi32, #tpu.memory_space<hbm>>
    %dma_start3A_8 = tpu.memref_squeeze %dma_start3A_7 : memref<1x4x128xi32, #tpu.memory_space<hbm>> -> memref<4x128xi32, #tpu.memory_space<hbm>>
    %dma_start3A_9 = arith.constant 0 : i32
    %dma_start3A_10 = arith.constant 0 : i32
    %dma_start3A_11 = tpu.memref_slice %arg5[%dma_start3A, %dma_start3A_9, %dma_start3A_10] : memref<2x4x128xi32, #tpu.memory_space<vmem>> -> memref<1x4x128xi32, #tpu.memory_space<vmem>>
    %dma_start3A_12 = tpu.memref_squeeze %dma_start3A_11 : memref<1x4x128xi32, #tpu.memory_space<vmem>> -> memref<4x128xi32, #tpu.memory_space<vmem>>
    %dma_start3A_13 = arith.constant 0 : i32
    %dma_start3A_14 = arith.constant 0 : i32
    %dma_start3A_15 = tpu.memref_slice %arg3[%add3A, %dma_start3A_13, %dma_start3A_14] : memref<250x4x128xi32, #tpu.memory_space<hbm>> -> memref<1x4x128xi32, #tpu.memory_space<hbm>>
    %dma_start3A_16 = tpu.memref_squeeze %dma_start3A_15 : memref<1x4x128xi32, #tpu.memory_space<hbm>> -> memref<4x128xi32, #tpu.memory_space<hbm>>
    tpu.enqueue_dma source(%dma_start3A_16 : memref<4x128xi32, #tpu.memory_space<hbm>>) target(%dma_start3A_12 : memref<4x128xi32, #tpu.memory_space<vmem>>) target_semaphore(%arg15 : memref<!tpu.dma_semaphore, #tpu.memory_space<semaphore_mem>>)
    %scan3A = arith.constant 0 : i32
    %scan3A_17 = arith.constant 0 : i32
    %scan3A_18 = arith.constant 8 : i32
    %scan3A_19 = arith.addi %scan3A_17, %scan3A_18 : i32
    %scan3A_20 = arith.constant 1 : i32
    scf.for %scan3A_93 = %scan3A_17 to %scan3A_19 step %scan3A_20  : i32 {
      %mul3A_94 = arith.constant 32 : i32
      %mul3A_95 = arith.muli %scan3A_93, %mul3A_94 : i32
      %add3A_96 = arith.addi %add3A, %mul3A_95 : i32
      %rem3A = arith.constant 2 : i32
      %rem3A_97 = arith.remsi %scan3A_93, %rem3A : i32
      %lt3A = arith.constant 250 : i32
      %lt3A_98 = arith.cmpi slt, %add3A_96, %lt3A : i32
      %convert_element_type3A = arith.extui %lt3A_98 : i1 to i32
      %cond3A = arith.constant 0 : i32
      %cond3A_99 = arith.cmpi ne, %convert_element_type3A, %cond3A : i32
      scf.if %cond3A_99 {
        %dma_wait3A_100 = arith.constant 0 : i32
        %dma_wait3A_101 = arith.constant 0 : i32
        %dma_wait3A_102 = tpu.memref_slice %arg5[%rem3A_97, %dma_wait3A_100, %dma_wait3A_101] : memref<2x4x128xi32, #tpu.memory_space<vmem>> -> memref<1x4x128xi32, #tpu.memory_space<vmem>>
        %dma_wait3A_103 = tpu.memref_squeeze %dma_wait3A_102 : memref<1x4x128xi32, #tpu.memory_space<vmem>> -> memref<4x128xi32, #tpu.memory_space<vmem>>
        %dma_wait3A_104 = arith.constant 0 : i32
        %dma_wait3A_105 = arith.constant 0 : i32
        %dma_wait3A_106 = tpu.memref_slice %arg3[%add3A_96, %dma_wait3A_104, %dma_wait3A_105] : memref<250x4x128xi32, #tpu.memory_space<hbm>> -> memref<1x4x128xi32, #tpu.memory_space<hbm>>
        %dma_wait3A_107 = tpu.memref_squeeze %dma_wait3A_106 : memref<1x4x128xi32, #tpu.memory_space<hbm>> -> memref<4x128xi32, #tpu.memory_space<hbm>>
        %dma_wait3A_108 = arith.constant 0 : i32
        %dma_wait3A_109 = arith.constant 0 : i32
        %dma_wait3A_110 = tpu.memref_slice %arg5[%rem3A_97, %dma_wait3A_108, %dma_wait3A_109] : memref<2x4x128xi32, #tpu.memory_space<vmem>> -> memref<1x4x128xi32, #tpu.memory_space<vmem>>
        %dma_wait3A_111 = tpu.memref_squeeze %dma_wait3A_110 : memref<1x4x128xi32, #tpu.memory_space<vmem>> -> memref<4x128xi32, #tpu.memory_space<vmem>>
        %dma_wait3A_112 = arith.constant 0 : i32
        %dma_wait3A_113 = arith.constant 0 : i32
        %dma_wait3A_114 = tpu.memref_slice %arg3[%add3A_96, %dma_wait3A_112, %dma_wait3A_113] : memref<250x4x128xi32, #tpu.memory_space<hbm>> -> memref<1x4x128xi32, #tpu.memory_space<hbm>>
        %dma_wait3A_115 = tpu.memref_squeeze %dma_wait3A_114 : memref<1x4x128xi32, #tpu.memory_space<hbm>> -> memref<4x128xi32, #tpu.memory_space<hbm>>
        tpu.wait_dma2 semaphore(%arg15 : memref<!tpu.dma_semaphore, #tpu.memory_space<semaphore_mem>>) src(%dma_wait3A_115 : memref<4x128xi32, #tpu.memory_space<hbm>>) dst(%dma_wait3A_111 : memref<4x128xi32, #tpu.memory_space<vmem>>)
        %add3A_116 = arith.constant 32 : i32
        %add3A_117 = arith.addi %add3A_96, %add3A_116 : i32
        %lt3A_118 = arith.constant 250 : i32
        %lt3A_119 = arith.cmpi slt, %add3A_117, %lt3A_118 : i32
        %convert_element_type3A_120 = arith.extui %lt3A_119 : i1 to i32
        %cond3A_121 = arith.constant 0 : i32
        %cond3A_122 = arith.cmpi ne, %convert_element_type3A_120, %cond3A_121 : i32
        scf.if %cond3A_122 {
          %add3A_310 = arith.constant 32 : i32
          %add3A_311 = arith.addi %add3A_96, %add3A_310 : i32
          %sub3A = arith.constant 1 : i32
          %sub3A_312 = arith.subi %sub3A, %rem3A_97 : i32
          %dma_start3A_313 = arith.constant 0 : i32
          %dma_start3A_314 = arith.constant 0 : i32
          %dma_start3A_315 = tpu.memref_slice %arg5[%sub3A_312, %dma_start3A_313, %dma_start3A_314] : memref<2x4x128xi32, #tpu.memory_space<vmem>> -> memref<1x4x128xi32, #tpu.memory_space<vmem>>
          %dma_start3A_316 = tpu.memref_squeeze %dma_start3A_315 : memref<1x4x128xi32, #tpu.memory_space<vmem>> -> memref<4x128xi32, #tpu.memory_space<vmem>>
          %dma_start3A_317 = arith.constant 0 : i32
          %dma_start3A_318 = arith.constant 0 : i32
          %dma_start3A_319 = tpu.memref_slice %arg3[%add3A_311, %dma_start3A_317, %dma_start3A_318] : memref<250x4x128xi32, #tpu.memory_space<hbm>> -> memref<1x4x128xi32, #tpu.memory_space<hbm>>
          %dma_start3A_320 = tpu.memref_squeeze %dma_start3A_319 : memref<1x4x128xi32, #tpu.memory_space<hbm>> -> memref<4x128xi32, #tpu.memory_space<hbm>>
          %dma_start3A_321 = arith.constant 0 : i32
          %dma_start3A_322 = arith.constant 0 : i32
          %dma_start3A_323 = tpu.memref_slice %arg5[%sub3A_312, %dma_start3A_321, %dma_start3A_322] : memref<2x4x128xi32, #tpu.memory_space<vmem>> -> memref<1x4x128xi32, #tpu.memory_space<vmem>>
          %dma_start3A_324 = tpu.memref_squeeze %dma_start3A_323 : memref<1x4x128xi32, #tpu.memory_space<vmem>> -> memref<4x128xi32, #tpu.memory_space<vmem>>
          %dma_start3A_325 = arith.constant 0 : i32
          %dma_start3A_326 = arith.constant 0 : i32
          %dma_start3A_327 = tpu.memref_slice %arg3[%add3A_311, %dma_start3A_325, %dma_start3A_326] : memref<250x4x128xi32, #tpu.memory_space<hbm>> -> memref<1x4x128xi32, #tpu.memory_space<hbm>>
          %dma_start3A_328 = tpu.memref_squeeze %dma_start3A_327 : memref<1x4x128xi32, #tpu.memory_space<hbm>> -> memref<4x128xi32, #tpu.memory_space<hbm>>
          tpu.enqueue_dma source(%dma_start3A_328 : memref<4x128xi32, #tpu.memory_space<hbm>>) target(%dma_start3A_324 : memref<4x128xi32, #tpu.memory_space<vmem>>) target_semaphore(%arg15 : memref<!tpu.dma_semaphore, #tpu.memory_space<semaphore_mem>>)
        } else {
        }
        %ge3A = arith.constant 1 : i32
        %ge3A_123 = arith.cmpi sge, %scan3A_93, %ge3A : i32
        %convert_element_type3A_124 = arith.extui %ge3A_123 : i1 to i32
        %cond3A_125 = arith.constant 0 : i32
        %cond3A_126 = arith.cmpi ne, %convert_element_type3A_124, %cond3A_125 : i32
        scf.if %cond3A_126 {
          %dma_wait3A_310 = arith.constant 0 : i32
          %dma_wait3A_311 = arith.constant 0 : i32
          %dma_wait3A_312 = arith.constant 0 : i32
          %dma_wait3A_313 = arith.constant 0 : i32
          %dma_wait3A_314 = tpu.memref_slice %arg6[%dma_wait3A_310, %dma_wait3A_312, %dma_wait3A_313] : memref<4x128x128xf32, #tpu.memory_space<vmem>> -> memref<1x128x128xf32, #tpu.memory_space<vmem>>
          %dma_wait3A_315 = tpu.memref_squeeze %dma_wait3A_314 : memref<1x128x128xf32, #tpu.memory_space<vmem>> -> memref<128x128xf32, #tpu.memory_space<vmem>>
          %dma_wait3A_316 = arith.constant 0 : i32
          %dma_wait3A_317 = arith.constant 0 : i32
          %dma_wait3A_318 = tpu.memref_slice %arg4[%dma_wait3A_311, %dma_wait3A_316, %dma_wait3A_317] : memref<4x32000x128xf32, #tpu.memory_space<hbm>> -> memref<1x128x128xf32, #tpu.memory_space<hbm>>
          %dma_wait3A_319 = tpu.memref_squeeze %dma_wait3A_318 : memref<1x128x128xf32, #tpu.memory_space<hbm>> -> memref<128x128xf32, #tpu.memory_space<hbm>>
          %dma_wait3A_320 = arith.constant 0 : i32
          %dma_wait3A_321 = arith.constant 0 : i32
          %dma_wait3A_322 = tpu.memref_slice %arg4[%dma_wait3A_311, %dma_wait3A_320, %dma_wait3A_321] : memref<4x32000x128xf32, #tpu.memory_space<hbm>> -> memref<1x128x128xf32, #tpu.memory_space<hbm>>
          %dma_wait3A_323 = tpu.memref_squeeze %dma_wait3A_322 : memref<1x128x128xf32, #tpu.memory_space<hbm>> -> memref<128x128xf32, #tpu.memory_space<hbm>>
          %dma_wait3A_324 = arith.constant 0 : i32
          %dma_wait3A_325 = arith.constant 0 : i32
          %dma_wait3A_326 = tpu.memref_slice %arg6[%dma_wait3A_310, %dma_wait3A_324, %dma_wait3A_325] : memref<4x128x128xf32, #tpu.memory_space<vmem>> -> memref<1x128x128xf32, #tpu.memory_space<vmem>>
          %dma_wait3A_327 = tpu.memref_squeeze %dma_wait3A_326 : memref<1x128x128xf32, #tpu.memory_space<vmem>> -> memref<128x128xf32, #tpu.memory_space<vmem>>
          tpu.wait_dma2 semaphore(%arg11 : memref<!tpu.dma_semaphore, #tpu.memory_space<semaphore_mem>>) src(%dma_wait3A_327 : memref<128x128xf32, #tpu.memory_space<vmem>>) dst(%dma_wait3A_323 : memref<128x128xf32, #tpu.memory_space<hbm>>)
        } else {
        }
        %dma_start3A_127 = arith.constant 0 : i32
        %dma_start3A_128 = arith.constant 0 : i32
        %dma_start3A_129 = arith.constant 0 : i32
        %dma_start3A_130 = arith.constant 0 : i32
        %dma_start3A_131 = tpu.memref_slice %arg6[%dma_start3A_128, %dma_start3A_129, %dma_start3A_130] : memref<4x128x128xf32, #tpu.memory_space<vmem>> -> memref<1x128x128xf32, #tpu.memory_space<vmem>>
        %dma_start3A_132 = tpu.memref_squeeze %dma_start3A_131 : memref<1x128x128xf32, #tpu.memory_space<vmem>> -> memref<128x128xf32, #tpu.memory_space<vmem>>
        %dma_start3A_133 = arith.constant 0 : i32
        %dma_start3A_134 = tpu.memref_slice %arg5[%rem3A_97, %dma_start3A_127, %dma_start3A_133] : memref<2x4x128xi32, #tpu.memory_space<vmem>> -> memref<1x1x128xi32, #tpu.memory_space<vmem>>
        %dma_start3A_135 = tpu.memref_squeeze %dma_start3A_134 : memref<1x1x128xi32, #tpu.memory_space<vmem>> -> memref<128xi32, #tpu.memory_space<vmem>>
        %dma_start3A_136 = arith.constant 0 : i32
        %dma_start3A_137 = arith.constant 0 : i32
        %dma_start3A_138 = tpu.memref_slice %arg2[%dma_start3A_136, %dma_start3A_137] : memref<160000x128xf32, #tpu.memory_space<hbm>> -> memref<160000x128xf32, #tpu.memory_space<hbm>>
        tpu.enqueue_indirect_dma source(%dma_start3A_138 : memref<160000x128xf32, #tpu.memory_space<hbm>>) target(%dma_start3A_132 : memref<128x128xf32, #tpu.memory_space<vmem>>) offsets(%dma_start3A_135 : memref<128xi32, #tpu.memory_space<vmem>>) semaphore(%arg7 : memref<!tpu.dma_semaphore, #tpu.memory_space<semaphore_mem>>)
        %ge3A_139 = arith.constant 1 : i32
        %ge3A_140 = arith.cmpi sge, %scan3A_93, %ge3A_139 : i32
        %convert_element_type3A_141 = arith.extui %ge3A_140 : i1 to i32
        %cond3A_142 = arith.constant 0 : i32
        %cond3A_143 = arith.cmpi ne, %convert_element_type3A_141, %cond3A_142 : i32
        scf.if %cond3A_143 {
          %dma_wait3A_310 = arith.constant 1 : i32
          %dma_wait3A_311 = arith.constant 1 : i32
          %dma_wait3A_312 = arith.constant 0 : i32
          %dma_wait3A_313 = arith.constant 0 : i32
          %dma_wait3A_314 = tpu.memref_slice %arg6[%dma_wait3A_310, %dma_wait3A_312, %dma_wait3A_313] : memref<4x128x128xf32, #tpu.memory_space<vmem>> -> memref<1x128x128xf32, #tpu.memory_space<vmem>>
          %dma_wait3A_315 = tpu.memref_squeeze %dma_wait3A_314 : memref<1x128x128xf32, #tpu.memory_space<vmem>> -> memref<128x128xf32, #tpu.memory_space<vmem>>
          %dma_wait3A_316 = arith.constant 0 : i32
          %dma_wait3A_317 = arith.constant 0 : i32
          %dma_wait3A_318 = tpu.memref_slice %arg4[%dma_wait3A_311, %dma_wait3A_316, %dma_wait3A_317] : memref<4x32000x128xf32, #tpu.memory_space<hbm>> -> memref<1x128x128xf32, #tpu.memory_space<hbm>>
          %dma_wait3A_319 = tpu.memref_squeeze %dma_wait3A_318 : memref<1x128x128xf32, #tpu.memory_space<hbm>> -> memref<128x128xf32, #tpu.memory_space<hbm>>
          %dma_wait3A_320 = arith.constant 0 : i32
          %dma_wait3A_321 = arith.constant 0 : i32
          %dma_wait3A_322 = tpu.memref_slice %arg4[%dma_wait3A_311, %dma_wait3A_320, %dma_wait3A_321] : memref<4x32000x128xf32, #tpu.memory_space<hbm>> -> memref<1x128x128xf32, #tpu.memory_space<hbm>>
          %dma_wait3A_323 = tpu.memref_squeeze %dma_wait3A_322 : memref<1x128x128xf32, #tpu.memory_space<hbm>> -> memref<128x128xf32, #tpu.memory_space<hbm>>
          %dma_wait3A_324 = arith.constant 0 : i32
          %dma_wait3A_325 = arith.constant 0 : i32
          %dma_wait3A_326 = tpu.memref_slice %arg6[%dma_wait3A_310, %dma_wait3A_324, %dma_wait3A_325] : memref<4x128x128xf32, #tpu.memory_space<vmem>> -> memref<1x128x128xf32, #tpu.memory_space<vmem>>
          %dma_wait3A_327 = tpu.memref_squeeze %dma_wait3A_326 : memref<1x128x128xf32, #tpu.memory_space<vmem>> -> memref<128x128xf32, #tpu.memory_space<vmem>>
          tpu.wait_dma2 semaphore(%arg12 : memref<!tpu.dma_semaphore, #tpu.memory_space<semaphore_mem>>) src(%dma_wait3A_327 : memref<128x128xf32, #tpu.memory_space<vmem>>) dst(%dma_wait3A_323 : memref<128x128xf32, #tpu.memory_space<hbm>>)
        } else {
        }
        %dma_start3A_144 = arith.constant 1 : i32
        %dma_start3A_145 = arith.constant 1 : i32
        %dma_start3A_146 = arith.constant 0 : i32
        %dma_start3A_147 = arith.constant 0 : i32
        %dma_start3A_148 = tpu.memref_slice %arg6[%dma_start3A_145, %dma_start3A_146, %dma_start3A_147] : memref<4x128x128xf32, #tpu.memory_space<vmem>> -> memref<1x128x128xf32, #tpu.memory_space<vmem>>
        %dma_start3A_149 = tpu.memref_squeeze %dma_start3A_148 : memref<1x128x128xf32, #tpu.memory_space<vmem>> -> memref<128x128xf32, #tpu.memory_space<vmem>>
        %dma_start3A_150 = arith.constant 0 : i32
        %dma_start3A_151 = tpu.memref_slice %arg5[%rem3A_97, %dma_start3A_144, %dma_start3A_150] : memref<2x4x128xi32, #tpu.memory_space<vmem>> -> memref<1x1x128xi32, #tpu.memory_space<vmem>>
        %dma_start3A_152 = tpu.memref_squeeze %dma_start3A_151 : memref<1x1x128xi32, #tpu.memory_space<vmem>> -> memref<128xi32, #tpu.memory_space<vmem>>
        %dma_start3A_153 = arith.constant 0 : i32
        %dma_start3A_154 = arith.constant 0 : i32
        %dma_start3A_155 = tpu.memref_slice %arg2[%dma_start3A_153, %dma_start3A_154] : memref<160000x128xf32, #tpu.memory_space<hbm>> -> memref<160000x128xf32, #tpu.memory_space<hbm>>
        tpu.enqueue_indirect_dma source(%dma_start3A_155 : memref<160000x128xf32, #tpu.memory_space<hbm>>) target(%dma_start3A_149 : memref<128x128xf32, #tpu.memory_space<vmem>>) offsets(%dma_start3A_152 : memref<128xi32, #tpu.memory_space<vmem>>) semaphore(%arg8 : memref<!tpu.dma_semaphore, #tpu.memory_space<semaphore_mem>>)
        %ge3A_156 = arith.constant 1 : i32
        %ge3A_157 = arith.cmpi sge, %scan3A_93, %ge3A_156 : i32
        %convert_element_type3A_158 = arith.extui %ge3A_157 : i1 to i32
        %cond3A_159 = arith.constant 0 : i32
        %cond3A_160 = arith.cmpi ne, %convert_element_type3A_158, %cond3A_159 : i32
        scf.if %cond3A_160 {
          %dma_wait3A_310 = arith.constant 2 : i32
          %dma_wait3A_311 = arith.constant 2 : i32
          %dma_wait3A_312 = arith.constant 0 : i32
          %dma_wait3A_313 = arith.constant 0 : i32
          %dma_wait3A_314 = tpu.memref_slice %arg6[%dma_wait3A_310, %dma_wait3A_312, %dma_wait3A_313] : memref<4x128x128xf32, #tpu.memory_space<vmem>> -> memref<1x128x128xf32, #tpu.memory_space<vmem>>
          %dma_wait3A_315 = tpu.memref_squeeze %dma_wait3A_314 : memref<1x128x128xf32, #tpu.memory_space<vmem>> -> memref<128x128xf32, #tpu.memory_space<vmem>>
          %dma_wait3A_316 = arith.constant 0 : i32
          %dma_wait3A_317 = arith.constant 0 : i32
          %dma_wait3A_318 = tpu.memref_slice %arg4[%dma_wait3A_311, %dma_wait3A_316, %dma_wait3A_317] : memref<4x32000x128xf32, #tpu.memory_space<hbm>> -> memref<1x128x128xf32, #tpu.memory_space<hbm>>
          %dma_wait3A_319 = tpu.memref_squeeze %dma_wait3A_318 : memref<1x128x128xf32, #tpu.memory_space<hbm>> -> memref<128x128xf32, #tpu.memory_space<hbm>>
          %dma_wait3A_320 = arith.constant 0 : i32
          %dma_wait3A_321 = arith.constant 0 : i32
          %dma_wait3A_322 = tpu.memref_slice %arg4[%dma_wait3A_311, %dma_wait3A_320, %dma_wait3A_321] : memref<4x32000x128xf32, #tpu.memory_space<hbm>> -> memref<1x128x128xf32, #tpu.memory_space<hbm>>
          %dma_wait3A_323 = tpu.memref_squeeze %dma_wait3A_322 : memref<1x128x128xf32, #tpu.memory_space<hbm>> -> memref<128x128xf32, #tpu.memory_space<hbm>>
          %dma_wait3A_324 = arith.constant 0 : i32
          %dma_wait3A_325 = arith.constant 0 : i32
          %dma_wait3A_326 = tpu.memref_slice %arg6[%dma_wait3A_310, %dma_wait3A_324, %dma_wait3A_325] : memref<4x128x128xf32, #tpu.memory_space<vmem>> -> memref<1x128x128xf32, #tpu.memory_space<vmem>>
          %dma_wait3A_327 = tpu.memref_squeeze %dma_wait3A_326 : memref<1x128x128xf32, #tpu.memory_space<vmem>> -> memref<128x128xf32, #tpu.memory_space<vmem>>
          tpu.wait_dma2 semaphore(%arg13 : memref<!tpu.dma_semaphore, #tpu.memory_space<semaphore_mem>>) src(%dma_wait3A_327 : memref<128x128xf32, #tpu.memory_space<vmem>>) dst(%dma_wait3A_323 : memref<128x128xf32, #tpu.memory_space<hbm>>)
        } else {
        }
        %dma_start3A_161 = arith.constant 2 : i32
        %dma_start3A_162 = arith.constant 2 : i32
        %dma_start3A_163 = arith.constant 0 : i32
        %dma_start3A_164 = arith.constant 0 : i32
        %dma_start3A_165 = tpu.memref_slice %arg6[%dma_start3A_162, %dma_start3A_163, %dma_start3A_164] : memref<4x128x128xf32, #tpu.memory_space<vmem>> -> memref<1x128x128xf32, #tpu.memory_space<vmem>>
        %dma_start3A_166 = tpu.memref_squeeze %dma_start3A_165 : memref<1x128x128xf32, #tpu.memory_space<vmem>> -> memref<128x128xf32, #tpu.memory_space<vmem>>
        %dma_start3A_167 = arith.constant 0 : i32
        %dma_start3A_168 = tpu.memref_slice %arg5[%rem3A_97, %dma_start3A_161, %dma_start3A_167] : memref<2x4x128xi32, #tpu.memory_space<vmem>> -> memref<1x1x128xi32, #tpu.memory_space<vmem>>
        %dma_start3A_169 = tpu.memref_squeeze %dma_start3A_168 : memref<1x1x128xi32, #tpu.memory_space<vmem>> -> memref<128xi32, #tpu.memory_space<vmem>>
        %dma_start3A_170 = arith.constant 0 : i32
        %dma_start3A_171 = arith.constant 0 : i32
        %dma_start3A_172 = tpu.memref_slice %arg2[%dma_start3A_170, %dma_start3A_171] : memref<160000x128xf32, #tpu.memory_space<hbm>> -> memref<160000x128xf32, #tpu.memory_space<hbm>>
        tpu.enqueue_indirect_dma source(%dma_start3A_172 : memref<160000x128xf32, #tpu.memory_space<hbm>>) target(%dma_start3A_166 : memref<128x128xf32, #tpu.memory_space<vmem>>) offsets(%dma_start3A_169 : memref<128xi32, #tpu.memory_space<vmem>>) semaphore(%arg9 : memref<!tpu.dma_semaphore, #tpu.memory_space<semaphore_mem>>)
        %ge3A_173 = arith.constant 1 : i32
        %ge3A_174 = arith.cmpi sge, %scan3A_93, %ge3A_173 : i32
        %convert_element_type3A_175 = arith.extui %ge3A_174 : i1 to i32
        %cond3A_176 = arith.constant 0 : i32
        %cond3A_177 = arith.cmpi ne, %convert_element_type3A_175, %cond3A_176 : i32
        scf.if %cond3A_177 {
          %dma_wait3A_310 = arith.constant 3 : i32
          %dma_wait3A_311 = arith.constant 3 : i32
          %dma_wait3A_312 = arith.constant 0 : i32
          %dma_wait3A_313 = arith.constant 0 : i32
          %dma_wait3A_314 = tpu.memref_slice %arg6[%dma_wait3A_310, %dma_wait3A_312, %dma_wait3A_313] : memref<4x128x128xf32, #tpu.memory_space<vmem>> -> memref<1x128x128xf32, #tpu.memory_space<vmem>>
          %dma_wait3A_315 = tpu.memref_squeeze %dma_wait3A_314 : memref<1x128x128xf32, #tpu.memory_space<vmem>> -> memref<128x128xf32, #tpu.memory_space<vmem>>
          %dma_wait3A_316 = arith.constant 0 : i32
          %dma_wait3A_317 = arith.constant 0 : i32
          %dma_wait3A_318 = tpu.memref_slice %arg4[%dma_wait3A_311, %dma_wait3A_316, %dma_wait3A_317] : memref<4x32000x128xf32, #tpu.memory_space<hbm>> -> memref<1x128x128xf32, #tpu.memory_space<hbm>>
          %dma_wait3A_319 = tpu.memref_squeeze %dma_wait3A_318 : memref<1x128x128xf32, #tpu.memory_space<hbm>> -> memref<128x128xf32, #tpu.memory_space<hbm>>
          %dma_wait3A_320 = arith.constant 0 : i32
          %dma_wait3A_321 = arith.constant 0 : i32
          %dma_wait3A_322 = tpu.memref_slice %arg4[%dma_wait3A_311, %dma_wait3A_320, %dma_wait3A_321] : memref<4x32000x128xf32, #tpu.memory_space<hbm>> -> memref<1x128x128xf32, #tpu.memory_space<hbm>>
          %dma_wait3A_323 = tpu.memref_squeeze %dma_wait3A_322 : memref<1x128x128xf32, #tpu.memory_space<hbm>> -> memref<128x128xf32, #tpu.memory_space<hbm>>
          %dma_wait3A_324 = arith.constant 0 : i32
          %dma_wait3A_325 = arith.constant 0 : i32
          %dma_wait3A_326 = tpu.memref_slice %arg6[%dma_wait3A_310, %dma_wait3A_324, %dma_wait3A_325] : memref<4x128x128xf32, #tpu.memory_space<vmem>> -> memref<1x128x128xf32, #tpu.memory_space<vmem>>
          %dma_wait3A_327 = tpu.memref_squeeze %dma_wait3A_326 : memref<1x128x128xf32, #tpu.memory_space<vmem>> -> memref<128x128xf32, #tpu.memory_space<vmem>>
          tpu.wait_dma2 semaphore(%arg14 : memref<!tpu.dma_semaphore, #tpu.memory_space<semaphore_mem>>) src(%dma_wait3A_327 : memref<128x128xf32, #tpu.memory_space<vmem>>) dst(%dma_wait3A_323 : memref<128x128xf32, #tpu.memory_space<hbm>>)
        } else {
        }
        %dma_start3A_178 = arith.constant 3 : i32
        %dma_start3A_179 = arith.constant 3 : i32
        %dma_start3A_180 = arith.constant 0 : i32
        %dma_start3A_181 = arith.constant 0 : i32
        %dma_start3A_182 = tpu.memref_slice %arg6[%dma_start3A_179, %dma_start3A_180, %dma_start3A_181] : memref<4x128x128xf32, #tpu.memory_space<vmem>> -> memref<1x128x128xf32, #tpu.memory_space<vmem>>
        %dma_start3A_183 = tpu.memref_squeeze %dma_start3A_182 : memref<1x128x128xf32, #tpu.memory_space<vmem>> -> memref<128x128xf32, #tpu.memory_space<vmem>>
        %dma_start3A_184 = arith.constant 0 : i32
        %dma_start3A_185 = tpu.memref_slice %arg5[%rem3A_97, %dma_start3A_178, %dma_start3A_184] : memref<2x4x128xi32, #tpu.memory_space<vmem>> -> memref<1x1x128xi32, #tpu.memory_space<vmem>>
        %dma_start3A_186 = tpu.memref_squeeze %dma_start3A_185 : memref<1x1x128xi32, #tpu.memory_space<vmem>> -> memref<128xi32, #tpu.memory_space<vmem>>
        %dma_start3A_187 = arith.constant 0 : i32
        %dma_start3A_188 = arith.constant 0 : i32
        %dma_start3A_189 = tpu.memref_slice %arg2[%dma_start3A_187, %dma_start3A_188] : memref<160000x128xf32, #tpu.memory_space<hbm>> -> memref<160000x128xf32, #tpu.memory_space<hbm>>
        tpu.enqueue_indirect_dma source(%dma_start3A_189 : memref<160000x128xf32, #tpu.memory_space<hbm>>) target(%dma_start3A_183 : memref<128x128xf32, #tpu.memory_space<vmem>>) offsets(%dma_start3A_186 : memref<128xi32, #tpu.memory_space<vmem>>) semaphore(%arg10 : memref<!tpu.dma_semaphore, #tpu.memory_space<semaphore_mem>>)
        %dma_wait3A_190 = arith.constant 0 : i32
        %dma_wait3A_191 = arith.constant 0 : i32
        %dma_wait3A_192 = arith.constant 0 : i32
        %dma_wait3A_193 = arith.constant 0 : i32
        %dma_wait3A_194 = tpu.memref_slice %arg6[%dma_wait3A_191, %dma_wait3A_192, %dma_wait3A_193] : memref<4x128x128xf32, #tpu.memory_space<vmem>> -> memref<1x128x128xf32, #tpu.memory_space<vmem>>
        %dma_wait3A_195 = tpu.memref_squeeze %dma_wait3A_194 : memref<1x128x128xf32, #tpu.memory_space<vmem>> -> memref<128x128xf32, #tpu.memory_space<vmem>>
        %dma_wait3A_196 = arith.constant 0 : i32
        %dma_wait3A_197 = tpu.memref_slice %arg5[%rem3A_97, %dma_wait3A_190, %dma_wait3A_196] : memref<2x4x128xi32, #tpu.memory_space<vmem>> -> memref<1x1x128xi32, #tpu.memory_space<vmem>>
        %dma_wait3A_198 = tpu.memref_squeeze %dma_wait3A_197 : memref<1x1x128xi32, #tpu.memory_space<vmem>> -> memref<128xi32, #tpu.memory_space<vmem>>
        %dma_wait3A_199 = arith.constant 0 : i32
        %dma_wait3A_200 = arith.constant 0 : i32
        %dma_wait3A_201 = tpu.memref_slice %arg2[%dma_wait3A_199, %dma_wait3A_200] : memref<160000x128xf32, #tpu.memory_space<hbm>> -> memref<160000x128xf32, #tpu.memory_space<hbm>>
        tpu.wait_indirect_dma semaphore(%arg7 : memref<!tpu.dma_semaphore, #tpu.memory_space<semaphore_mem>>) src(%dma_wait3A_201 : memref<160000x128xf32, #tpu.memory_space<hbm>>) dst(%dma_wait3A_195 : memref<128x128xf32, #tpu.memory_space<vmem>>)
        %mul3A_202 = arith.constant 128 : i32
        %mul3A_203 = arith.muli %add3A_96, %mul3A_202 : i32
        %dma_start3A_204 = arith.constant 0 : i32
        %dma_start3A_205 = arith.constant 0 : i32
        %dma_start3A_206 = arith.constant 0 : i32
        %dma_start3A_207 = arith.constant 0 : i32
        %dma_start3A_208 = tpu.memref_slice %arg6[%dma_start3A_204, %dma_start3A_206, %dma_start3A_207] : memref<4x128x128xf32, #tpu.memory_space<vmem>> -> memref<1x128x128xf32, #tpu.memory_space<vmem>>
        %dma_start3A_209 = tpu.memref_squeeze %dma_start3A_208 : memref<1x128x128xf32, #tpu.memory_space<vmem>> -> memref<128x128xf32, #tpu.memory_space<vmem>>
        %dma_start3A_210 = arith.constant 0 : i32
        %dma_start3A_211 = tpu.memref_slice %arg4[%dma_start3A_205, %mul3A_203, %dma_start3A_210] : memref<4x32000x128xf32, #tpu.memory_space<hbm>> -> memref<1x128x128xf32, #tpu.memory_space<hbm>>
        %dma_start3A_212 = tpu.memref_squeeze %dma_start3A_211 : memref<1x128x128xf32, #tpu.memory_space<hbm>> -> memref<128x128xf32, #tpu.memory_space<hbm>>
        %dma_start3A_213 = arith.constant 0 : i32
        %dma_start3A_214 = tpu.memref_slice %arg4[%dma_start3A_205, %mul3A_203, %dma_start3A_213] : memref<4x32000x128xf32, #tpu.memory_space<hbm>> -> memref<1x128x128xf32, #tpu.memory_space<hbm>>
        %dma_start3A_215 = tpu.memref_squeeze %dma_start3A_214 : memref<1x128x128xf32, #tpu.memory_space<hbm>> -> memref<128x128xf32, #tpu.memory_space<hbm>>
        %dma_start3A_216 = arith.constant 0 : i32
        %dma_start3A_217 = arith.constant 0 : i32
        %dma_start3A_218 = tpu.memref_slice %arg6[%dma_start3A_204, %dma_start3A_216, %dma_start3A_217] : memref<4x128x128xf32, #tpu.memory_space<vmem>> -> memref<1x128x128xf32, #tpu.memory_space<vmem>>
        %dma_start3A_219 = tpu.memref_squeeze %dma_start3A_218 : memref<1x128x128xf32, #tpu.memory_space<vmem>> -> memref<128x128xf32, #tpu.memory_space<vmem>>
        tpu.enqueue_dma source(%dma_start3A_219 : memref<128x128xf32, #tpu.memory_space<vmem>>) target(%dma_start3A_215 : memref<128x128xf32, #tpu.memory_space<hbm>>) target_semaphore(%arg11 : memref<!tpu.dma_semaphore, #tpu.memory_space<semaphore_mem>>)
        %dma_wait3A_220 = arith.constant 1 : i32
        %dma_wait3A_221 = arith.constant 1 : i32
        %dma_wait3A_222 = arith.constant 0 : i32
        %dma_wait3A_223 = arith.constant 0 : i32
        %dma_wait3A_224 = tpu.memref_slice %arg6[%dma_wait3A_221, %dma_wait3A_222, %dma_wait3A_223] : memref<4x128x128xf32, #tpu.memory_space<vmem>> -> memref<1x128x128xf32, #tpu.memory_space<vmem>>
        %dma_wait3A_225 = tpu.memref_squeeze %dma_wait3A_224 : memref<1x128x128xf32, #tpu.memory_space<vmem>> -> memref<128x128xf32, #tpu.memory_space<vmem>>
        %dma_wait3A_226 = arith.constant 0 : i32
        %dma_wait3A_227 = tpu.memref_slice %arg5[%rem3A_97, %dma_wait3A_220, %dma_wait3A_226] : memref<2x4x128xi32, #tpu.memory_space<vmem>> -> memref<1x1x128xi32, #tpu.memory_space<vmem>>
        %dma_wait3A_228 = tpu.memref_squeeze %dma_wait3A_227 : memref<1x1x128xi32, #tpu.memory_space<vmem>> -> memref<128xi32, #tpu.memory_space<vmem>>
        %dma_wait3A_229 = arith.constant 0 : i32
        %dma_wait3A_230 = arith.constant 0 : i32
        %dma_wait3A_231 = tpu.memref_slice %arg2[%dma_wait3A_229, %dma_wait3A_230] : memref<160000x128xf32, #tpu.memory_space<hbm>> -> memref<160000x128xf32, #tpu.memory_space<hbm>>
        tpu.wait_indirect_dma semaphore(%arg8 : memref<!tpu.dma_semaphore, #tpu.memory_space<semaphore_mem>>) src(%dma_wait3A_231 : memref<160000x128xf32, #tpu.memory_space<hbm>>) dst(%dma_wait3A_225 : memref<128x128xf32, #tpu.memory_space<vmem>>)
        %mul3A_232 = arith.constant 128 : i32
        %mul3A_233 = arith.muli %add3A_96, %mul3A_232 : i32
        %dma_start3A_234 = arith.constant 1 : i32
        %dma_start3A_235 = arith.constant 1 : i32
        %dma_start3A_236 = arith.constant 0 : i32
        %dma_start3A_237 = arith.constant 0 : i32
        %dma_start3A_238 = tpu.memref_slice %arg6[%dma_start3A_234, %dma_start3A_236, %dma_start3A_237] : memref<4x128x128xf32, #tpu.memory_space<vmem>> -> memref<1x128x128xf32, #tpu.memory_space<vmem>>
        %dma_start3A_239 = tpu.memref_squeeze %dma_start3A_238 : memref<1x128x128xf32, #tpu.memory_space<vmem>> -> memref<128x128xf32, #tpu.memory_space<vmem>>
        %dma_start3A_240 = arith.constant 0 : i32
        %dma_start3A_241 = tpu.memref_slice %arg4[%dma_start3A_235, %mul3A_233, %dma_start3A_240] : memref<4x32000x128xf32, #tpu.memory_space<hbm>> -> memref<1x128x128xf32, #tpu.memory_space<hbm>>
        %dma_start3A_242 = tpu.memref_squeeze %dma_start3A_241 : memref<1x128x128xf32, #tpu.memory_space<hbm>> -> memref<128x128xf32, #tpu.memory_space<hbm>>
        %dma_start3A_243 = arith.constant 0 : i32
        %dma_start3A_244 = tpu.memref_slice %arg4[%dma_start3A_235, %mul3A_233, %dma_start3A_243] : memref<4x32000x128xf32, #tpu.memory_space<hbm>> -> memref<1x128x128xf32, #tpu.memory_space<hbm>>
        %dma_start3A_245 = tpu.memref_squeeze %dma_start3A_244 : memref<1x128x128xf32, #tpu.memory_space<hbm>> -> memref<128x128xf32, #tpu.memory_space<hbm>>
        %dma_start3A_246 = arith.constant 0 : i32
        %dma_start3A_247 = arith.constant 0 : i32
        %dma_start3A_248 = tpu.memref_slice %arg6[%dma_start3A_234, %dma_start3A_246, %dma_start3A_247] : memref<4x128x128xf32, #tpu.memory_space<vmem>> -> memref<1x128x128xf32, #tpu.memory_space<vmem>>
        %dma_start3A_249 = tpu.memref_squeeze %dma_start3A_248 : memref<1x128x128xf32, #tpu.memory_space<vmem>> -> memref<128x128xf32, #tpu.memory_space<vmem>>
        tpu.enqueue_dma source(%dma_start3A_249 : memref<128x128xf32, #tpu.memory_space<vmem>>) target(%dma_start3A_245 : memref<128x128xf32, #tpu.memory_space<hbm>>) target_semaphore(%arg12 : memref<!tpu.dma_semaphore, #tpu.memory_space<semaphore_mem>>)
        %dma_wait3A_250 = arith.constant 2 : i32
        %dma_wait3A_251 = arith.constant 2 : i32
        %dma_wait3A_252 = arith.constant 0 : i32
        %dma_wait3A_253 = arith.constant 0 : i32
        %dma_wait3A_254 = tpu.memref_slice %arg6[%dma_wait3A_251, %dma_wait3A_252, %dma_wait3A_253] : memref<4x128x128xf32, #tpu.memory_space<vmem>> -> memref<1x128x128xf32, #tpu.memory_space<vmem>>
        %dma_wait3A_255 = tpu.memref_squeeze %dma_wait3A_254 : memref<1x128x128xf32, #tpu.memory_space<vmem>> -> memref<128x128xf32, #tpu.memory_space<vmem>>
        %dma_wait3A_256 = arith.constant 0 : i32
        %dma_wait3A_257 = tpu.memref_slice %arg5[%rem3A_97, %dma_wait3A_250, %dma_wait3A_256] : memref<2x4x128xi32, #tpu.memory_space<vmem>> -> memref<1x1x128xi32, #tpu.memory_space<vmem>>
        %dma_wait3A_258 = tpu.memref_squeeze %dma_wait3A_257 : memref<1x1x128xi32, #tpu.memory_space<vmem>> -> memref<128xi32, #tpu.memory_space<vmem>>
        %dma_wait3A_259 = arith.constant 0 : i32
        %dma_wait3A_260 = arith.constant 0 : i32
        %dma_wait3A_261 = tpu.memref_slice %arg2[%dma_wait3A_259, %dma_wait3A_260] : memref<160000x128xf32, #tpu.memory_space<hbm>> -> memref<160000x128xf32, #tpu.memory_space<hbm>>
        tpu.wait_indirect_dma semaphore(%arg9 : memref<!tpu.dma_semaphore, #tpu.memory_space<semaphore_mem>>) src(%dma_wait3A_261 : memref<160000x128xf32, #tpu.memory_space<hbm>>) dst(%dma_wait3A_255 : memref<128x128xf32, #tpu.memory_space<vmem>>)
        %mul3A_262 = arith.constant 128 : i32
        %mul3A_263 = arith.muli %add3A_96, %mul3A_262 : i32
        %dma_start3A_264 = arith.constant 2 : i32
        %dma_start3A_265 = arith.constant 2 : i32
        %dma_start3A_266 = arith.constant 0 : i32
        %dma_start3A_267 = arith.constant 0 : i32
        %dma_start3A_268 = tpu.memref_slice %arg6[%dma_start3A_264, %dma_start3A_266, %dma_start3A_267] : memref<4x128x128xf32, #tpu.memory_space<vmem>> -> memref<1x128x128xf32, #tpu.memory_space<vmem>>
        %dma_start3A_269 = tpu.memref_squeeze %dma_start3A_268 : memref<1x128x128xf32, #tpu.memory_space<vmem>> -> memref<128x128xf32, #tpu.memory_space<vmem>>
        %dma_start3A_270 = arith.constant 0 : i32
        %dma_start3A_271 = tpu.memref_slice %arg4[%dma_start3A_265, %mul3A_263, %dma_start3A_270] : memref<4x32000x128xf32, #tpu.memory_space<hbm>> -> memref<1x128x128xf32, #tpu.memory_space<hbm>>
        %dma_start3A_272 = tpu.memref_squeeze %dma_start3A_271 : memref<1x128x128xf32, #tpu.memory_space<hbm>> -> memref<128x128xf32, #tpu.memory_space<hbm>>
        %dma_start3A_273 = arith.constant 0 : i32
        %dma_start3A_274 = tpu.memref_slice %arg4[%dma_start3A_265, %mul3A_263, %dma_start3A_273] : memref<4x32000x128xf32, #tpu.memory_space<hbm>> -> memref<1x128x128xf32, #tpu.memory_space<hbm>>
        %dma_start3A_275 = tpu.memref_squeeze %dma_start3A_274 : memref<1x128x128xf32, #tpu.memory_space<hbm>> -> memref<128x128xf32, #tpu.memory_space<hbm>>
        %dma_start3A_276 = arith.constant 0 : i32
        %dma_start3A_277 = arith.constant 0 : i32
        %dma_start3A_278 = tpu.memref_slice %arg6[%dma_start3A_264, %dma_start3A_276, %dma_start3A_277] : memref<4x128x128xf32, #tpu.memory_space<vmem>> -> memref<1x128x128xf32, #tpu.memory_space<vmem>>
        %dma_start3A_279 = tpu.memref_squeeze %dma_start3A_278 : memref<1x128x128xf32, #tpu.memory_space<vmem>> -> memref<128x128xf32, #tpu.memory_space<vmem>>
        tpu.enqueue_dma source(%dma_start3A_279 : memref<128x128xf32, #tpu.memory_space<vmem>>) target(%dma_start3A_275 : memref<128x128xf32, #tpu.memory_space<hbm>>) target_semaphore(%arg13 : memref<!tpu.dma_semaphore, #tpu.memory_space<semaphore_mem>>)
        %dma_wait3A_280 = arith.constant 3 : i32
        %dma_wait3A_281 = arith.constant 3 : i32
        %dma_wait3A_282 = arith.constant 0 : i32
        %dma_wait3A_283 = arith.constant 0 : i32
        %dma_wait3A_284 = tpu.memref_slice %arg6[%dma_wait3A_281, %dma_wait3A_282, %dma_wait3A_283] : memref<4x128x128xf32, #tpu.memory_space<vmem>> -> memref<1x128x128xf32, #tpu.memory_space<vmem>>
        %dma_wait3A_285 = tpu.memref_squeeze %dma_wait3A_284 : memref<1x128x128xf32, #tpu.memory_space<vmem>> -> memref<128x128xf32, #tpu.memory_space<vmem>>
        %dma_wait3A_286 = arith.constant 0 : i32
        %dma_wait3A_287 = tpu.memref_slice %arg5[%rem3A_97, %dma_wait3A_280, %dma_wait3A_286] : memref<2x4x128xi32, #tpu.memory_space<vmem>> -> memref<1x1x128xi32, #tpu.memory_space<vmem>>
        %dma_wait3A_288 = tpu.memref_squeeze %dma_wait3A_287 : memref<1x1x128xi32, #tpu.memory_space<vmem>> -> memref<128xi32, #tpu.memory_space<vmem>>
        %dma_wait3A_289 = arith.constant 0 : i32
        %dma_wait3A_290 = arith.constant 0 : i32
        %dma_wait3A_291 = tpu.memref_slice %arg2[%dma_wait3A_289, %dma_wait3A_290] : memref<160000x128xf32, #tpu.memory_space<hbm>> -> memref<160000x128xf32, #tpu.memory_space<hbm>>
        tpu.wait_indirect_dma semaphore(%arg10 : memref<!tpu.dma_semaphore, #tpu.memory_space<semaphore_mem>>) src(%dma_wait3A_291 : memref<160000x128xf32, #tpu.memory_space<hbm>>) dst(%dma_wait3A_285 : memref<128x128xf32, #tpu.memory_space<vmem>>)
        %mul3A_292 = arith.constant 128 : i32
        %mul3A_293 = arith.muli %add3A_96, %mul3A_292 : i32
        %dma_start3A_294 = arith.constant 3 : i32
        %dma_start3A_295 = arith.constant 3 : i32
        %dma_start3A_296 = arith.constant 0 : i32
        %dma_start3A_297 = arith.constant 0 : i32
        %dma_start3A_298 = tpu.memref_slice %arg6[%dma_start3A_294, %dma_start3A_296, %dma_start3A_297] : memref<4x128x128xf32, #tpu.memory_space<vmem>> -> memref<1x128x128xf32, #tpu.memory_space<vmem>>
        %dma_start3A_299 = tpu.memref_squeeze %dma_start3A_298 : memref<1x128x128xf32, #tpu.memory_space<vmem>> -> memref<128x128xf32, #tpu.memory_space<vmem>>
        %dma_start3A_300 = arith.constant 0 : i32
        %dma_start3A_301 = tpu.memref_slice %arg4[%dma_start3A_295, %mul3A_293, %dma_start3A_300] : memref<4x32000x128xf32, #tpu.memory_space<hbm>> -> memref<1x128x128xf32, #tpu.memory_space<hbm>>
        %dma_start3A_302 = tpu.memref_squeeze %dma_start3A_301 : memref<1x128x128xf32, #tpu.memory_space<hbm>> -> memref<128x128xf32, #tpu.memory_space<hbm>>
        %dma_start3A_303 = arith.constant 0 : i32
        %dma_start3A_304 = tpu.memref_slice %arg4[%dma_start3A_295, %mul3A_293, %dma_start3A_303] : memref<4x32000x128xf32, #tpu.memory_space<hbm>> -> memref<1x128x128xf32, #tpu.memory_space<hbm>>
        %dma_start3A_305 = tpu.memref_squeeze %dma_start3A_304 : memref<1x128x128xf32, #tpu.memory_space<hbm>> -> memref<128x128xf32, #tpu.memory_space<hbm>>
        %dma_start3A_306 = arith.constant 0 : i32
        %dma_start3A_307 = arith.constant 0 : i32
        %dma_start3A_308 = tpu.memref_slice %arg6[%dma_start3A_294, %dma_start3A_306, %dma_start3A_307] : memref<4x128x128xf32, #tpu.memory_space<vmem>> -> memref<1x128x128xf32, #tpu.memory_space<vmem>>
        %dma_start3A_309 = tpu.memref_squeeze %dma_start3A_308 : memref<1x128x128xf32, #tpu.memory_space<vmem>> -> memref<128x128xf32, #tpu.memory_space<vmem>>
        tpu.enqueue_dma source(%dma_start3A_309 : memref<128x128xf32, #tpu.memory_space<vmem>>) target(%dma_start3A_305 : memref<128x128xf32, #tpu.memory_space<hbm>>) target_semaphore(%arg14 : memref<!tpu.dma_semaphore, #tpu.memory_space<semaphore_mem>>)
      } else {
      }
    }
    %scan3A_21 = arith.constant 8 : i32
    %dma_wait3A = arith.constant 0 : i32
    %dma_wait3A_22 = arith.constant 0 : i32
    %dma_wait3A_23 = arith.constant 0 : i32
    %dma_wait3A_24 = arith.constant 0 : i32
    %dma_wait3A_25 = tpu.memref_slice %arg6[%dma_wait3A, %dma_wait3A_23, %dma_wait3A_24] : memref<4x128x128xf32, #tpu.memory_space<vmem>> -> memref<1x128x128xf32, #tpu.memory_space<vmem>>
    %dma_wait3A_26 = tpu.memref_squeeze %dma_wait3A_25 : memref<1x128x128xf32, #tpu.memory_space<vmem>> -> memref<128x128xf32, #tpu.memory_space<vmem>>
    %dma_wait3A_27 = arith.constant 0 : i32
    %dma_wait3A_28 = arith.constant 0 : i32
    %dma_wait3A_29 = tpu.memref_slice %arg4[%dma_wait3A_22, %dma_wait3A_27, %dma_wait3A_28] : memref<4x32000x128xf32, #tpu.memory_space<hbm>> -> memref<1x128x128xf32, #tpu.memory_space<hbm>>
    %dma_wait3A_30 = tpu.memref_squeeze %dma_wait3A_29 : memref<1x128x128xf32, #tpu.memory_space<hbm>> -> memref<128x128xf32, #tpu.memory_space<hbm>>
    %dma_wait3A_31 = arith.constant 0 : i32
    %dma_wait3A_32 = arith.constant 0 : i32
    %dma_wait3A_33 = tpu.memref_slice %arg4[%dma_wait3A_22, %dma_wait3A_31, %dma_wait3A_32] : memref<4x32000x128xf32, #tpu.memory_space<hbm>> -> memref<1x128x128xf32, #tpu.memory_space<hbm>>
    %dma_wait3A_34 = tpu.memref_squeeze %dma_wait3A_33 : memref<1x128x128xf32, #tpu.memory_space<hbm>> -> memref<128x128xf32, #tpu.memory_space<hbm>>
    %dma_wait3A_35 = arith.constant 0 : i32
    %dma_wait3A_36 = arith.constant 0 : i32
    %dma_wait3A_37 = tpu.memref_slice %arg6[%dma_wait3A, %dma_wait3A_35, %dma_wait3A_36] : memref<4x128x128xf32, #tpu.memory_space<vmem>> -> memref<1x128x128xf32, #tpu.memory_space<vmem>>
    %dma_wait3A_38 = tpu.memref_squeeze %dma_wait3A_37 : memref<1x128x128xf32, #tpu.memory_space<vmem>> -> memref<128x128xf32, #tpu.memory_space<vmem>>
    tpu.wait_dma2 semaphore(%arg11 : memref<!tpu.dma_semaphore, #tpu.memory_space<semaphore_mem>>) src(%dma_wait3A_38 : memref<128x128xf32, #tpu.memory_space<vmem>>) dst(%dma_wait3A_34 : memref<128x128xf32, #tpu.memory_space<hbm>>)
    %dma_wait3A_39 = arith.constant 1 : i32
    %dma_wait3A_40 = arith.constant 1 : i32
    %dma_wait3A_41 = arith.constant 0 : i32
    %dma_wait3A_42 = arith.constant 0 : i32
    %dma_wait3A_43 = tpu.memref_slice %arg6[%dma_wait3A_39, %dma_wait3A_41, %dma_wait3A_42] : memref<4x128x128xf32, #tpu.memory_space<vmem>> -> memref<1x128x128xf32, #tpu.memory_space<vmem>>
    %dma_wait3A_44 = tpu.memref_squeeze %dma_wait3A_43 : memref<1x128x128xf32, #tpu.memory_space<vmem>> -> memref<128x128xf32, #tpu.memory_space<vmem>>
    %dma_wait3A_45 = arith.constant 0 : i32
    %dma_wait3A_46 = arith.constant 0 : i32
    %dma_wait3A_47 = tpu.memref_slice %arg4[%dma_wait3A_40, %dma_wait3A_45, %dma_wait3A_46] : memref<4x32000x128xf32, #tpu.memory_space<hbm>> -> memref<1x128x128xf32, #tpu.memory_space<hbm>>
    %dma_wait3A_48 = tpu.memref_squeeze %dma_wait3A_47 : memref<1x128x128xf32, #tpu.memory_space<hbm>> -> memref<128x128xf32, #tpu.memory_space<hbm>>
    %dma_wait3A_49 = arith.constant 0 : i32
    %dma_wait3A_50 = arith.constant 0 : i32
    %dma_wait3A_51 = tpu.memref_slice %arg4[%dma_wait3A_40, %dma_wait3A_49, %dma_wait3A_50] : memref<4x32000x128xf32, #tpu.memory_space<hbm>> -> memref<1x128x128xf32, #tpu.memory_space<hbm>>
    %dma_wait3A_52 = tpu.memref_squeeze %dma_wait3A_51 : memref<1x128x128xf32, #tpu.memory_space<hbm>> -> memref<128x128xf32, #tpu.memory_space<hbm>>
    %dma_wait3A_53 = arith.constant 0 : i32
    %dma_wait3A_54 = arith.constant 0 : i32
    %dma_wait3A_55 = tpu.memref_slice %arg6[%dma_wait3A_39, %dma_wait3A_53, %dma_wait3A_54] : memref<4x128x128xf32, #tpu.memory_space<vmem>> -> memref<1x128x128xf32, #tpu.memory_space<vmem>>
    %dma_wait3A_56 = tpu.memref_squeeze %dma_wait3A_55 : memref<1x128x128xf32, #tpu.memory_space<vmem>> -> memref<128x128xf32, #tpu.memory_space<vmem>>
    tpu.wait_dma2 semaphore(%arg12 : memref<!tpu.dma_semaphore, #tpu.memory_space<semaphore_mem>>) src(%dma_wait3A_56 : memref<128x128xf32, #tpu.memory_space<vmem>>) dst(%dma_wait3A_52 : memref<128x128xf32, #tpu.memory_space<hbm>>)
    %dma_wait3A_57 = arith.constant 2 : i32
    %dma_wait3A_58 = arith.constant 2 : i32
    %dma_wait3A_59 = arith.constant 0 : i32
    %dma_wait3A_60 = arith.constant 0 : i32
    %dma_wait3A_61 = tpu.memref_slice %arg6[%dma_wait3A_57, %dma_wait3A_59, %dma_wait3A_60] : memref<4x128x128xf32, #tpu.memory_space<vmem>> -> memref<1x128x128xf32, #tpu.memory_space<vmem>>
    %dma_wait3A_62 = tpu.memref_squeeze %dma_wait3A_61 : memref<1x128x128xf32, #tpu.memory_space<vmem>> -> memref<128x128xf32, #tpu.memory_space<vmem>>
    %dma_wait3A_63 = arith.constant 0 : i32
    %dma_wait3A_64 = arith.constant 0 : i32
    %dma_wait3A_65 = tpu.memref_slice %arg4[%dma_wait3A_58, %dma_wait3A_63, %dma_wait3A_64] : memref<4x32000x128xf32, #tpu.memory_space<hbm>> -> memref<1x128x128xf32, #tpu.memory_space<hbm>>
    %dma_wait3A_66 = tpu.memref_squeeze %dma_wait3A_65 : memref<1x128x128xf32, #tpu.memory_space<hbm>> -> memref<128x128xf32, #tpu.memory_space<hbm>>
    %dma_wait3A_67 = arith.constant 0 : i32
    %dma_wait3A_68 = arith.constant 0 : i32
    %dma_wait3A_69 = tpu.memref_slice %arg4[%dma_wait3A_58, %dma_wait3A_67, %dma_wait3A_68] : memref<4x32000x128xf32, #tpu.memory_space<hbm>> -> memref<1x128x128xf32, #tpu.memory_space<hbm>>
    %dma_wait3A_70 = tpu.memref_squeeze %dma_wait3A_69 : memref<1x128x128xf32, #tpu.memory_space<hbm>> -> memref<128x128xf32, #tpu.memory_space<hbm>>
    %dma_wait3A_71 = arith.constant 0 : i32
    %dma_wait3A_72 = arith.constant 0 : i32
    %dma_wait3A_73 = tpu.memref_slice %arg6[%dma_wait3A_57, %dma_wait3A_71, %dma_wait3A_72] : memref<4x128x128xf32, #tpu.memory_space<vmem>> -> memref<1x128x128xf32, #tpu.memory_space<vmem>>
    %dma_wait3A_74 = tpu.memref_squeeze %dma_wait3A_73 : memref<1x128x128xf32, #tpu.memory_space<vmem>> -> memref<128x128xf32, #tpu.memory_space<vmem>>
    tpu.wait_dma2 semaphore(%arg13 : memref<!tpu.dma_semaphore, #tpu.memory_space<semaphore_mem>>) src(%dma_wait3A_74 : memref<128x128xf32, #tpu.memory_space<vmem>>) dst(%dma_wait3A_70 : memref<128x128xf32, #tpu.memory_space<hbm>>)
    %dma_wait3A_75 = arith.constant 3 : i32
    %dma_wait3A_76 = arith.constant 3 : i32
    %dma_wait3A_77 = arith.constant 0 : i32
    %dma_wait3A_78 = arith.constant 0 : i32
    %dma_wait3A_79 = tpu.memref_slice %arg6[%dma_wait3A_75, %dma_wait3A_77, %dma_wait3A_78] : memref<4x128x128xf32, #tpu.memory_space<vmem>> -> memref<1x128x128xf32, #tpu.memory_space<vmem>>
    %dma_wait3A_80 = tpu.memref_squeeze %dma_wait3A_79 : memref<1x128x128xf32, #tpu.memory_space<vmem>> -> memref<128x128xf32, #tpu.memory_space<vmem>>
    %dma_wait3A_81 = arith.constant 0 : i32
    %dma_wait3A_82 = arith.constant 0 : i32
    %dma_wait3A_83 = tpu.memref_slice %arg4[%dma_wait3A_76, %dma_wait3A_81, %dma_wait3A_82] : memref<4x32000x128xf32, #tpu.memory_space<hbm>> -> memref<1x128x128xf32, #tpu.memory_space<hbm>>
    %dma_wait3A_84 = tpu.memref_squeeze %dma_wait3A_83 : memref<1x128x128xf32, #tpu.memory_space<hbm>> -> memref<128x128xf32, #tpu.memory_space<hbm>>
    %dma_wait3A_85 = arith.constant 0 : i32
    %dma_wait3A_86 = arith.constant 0 : i32
    %dma_wait3A_87 = tpu.memref_slice %arg4[%dma_wait3A_76, %dma_wait3A_85, %dma_wait3A_86] : memref<4x32000x128xf32, #tpu.memory_space<hbm>> -> memref<1x128x128xf32, #tpu.memory_space<hbm>>
    %dma_wait3A_88 = tpu.memref_squeeze %dma_wait3A_87 : memref<1x128x128xf32, #tpu.memory_space<hbm>> -> memref<128x128xf32, #tpu.memory_space<hbm>>
    %dma_wait3A_89 = arith.constant 0 : i32
    %dma_wait3A_90 = arith.constant 0 : i32
    %dma_wait3A_91 = tpu.memref_slice %arg6[%dma_wait3A_75, %dma_wait3A_89, %dma_wait3A_90] : memref<4x128x128xf32, #tpu.memory_space<vmem>> -> memref<1x128x128xf32, #tpu.memory_space<vmem>>
    %dma_wait3A_92 = tpu.memref_squeeze %dma_wait3A_91 : memref<1x128x128xf32, #tpu.memory_space<vmem>> -> memref<128x128xf32, #tpu.memory_space<vmem>>
    tpu.wait_dma2 semaphore(%arg14 : memref<!tpu.dma_semaphore, #tpu.memory_space<semaphore_mem>>) src(%dma_wait3A_92 : memref<128x128xf32, #tpu.memory_space<vmem>>) dst(%dma_wait3A_88 : memref<128x128xf32, #tpu.memory_space<hbm>>)
    return
  }
}

module attributes {stable_mosaic.version = 14 : i64} {
  func.func @_tc_conv_body(%arg0: i32, %arg1: memref<128x3200xf32, #tpu.memory_space<vmem>>, %arg2: memref<4x3200x128xf32, #tpu.memory_space<vmem>>, %arg3: memref<5x128x128xf32, #tpu.memory_space<vmem>>, %arg4: memref<128x1xf32, #tpu.memory_space<vmem>>, %arg5: memref<128x3200xf32, #tpu.memory_space<vmem>>) attributes {dimension_semantics = [#tpu.dimension_semantics<arbitrary>], iteration_bounds = array<i64: 10>, scalar_prefetch = 0 : i64, scratch_operands = 0 : i64, tpu.core_type = #tpu.core_type<tc>, window_params = [{transform_indices = @transform_0, window_bounds = array<i64: 128, 3200>}, {transform_indices = @transform_1, window_bounds = array<i64: 4, 3200, 128>}, {pipeline_mode = #tpu.pipeline_mode<synchronous>, transform_indices = @transform_2, window_bounds = array<i64: 5, 128, 128>}, {pipeline_mode = #tpu.pipeline_mode<synchronous>, transform_indices = @transform_3, window_bounds = array<i64: 128, 1>}, {transform_indices = @transform_4, window_bounds = array<i64: 128, 3200>}]} {
    %get3A = arith.constant 0 : index
    %get3A_0 = arith.constant 0 : index
    %get3A_1 = arith.constant 0 : index
    %get3A_2 = vector.load %arg2[%get3A, %get3A_0, %get3A_1] : memref<4x3200x128xf32, #tpu.memory_space<vmem>>, vector<1x3200x128xf32>
    %get3A_3 = vector.shape_cast %get3A_2 : vector<1x3200x128xf32> to vector<3200x128xf32>
    %get3A_4 = arith.constant 1 : index
    %get3A_5 = arith.constant 0 : index
    %get3A_6 = arith.constant 0 : index
    %get3A_7 = vector.load %arg2[%get3A_4, %get3A_5, %get3A_6] : memref<4x3200x128xf32, #tpu.memory_space<vmem>>, vector<1x3200x128xf32>
    %get3A_8 = vector.shape_cast %get3A_7 : vector<1x3200x128xf32> to vector<3200x128xf32>
    %get3A_9 = arith.constant 2 : index
    %get3A_10 = arith.constant 0 : index
    %get3A_11 = arith.constant 0 : index
    %get3A_12 = vector.load %arg2[%get3A_9, %get3A_10, %get3A_11] : memref<4x3200x128xf32, #tpu.memory_space<vmem>>, vector<1x3200x128xf32>
    %get3A_13 = vector.shape_cast %get3A_12 : vector<1x3200x128xf32> to vector<3200x128xf32>
    %get3A_14 = arith.constant 3 : index
    %get3A_15 = arith.constant 0 : index
    %get3A_16 = arith.constant 0 : index
    %get3A_17 = vector.load %arg2[%get3A_14, %get3A_15, %get3A_16] : memref<4x3200x128xf32, #tpu.memory_space<vmem>>, vector<1x3200x128xf32>
    %get3A_18 = vector.shape_cast %get3A_17 : vector<1x3200x128xf32> to vector<3200x128xf32>
    %get3A_19 = arith.constant 0 : index
    %get3A_20 = arith.constant 0 : index
    %get3A_21 = arith.constant 0 : index
    %get3A_22 = vector.load %arg3[%get3A_19, %get3A_20, %get3A_21] : memref<5x128x128xf32, #tpu.memory_space<vmem>>, vector<1x128x128xf32>
    %get3A_23 = vector.shape_cast %get3A_22 : vector<1x128x128xf32> to vector<128x128xf32>
    %get3A_24 = arith.constant 0 : index
    %get3A_25 = arith.constant 0 : index
    %get3A_26 = vector.load %arg1[%get3A_24, %get3A_25] : memref<128x3200xf32, #tpu.memory_space<vmem>>, vector<128x3200xf32>
    %dot_general3A = arith.constant dense<0.000000e+00> : vector<128x3200xf32>
    %dot_general3A_27 = tpu.matmul %get3A_23, %get3A_26, %dot_general3A {dimension_numbers = #tpu.dot_dimension_numbers<[1], [0], [0], [1], [0, 0, 1, 1], [], []>, transpose_lhs_hint = false} : vector<128x128xf32>, vector<128x3200xf32>, vector<128x3200xf32> -> vector<128x3200xf32>
    %get3A_28 = arith.constant 1 : index
    %get3A_29 = arith.constant 0 : index
    %get3A_30 = arith.constant 0 : index
    %get3A_31 = vector.load %arg3[%get3A_28, %get3A_29, %get3A_30] : memref<5x128x128xf32, #tpu.memory_space<vmem>>, vector<1x128x128xf32>
    %get3A_32 = vector.shape_cast %get3A_31 : vector<1x128x128xf32> to vector<128x128xf32>
    %add3A = arith.addf %get3A_3, %get3A_13 : vector<3200x128xf32>
    %dot_general3A_33 = arith.constant dense<0.000000e+00> : vector<128x3200xf32>
    %dot_general3A_34 = tpu.matmul %get3A_32, %add3A, %dot_general3A_33 {dimension_numbers = #tpu.dot_dimension_numbers<[1], [1], [0], [0], [0, 0, 1, 0], [], []>, transpose_lhs_hint = false} : vector<128x128xf32>, vector<3200x128xf32>, vector<128x3200xf32> -> vector<128x3200xf32>
    %add3A_35 = arith.addf %dot_general3A_27, %dot_general3A_34 : vector<128x3200xf32>
    %get3A_36 = arith.constant 2 : index
    %get3A_37 = arith.constant 0 : index
    %get3A_38 = arith.constant 0 : index
    %get3A_39 = vector.load %arg3[%get3A_36, %get3A_37, %get3A_38] : memref<5x128x128xf32, #tpu.memory_space<vmem>>, vector<1x128x128xf32>
    %get3A_40 = vector.shape_cast %get3A_39 : vector<1x128x128xf32> to vector<128x128xf32>
    %add3A_41 = arith.addf %get3A_8, %get3A_18 : vector<3200x128xf32>
    %dot_general3A_42 = arith.constant dense<0.000000e+00> : vector<128x3200xf32>
    %dot_general3A_43 = tpu.matmul %get3A_40, %add3A_41, %dot_general3A_42 {dimension_numbers = #tpu.dot_dimension_numbers<[1], [1], [0], [0], [0, 0, 1, 0], [], []>, transpose_lhs_hint = false} : vector<128x128xf32>, vector<3200x128xf32>, vector<128x3200xf32> -> vector<128x3200xf32>
    %add3A_44 = arith.addf %add3A_35, %dot_general3A_43 : vector<128x3200xf32>
    %get3A_45 = arith.constant 3 : index
    %get3A_46 = arith.constant 0 : index
    %get3A_47 = arith.constant 0 : index
    %get3A_48 = vector.load %arg3[%get3A_45, %get3A_46, %get3A_47] : memref<5x128x128xf32, #tpu.memory_space<vmem>>, vector<1x128x128xf32>
    %get3A_49 = vector.shape_cast %get3A_48 : vector<1x128x128xf32> to vector<128x128xf32>
    %sub3A = arith.subf %get3A_3, %get3A_13 : vector<3200x128xf32>
    %abs3A = math.absf %sub3A : vector<3200x128xf32>
    %dot_general3A_50 = arith.constant dense<0.000000e+00> : vector<128x3200xf32>
    %dot_general3A_51 = tpu.matmul %get3A_49, %abs3A, %dot_general3A_50 {dimension_numbers = #tpu.dot_dimension_numbers<[1], [1], [0], [0], [0, 0, 1, 0], [], []>, transpose_lhs_hint = false} : vector<128x128xf32>, vector<3200x128xf32>, vector<128x3200xf32> -> vector<128x3200xf32>
    %add3A_52 = arith.addf %add3A_44, %dot_general3A_51 : vector<128x3200xf32>
    %get3A_53 = arith.constant 4 : index
    %get3A_54 = arith.constant 0 : index
    %get3A_55 = arith.constant 0 : index
    %get3A_56 = vector.load %arg3[%get3A_53, %get3A_54, %get3A_55] : memref<5x128x128xf32, #tpu.memory_space<vmem>>, vector<1x128x128xf32>
    %get3A_57 = vector.shape_cast %get3A_56 : vector<1x128x128xf32> to vector<128x128xf32>
    %sub3A_58 = arith.subf %get3A_8, %get3A_18 : vector<3200x128xf32>
    %abs3A_59 = math.absf %sub3A_58 : vector<3200x128xf32>
    %dot_general3A_60 = arith.constant dense<0.000000e+00> : vector<128x3200xf32>
    %dot_general3A_61 = tpu.matmul %get3A_57, %abs3A_59, %dot_general3A_60 {dimension_numbers = #tpu.dot_dimension_numbers<[1], [1], [0], [0], [0, 0, 1, 0], [], []>, transpose_lhs_hint = false} : vector<128x128xf32>, vector<3200x128xf32>, vector<128x3200xf32> -> vector<128x3200xf32>
    %add3A_62 = arith.addf %add3A_52, %dot_general3A_61 : vector<128x3200xf32>
    %get3A_63 = arith.constant 0 : index
    %get3A_64 = arith.constant 0 : index
    %get3A_65 = vector.load %arg4[%get3A_63, %get3A_64] : memref<128x1xf32, #tpu.memory_space<vmem>>, vector<128x1xf32>
    %add3A_66 = vector.broadcast %get3A_65 : vector<128x1xf32> to vector<128x3200xf32>
    %add3A_67 = arith.addf %add3A_62, %add3A_66 : vector<128x3200xf32>
    %swap3A = arith.constant 0 : index
    %swap3A_68 = arith.constant 0 : index
    %swap3A_69 = vector.load %arg5[%swap3A, %swap3A_68] : memref<128x3200xf32, #tpu.memory_space<vmem>>, vector<128x3200xf32>
    tpu.vector_store %arg5[%swap3A, %swap3A_68], %add3A_67 {strides = array<i32>} : memref<128x3200xf32, #tpu.memory_space<vmem>>, vector<128x3200xf32>,
    return
  }
  func.func @transform_0(%arg0: i32) -> (i32, i32) {
    %add3A = arith.constant 0 : i32
    %add3A_0 = arith.addi %arg0, %add3A : i32
    %c0_i32 = arith.constant 0 : i32
    %c0_i32_1 = arith.constant 0 : i32
    return %c0_i32, %add3A_0 : i32, i32
  }
  func.func @transform_1(%arg0: i32) -> (i32, i32, i32) {
    %c0_i32 = arith.constant 0 : i32
    %c0_i32_0 = arith.constant 0 : i32
    %c0_i32_1 = arith.constant 0 : i32
    return %c0_i32, %arg0, %c0_i32_0 : i32, i32, i32
  }
  func.func @transform_2(%arg0: i32) -> (i32, i32, i32) {
    %c0_i32 = arith.constant 0 : i32
    %c0_i32_0 = arith.constant 0 : i32
    %c0_i32_1 = arith.constant 0 : i32
    %c0_i32_2 = arith.constant 0 : i32
    return %c0_i32, %c0_i32_0, %c0_i32_1 : i32, i32, i32
  }
  func.func @transform_3(%arg0: i32) -> (i32, i32) {
    %c0_i32 = arith.constant 0 : i32
    %c0_i32_0 = arith.constant 0 : i32
    %c0_i32_1 = arith.constant 0 : i32
    return %c0_i32, %c0_i32_0 : i32, i32
  }
  func.func @transform_4(%arg0: i32) -> (i32, i32) {
    %add3A = arith.constant 0 : i32
    %add3A_0 = arith.addi %arg0, %add3A : i32
    %c0_i32 = arith.constant 0 : i32
    %c0_i32_1 = arith.constant 0 : i32
    return %c0_i32, %add3A_0 : i32, i32
  }
}

module attributes {stable_mosaic.version = 14 : i64} {
  func.func @_tc_conv_body(%arg0: i32, %arg1: memref<128x3200xf32, #tpu.memory_space<vmem>>, %arg2: memref<4x3200x128xf32, #tpu.memory_space<vmem>>, %arg3: memref<5x128x128xf32, #tpu.memory_space<vmem>>, %arg4: memref<128x1xf32, #tpu.memory_space<vmem>>, %arg5: memref<128x160000xf32, #tpu.memory_space<any>>, %arg6: memref<128x3200xf32, #tpu.memory_space<vmem>>) attributes {dimension_semantics = [#tpu.dimension_semantics<arbitrary>], iteration_bounds = array<i64: 10>, scalar_prefetch = 0 : i64, scratch_operands = 0 : i64, tpu.core_type = #tpu.core_type<tc>, window_params = [{transform_indices = @transform_0, window_bounds = array<i64: 128, 3200>}, {transform_indices = @transform_1, window_bounds = array<i64: 4, 3200, 128>}, {pipeline_mode = #tpu.pipeline_mode<synchronous>, transform_indices = @transform_2, window_bounds = array<i64: 5, 128, 128>}, {pipeline_mode = #tpu.pipeline_mode<synchronous>, transform_indices = @transform_3, window_bounds = array<i64: 128, 1>}, {}, {transform_indices = @transform_5, window_bounds = array<i64: 128, 3200>}]} {
    %get3A = arith.constant 0 : index
    %get3A_0 = arith.constant 0 : index
    %get3A_1 = arith.constant 0 : index
    %get3A_2 = vector.load %arg2[%get3A, %get3A_0, %get3A_1] : memref<4x3200x128xf32, #tpu.memory_space<vmem>>, vector<1x3200x128xf32>
    %get3A_3 = vector.shape_cast %get3A_2 : vector<1x3200x128xf32> to vector<3200x128xf32>
    %get3A_4 = arith.constant 1 : index
    %get3A_5 = arith.constant 0 : index
    %get3A_6 = arith.constant 0 : index
    %get3A_7 = vector.load %arg2[%get3A_4, %get3A_5, %get3A_6] : memref<4x3200x128xf32, #tpu.memory_space<vmem>>, vector<1x3200x128xf32>
    %get3A_8 = vector.shape_cast %get3A_7 : vector<1x3200x128xf32> to vector<3200x128xf32>
    %get3A_9 = arith.constant 2 : index
    %get3A_10 = arith.constant 0 : index
    %get3A_11 = arith.constant 0 : index
    %get3A_12 = vector.load %arg2[%get3A_9, %get3A_10, %get3A_11] : memref<4x3200x128xf32, #tpu.memory_space<vmem>>, vector<1x3200x128xf32>
    %get3A_13 = vector.shape_cast %get3A_12 : vector<1x3200x128xf32> to vector<3200x128xf32>
    %get3A_14 = arith.constant 3 : index
    %get3A_15 = arith.constant 0 : index
    %get3A_16 = arith.constant 0 : index
    %get3A_17 = vector.load %arg2[%get3A_14, %get3A_15, %get3A_16] : memref<4x3200x128xf32, #tpu.memory_space<vmem>>, vector<1x3200x128xf32>
    %get3A_18 = vector.shape_cast %get3A_17 : vector<1x3200x128xf32> to vector<3200x128xf32>
    %get3A_19 = arith.constant 0 : index
    %get3A_20 = arith.constant 0 : index
    %get3A_21 = arith.constant 0 : index
    %get3A_22 = vector.load %arg3[%get3A_19, %get3A_20, %get3A_21] : memref<5x128x128xf32, #tpu.memory_space<vmem>>, vector<1x128x128xf32>
    %get3A_23 = vector.shape_cast %get3A_22 : vector<1x128x128xf32> to vector<128x128xf32>
    %get3A_24 = arith.constant 0 : index
    %get3A_25 = arith.constant 0 : index
    %get3A_26 = vector.load %arg1[%get3A_24, %get3A_25] : memref<128x3200xf32, #tpu.memory_space<vmem>>, vector<128x3200xf32>
    %dot_general3A = arith.constant dense<0.000000e+00> : vector<128x3200xf32>
    %dot_general3A_27 = tpu.matmul %get3A_23, %get3A_26, %dot_general3A {dimension_numbers = #tpu.dot_dimension_numbers<[1], [0], [0], [1], [0, 0, 1, 1], [], []>, transpose_lhs_hint = false} : vector<128x128xf32>, vector<128x3200xf32>, vector<128x3200xf32> -> vector<128x3200xf32>
    %get3A_28 = arith.constant 1 : index
    %get3A_29 = arith.constant 0 : index
    %get3A_30 = arith.constant 0 : index
    %get3A_31 = vector.load %arg3[%get3A_28, %get3A_29, %get3A_30] : memref<5x128x128xf32, #tpu.memory_space<vmem>>, vector<1x128x128xf32>
    %get3A_32 = vector.shape_cast %get3A_31 : vector<1x128x128xf32> to vector<128x128xf32>
    %add3A = arith.addf %get3A_3, %get3A_13 : vector<3200x128xf32>
    %dot_general3A_33 = arith.constant dense<0.000000e+00> : vector<128x3200xf32>
    %dot_general3A_34 = tpu.matmul %get3A_32, %add3A, %dot_general3A_33 {dimension_numbers = #tpu.dot_dimension_numbers<[1], [1], [0], [0], [0, 0, 1, 0], [], []>, transpose_lhs_hint = false} : vector<128x128xf32>, vector<3200x128xf32>, vector<128x3200xf32> -> vector<128x3200xf32>
    %add3A_35 = arith.addf %dot_general3A_27, %dot_general3A_34 : vector<128x3200xf32>
    %get3A_36 = arith.constant 2 : index
    %get3A_37 = arith.constant 0 : index
    %get3A_38 = arith.constant 0 : index
    %get3A_39 = vector.load %arg3[%get3A_36, %get3A_37, %get3A_38] : memref<5x128x128xf32, #tpu.memory_space<vmem>>, vector<1x128x128xf32>
    %get3A_40 = vector.shape_cast %get3A_39 : vector<1x128x128xf32> to vector<128x128xf32>
    %add3A_41 = arith.addf %get3A_8, %get3A_18 : vector<3200x128xf32>
    %dot_general3A_42 = arith.constant dense<0.000000e+00> : vector<128x3200xf32>
    %dot_general3A_43 = tpu.matmul %get3A_40, %add3A_41, %dot_general3A_42 {dimension_numbers = #tpu.dot_dimension_numbers<[1], [1], [0], [0], [0, 0, 1, 0], [], []>, transpose_lhs_hint = false} : vector<128x128xf32>, vector<3200x128xf32>, vector<128x3200xf32> -> vector<128x3200xf32>
    %add3A_44 = arith.addf %add3A_35, %dot_general3A_43 : vector<128x3200xf32>
    %get3A_45 = arith.constant 3 : index
    %get3A_46 = arith.constant 0 : index
    %get3A_47 = arith.constant 0 : index
    %get3A_48 = vector.load %arg3[%get3A_45, %get3A_46, %get3A_47] : memref<5x128x128xf32, #tpu.memory_space<vmem>>, vector<1x128x128xf32>
    %get3A_49 = vector.shape_cast %get3A_48 : vector<1x128x128xf32> to vector<128x128xf32>
    %sub3A = arith.subf %get3A_3, %get3A_13 : vector<3200x128xf32>
    %abs3A = math.absf %sub3A : vector<3200x128xf32>
    %dot_general3A_50 = arith.constant dense<0.000000e+00> : vector<128x3200xf32>
    %dot_general3A_51 = tpu.matmul %get3A_49, %abs3A, %dot_general3A_50 {dimension_numbers = #tpu.dot_dimension_numbers<[1], [1], [0], [0], [0, 0, 1, 0], [], []>, transpose_lhs_hint = false} : vector<128x128xf32>, vector<3200x128xf32>, vector<128x3200xf32> -> vector<128x3200xf32>
    %add3A_52 = arith.addf %add3A_44, %dot_general3A_51 : vector<128x3200xf32>
    %get3A_53 = arith.constant 4 : index
    %get3A_54 = arith.constant 0 : index
    %get3A_55 = arith.constant 0 : index
    %get3A_56 = vector.load %arg3[%get3A_53, %get3A_54, %get3A_55] : memref<5x128x128xf32, #tpu.memory_space<vmem>>, vector<1x128x128xf32>
    %get3A_57 = vector.shape_cast %get3A_56 : vector<1x128x128xf32> to vector<128x128xf32>
    %sub3A_58 = arith.subf %get3A_8, %get3A_18 : vector<3200x128xf32>
    %abs3A_59 = math.absf %sub3A_58 : vector<3200x128xf32>
    %dot_general3A_60 = arith.constant dense<0.000000e+00> : vector<128x3200xf32>
    %dot_general3A_61 = tpu.matmul %get3A_57, %abs3A_59, %dot_general3A_60 {dimension_numbers = #tpu.dot_dimension_numbers<[1], [1], [0], [0], [0, 0, 1, 0], [], []>, transpose_lhs_hint = false} : vector<128x128xf32>, vector<3200x128xf32>, vector<128x3200xf32> -> vector<128x3200xf32>
    %add3A_62 = arith.addf %add3A_52, %dot_general3A_61 : vector<128x3200xf32>
    %get3A_63 = arith.constant 0 : index
    %get3A_64 = arith.constant 0 : index
    %get3A_65 = vector.load %arg4[%get3A_63, %get3A_64] : memref<128x1xf32, #tpu.memory_space<vmem>>, vector<128x1xf32>
    %add3A_66 = vector.broadcast %get3A_65 : vector<128x1xf32> to vector<128x3200xf32>
    %add3A_67 = arith.addf %add3A_62, %add3A_66 : vector<128x3200xf32>
    %swap3A = arith.constant 0 : index
    %swap3A_68 = arith.constant 0 : index
    %swap3A_69 = vector.load %arg6[%swap3A, %swap3A_68] : memref<128x3200xf32, #tpu.memory_space<vmem>>, vector<128x3200xf32>
    tpu.vector_store %arg6[%swap3A, %swap3A_68], %add3A_67 {strides = array<i32>} : memref<128x3200xf32, #tpu.memory_space<vmem>>, vector<128x3200xf32>,
    return
  }
  func.func @transform_0(%arg0: i32) -> (i32, i32) {
    %add3A = arith.constant 10 : i32
    %add3A_0 = arith.addi %arg0, %add3A : i32
    %c0_i32 = arith.constant 0 : i32
    %c0_i32_1 = arith.constant 0 : i32
    return %c0_i32, %add3A_0 : i32, i32
  }
  func.func @transform_1(%arg0: i32) -> (i32, i32, i32) {
    %c0_i32 = arith.constant 0 : i32
    %c0_i32_0 = arith.constant 0 : i32
    %c0_i32_1 = arith.constant 0 : i32
    return %c0_i32, %arg0, %c0_i32_0 : i32, i32, i32
  }
  func.func @transform_2(%arg0: i32) -> (i32, i32, i32) {
    %c0_i32 = arith.constant 0 : i32
    %c0_i32_0 = arith.constant 0 : i32
    %c0_i32_1 = arith.constant 0 : i32
    %c0_i32_2 = arith.constant 0 : i32
    return %c0_i32, %c0_i32_0, %c0_i32_1 : i32, i32, i32
  }
  func.func @transform_3(%arg0: i32) -> (i32, i32) {
    %c0_i32 = arith.constant 0 : i32
    %c0_i32_0 = arith.constant 0 : i32
    %c0_i32_1 = arith.constant 0 : i32
    return %c0_i32, %c0_i32_0 : i32, i32
  }
  func.func @transform_5(%arg0: i32) -> (i32, i32) {
    %add3A = arith.constant 10 : i32
    %add3A_0 = arith.addi %arg0, %add3A : i32
    %c0_i32 = arith.constant 0 : i32
    %c0_i32_1 = arith.constant 0 : i32
    return %c0_i32, %add3A_0 : i32, i32
  }
}

module attributes {stable_mosaic.version = 14 : i64} {
  func.func @_tc_conv_body(%arg0: i32, %arg1: memref<128x3200xf32, #tpu.memory_space<vmem>>, %arg2: memref<4x3200x128xf32, #tpu.memory_space<vmem>>, %arg3: memref<5x128x128xf32, #tpu.memory_space<vmem>>, %arg4: memref<128x1xf32, #tpu.memory_space<vmem>>, %arg5: memref<128x160000xf32, #tpu.memory_space<any>>, %arg6: memref<128x3200xf32, #tpu.memory_space<vmem>>) attributes {dimension_semantics = [#tpu.dimension_semantics<arbitrary>], iteration_bounds = array<i64: 10>, scalar_prefetch = 0 : i64, scratch_operands = 0 : i64, tpu.core_type = #tpu.core_type<tc>, window_params = [{transform_indices = @transform_0, window_bounds = array<i64: 128, 3200>}, {transform_indices = @transform_1, window_bounds = array<i64: 4, 3200, 128>}, {pipeline_mode = #tpu.pipeline_mode<synchronous>, transform_indices = @transform_2, window_bounds = array<i64: 5, 128, 128>}, {pipeline_mode = #tpu.pipeline_mode<synchronous>, transform_indices = @transform_3, window_bounds = array<i64: 128, 1>}, {}, {transform_indices = @transform_5, window_bounds = array<i64: 128, 3200>}]} {
    %get3A = arith.constant 0 : index
    %get3A_0 = arith.constant 0 : index
    %get3A_1 = arith.constant 0 : index
    %get3A_2 = vector.load %arg2[%get3A, %get3A_0, %get3A_1] : memref<4x3200x128xf32, #tpu.memory_space<vmem>>, vector<1x3200x128xf32>
    %get3A_3 = vector.shape_cast %get3A_2 : vector<1x3200x128xf32> to vector<3200x128xf32>
    %get3A_4 = arith.constant 1 : index
    %get3A_5 = arith.constant 0 : index
    %get3A_6 = arith.constant 0 : index
    %get3A_7 = vector.load %arg2[%get3A_4, %get3A_5, %get3A_6] : memref<4x3200x128xf32, #tpu.memory_space<vmem>>, vector<1x3200x128xf32>
    %get3A_8 = vector.shape_cast %get3A_7 : vector<1x3200x128xf32> to vector<3200x128xf32>
    %get3A_9 = arith.constant 2 : index
    %get3A_10 = arith.constant 0 : index
    %get3A_11 = arith.constant 0 : index
    %get3A_12 = vector.load %arg2[%get3A_9, %get3A_10, %get3A_11] : memref<4x3200x128xf32, #tpu.memory_space<vmem>>, vector<1x3200x128xf32>
    %get3A_13 = vector.shape_cast %get3A_12 : vector<1x3200x128xf32> to vector<3200x128xf32>
    %get3A_14 = arith.constant 3 : index
    %get3A_15 = arith.constant 0 : index
    %get3A_16 = arith.constant 0 : index
    %get3A_17 = vector.load %arg2[%get3A_14, %get3A_15, %get3A_16] : memref<4x3200x128xf32, #tpu.memory_space<vmem>>, vector<1x3200x128xf32>
    %get3A_18 = vector.shape_cast %get3A_17 : vector<1x3200x128xf32> to vector<3200x128xf32>
    %get3A_19 = arith.constant 0 : index
    %get3A_20 = arith.constant 0 : index
    %get3A_21 = arith.constant 0 : index
    %get3A_22 = vector.load %arg3[%get3A_19, %get3A_20, %get3A_21] : memref<5x128x128xf32, #tpu.memory_space<vmem>>, vector<1x128x128xf32>
    %get3A_23 = vector.shape_cast %get3A_22 : vector<1x128x128xf32> to vector<128x128xf32>
    %get3A_24 = arith.constant 0 : index
    %get3A_25 = arith.constant 0 : index
    %get3A_26 = vector.load %arg1[%get3A_24, %get3A_25] : memref<128x3200xf32, #tpu.memory_space<vmem>>, vector<128x3200xf32>
    %dot_general3A = arith.constant dense<0.000000e+00> : vector<128x3200xf32>
    %dot_general3A_27 = tpu.matmul %get3A_23, %get3A_26, %dot_general3A {dimension_numbers = #tpu.dot_dimension_numbers<[1], [0], [0], [1], [0, 0, 1, 1], [], []>, transpose_lhs_hint = false} : vector<128x128xf32>, vector<128x3200xf32>, vector<128x3200xf32> -> vector<128x3200xf32>
    %get3A_28 = arith.constant 1 : index
    %get3A_29 = arith.constant 0 : index
    %get3A_30 = arith.constant 0 : index
    %get3A_31 = vector.load %arg3[%get3A_28, %get3A_29, %get3A_30] : memref<5x128x128xf32, #tpu.memory_space<vmem>>, vector<1x128x128xf32>
    %get3A_32 = vector.shape_cast %get3A_31 : vector<1x128x128xf32> to vector<128x128xf32>
    %add3A = arith.addf %get3A_3, %get3A_13 : vector<3200x128xf32>
    %dot_general3A_33 = arith.constant dense<0.000000e+00> : vector<128x3200xf32>
    %dot_general3A_34 = tpu.matmul %get3A_32, %add3A, %dot_general3A_33 {dimension_numbers = #tpu.dot_dimension_numbers<[1], [1], [0], [0], [0, 0, 1, 0], [], []>, transpose_lhs_hint = false} : vector<128x128xf32>, vector<3200x128xf32>, vector<128x3200xf32> -> vector<128x3200xf32>
    %add3A_35 = arith.addf %dot_general3A_27, %dot_general3A_34 : vector<128x3200xf32>
    %get3A_36 = arith.constant 2 : index
    %get3A_37 = arith.constant 0 : index
    %get3A_38 = arith.constant 0 : index
    %get3A_39 = vector.load %arg3[%get3A_36, %get3A_37, %get3A_38] : memref<5x128x128xf32, #tpu.memory_space<vmem>>, vector<1x128x128xf32>
    %get3A_40 = vector.shape_cast %get3A_39 : vector<1x128x128xf32> to vector<128x128xf32>
    %add3A_41 = arith.addf %get3A_8, %get3A_18 : vector<3200x128xf32>
    %dot_general3A_42 = arith.constant dense<0.000000e+00> : vector<128x3200xf32>
    %dot_general3A_43 = tpu.matmul %get3A_40, %add3A_41, %dot_general3A_42 {dimension_numbers = #tpu.dot_dimension_numbers<[1], [1], [0], [0], [0, 0, 1, 0], [], []>, transpose_lhs_hint = false} : vector<128x128xf32>, vector<3200x128xf32>, vector<128x3200xf32> -> vector<128x3200xf32>
    %add3A_44 = arith.addf %add3A_35, %dot_general3A_43 : vector<128x3200xf32>
    %get3A_45 = arith.constant 3 : index
    %get3A_46 = arith.constant 0 : index
    %get3A_47 = arith.constant 0 : index
    %get3A_48 = vector.load %arg3[%get3A_45, %get3A_46, %get3A_47] : memref<5x128x128xf32, #tpu.memory_space<vmem>>, vector<1x128x128xf32>
    %get3A_49 = vector.shape_cast %get3A_48 : vector<1x128x128xf32> to vector<128x128xf32>
    %sub3A = arith.subf %get3A_3, %get3A_13 : vector<3200x128xf32>
    %abs3A = math.absf %sub3A : vector<3200x128xf32>
    %dot_general3A_50 = arith.constant dense<0.000000e+00> : vector<128x3200xf32>
    %dot_general3A_51 = tpu.matmul %get3A_49, %abs3A, %dot_general3A_50 {dimension_numbers = #tpu.dot_dimension_numbers<[1], [1], [0], [0], [0, 0, 1, 0], [], []>, transpose_lhs_hint = false} : vector<128x128xf32>, vector<3200x128xf32>, vector<128x3200xf32> -> vector<128x3200xf32>
    %add3A_52 = arith.addf %add3A_44, %dot_general3A_51 : vector<128x3200xf32>
    %get3A_53 = arith.constant 4 : index
    %get3A_54 = arith.constant 0 : index
    %get3A_55 = arith.constant 0 : index
    %get3A_56 = vector.load %arg3[%get3A_53, %get3A_54, %get3A_55] : memref<5x128x128xf32, #tpu.memory_space<vmem>>, vector<1x128x128xf32>
    %get3A_57 = vector.shape_cast %get3A_56 : vector<1x128x128xf32> to vector<128x128xf32>
    %sub3A_58 = arith.subf %get3A_8, %get3A_18 : vector<3200x128xf32>
    %abs3A_59 = math.absf %sub3A_58 : vector<3200x128xf32>
    %dot_general3A_60 = arith.constant dense<0.000000e+00> : vector<128x3200xf32>
    %dot_general3A_61 = tpu.matmul %get3A_57, %abs3A_59, %dot_general3A_60 {dimension_numbers = #tpu.dot_dimension_numbers<[1], [1], [0], [0], [0, 0, 1, 0], [], []>, transpose_lhs_hint = false} : vector<128x128xf32>, vector<3200x128xf32>, vector<128x3200xf32> -> vector<128x3200xf32>
    %add3A_62 = arith.addf %add3A_52, %dot_general3A_61 : vector<128x3200xf32>
    %get3A_63 = arith.constant 0 : index
    %get3A_64 = arith.constant 0 : index
    %get3A_65 = vector.load %arg4[%get3A_63, %get3A_64] : memref<128x1xf32, #tpu.memory_space<vmem>>, vector<128x1xf32>
    %add3A_66 = vector.broadcast %get3A_65 : vector<128x1xf32> to vector<128x3200xf32>
    %add3A_67 = arith.addf %add3A_62, %add3A_66 : vector<128x3200xf32>
    %swap3A = arith.constant 0 : index
    %swap3A_68 = arith.constant 0 : index
    %swap3A_69 = vector.load %arg6[%swap3A, %swap3A_68] : memref<128x3200xf32, #tpu.memory_space<vmem>>, vector<128x3200xf32>
    tpu.vector_store %arg6[%swap3A, %swap3A_68], %add3A_67 {strides = array<i32>} : memref<128x3200xf32, #tpu.memory_space<vmem>>, vector<128x3200xf32>,
    return
  }
  func.func @transform_0(%arg0: i32) -> (i32, i32) {
    %add3A = arith.constant 20 : i32
    %add3A_0 = arith.addi %arg0, %add3A : i32
    %c0_i32 = arith.constant 0 : i32
    %c0_i32_1 = arith.constant 0 : i32
    return %c0_i32, %add3A_0 : i32, i32
  }
  func.func @transform_1(%arg0: i32) -> (i32, i32, i32) {
    %c0_i32 = arith.constant 0 : i32
    %c0_i32_0 = arith.constant 0 : i32
    %c0_i32_1 = arith.constant 0 : i32
    return %c0_i32, %arg0, %c0_i32_0 : i32, i32, i32
  }
  func.func @transform_2(%arg0: i32) -> (i32, i32, i32) {
    %c0_i32 = arith.constant 0 : i32
    %c0_i32_0 = arith.constant 0 : i32
    %c0_i32_1 = arith.constant 0 : i32
    %c0_i32_2 = arith.constant 0 : i32
    return %c0_i32, %c0_i32_0, %c0_i32_1 : i32, i32, i32
  }
  func.func @transform_3(%arg0: i32) -> (i32, i32) {
    %c0_i32 = arith.constant 0 : i32
    %c0_i32_0 = arith.constant 0 : i32
    %c0_i32_1 = arith.constant 0 : i32
    return %c0_i32, %c0_i32_0 : i32, i32
  }
  func.func @transform_5(%arg0: i32) -> (i32, i32) {
    %add3A = arith.constant 20 : i32
    %add3A_0 = arith.addi %arg0, %add3A : i32
    %c0_i32 = arith.constant 0 : i32
    %c0_i32_1 = arith.constant 0 : i32
    return %c0_i32, %add3A_0 : i32, i32
  }
}

module attributes {stable_mosaic.version = 14 : i64} {
  func.func @_tc_conv_body(%arg0: i32, %arg1: memref<128x3200xf32, #tpu.memory_space<vmem>>, %arg2: memref<4x3200x128xf32, #tpu.memory_space<vmem>>, %arg3: memref<5x128x128xf32, #tpu.memory_space<vmem>>, %arg4: memref<128x1xf32, #tpu.memory_space<vmem>>, %arg5: memref<128x160000xf32, #tpu.memory_space<any>>, %arg6: memref<128x3200xf32, #tpu.memory_space<vmem>>) attributes {dimension_semantics = [#tpu.dimension_semantics<arbitrary>], iteration_bounds = array<i64: 10>, scalar_prefetch = 0 : i64, scratch_operands = 0 : i64, tpu.core_type = #tpu.core_type<tc>, window_params = [{transform_indices = @transform_0, window_bounds = array<i64: 128, 3200>}, {transform_indices = @transform_1, window_bounds = array<i64: 4, 3200, 128>}, {pipeline_mode = #tpu.pipeline_mode<synchronous>, transform_indices = @transform_2, window_bounds = array<i64: 5, 128, 128>}, {pipeline_mode = #tpu.pipeline_mode<synchronous>, transform_indices = @transform_3, window_bounds = array<i64: 128, 1>}, {}, {transform_indices = @transform_5, window_bounds = array<i64: 128, 3200>}]} {
    %get3A = arith.constant 0 : index
    %get3A_0 = arith.constant 0 : index
    %get3A_1 = arith.constant 0 : index
    %get3A_2 = vector.load %arg2[%get3A, %get3A_0, %get3A_1] : memref<4x3200x128xf32, #tpu.memory_space<vmem>>, vector<1x3200x128xf32>
    %get3A_3 = vector.shape_cast %get3A_2 : vector<1x3200x128xf32> to vector<3200x128xf32>
    %get3A_4 = arith.constant 1 : index
    %get3A_5 = arith.constant 0 : index
    %get3A_6 = arith.constant 0 : index
    %get3A_7 = vector.load %arg2[%get3A_4, %get3A_5, %get3A_6] : memref<4x3200x128xf32, #tpu.memory_space<vmem>>, vector<1x3200x128xf32>
    %get3A_8 = vector.shape_cast %get3A_7 : vector<1x3200x128xf32> to vector<3200x128xf32>
    %get3A_9 = arith.constant 2 : index
    %get3A_10 = arith.constant 0 : index
    %get3A_11 = arith.constant 0 : index
    %get3A_12 = vector.load %arg2[%get3A_9, %get3A_10, %get3A_11] : memref<4x3200x128xf32, #tpu.memory_space<vmem>>, vector<1x3200x128xf32>
    %get3A_13 = vector.shape_cast %get3A_12 : vector<1x3200x128xf32> to vector<3200x128xf32>
    %get3A_14 = arith.constant 3 : index
    %get3A_15 = arith.constant 0 : index
    %get3A_16 = arith.constant 0 : index
    %get3A_17 = vector.load %arg2[%get3A_14, %get3A_15, %get3A_16] : memref<4x3200x128xf32, #tpu.memory_space<vmem>>, vector<1x3200x128xf32>
    %get3A_18 = vector.shape_cast %get3A_17 : vector<1x3200x128xf32> to vector<3200x128xf32>
    %get3A_19 = arith.constant 0 : index
    %get3A_20 = arith.constant 0 : index
    %get3A_21 = arith.constant 0 : index
    %get3A_22 = vector.load %arg3[%get3A_19, %get3A_20, %get3A_21] : memref<5x128x128xf32, #tpu.memory_space<vmem>>, vector<1x128x128xf32>
    %get3A_23 = vector.shape_cast %get3A_22 : vector<1x128x128xf32> to vector<128x128xf32>
    %get3A_24 = arith.constant 0 : index
    %get3A_25 = arith.constant 0 : index
    %get3A_26 = vector.load %arg1[%get3A_24, %get3A_25] : memref<128x3200xf32, #tpu.memory_space<vmem>>, vector<128x3200xf32>
    %dot_general3A = arith.constant dense<0.000000e+00> : vector<128x3200xf32>
    %dot_general3A_27 = tpu.matmul %get3A_23, %get3A_26, %dot_general3A {dimension_numbers = #tpu.dot_dimension_numbers<[1], [0], [0], [1], [0, 0, 1, 1], [], []>, transpose_lhs_hint = false} : vector<128x128xf32>, vector<128x3200xf32>, vector<128x3200xf32> -> vector<128x3200xf32>
    %get3A_28 = arith.constant 1 : index
    %get3A_29 = arith.constant 0 : index
    %get3A_30 = arith.constant 0 : index
    %get3A_31 = vector.load %arg3[%get3A_28, %get3A_29, %get3A_30] : memref<5x128x128xf32, #tpu.memory_space<vmem>>, vector<1x128x128xf32>
    %get3A_32 = vector.shape_cast %get3A_31 : vector<1x128x128xf32> to vector<128x128xf32>
    %add3A = arith.addf %get3A_3, %get3A_13 : vector<3200x128xf32>
    %dot_general3A_33 = arith.constant dense<0.000000e+00> : vector<128x3200xf32>
    %dot_general3A_34 = tpu.matmul %get3A_32, %add3A, %dot_general3A_33 {dimension_numbers = #tpu.dot_dimension_numbers<[1], [1], [0], [0], [0, 0, 1, 0], [], []>, transpose_lhs_hint = false} : vector<128x128xf32>, vector<3200x128xf32>, vector<128x3200xf32> -> vector<128x3200xf32>
    %add3A_35 = arith.addf %dot_general3A_27, %dot_general3A_34 : vector<128x3200xf32>
    %get3A_36 = arith.constant 2 : index
    %get3A_37 = arith.constant 0 : index
    %get3A_38 = arith.constant 0 : index
    %get3A_39 = vector.load %arg3[%get3A_36, %get3A_37, %get3A_38] : memref<5x128x128xf32, #tpu.memory_space<vmem>>, vector<1x128x128xf32>
    %get3A_40 = vector.shape_cast %get3A_39 : vector<1x128x128xf32> to vector<128x128xf32>
    %add3A_41 = arith.addf %get3A_8, %get3A_18 : vector<3200x128xf32>
    %dot_general3A_42 = arith.constant dense<0.000000e+00> : vector<128x3200xf32>
    %dot_general3A_43 = tpu.matmul %get3A_40, %add3A_41, %dot_general3A_42 {dimension_numbers = #tpu.dot_dimension_numbers<[1], [1], [0], [0], [0, 0, 1, 0], [], []>, transpose_lhs_hint = false} : vector<128x128xf32>, vector<3200x128xf32>, vector<128x3200xf32> -> vector<128x3200xf32>
    %add3A_44 = arith.addf %add3A_35, %dot_general3A_43 : vector<128x3200xf32>
    %get3A_45 = arith.constant 3 : index
    %get3A_46 = arith.constant 0 : index
    %get3A_47 = arith.constant 0 : index
    %get3A_48 = vector.load %arg3[%get3A_45, %get3A_46, %get3A_47] : memref<5x128x128xf32, #tpu.memory_space<vmem>>, vector<1x128x128xf32>
    %get3A_49 = vector.shape_cast %get3A_48 : vector<1x128x128xf32> to vector<128x128xf32>
    %sub3A = arith.subf %get3A_3, %get3A_13 : vector<3200x128xf32>
    %abs3A = math.absf %sub3A : vector<3200x128xf32>
    %dot_general3A_50 = arith.constant dense<0.000000e+00> : vector<128x3200xf32>
    %dot_general3A_51 = tpu.matmul %get3A_49, %abs3A, %dot_general3A_50 {dimension_numbers = #tpu.dot_dimension_numbers<[1], [1], [0], [0], [0, 0, 1, 0], [], []>, transpose_lhs_hint = false} : vector<128x128xf32>, vector<3200x128xf32>, vector<128x3200xf32> -> vector<128x3200xf32>
    %add3A_52 = arith.addf %add3A_44, %dot_general3A_51 : vector<128x3200xf32>
    %get3A_53 = arith.constant 4 : index
    %get3A_54 = arith.constant 0 : index
    %get3A_55 = arith.constant 0 : index
    %get3A_56 = vector.load %arg3[%get3A_53, %get3A_54, %get3A_55] : memref<5x128x128xf32, #tpu.memory_space<vmem>>, vector<1x128x128xf32>
    %get3A_57 = vector.shape_cast %get3A_56 : vector<1x128x128xf32> to vector<128x128xf32>
    %sub3A_58 = arith.subf %get3A_8, %get3A_18 : vector<3200x128xf32>
    %abs3A_59 = math.absf %sub3A_58 : vector<3200x128xf32>
    %dot_general3A_60 = arith.constant dense<0.000000e+00> : vector<128x3200xf32>
    %dot_general3A_61 = tpu.matmul %get3A_57, %abs3A_59, %dot_general3A_60 {dimension_numbers = #tpu.dot_dimension_numbers<[1], [1], [0], [0], [0, 0, 1, 0], [], []>, transpose_lhs_hint = false} : vector<128x128xf32>, vector<3200x128xf32>, vector<128x3200xf32> -> vector<128x3200xf32>
    %add3A_62 = arith.addf %add3A_52, %dot_general3A_61 : vector<128x3200xf32>
    %get3A_63 = arith.constant 0 : index
    %get3A_64 = arith.constant 0 : index
    %get3A_65 = vector.load %arg4[%get3A_63, %get3A_64] : memref<128x1xf32, #tpu.memory_space<vmem>>, vector<128x1xf32>
    %add3A_66 = vector.broadcast %get3A_65 : vector<128x1xf32> to vector<128x3200xf32>
    %add3A_67 = arith.addf %add3A_62, %add3A_66 : vector<128x3200xf32>
    %swap3A = arith.constant 0 : index
    %swap3A_68 = arith.constant 0 : index
    %swap3A_69 = vector.load %arg6[%swap3A, %swap3A_68] : memref<128x3200xf32, #tpu.memory_space<vmem>>, vector<128x3200xf32>
    tpu.vector_store %arg6[%swap3A, %swap3A_68], %add3A_67 {strides = array<i32>} : memref<128x3200xf32, #tpu.memory_space<vmem>>, vector<128x3200xf32>,
    return
  }
  func.func @transform_0(%arg0: i32) -> (i32, i32) {
    %add3A = arith.constant 30 : i32
    %add3A_0 = arith.addi %arg0, %add3A : i32
    %c0_i32 = arith.constant 0 : i32
    %c0_i32_1 = arith.constant 0 : i32
    return %c0_i32, %add3A_0 : i32, i32
  }
  func.func @transform_1(%arg0: i32) -> (i32, i32, i32) {
    %c0_i32 = arith.constant 0 : i32
    %c0_i32_0 = arith.constant 0 : i32
    %c0_i32_1 = arith.constant 0 : i32
    return %c0_i32, %arg0, %c0_i32_0 : i32, i32, i32
  }
  func.func @transform_2(%arg0: i32) -> (i32, i32, i32) {
    %c0_i32 = arith.constant 0 : i32
    %c0_i32_0 = arith.constant 0 : i32
    %c0_i32_1 = arith.constant 0 : i32
    %c0_i32_2 = arith.constant 0 : i32
    return %c0_i32, %c0_i32_0, %c0_i32_1 : i32, i32, i32
  }
  func.func @transform_3(%arg0: i32) -> (i32, i32) {
    %c0_i32 = arith.constant 0 : i32
    %c0_i32_0 = arith.constant 0 : i32
    %c0_i32_1 = arith.constant 0 : i32
    return %c0_i32, %c0_i32_0 : i32, i32
  }
  func.func @transform_5(%arg0: i32) -> (i32, i32) {
    %add3A = arith.constant 30 : i32
    %add3A_0 = arith.addi %arg0, %add3A : i32
    %c0_i32 = arith.constant 0 : i32
    %c0_i32_1 = arith.constant 0 : i32
    return %c0_i32, %add3A_0 : i32, i32
  }
}

module attributes {stable_mosaic.version = 14 : i64} {
  func.func @_tc_conv_body(%arg0: i32, %arg1: memref<128x3200xf32, #tpu.memory_space<vmem>>, %arg2: memref<4x3200x128xf32, #tpu.memory_space<vmem>>, %arg3: memref<5x128x128xf32, #tpu.memory_space<vmem>>, %arg4: memref<128x1xf32, #tpu.memory_space<vmem>>, %arg5: memref<128x160000xf32, #tpu.memory_space<any>>, %arg6: memref<128x3200xf32, #tpu.memory_space<vmem>>) attributes {dimension_semantics = [#tpu.dimension_semantics<arbitrary>], iteration_bounds = array<i64: 10>, scalar_prefetch = 0 : i64, scratch_operands = 0 : i64, tpu.core_type = #tpu.core_type<tc>, window_params = [{transform_indices = @transform_0, window_bounds = array<i64: 128, 3200>}, {transform_indices = @transform_1, window_bounds = array<i64: 4, 3200, 128>}, {pipeline_mode = #tpu.pipeline_mode<synchronous>, transform_indices = @transform_2, window_bounds = array<i64: 5, 128, 128>}, {pipeline_mode = #tpu.pipeline_mode<synchronous>, transform_indices = @transform_3, window_bounds = array<i64: 128, 1>}, {}, {transform_indices = @transform_5, window_bounds = array<i64: 128, 3200>}]} {
    %get3A = arith.constant 0 : index
    %get3A_0 = arith.constant 0 : index
    %get3A_1 = arith.constant 0 : index
    %get3A_2 = vector.load %arg2[%get3A, %get3A_0, %get3A_1] : memref<4x3200x128xf32, #tpu.memory_space<vmem>>, vector<1x3200x128xf32>
    %get3A_3 = vector.shape_cast %get3A_2 : vector<1x3200x128xf32> to vector<3200x128xf32>
    %get3A_4 = arith.constant 1 : index
    %get3A_5 = arith.constant 0 : index
    %get3A_6 = arith.constant 0 : index
    %get3A_7 = vector.load %arg2[%get3A_4, %get3A_5, %get3A_6] : memref<4x3200x128xf32, #tpu.memory_space<vmem>>, vector<1x3200x128xf32>
    %get3A_8 = vector.shape_cast %get3A_7 : vector<1x3200x128xf32> to vector<3200x128xf32>
    %get3A_9 = arith.constant 2 : index
    %get3A_10 = arith.constant 0 : index
    %get3A_11 = arith.constant 0 : index
    %get3A_12 = vector.load %arg2[%get3A_9, %get3A_10, %get3A_11] : memref<4x3200x128xf32, #tpu.memory_space<vmem>>, vector<1x3200x128xf32>
    %get3A_13 = vector.shape_cast %get3A_12 : vector<1x3200x128xf32> to vector<3200x128xf32>
    %get3A_14 = arith.constant 3 : index
    %get3A_15 = arith.constant 0 : index
    %get3A_16 = arith.constant 0 : index
    %get3A_17 = vector.load %arg2[%get3A_14, %get3A_15, %get3A_16] : memref<4x3200x128xf32, #tpu.memory_space<vmem>>, vector<1x3200x128xf32>
    %get3A_18 = vector.shape_cast %get3A_17 : vector<1x3200x128xf32> to vector<3200x128xf32>
    %get3A_19 = arith.constant 0 : index
    %get3A_20 = arith.constant 0 : index
    %get3A_21 = arith.constant 0 : index
    %get3A_22 = vector.load %arg3[%get3A_19, %get3A_20, %get3A_21] : memref<5x128x128xf32, #tpu.memory_space<vmem>>, vector<1x128x128xf32>
    %get3A_23 = vector.shape_cast %get3A_22 : vector<1x128x128xf32> to vector<128x128xf32>
    %get3A_24 = arith.constant 0 : index
    %get3A_25 = arith.constant 0 : index
    %get3A_26 = vector.load %arg1[%get3A_24, %get3A_25] : memref<128x3200xf32, #tpu.memory_space<vmem>>, vector<128x3200xf32>
    %dot_general3A = arith.constant dense<0.000000e+00> : vector<128x3200xf32>
    %dot_general3A_27 = tpu.matmul %get3A_23, %get3A_26, %dot_general3A {dimension_numbers = #tpu.dot_dimension_numbers<[1], [0], [0], [1], [0, 0, 1, 1], [], []>, transpose_lhs_hint = false} : vector<128x128xf32>, vector<128x3200xf32>, vector<128x3200xf32> -> vector<128x3200xf32>
    %get3A_28 = arith.constant 1 : index
    %get3A_29 = arith.constant 0 : index
    %get3A_30 = arith.constant 0 : index
    %get3A_31 = vector.load %arg3[%get3A_28, %get3A_29, %get3A_30] : memref<5x128x128xf32, #tpu.memory_space<vmem>>, vector<1x128x128xf32>
    %get3A_32 = vector.shape_cast %get3A_31 : vector<1x128x128xf32> to vector<128x128xf32>
    %add3A = arith.addf %get3A_3, %get3A_13 : vector<3200x128xf32>
    %dot_general3A_33 = arith.constant dense<0.000000e+00> : vector<128x3200xf32>
    %dot_general3A_34 = tpu.matmul %get3A_32, %add3A, %dot_general3A_33 {dimension_numbers = #tpu.dot_dimension_numbers<[1], [1], [0], [0], [0, 0, 1, 0], [], []>, transpose_lhs_hint = false} : vector<128x128xf32>, vector<3200x128xf32>, vector<128x3200xf32> -> vector<128x3200xf32>
    %add3A_35 = arith.addf %dot_general3A_27, %dot_general3A_34 : vector<128x3200xf32>
    %get3A_36 = arith.constant 2 : index
    %get3A_37 = arith.constant 0 : index
    %get3A_38 = arith.constant 0 : index
    %get3A_39 = vector.load %arg3[%get3A_36, %get3A_37, %get3A_38] : memref<5x128x128xf32, #tpu.memory_space<vmem>>, vector<1x128x128xf32>
    %get3A_40 = vector.shape_cast %get3A_39 : vector<1x128x128xf32> to vector<128x128xf32>
    %add3A_41 = arith.addf %get3A_8, %get3A_18 : vector<3200x128xf32>
    %dot_general3A_42 = arith.constant dense<0.000000e+00> : vector<128x3200xf32>
    %dot_general3A_43 = tpu.matmul %get3A_40, %add3A_41, %dot_general3A_42 {dimension_numbers = #tpu.dot_dimension_numbers<[1], [1], [0], [0], [0, 0, 1, 0], [], []>, transpose_lhs_hint = false} : vector<128x128xf32>, vector<3200x128xf32>, vector<128x3200xf32> -> vector<128x3200xf32>
    %add3A_44 = arith.addf %add3A_35, %dot_general3A_43 : vector<128x3200xf32>
    %get3A_45 = arith.constant 3 : index
    %get3A_46 = arith.constant 0 : index
    %get3A_47 = arith.constant 0 : index
    %get3A_48 = vector.load %arg3[%get3A_45, %get3A_46, %get3A_47] : memref<5x128x128xf32, #tpu.memory_space<vmem>>, vector<1x128x128xf32>
    %get3A_49 = vector.shape_cast %get3A_48 : vector<1x128x128xf32> to vector<128x128xf32>
    %sub3A = arith.subf %get3A_3, %get3A_13 : vector<3200x128xf32>
    %abs3A = math.absf %sub3A : vector<3200x128xf32>
    %dot_general3A_50 = arith.constant dense<0.000000e+00> : vector<128x3200xf32>
    %dot_general3A_51 = tpu.matmul %get3A_49, %abs3A, %dot_general3A_50 {dimension_numbers = #tpu.dot_dimension_numbers<[1], [1], [0], [0], [0, 0, 1, 0], [], []>, transpose_lhs_hint = false} : vector<128x128xf32>, vector<3200x128xf32>, vector<128x3200xf32> -> vector<128x3200xf32>
    %add3A_52 = arith.addf %add3A_44, %dot_general3A_51 : vector<128x3200xf32>
    %get3A_53 = arith.constant 4 : index
    %get3A_54 = arith.constant 0 : index
    %get3A_55 = arith.constant 0 : index
    %get3A_56 = vector.load %arg3[%get3A_53, %get3A_54, %get3A_55] : memref<5x128x128xf32, #tpu.memory_space<vmem>>, vector<1x128x128xf32>
    %get3A_57 = vector.shape_cast %get3A_56 : vector<1x128x128xf32> to vector<128x128xf32>
    %sub3A_58 = arith.subf %get3A_8, %get3A_18 : vector<3200x128xf32>
    %abs3A_59 = math.absf %sub3A_58 : vector<3200x128xf32>
    %dot_general3A_60 = arith.constant dense<0.000000e+00> : vector<128x3200xf32>
    %dot_general3A_61 = tpu.matmul %get3A_57, %abs3A_59, %dot_general3A_60 {dimension_numbers = #tpu.dot_dimension_numbers<[1], [1], [0], [0], [0, 0, 1, 0], [], []>, transpose_lhs_hint = false} : vector<128x128xf32>, vector<3200x128xf32>, vector<128x3200xf32> -> vector<128x3200xf32>
    %add3A_62 = arith.addf %add3A_52, %dot_general3A_61 : vector<128x3200xf32>
    %get3A_63 = arith.constant 0 : index
    %get3A_64 = arith.constant 0 : index
    %get3A_65 = vector.load %arg4[%get3A_63, %get3A_64] : memref<128x1xf32, #tpu.memory_space<vmem>>, vector<128x1xf32>
    %add3A_66 = vector.broadcast %get3A_65 : vector<128x1xf32> to vector<128x3200xf32>
    %add3A_67 = arith.addf %add3A_62, %add3A_66 : vector<128x3200xf32>
    %swap3A = arith.constant 0 : index
    %swap3A_68 = arith.constant 0 : index
    %swap3A_69 = vector.load %arg6[%swap3A, %swap3A_68] : memref<128x3200xf32, #tpu.memory_space<vmem>>, vector<128x3200xf32>
    tpu.vector_store %arg6[%swap3A, %swap3A_68], %add3A_67 {strides = array<i32>} : memref<128x3200xf32, #tpu.memory_space<vmem>>, vector<128x3200xf32>,
    return
  }
  func.func @transform_0(%arg0: i32) -> (i32, i32) {
    %add3A = arith.constant 40 : i32
    %add3A_0 = arith.addi %arg0, %add3A : i32
    %c0_i32 = arith.constant 0 : i32
    %c0_i32_1 = arith.constant 0 : i32
    return %c0_i32, %add3A_0 : i32, i32
  }
  func.func @transform_1(%arg0: i32) -> (i32, i32, i32) {
    %c0_i32 = arith.constant 0 : i32
    %c0_i32_0 = arith.constant 0 : i32
    %c0_i32_1 = arith.constant 0 : i32
    return %c0_i32, %arg0, %c0_i32_0 : i32, i32, i32
  }
  func.func @transform_2(%arg0: i32) -> (i32, i32, i32) {
    %c0_i32 = arith.constant 0 : i32
    %c0_i32_0 = arith.constant 0 : i32
    %c0_i32_1 = arith.constant 0 : i32
    %c0_i32_2 = arith.constant 0 : i32
    return %c0_i32, %c0_i32_0, %c0_i32_1 : i32, i32, i32
  }
  func.func @transform_3(%arg0: i32) -> (i32, i32) {
    %c0_i32 = arith.constant 0 : i32
    %c0_i32_0 = arith.constant 0 : i32
    %c0_i32_1 = arith.constant 0 : i32
    return %c0_i32, %c0_i32_0 : i32, i32
  }
  func.func @transform_5(%arg0: i32) -> (i32, i32) {
    %add3A = arith.constant 40 : i32
    %add3A_0 = arith.addi %arg0, %add3A : i32
    %c0_i32 = arith.constant 0 : i32
    %c0_i32_1 = arith.constant 0 : i32
    return %c0_i32, %add3A_0 : i32, i32
  }
}

</mosaic_0001>

<sc_bundles>
// kernel: kernel.12.cloned.1.call-start
scs
__scs_entry_jumppad:
0x0: {  	(pc) =	sbr.rel $0x88, $3  }
0x1: {  	(tag) =	ssettag $0x0;
	lr =	simm.s32 $0x1  }
0x2: {  	[smem:$0x3F9D] =	sst lr;
	_ =	strace $0xD0000000  }
0x3: {  	_ = 	snop  }
0x4: {  	_ = 	snop  }
0x5: {  	_ = 	snop  }
0x6: {  	_ = 	snop  }
0x7: {  	_ = 	snop  }
__scs_overlays_trampoline_lowered:
0x8: {  	[smem:$0x3FAC] =	sst s0  }
0x9: {  	[smem:$0x3FAD] =	sst s1  }
0xa: {  	[smem:$0x3FAE] =	sst s2  }
0xb: {  	[smem:$0x3FAF] =	sst s3  }
0xc: {  	[smem:$0x3FB0] =	sst s4  }
0xd: {  	[smem:$0x3FB1] =	sst s5  }
0xe: {  	[smem:$0x3FB2] =	sst s6  }
0xf: {  	[smem:$0x3FB3] =	sst s7  }
0x10: {  	[smem:$0x3FB4] =	sst s8  }
0x11: {  	[smem:$0x3FB5] =	sst s9;
	s0 =	simm.s32 @!p0 $0x0  }
0x12: {  	s1 =	sld [smem:$0x3F9B];
	s0 =	simm.s32 @p0 $0x1  }
0x13: {  	[smem:$0x3FB6] =	sst s0;
	s0 =	simm.s32 @!p1 $0x0  }
0x14: {  	s2 =	sld [smem:$0x3F9A];
	s0 =	simm.s32 @p1 $0x1  }
0x15: {  	[smem:$0x3FB7] =	sst s0;
	s0 =	simm.s32 @!p2 $0x0  }
0x16: {  	s3 =	sld [smem:$0x3FDB];
	s0 =	simm.s32 @p2 $0x1  }
0x17: {  	s4 =	simm.s32 $0x1BF5;
	[smem:$0x3FB9] =	sst s0  }
0x18: {  	s0 =	sld [smem:$0x3F9C];
	_ =	swait.ge [sflag:s4], $0x0  }
0x19: {  	s7 =	sld [smem:$0x3F9D]  }
0x1a: {  	s8 =	sadd.s32 $0xFFFFE003, lr  }
0x1b: {  	s9 =	sadd.s32 $0xFFFFFEF7, lr;
	s5 =	simm.s32 $0xFFFFFFFF;
	p2 =	slt.u32 s8, $0xFFFFF086  }
0x1c: {  	p1 =	slt.u32 s9, $0xF7A;
	s5 =	simm.s32 @!p2 $0x0  }
0x1d: {  	s5 =	simm.s32 @p1 $0x1;
	p0 =	seq.s32 s7, s2  }
0x1e: {  	s7 =	smul.u32 @!p0 $0xF7A, s2;
	p2 =	seq.s32 @!p0 s5, $0x0  }
0x1f: {  	s9 =	smul.u32 $0xF7A, s1;
	s8 =	simm.s32 @!p0 $0x1BF5;
	p2 =	por !p2, p0  }
0x20: {  	[sflag:s8] =	ssyncset.s32 @!p0 $0xFFFFF086;
	s6 =	sadd.s32 @!p0 s3, s7;
	s7 =	simm.s32 @!p0 $0x108  }
0x21: {  	s3 =	sadd.s32 s3, s9;
	s6 =	sadd.s32 @!p0 $0x88, s6;
	s7 =	simm.s32 @p2 $0x1082  }
0x22: {  	[simem:s7], [sflag:s8] =	dma.local @!p0 [hbm:s6], $0xF7A  }
0x23: {  	s9 =	sor.u32 $0xD0000000, s2;
	s6 =	simm.s32 $0x108;
	_ =	swait.ge @!p0 [sflag:s8], $0x0  }
0x24: {  	s3 =	sadd.s32 $0x88, s3;
	s6 =	simm.s32 @!p1 $0x1082;
	[sflag:s4] =	ssyncset.s32 $0xFFFFF086  }
0x25: {  	[simem:s6], [sflag:s4] =	dma.local [hbm:s3], $0xF7A  }
0x26: {  	[smem:$0x3F9D] =	sst s1;
	(tag) =	ssettag s2;
	_ =	strace s9  }
0x27: {  	s1 =	sld [smem:$0x3FAD]  }
0x28: {  	s2 =	sld [smem:$0x3FAE]  }
0x29: {  	s4 =	sld [smem:$0x3FB0]  }
0x2a: {  	p0 =	seq.s32 s5, $0x0;
	s5 =	sld [smem:$0x3FB1]  }
0x2b: {  	s6 =	sld [smem:$0x3FB2]  }
0x2c: {  	s7 =	sld [smem:$0x3FB3]  }
0x2d: {  	s3 =	simm.s32 $0x108;
	s8 =	sld [smem:$0x3FB4]  }
0x2e: {  	s3 =	simm.s32 @!p0 $0x1082;
	s9 =	sld [smem:$0x3FB5]  }
0x2f: {  	lr =	sadd.s32 s0, s3;
	s0 =	sld [smem:$0x3FAC]  }
0x30: {  	s3 =	sld [smem:$0x3FAF]  }
0x31: {  	[smem:$0x3FB8] =	sst s10  }
0x32: {  	s10 =	sld [smem:$0x3FB6];
	_ =	sdelay $0x3  }
0x33: {  	p0 =	seq.s32 s10, $0x1;
	s10 =	sld [smem:$0x3FB8];
	_ =	sdelay $0x3  }
0x34: {  	[smem:$0x3FB8] =	sst s10  }
0x35: {  	s10 =	sld [smem:$0x3FB7];
	_ =	sdelay $0x3  }
0x36: {  	p1 =	seq.s32 s10, $0x1;
	s10 =	sld [smem:$0x3FB8];
	_ =	sdelay $0x3  }
0x37: {  	[smem:$0x3FB8] =	sst s10  }
0x38: {  	s10 =	sld [smem:$0x3FB9]  }
0x39: {  	_ = 	snop;
	(pc) =	sbr.ind lr, $3  }
0x3a: {  	_ = 	snop  }
0x3b: {  	_ = 	snop  }
0x3c: {  	p2 =	seq.s32 s10, $0x1;
	s10 =	sld [smem:$0x3FB8]  }
0x3d: {  	_ =	shalt  }
0x3e: {  	_ =	shalt  }
0x3f: {  	_ =	shalt  }
0x40: {  	_ =	shalt  }
0x41: {  	_ =	shalt  }
0x42: {  	_ =	shalt  }
0x43: {  	_ =	shalt  }
0x44: {  	_ =	shalt  }
0x45: {  	_ =	shalt  }
0x46: {  	_ =	shalt  }
0x47: {  	_ =	shalt  }
0x48: {  	_ =	shalt  }
0x49: {  	_ =	shalt  }
0x4a: {  	_ =	shalt  }
0x4b: {  	_ =	shalt  }
0x4c: {  	_ =	shalt  }
0x4d: {  	_ =	shalt  }
0x4e: {  	_ =	shalt  }
0x4f: {  	_ =	shalt  }
0x50: {  	_ =	shalt  }
0x51: {  	_ =	shalt  }
0x52: {  	_ =	shalt  }
0x53: {  	_ =	shalt  }
0x54: {  	_ =	shalt  }
0x55: {  	_ =	shalt  }
0x56: {  	_ =	shalt  }
0x57: {  	_ =	shalt  }
0x58: {  	_ =	shalt  }
0x59: {  	_ =	shalt  }
0x5a: {  	_ =	shalt  }
0x5b: {  	_ =	shalt  }
0x5c: {  	_ =	shalt  }
0x5d: {  	_ =	shalt  }
0x5e: {  	_ =	shalt  }
0x5f: {  	_ =	shalt  }
0x60: {  	_ =	shalt  }
0x61: {  	_ =	shalt  }
0x62: {  	_ =	shalt  }
0x63: {  	_ =	shalt  }
0x64: {  	_ =	shalt  }
0x65: {  	_ =	shalt  }
0x66: {  	_ =	shalt  }
0x67: {  	_ =	shalt  }
0x68: {  	_ =	shalt  }
0x69: {  	_ =	shalt  }
0x6a: {  	_ =	shalt  }
0x6b: {  	_ =	shalt  }
0x6c: {  	_ =	shalt  }
0x6d: {  	_ =	shalt  }
0x6e: {  	_ =	shalt  }
0x6f: {  	_ =	shalt  }
0x70: {  	_ =	shalt  }
0x71: {  	_ =	shalt  }
0x72: {  	_ =	shalt  }
0x73: {  	_ =	shalt  }
0x74: {  	_ =	shalt  }
0x75: {  	_ =	shalt  }
0x76: {  	_ =	shalt  }
0x77: {  	_ =	shalt  }
0x78: {  	_ =	shalt  }
0x79: {  	_ =	shalt  }
0x7a: {  	_ =	shalt  }
0x7b: {  	_ =	shalt  }
0x7c: {  	_ =	shalt  }
0x7d: {  	_ =	shalt  }
0x7e: {  	_ =	shalt  }
0x7f: {  	_ =	shalt  }
0x80: {  	_ =	shalt  }
0x81: {  	_ =	shalt  }
0x82: {  	_ =	shalt  }
0x83: {  	_ =	shalt  }
0x84: {  	_ =	shalt  }
0x85: {  	_ =	shalt  }
0x86: {  	_ =	shalt  }
0x87: {  	_ =	shalt  }
.Lfunc_end0:
.L_simem_size_0:
called_computation.1_lowered:
.L_overlay_start_0:
0x88: {  	s2 =	sld [smem:$0x3FD9]  }
0x89: {  	s3 =	sld [smem:$0x3FFE];
	_ =	sdelay $0x1  }
0x8a: {  	s1 =	srdreg.scid  }
0x8b: {  	s0 =	sand.u32 $0x1, s1  }
0x8c: {  	s17 =	sshll.u32 s0, $0xA;
	s2 =	sadd.s32 s3, s2  }
0x8d: {  	s2 =	sadd.s32 s2, s17  }
0x8e: {  	[smem:$0x3FC4] =	sst s2  }
0x8f: {  	_ = 	snop  }
0x90: {  	s2 =	sld [smem:$0x3FD0];
	(tm) =	ssettm $0x1  }
0x91: {  	s18 =	sld [smem:$0x3FFB];
	_ =	sdelay $0x3  }
0x92: {  	_ =	strace s18  }
0x93: {  	s3 =	sld [smem:$0x3FFC];
	_ =	sdelay $0x3  }
0x94: {  	_ =	strace s3  }
0x95: {  	s3 =	sld [smem:$0x3FFD];
	_ =	sdelay $0x3  }
0x96: {  	_ =	strace s3  }
0x97: {  	_ =	strace $0x8FFFFFFF  }
0x98: {  	s19 =	sld [smem:$0x3FDB];
	_ =	sdelay $0x1  }
0x99: {  	s4 =	simm.s32 $_scs_section_size  }
0x9a: {  	s5 =	simm.s32 $_size__tile_overlayer_lowered;
	s6 =	simm.s32 $_tile_overlayer_lowered  }
0x9b: {  	s22 =	simm.s32 $0x1BFF;
	s21 =	sshll.u32 s6, $0x1;
	s3 =	sadd.s32 s4, s19  }
0x9c: {  	s7 =	simm.s32 $0x0;
	s20 =	sshll.u32 s5, $0x1;
	s5 =	sadd.s32 s21, s3  }
0x9d: {  	[timem:s7], [sflag:s22] =	dma.local [hbm:s5], s20  }
0x9e: {  	_ =	swait.ge [sflag:s22], s20  }
0x9f: {  	s4 =	ssub.s32 $0x0, s20;
	[sflag:s22] =	ssyncset.done $0x0  }
0xa0: {  	[sflag:s22] =	ssyncadd.s32 s4;
	_ =	sdelay $0x1  }
0xa1: {  	s23 =	simm.s32 $0x1B8B  }
0xa2: {  	_ =	swait.ge [sflag:s23], $0x1  }
0xa3: {  	[sflag:s23] =	ssyncset.done $0x0  }
0xa4: {  	s25 =	simm.s32 $0x1B8E;
	s24 =	sld [smem:$0x3FFE];
	[sflag:s23] =	ssyncadd.s32 $0xFFFFFFFF  }
0xa5: {  	s26 =	simm.s32 $execute0_lowered;
	[smem:$0x3FD2] =	sst s25  }
0xa6: {  	s5 =	sshll.u32 s26, $0x1;
	_ =	strace $0x80000046;
	[dreg:$0x1] =	wrdreg $0xFFFFFFFF  }
0xa7: {  	s28 =	simm.s32 $_size_execute0_lowered;
	s3 =	sadd.s32 s3, s5;
	[dreg:$0x0] =	wrdreg $0x0  }
0xa8: {  	s5 =	sshll.u32 s28, $0x1;
	[dreg:$0x2] =	wrdreg s3  }
0xa9: {  	[dreg:$0x3] =	wrdreg s5  }
0xaa: {  	[dreg:$0x4] =	wrdreg $0xC0  }
0xab: {  	_ =	task [dreg:s7], $0x5FFFF  }
0xac: {  	[dreg:$0x1] =	wrdreg $0xFFFFFFFF  }
0xad: {  	[dreg:$0x0] =	wrdreg $0x60  }
0xae: {  	[dreg:$0x2] =	wrdreg s2  }
0xaf: {  	[dreg:$0x3] =	wrdreg s24  }
0xb0: {  	[dreg:$0x4] =	wrdreg $0x9  }
0xb1: {  	_ =	task.clear_ibuf [dreg:s7], $0x5FFFF;
	_ =	strace $0x90000046  }
0xb2: {  	s29 =	simm.s32 $0x9;
	_ =	strace $0x80000048  }
0xb3: {  	_ =	swait.ge [sflag:s29], $0x1  }
0xb4: {  	[sflag:s29] =	ssyncadd.s32 $0xFFFFFFFF  }
0xb5: {  	_ =	strace $0x90000048  }
0xb6: {  	_ =	sfence  }
0xb7: {  	s30 =	sld [smem:$0x0];
	_ =	sdelay $0x2  }
0xb8: {  	s31 =	sshll.u32 s1, $0xD;
	s1 =	sshrl.u32 s1, $0x2  }
0xb9: {  	s3 =	sand.u32 $0x4000, s31;
	s1 =	sadd.s32 s1, s30  }
0xba: {  	s0 =	sor.u32 s3, s0;
	s1 =	sshll.u32 s1, $0x11  }
0xbb: {  	s0 =	sor.u32 s1, s0  }
0xbc: {  	s0 =	sadd.s32 $0x8F2B, s0  }
0xbd: {  	[sflag:s0] =	ssyncadd.remote.s32 $0x1  }
0xbe: {  	_ =	sfence.sel $0xFFFF  }
0xbf: {  	[dreg:$0x0] =	wrdreg $0xFFFFFFFF;
	(pc) =	sbr.abs _section_cstart, $3  }
0xc0: {  	[dreg:$0x1] =	wrdreg $0xFFFFFFFF  }
0xc1: {  	_ =	task.clear_ibuf [dreg:s7], $0x2FFFF;
	_ =	strace $0x9FFFFFFF  }
0xc2: {  	(tm) =	ssettm $0x7FFFFFFF  }
0xc3: {  	_ =	shalt  }
tec
execute0_lowered:
.L_overlay_start_1:
0x0: {  	(tag) =	ssettag $0x1  }
0x1: {  	s1 =	rddreg [dreg:$0x0]  }
0x2: {  	s4 =	rddreg [dreg:$0x1];
	s2 =	simm.s32 $0x0  }
0x3: {  	s3 =	srdreg.scid;
	s0 =	stileid.u32;
	s15 =	simm.s32 $0x1  }
0x4: {  	s16 =	simm.s32 $0x400;
	s17 =	simm.s32 $0x2;
	s18 =	simm.s32 $0x4400  }
0x5: {  	s19 =	simm.s32 $0x3;
	s20 =	simm.s32 $0x8400;
	s21 =	simm.s32 $0x4  }
0x6: {  	s22 =	simm.s32 $0x5;
	[smem:$0x7FF] =	sst s2;
	s9 =	sand.u32 $0x1, s3  }
0x7: {  	s6 =	sadd.s32 $0x1E00, s4;
	s8 =	sshll.u32 s0, $0x1;
	s10 =	sadd.s32 $0x15E00, s4  }
0x8: {  	s24 =	sshll.u32 s0, $0xF;
	s12 =	sshll.u32 s0, $0x7;
	s31 =	sshll.u32 s0, $0xC  }
0x9: {  	_ =	strace $0x80000047;
	s5 =	ssub.s32 $0x2, s9;
	s3 =	sor.u32 s9, s8  }
0xa: {  	s11 =	sshll.u32 s9, $0xE;
	s25 =	sadd.s32 s12, s6;
	s26 =	sshll.u32 s9, $0x6  }
0xb: {  	s14 =	sshll.u32 s9, $0xB;
	s7 =	sshrl.u32 s5, $0x1;
	[dreg:$0x3] =	wrdreg s3  }
0xc: {  	s23 =	sshll.u32 s3, $0x6;
	s11 =	sor.u32 s11, s24;
	s28 =	sadd.s32 s26, s25  }
0xd: {  	s24 =	simm.s32 $0x7;
	s25 =	simm.s32 $0x8;
	s26 =	simm.s32 $0x0  }
0xe: {  	s7 =	ssub.s32 s5, s7;
	s3 =	sadd.s32 s6, s23;
	s13 =	sadd.s32 $0x3E8000, s11  }
0xf: {  	s30 =	sadd.s32 $0x7D0000, s11;
	s11 =	sadd.s32 $0xBB8000, s11;
	s23 =	simm.s32 $0x6  }
.Ltmp0:
0x10: {  	[dreg:$0x4] =	wrdreg s3;
	s6 =	smax.u32 s7, $0x1;
	(pc) =	sbr.rel .LBB2_1-.Ltmp0, $4  }
0x11: {  	s29 =	sshrl.u32 s13, $0x3;
	s7 =	sadd.s32 $0x800, s28;
	s12 =	sshrl.u32 s30, $0x3  }
0x12: {  	s11 =	sshrl.u32 s11, $0x3;
	s13 =	sadd.s32 s31, s10;
	s8 =	sadd.s32 s29, s10  }
0x13: {  	s9 =	sadd.s32 s12, s10;
	s10 =	sadd.s32 s11, s10;
	s11 =	sadd.s32 s14, s13  }
0x14: {  	s12 =	simm.s32 $0x9;
	s13 =	simm.s32 $0x80;
	s14 =	simm.s32 $0xC400  }
.LBB2_5:
0x15: {  	_ =	swait.ge [sflag:s22], $0x4000  }
0x16: {  	[sflag:s22] =	ssyncset.done $0x0  }
0x17: {  	[sflag:s22] =	ssyncadd.s32 $0xFFFFC000  }
0x18: {  	_ =	swait.ge [sflag:s23], $0x4000  }
0x19: {  	[sflag:s23] =	ssyncset.done $0x0  }
0x1a: {  	s26 =	sadd.s32 $0x1, s26;
	[sflag:s23] =	ssyncadd.s32 $0xFFFFC000  }
0x1b: {  	p0 =	sne.s32 s26, s6;
	_ =	swait.ge [sflag:s24], $0x4000  }
.Ltmp1:
0x1c: {  	[sflag:s24] =	ssyncset.done $0x0;
	(pc) =	sbr.rel @!p0 .LBB2_6-.Ltmp1, $4  }
0x1d: {  	[sflag:s24] =	ssyncadd.s32 $0xFFFFC000  }
0x1e: {  	_ =	swait.ge [sflag:s25], $0x4000  }
0x1f: {  	[sflag:s25] =	ssyncset.done $0x0  }
0x20: {  	[sflag:s25] =	ssyncadd.s32 $0xFFFFC000  }
.LBB2_1:
.Ltmp2:
0x21: {  	(pc) =	sbr.rel .LBB2_2-.Ltmp2, $4  }
0x22: {  	s0 =	rddreg [dreg:$0x4]  }
0x23: {  	s28 =	rddreg [dreg:$0x3]  }
0x24: {  	s29 =	smov.u32 s7;
	s30 =	simm.s32 $0x0;
	s31 =	simm.s32 $0x0  }
0x25: {  	[tilespmem:s2], [sflag:$0x9] =	stream.linear.gather [hbm4b:s0+s2], $0x200, $0x38;
	[tilespmem:$0x10400] =	vst v63  }
.LBB2_4:
0x26: {  	s30 =	sadd.s32 $0x10000, s30  }
0x27: {  	p0 =	sne.s32 s30, $0x80000  }
.Ltmp3:
0x28: {  	_ = 	snop;
	(pc) =	sbr.rel @!p0 .LBB2_5-.Ltmp3, $2  }
0x29: {  	_ =	sdelay $0x2  }
0x2a: {  	s31 =	sadd.s32 $0x1, s31;
	s29 =	sadd.s32 $0x800, s29;
	s28 =	sadd.s32 $0x20, s28  }
.LBB2_2:
0x2b: {  	p0 =	sgt.u32 s28, $0xF9  }
.Ltmp4:
0x2c: {  	_ = 	snop;
	(pc) =	sbr.rel @p0 .LBB2_4-.Ltmp4, $1  }
0x2d: {  	_ =	sdelay $0x3  }
0x2e: {  	s0 =	sand.u32 $0x1, s31;
	_ =	swait.ge [sflag:s12], $0x200;
	p0 =	sgt.u32 s28, $0xD9  }
0x2f: {  	[sflag:s12] =	ssyncset.done $0x0;
	s3 =	sshll.u32 @!p0 s0, $0x9  }
0x30: {  	s5 =	simm.s32 @!p0 $0x0;
	[sflag:s12] =	ssyncadd.s32 $0xFFFFFE00;
	s3 =	sxor.u32 @!p0 $0x200, s3  }
0x31: {  	[tilespmem:s3], [sflag:$0x9] =	stream.linear.gather @!p0 [hbm4b:s29+s5], $0x200, $0x38;
	[tilespmem:$0x10400] =	vst v63  }
0x32: {  	p0 =	sne.s32 s30, $0x0  }
0x33: {  	s3 =	simm.s32 @p0 $0x5  }
0x34: {  	_ =	swait.ge @p0 [sflag:s3], $0x4000  }
0x35: {  	s0 =	sshll.u32 @p0 s0, $0x9;
	[sflag:s3] =	ssyncset.done @p0 $0x0  }
0x36: {  	s5 =	simm.s32 @p0 $0x400;
	[sflag:s3] =	ssyncadd.s32 @p0 $0xFFFFC000;
	s3 =	simm.s32 @p0 $0x80  }
0x37: {  	[tilespmem:s5], [sflag:$0x1] =	stream.indirect.gather @p0 [hbm4b:s1+s3], $0x80, s0, s3, $0xb8;
	[tilespmem:$0x10400] =	vst v63  }
0x38: {  	s5 =	simm.s32 @p0 $0x6  }
0x39: {  	_ =	swait.ge @p0 [sflag:s5], $0x4000  }
0x3a: {  	[sflag:s5] =	ssyncset.done @p0 $0x0  }
0x3b: {  	s4 =	simm.s32 @p0 $0x4400;
	[sflag:s5] =	ssyncadd.s32 @p0 $0xFFFFC000;
	s5 =	sor.u32 @p0 $0x80, s0  }
0x3c: {  	[tilespmem:s4], [sflag:$0x2] =	stream.indirect.gather @p0 [hbm4b:s1+s3], $0x80, s5, s3, $0xb8;
	[tilespmem:$0x10400] =	vst v63  }
0x3d: {  	s4 =	simm.s32 @p0 $0x7  }
0x3e: {  	_ =	swait.ge @p0 [sflag:s4], $0x4000  }
0x3f: {  	[sflag:s4] =	ssyncset.done @p0 $0x0  }
0x40: {  	s5 =	simm.s32 @p0 $0x8400;
	[sflag:s4] =	ssyncadd.s32 @p0 $0xFFFFC000;
	s4 =	sor.u32 @p0 $0x100, s0  }
0x41: {  	[tilespmem:s5], [sflag:$0x3] =	stream.indirect.gather @p0 [hbm4b:s1+s3], $0x80, s4, s3, $0xb8;
	[tilespmem:$0x10400] =	vst v63  }
0x42: {  	s3 =	simm.s32 @p0 $0x8  }
0x43: {  	_ =	swait.ge @p0 [sflag:s3], $0x4000  }
0x44: {  	s4 =	simm.s32 @!p0 $0x0;
	[sflag:s3] =	ssyncset.done @p0 $0x0  }
0x45: {  	s5 =	simm.s32 @!p0 $0x400;
	[sflag:s3] =	ssyncadd.s32 @p0 $0xFFFFC000;
	s3 =	simm.s32 @!p0 $0x80  }
0x46: {  	[tilespmem:s5], [sflag:$0x1] =	stream.indirect.gather @!p0 [hbm4b:s1+s3], $0x80, s4, s3, $0xb8;
	[tilespmem:$0x10400] =	vst v63  }
0x47: {  	s4 =	simm.s32 @!p0 $0x4400  }
0x48: {  	[tilespmem:s4], [sflag:$0x2] =	stream.indirect.gather @!p0 [hbm4b:s1+s3], $0x80, s3, s3, $0xb8;
	[tilespmem:$0x10400] =	vst v63  }
0x49: {  	s0 =	simm.s32 @!p0 $0x0;
	s5 =	simm.s32 @!p0 $0x8400;
	s4 =	simm.s32 @!p0 $0x100  }
0x4a: {  	[tilespmem:s5], [sflag:$0x3] =	stream.indirect.gather @!p0 [hbm4b:s1+s3], $0x80, s4, s3, $0xb8;
	[tilespmem:$0x10400] =	vst v63  }
0x4b: {  	s0 =	sadd.s32 $0x180, s0  }
0x4c: {  	[tilespmem:s14], [sflag:$0x4] =	stream.indirect.gather [hbm4b:s1+s13], $0x80, s0, s13, $0xb8;
	[tilespmem:$0x10400] =	vst v63  }
0x4d: {  	_ =	swait.ge [sflag:s15], $0x4000  }
0x4e: {  	[sflag:s15] =	ssyncset.done $0x0  }
0x4f: {  	s5 =	sadd.s32 s30, s11;
	[sflag:s15] =	ssyncadd.s32 $0xFFFFC000  }
0x50: {  	[hbm4b:s5+s2] =	stream.linear.scatter [tilespmem:s16], [sflag:$0x5], $0x4000, $0x38;
	[tilespmem:$0x10400] =	vst v63  }
0x51: {  	_ =	swait.ge [sflag:s17], $0x4000  }
0x52: {  	[sflag:s17] =	ssyncset.done $0x0  }
0x53: {  	s3 =	sadd.s32 s30, s8;
	[sflag:s17] =	ssyncadd.s32 $0xFFFFC000  }
0x54: {  	[hbm4b:s3+s2] =	stream.linear.scatter [tilespmem:s18], [sflag:$0x6], $0x4000, $0x38;
	[tilespmem:$0x10400] =	vst v63  }
0x55: {  	_ =	swait.ge [sflag:s19], $0x4000  }
0x56: {  	[sflag:s19] =	ssyncset.done $0x0  }
0x57: {  	s4 =	sadd.s32 s30, s9;
	[sflag:s19] =	ssyncadd.s32 $0xFFFFC000  }
0x58: {  	[hbm4b:s4+s2] =	stream.linear.scatter [tilespmem:s20], [sflag:$0x7], $0x4000, $0x38;
	[tilespmem:$0x10400] =	vst v63  }
.Ltmp5:
0x59: {  	_ = 	snop;
	(pc) =	sbr.rel .LBB2_4-.Ltmp5, $4  }
0x5a: {  	_ =	swait.ge [sflag:s21], $0x4000  }
0x5b: {  	[sflag:s21] =	ssyncset.done $0x0  }
0x5c: {  	s5 =	sadd.s32 s30, s10;
	[sflag:s21] =	ssyncadd.s32 $0xFFFFC000  }
0x5d: {  	[hbm4b:s5+s2] =	stream.linear.scatter [tilespmem:s14], [sflag:$0x8], $0x4000, $0x38;
	[tilespmem:$0x10400] =	vst v63  }
.LBB2_6:
0x5e: {  	_ =	sfence.sel $0x180000  }
0x5f: {  	[bflag:$0x0] =	sbarrier.arrive $0xFFFF  }
0x60: {  	_ =	strace $0x90000047  }
0x61: {  	s0 =	stileid.u32;
	[bflag:$0x2] =	sbarrier.arrive $0xFFFF  }
0x62: {  	p0 =	sne.s32 s0, $0x0;
	s0 =	rddreg [dreg:$0x2]  }
0x63: {  	s0 =	sadd.s32 @!p0 $0x100000, s0  }
0x64: {  	[sflag:s0] =	ssyncadd.tile.s32 @!p0 $0x1;
	_ =	shalt  }
.Lfunc_end2:
_tile_overlayer_lowered:
.L_overlay_start_2:
0x65: {  	(tag) =	ssettag $0x2  }
0x66: {  	s0 =	rddreg [dreg:$0x0];
	s2 =	stileid.u32  }
0x67: {  	s1 =	rddreg [dreg:$0x1];
	p0 =	sne.s32 s2, $0x0  }
0x68: {  	s3 =	rddreg [dreg:$0x2];
	[bflag:$0x3] =	sbarrier.arrive $0xFFFF;
	s2 =	simm.s32 @!p0 $0x1C0A  }
0x69: {  	[timem:s3], [sflag:s2] =	dma.local @!p0 [hbm:s0], s1  }
0x6a: {  	s0 =	simm.s32 @!p0 $0xA  }
0x6b: {  	_ =	swait.ge @!p0 [sflag:s0], s1  }
0x6c: {  	s1 =	ssub.s32 @!p0 $0x0, s1;
	[sflag:s0] =	ssyncset.done @!p0 $0x0  }
0x6d: {  	[sflag:s0] =	ssyncadd.s32 @!p0 s1  }
0x6e: {  	[bflag:$0x3] =	sbarrier.arrive $0xFFFF  }
0x6f: {  	_ =	shalt  }

// kernel: kernel.15.cloned.1.call-start
scs
__scs_entry_jumppad:
0x0: {  	(pc) =	sbr.rel $0x88, $3  }
0x1: {  	(tag) =	ssettag $0x0;
	lr =	simm.s32 $0x1  }
0x2: {  	[smem:$0x3F9D] =	sst lr;
	_ =	strace $0xD0000000  }
0x3: {  	_ = 	snop  }
0x4: {  	_ = 	snop  }
0x5: {  	_ = 	snop  }
0x6: {  	_ = 	snop  }
0x7: {  	_ = 	snop  }
__scs_overlays_trampoline_lowered:
0x8: {  	[smem:$0x3FAC] =	sst s0  }
0x9: {  	[smem:$0x3FAD] =	sst s1  }
0xa: {  	[smem:$0x3FAE] =	sst s2  }
0xb: {  	[smem:$0x3FAF] =	sst s3  }
0xc: {  	[smem:$0x3FB0] =	sst s4  }
0xd: {  	[smem:$0x3FB1] =	sst s5  }
0xe: {  	[smem:$0x3FB2] =	sst s6  }
0xf: {  	[smem:$0x3FB3] =	sst s7  }
0x10: {  	[smem:$0x3FB4] =	sst s8  }
0x11: {  	[smem:$0x3FB5] =	sst s9;
	s0 =	simm.s32 @!p0 $0x0  }
0x12: {  	s1 =	sld [smem:$0x3F9B];
	s0 =	simm.s32 @p0 $0x1  }
0x13: {  	[smem:$0x3FB6] =	sst s0;
	s0 =	simm.s32 @!p1 $0x0  }
0x14: {  	s2 =	sld [smem:$0x3F9A];
	s0 =	simm.s32 @p1 $0x1  }
0x15: {  	[smem:$0x3FB7] =	sst s0;
	s0 =	simm.s32 @!p2 $0x0  }
0x16: {  	s3 =	sld [smem:$0x3FDB];
	s0 =	simm.s32 @p2 $0x1  }
0x17: {  	s4 =	simm.s32 $0x1BF5;
	[smem:$0x3FB9] =	sst s0  }
0x18: {  	s0 =	sld [smem:$0x3F9C];
	_ =	swait.ge [sflag:s4], $0x0  }
0x19: {  	s7 =	sld [smem:$0x3F9D]  }
0x1a: {  	s8 =	sadd.s32 $0xFFFFE003, lr  }
0x1b: {  	s9 =	sadd.s32 $0xFFFFFEF7, lr;
	s5 =	simm.s32 $0xFFFFFFFF;
	p2 =	slt.u32 s8, $0xFFFFF086  }
0x1c: {  	p1 =	slt.u32 s9, $0xF7A;
	s5 =	simm.s32 @!p2 $0x0  }
0x1d: {  	s5 =	simm.s32 @p1 $0x1;
	p0 =	seq.s32 s7, s2  }
0x1e: {  	s7 =	smul.u32 @!p0 $0xF7A, s2;
	p2 =	seq.s32 @!p0 s5, $0x0  }
0x1f: {  	s9 =	smul.u32 $0xF7A, s1;
	s8 =	simm.s32 @!p0 $0x1BF5;
	p2 =	por !p2, p0  }
0x20: {  	[sflag:s8] =	ssyncset.s32 @!p0 $0xFFFFF086;
	s6 =	sadd.s32 @!p0 s3, s7;
	s7 =	simm.s32 @!p0 $0x108  }
0x21: {  	s3 =	sadd.s32 s3, s9;
	s6 =	sadd.s32 @!p0 $0x88, s6;
	s7 =	simm.s32 @p2 $0x1082  }
0x22: {  	[simem:s7], [sflag:s8] =	dma.local @!p0 [hbm:s6], $0xF7A  }
0x23: {  	s9 =	sor.u32 $0xD0000000, s2;
	s6 =	simm.s32 $0x108;
	_ =	swait.ge @!p0 [sflag:s8], $0x0  }
0x24: {  	s3 =	sadd.s32 $0x88, s3;
	s6 =	simm.s32 @!p1 $0x1082;
	[sflag:s4] =	ssyncset.s32 $0xFFFFF086  }
0x25: {  	[simem:s6], [sflag:s4] =	dma.local [hbm:s3], $0xF7A  }
0x26: {  	[smem:$0x3F9D] =	sst s1;
	(tag) =	ssettag s2;
	_ =	strace s9  }
0x27: {  	s1 =	sld [smem:$0x3FAD]  }
0x28: {  	s2 =	sld [smem:$0x3FAE]  }
0x29: {  	s4 =	sld [smem:$0x3FB0]  }
0x2a: {  	p0 =	seq.s32 s5, $0x0;
	s5 =	sld [smem:$0x3FB1]  }
0x2b: {  	s6 =	sld [smem:$0x3FB2]  }
0x2c: {  	s7 =	sld [smem:$0x3FB3]  }
0x2d: {  	s3 =	simm.s32 $0x108;
	s8 =	sld [smem:$0x3FB4]  }
0x2e: {  	s3 =	simm.s32 @!p0 $0x1082;
	s9 =	sld [smem:$0x3FB5]  }
0x2f: {  	lr =	sadd.s32 s0, s3;
	s0 =	sld [smem:$0x3FAC]  }
0x30: {  	s3 =	sld [smem:$0x3FAF]  }
0x31: {  	[smem:$0x3FB8] =	sst s10  }
0x32: {  	s10 =	sld [smem:$0x3FB6];
	_ =	sdelay $0x3  }
0x33: {  	p0 =	seq.s32 s10, $0x1;
	s10 =	sld [smem:$0x3FB8];
	_ =	sdelay $0x3  }
0x34: {  	[smem:$0x3FB8] =	sst s10  }
0x35: {  	s10 =	sld [smem:$0x3FB7];
	_ =	sdelay $0x3  }
0x36: {  	p1 =	seq.s32 s10, $0x1;
	s10 =	sld [smem:$0x3FB8];
	_ =	sdelay $0x3  }
0x37: {  	[smem:$0x3FB8] =	sst s10  }
0x38: {  	s10 =	sld [smem:$0x3FB9]  }
0x39: {  	_ = 	snop;
	(pc) =	sbr.ind lr, $3  }
0x3a: {  	_ = 	snop  }
0x3b: {  	_ = 	snop  }
0x3c: {  	p2 =	seq.s32 s10, $0x1;
	s10 =	sld [smem:$0x3FB8]  }
0x3d: {  	_ =	shalt  }
0x3e: {  	_ =	shalt  }
0x3f: {  	_ =	shalt  }
0x40: {  	_ =	shalt  }
0x41: {  	_ =	shalt  }
0x42: {  	_ =	shalt  }
0x43: {  	_ =	shalt  }
0x44: {  	_ =	shalt  }
0x45: {  	_ =	shalt  }
0x46: {  	_ =	shalt  }
0x47: {  	_ =	shalt  }
0x48: {  	_ =	shalt  }
0x49: {  	_ =	shalt  }
0x4a: {  	_ =	shalt  }
0x4b: {  	_ =	shalt  }
0x4c: {  	_ =	shalt  }
0x4d: {  	_ =	shalt  }
0x4e: {  	_ =	shalt  }
0x4f: {  	_ =	shalt  }
0x50: {  	_ =	shalt  }
0x51: {  	_ =	shalt  }
0x52: {  	_ =	shalt  }
0x53: {  	_ =	shalt  }
0x54: {  	_ =	shalt  }
0x55: {  	_ =	shalt  }
0x56: {  	_ =	shalt  }
0x57: {  	_ =	shalt  }
0x58: {  	_ =	shalt  }
0x59: {  	_ =	shalt  }
0x5a: {  	_ =	shalt  }
0x5b: {  	_ =	shalt  }
0x5c: {  	_ =	shalt  }
0x5d: {  	_ =	shalt  }
0x5e: {  	_ =	shalt  }
0x5f: {  	_ =	shalt  }
0x60: {  	_ =	shalt  }
0x61: {  	_ =	shalt  }
0x62: {  	_ =	shalt  }
0x63: {  	_ =	shalt  }
0x64: {  	_ =	shalt  }
0x65: {  	_ =	shalt  }
0x66: {  	_ =	shalt  }
0x67: {  	_ =	shalt  }
0x68: {  	_ =	shalt  }
0x69: {  	_ =	shalt  }
0x6a: {  	_ =	shalt  }
0x6b: {  	_ =	shalt  }
0x6c: {  	_ =	shalt  }
0x6d: {  	_ =	shalt  }
0x6e: {  	_ =	shalt  }
0x6f: {  	_ =	shalt  }
0x70: {  	_ =	shalt  }
0x71: {  	_ =	shalt  }
0x72: {  	_ =	shalt  }
0x73: {  	_ =	shalt  }
0x74: {  	_ =	shalt  }
0x75: {  	_ =	shalt  }
0x76: {  	_ =	shalt  }
0x77: {  	_ =	shalt  }
0x78: {  	_ =	shalt  }
0x79: {  	_ =	shalt  }
0x7a: {  	_ =	shalt  }
0x7b: {  	_ =	shalt  }
0x7c: {  	_ =	shalt  }
0x7d: {  	_ =	shalt  }
0x7e: {  	_ =	shalt  }
0x7f: {  	_ =	shalt  }
0x80: {  	_ =	shalt  }
0x81: {  	_ =	shalt  }
0x82: {  	_ =	shalt  }
0x83: {  	_ =	shalt  }
0x84: {  	_ =	shalt  }
0x85: {  	_ =	shalt  }
0x86: {  	_ =	shalt  }
0x87: {  	_ =	shalt  }
.Lfunc_end0:
.L_simem_size_0:
called_computation.2_lowered:
.L_overlay_start_0:
0x88: {  	s2 =	sld [smem:$0x3FD9]  }
0x89: {  	s3 =	sld [smem:$0x3FFE];
	_ =	sdelay $0x1  }
0x8a: {  	s1 =	srdreg.scid  }
0x8b: {  	s0 =	sand.u32 $0x1, s1  }
0x8c: {  	s17 =	sshll.u32 s0, $0xA;
	s2 =	sadd.s32 s3, s2  }
0x8d: {  	s2 =	sadd.s32 s2, s17  }
0x8e: {  	[smem:$0x3FC4] =	sst s2  }
0x8f: {  	_ = 	snop  }
0x90: {  	s18 =	sld [smem:$0x3FD0];
	(tm) =	ssettm $0x1  }
0x91: {  	s19 =	sld [smem:$0x3FFB];
	_ =	sdelay $0x3  }
0x92: {  	_ =	strace s19  }
0x93: {  	s2 =	sld [smem:$0x3FFC];
	_ =	sdelay $0x3  }
0x94: {  	_ =	strace s2  }
0x95: {  	s2 =	sld [smem:$0x3FFD];
	_ =	sdelay $0x3  }
0x96: {  	_ =	strace s2  }
0x97: {  	_ =	strace $0x8FFFFFFF  }
0x98: {  	s20 =	sld [smem:$0x3FDB];
	_ =	sdelay $0x1  }
0x99: {  	s4 =	simm.s32 $_scs_section_size  }
0x9a: {  	s5 =	simm.s32 $_size__tile_overlayer_lowered;
	s6 =	simm.s32 $_tile_overlayer_lowered  }
0x9b: {  	s7 =	simm.s32 $0x1BFF;
	s21 =	sshll.u32 s6, $0x1;
	s4 =	sadd.s32 s4, s20  }
0x9c: {  	s22 =	simm.s32 $0x0;
	s5 =	sshll.u32 s5, $0x1;
	s6 =	sadd.s32 s21, s4  }
0x9d: {  	[timem:s22], [sflag:s7] =	dma.local [hbm:s6], s5  }
0x9e: {  	_ =	swait.ge [sflag:s7], s5  }
0x9f: {  	s5 =	ssub.s32 $0x0, s5;
	[sflag:s7] =	ssyncset.done $0x0  }
0xa0: {  	[sflag:s7] =	ssyncadd.s32 s5;
	_ =	sdelay $0x1  }
0xa1: {  	s23 =	simm.s32 $0x1B8B  }
0xa2: {  	_ =	swait.ge [sflag:s23], $0x1  }
0xa3: {  	[sflag:s23] =	ssyncset.done $0x0  }
0xa4: {  	[sflag:s23] =	ssyncadd.s32 $0xFFFFFFFF  }
0xa5: {  	s5 =	sld [smem:$0x0]  }
0xa6: {  	s6 =	sand.u32 $0xFFFFFFFE, s1  }
0xa7: {  	p0 =	sne.s32 s1, s6  }
0xa8: {  	s6 =	sshll.u32 @p0 s6, $0xE  }
0xa9: {  	s6 =	sadd.s32 @p0 $0x11B8D, s6;
	s7 =	sshll.u32 @p0 s5, $0x11  }
0xaa: {  	s6 =	sor.u32 @p0 s7, s6  }
0xab: {  	[sflag:s6] =	ssyncadd.remote.s32 @p0 $0x1;
	_ =	sdelay $0x1  }
0xac: {  	s6 =	simm.s32 @p0 $0x1B8D  }
0xad: {  	_ =	swait.eq @p0 [sflag:s6], $0x1  }
0xae: {  	[sflag:s6] =	ssyncadd.s32 @p0 $0xFFFFFFFF  }
0xaf: {  	s7 =	sshll.u32 @!p0 s1, $0xE  }
0xb0: {  	s7 =	sor.u32 @!p0 $0x4000, s7;
	s6 =	simm.s32 @!p0 $0x1B8D  }
0xb1: {  	s5 =	sshll.u32 @!p0 s5, $0x11;
	s7 =	sadd.s32 @!p0 $0x11B8D, s7;
	_ =	swait.eq @!p0 [sflag:s6], $0x1  }
0xb2: {  	s5 =	sor.u32 @!p0 s5, s7;
	[sflag:s6] =	ssyncadd.s32 @!p0 $0xFFFFFFFF  }
0xb3: {  	s25 =	simm.s32 $0x1B8E;
	s24 =	sld [smem:$0x3FFE];
	[sflag:s5] =	ssyncadd.remote.s32 @!p0 $0x1  }
0xb4: {  	s26 =	simm.s32 $execute0_lowered;
	[smem:$0x3FD2] =	sst s25  }
0xb5: {  	s6 =	sshll.u32 s26, $0x1;
	_ =	strace $0x80000049;
	[dreg:$0x1] =	wrdreg $0xFFFFFFFF  }
0xb6: {  	s28 =	simm.s32 $_size_execute0_lowered;
	s4 =	sadd.s32 s4, s6;
	[dreg:$0x0] =	wrdreg $0x0  }
0xb7: {  	s6 =	sshll.u32 s28, $0x1;
	[dreg:$0x2] =	wrdreg s4  }
0xb8: {  	[dreg:$0x3] =	wrdreg s6  }
0xb9: {  	[dreg:$0x4] =	wrdreg $0xC0  }
0xba: {  	_ =	task [dreg:s22], $0x5FFFF  }
0xbb: {  	[dreg:$0x1] =	wrdreg $0xFFFFFFFF  }
0xbc: {  	[dreg:$0x0] =	wrdreg $0x60  }
0xbd: {  	[dreg:$0x2] =	wrdreg s18  }
0xbe: {  	[dreg:$0x3] =	wrdreg s24  }
0xbf: {  	[dreg:$0x4] =	wrdreg $0xA  }
0xc0: {  	_ =	task.clear_ibuf [dreg:s22], $0x5FFFF;
	_ =	strace $0x90000049  }
0xc1: {  	s29 =	simm.s32 $0xA;
	_ =	strace $0x8000004B  }
0xc2: {  	_ =	swait.ge [sflag:s29], $0x1  }
0xc3: {  	[sflag:s29] =	ssyncadd.s32 $0xFFFFFFFF  }
0xc4: {  	_ =	strace $0x9000004B  }
0xc5: {  	_ =	sfence  }
0xc6: {  	s30 =	sld [smem:$0x0];
	_ =	sdelay $0x2  }
0xc7: {  	s31 =	sshll.u32 s1, $0xD;
	s1 =	sshrl.u32 s1, $0x2  }
0xc8: {  	s4 =	sand.u32 $0x4000, s31;
	s1 =	sadd.s32 s1, s30  }
0xc9: {  	s0 =	sor.u32 s4, s0;
	s1 =	sshll.u32 s1, $0x11  }
0xca: {  	s0 =	sor.u32 s1, s0  }
0xcb: {  	s0 =	sadd.s32 $0x8F2B, s0  }
0xcc: {  	[sflag:s0] =	ssyncadd.remote.s32 $0x1  }
0xcd: {  	_ =	sfence.sel $0xFFFF  }
0xce: {  	[dreg:$0x0] =	wrdreg $0xFFFFFFFF;
	(pc) =	sbr.abs _section_cstart, $3  }
0xcf: {  	[dreg:$0x1] =	wrdreg $0xFFFFFFFF  }
0xd0: {  	_ =	task.clear_ibuf [dreg:s22], $0x2FFFF;
	_ =	strace $0x9FFFFFFF  }
0xd1: {  	(tm) =	ssettm $0x7FFFFFFF  }
tec
execute0_lowered:
.L_overlay_start_1:
0x0: {  	(tag) =	ssettag $0x1  }
0x1: {  	s1 =	rddreg [dreg:$0x0]  }
0x2: {  	s4 =	rddreg [dreg:$0x1];
	s2 =	simm.s32 $0x0  }
0x3: {  	s3 =	srdreg.scid;
	s0 =	stileid.u32;
	s15 =	simm.s32 $0x1  }
0x4: {  	s16 =	simm.s32 $0x400;
	s17 =	simm.s32 $0x2;
	s18 =	simm.s32 $0x4400  }
0x5: {  	s19 =	simm.s32 $0x3;
	s20 =	simm.s32 $0x8400;
	s21 =	simm.s32 $0x4  }
0x6: {  	s22 =	simm.s32 $0x5;
	[smem:$0x7FF] =	sst s2;
	s9 =	sand.u32 $0x1, s3  }
0x7: {  	s6 =	sadd.s32 $0x5E00, s4;
	s8 =	sshll.u32 s0, $0x1;
	s10 =	sadd.s32 $0x209E00, s4  }
0x8: {  	s24 =	sshll.u32 s0, $0xF;
	s12 =	sshll.u32 s0, $0x7;
	s31 =	sshll.u32 s0, $0xC  }
0x9: {  	_ =	strace $0x8000004A;
	s5 =	ssub.s32 $0x2, s9;
	s3 =	sor.u32 s9, s8  }
0xa: {  	s11 =	sshll.u32 s9, $0xE;
	s25 =	sadd.s32 s12, s6;
	s26 =	sshll.u32 s9, $0x6  }
0xb: {  	s14 =	sshll.u32 s9, $0xB;
	s7 =	sshrl.u32 s5, $0x1;
	[dreg:$0x3] =	wrdreg s3  }
0xc: {  	s23 =	sshll.u32 s3, $0x6;
	s11 =	sor.u32 s11, s24;
	s28 =	sadd.s32 s26, s25  }
0xd: {  	s24 =	simm.s32 $0x7;
	s25 =	simm.s32 $0x8;
	s26 =	simm.s32 $0x0  }
0xe: {  	s7 =	ssub.s32 s5, s7;
	s3 =	sadd.s32 s6, s23;
	s13 =	sadd.s32 $0x3E8000, s11  }
0xf: {  	s30 =	sadd.s32 $0x7D0000, s11;
	s11 =	sadd.s32 $0xBB8000, s11;
	s23 =	simm.s32 $0x6  }
.Ltmp0:
0x10: {  	[dreg:$0x4] =	wrdreg s3;
	s6 =	smax.u32 s7, $0x1;
	(pc) =	sbr.rel .LBB2_1-.Ltmp0, $4  }
0x11: {  	s29 =	sshrl.u32 s13, $0x3;
	s7 =	sadd.s32 $0x800, s28;
	s12 =	sshrl.u32 s30, $0x3  }
0x12: {  	s11 =	sshrl.u32 s11, $0x3;
	s13 =	sadd.s32 s31, s10;
	s8 =	sadd.s32 s29, s10  }
0x13: {  	s9 =	sadd.s32 s12, s10;
	s10 =	sadd.s32 s11, s10;
	s11 =	sadd.s32 s14, s13  }
0x14: {  	s12 =	simm.s32 $0x9;
	s13 =	simm.s32 $0x80;
	s14 =	simm.s32 $0xC400  }
.LBB2_5:
0x15: {  	_ =	swait.ge [sflag:s22], $0x4000  }
0x16: {  	[sflag:s22] =	ssyncset.done $0x0  }
0x17: {  	[sflag:s22] =	ssyncadd.s32 $0xFFFFC000  }
0x18: {  	_ =	swait.ge [sflag:s23], $0x4000  }
0x19: {  	[sflag:s23] =	ssyncset.done $0x0  }
0x1a: {  	s26 =	sadd.s32 $0x1, s26;
	[sflag:s23] =	ssyncadd.s32 $0xFFFFC000  }
0x1b: {  	p0 =	sne.s32 s26, s6;
	_ =	swait.ge [sflag:s24], $0x4000  }
.Ltmp1:
0x1c: {  	[sflag:s24] =	ssyncset.done $0x0;
	(pc) =	sbr.rel @!p0 .LBB2_6-.Ltmp1, $4  }
0x1d: {  	[sflag:s24] =	ssyncadd.s32 $0xFFFFC000  }
0x1e: {  	_ =	swait.ge [sflag:s25], $0x4000  }
0x1f: {  	[sflag:s25] =	ssyncset.done $0x0  }
0x20: {  	[sflag:s25] =	ssyncadd.s32 $0xFFFFC000  }
.LBB2_1:
.Ltmp2:
0x21: {  	(pc) =	sbr.rel .LBB2_2-.Ltmp2, $4  }
0x22: {  	s0 =	rddreg [dreg:$0x4]  }
0x23: {  	s28 =	rddreg [dreg:$0x3]  }
0x24: {  	s29 =	smov.u32 s7;
	s30 =	simm.s32 $0x0;
	s31 =	simm.s32 $0x0  }
0x25: {  	[tilespmem:s2], [sflag:$0x9] =	stream.linear.gather [hbm4b:s0+s2], $0x200, $0x38;
	[tilespmem:$0x10400] =	vst v63  }
.LBB2_4:
0x26: {  	s30 =	sadd.s32 $0x10000, s30  }
0x27: {  	p0 =	sne.s32 s30, $0x80000  }
.Ltmp3:
0x28: {  	_ = 	snop;
	(pc) =	sbr.rel @!p0 .LBB2_5-.Ltmp3, $2  }
0x29: {  	_ =	sdelay $0x2  }
0x2a: {  	s31 =	sadd.s32 $0x1, s31;
	s29 =	sadd.s32 $0x800, s29;
	s28 =	sadd.s32 $0x20, s28  }
.LBB2_2:
0x2b: {  	p0 =	sgt.u32 s28, $0xF9  }
.Ltmp4:
0x2c: {  	_ = 	snop;
	(pc) =	sbr.rel @p0 .LBB2_4-.Ltmp4, $1  }
0x2d: {  	_ =	sdelay $0x3  }
0x2e: {  	s0 =	sand.u32 $0x1, s31;
	_ =	swait.ge [sflag:s12], $0x200;
	p0 =	sgt.u32 s28, $0xD9  }
0x2f: {  	[sflag:s12] =	ssyncset.done $0x0;
	s3 =	sshll.u32 @!p0 s0, $0x9  }
0x30: {  	s5 =	simm.s32 @!p0 $0x0;
	[sflag:s12] =	ssyncadd.s32 $0xFFFFFE00;
	s3 =	sxor.u32 @!p0 $0x200, s3  }
0x31: {  	[tilespmem:s3], [sflag:$0x9] =	stream.linear.gather @!p0 [hbm4b:s29+s5], $0x200, $0x38;
	[tilespmem:$0x10400] =	vst v63  }
0x32: {  	p0 =	sne.s32 s30, $0x0  }
0x33: {  	s3 =	simm.s32 @p0 $0x5  }
0x34: {  	_ =	swait.ge @p0 [sflag:s3], $0x4000  }
0x35: {  	s0 =	sshll.u32 @p0 s0, $0x9;
	[sflag:s3] =	ssyncset.done @p0 $0x0  }
0x36: {  	s5 =	simm.s32 @p0 $0x400;
	[sflag:s3] =	ssyncadd.s32 @p0 $0xFFFFC000;
	s3 =	simm.s32 @p0 $0x80  }
0x37: {  	[tilespmem:s5], [sflag:$0x1] =	stream.indirect.gather @p0 [hbm4b:s1+s3], $0x80, s0, s3, $0xb8;
	[tilespmem:$0x10400] =	vst v63  }
0x38: {  	s5 =	simm.s32 @p0 $0x6  }
0x39: {  	_ =	swait.ge @p0 [sflag:s5], $0x4000  }
0x3a: {  	[sflag:s5] =	ssyncset.done @p0 $0x0  }
0x3b: {  	s4 =	simm.s32 @p0 $0x4400;
	[sflag:s5] =	ssyncadd.s32 @p0 $0xFFFFC000;
	s5 =	sor.u32 @p0 $0x80, s0  }
0x3c: {  	[tilespmem:s4], [sflag:$0x2] =	stream.indirect.gather @p0 [hbm4b:s1+s3], $0x80, s5, s3, $0xb8;
	[tilespmem:$0x10400] =	vst v63  }
0x3d: {  	s4 =	simm.s32 @p0 $0x7  }
0x3e: {  	_ =	swait.ge @p0 [sflag:s4], $0x4000  }
0x3f: {  	[sflag:s4] =	ssyncset.done @p0 $0x0  }
0x40: {  	s5 =	simm.s32 @p0 $0x8400;
	[sflag:s4] =	ssyncadd.s32 @p0 $0xFFFFC000;
	s4 =	sor.u32 @p0 $0x100, s0  }
0x41: {  	[tilespmem:s5], [sflag:$0x3] =	stream.indirect.gather @p0 [hbm4b:s1+s3], $0x80, s4, s3, $0xb8;
	[tilespmem:$0x10400] =	vst v63  }
0x42: {  	s3 =	simm.s32 @p0 $0x8  }
0x43: {  	_ =	swait.ge @p0 [sflag:s3], $0x4000  }
0x44: {  	s4 =	simm.s32 @!p0 $0x0;
	[sflag:s3] =	ssyncset.done @p0 $0x0  }
0x45: {  	s5 =	simm.s32 @!p0 $0x400;
	[sflag:s3] =	ssyncadd.s32 @p0 $0xFFFFC000;
	s3 =	simm.s32 @!p0 $0x80  }
0x46: {  	[tilespmem:s5], [sflag:$0x1] =	stream.indirect.gather @!p0 [hbm4b:s1+s3], $0x80, s4, s3, $0xb8;
	[tilespmem:$0x10400] =	vst v63  }
0x47: {  	s4 =	simm.s32 @!p0 $0x4400  }
0x48: {  	[tilespmem:s4], [sflag:$0x2] =	stream.indirect.gather @!p0 [hbm4b:s1+s3], $0x80, s3, s3, $0xb8;
	[tilespmem:$0x10400] =	vst v63  }
0x49: {  	s0 =	simm.s32 @!p0 $0x0;
	s5 =	simm.s32 @!p0 $0x8400;
	s4 =	simm.s32 @!p0 $0x100  }
0x4a: {  	[tilespmem:s5], [sflag:$0x3] =	stream.indirect.gather @!p0 [hbm4b:s1+s3], $0x80, s4, s3, $0xb8;
	[tilespmem:$0x10400] =	vst v63  }
0x4b: {  	s0 =	sadd.s32 $0x180, s0  }
0x4c: {  	[tilespmem:s14], [sflag:$0x4] =	stream.indirect.gather [hbm4b:s1+s13], $0x80, s0, s13, $0xb8;
	[tilespmem:$0x10400] =	vst v63  }
0x4d: {  	_ =	swait.ge [sflag:s15], $0x4000  }
0x4e: {  	[sflag:s15] =	ssyncset.done $0x0  }
0x4f: {  	s5 =	sadd.s32 s30, s11;
	[sflag:s15] =	ssyncadd.s32 $0xFFFFC000  }
0x50: {  	[hbm4b:s5+s2] =	stream.linear.scatter [tilespmem:s16], [sflag:$0x5], $0x4000, $0x38;
	[tilespmem:$0x10400] =	vst v63  }
0x51: {  	_ =	swait.ge [sflag:s17], $0x4000  }
0x52: {  	[sflag:s17] =	ssyncset.done $0x0  }
0x53: {  	s3 =	sadd.s32 s30, s8;
	[sflag:s17] =	ssyncadd.s32 $0xFFFFC000  }
0x54: {  	[hbm4b:s3+s2] =	stream.linear.scatter [tilespmem:s18], [sflag:$0x6], $0x4000, $0x38;
	[tilespmem:$0x10400] =	vst v63  }
0x55: {  	_ =	swait.ge [sflag:s19], $0x4000  }
0x56: {  	[sflag:s19] =	ssyncset.done $0x0  }
0x57: {  	s4 =	sadd.s32 s30, s9;
	[sflag:s19] =	ssyncadd.s32 $0xFFFFC000  }
0x58: {  	[hbm4b:s4+s2] =	stream.linear.scatter [tilespmem:s20], [sflag:$0x7], $0x4000, $0x38;
	[tilespmem:$0x10400] =	vst v63  }
.Ltmp5:
0x59: {  	_ = 	snop;
	(pc) =	sbr.rel .LBB2_4-.Ltmp5, $4  }
0x5a: {  	_ =	swait.ge [sflag:s21], $0x4000  }
0x5b: {  	[sflag:s21] =	ssyncset.done $0x0  }
0x5c: {  	s5 =	sadd.s32 s30, s10;
	[sflag:s21] =	ssyncadd.s32 $0xFFFFC000  }
0x5d: {  	[hbm4b:s5+s2] =	stream.linear.scatter [tilespmem:s14], [sflag:$0x8], $0x4000, $0x38;
	[tilespmem:$0x10400] =	vst v63  }
.LBB2_6:
0x5e: {  	_ =	sfence.sel $0x180000  }
0x5f: {  	[bflag:$0x0] =	sbarrier.arrive $0xFFFF  }
0x60: {  	_ =	strace $0x9000004A  }
0x61: {  	s0 =	stileid.u32;
	[bflag:$0x2] =	sbarrier.arrive $0xFFFF  }
0x62: {  	p0 =	sne.s32 s0, $0x0;
	s0 =	rddreg [dreg:$0x2]  }
0x63: {  	s0 =	sadd.s32 @!p0 $0x100000, s0  }
0x64: {  	[sflag:s0] =	ssyncadd.tile.s32 @!p0 $0x1;
	_ =	shalt  }
.Lfunc_end2:
_tile_overlayer_lowered:
.L_overlay_start_2:
0x65: {  	(tag) =	ssettag $0x2  }
0x66: {  	s0 =	rddreg [dreg:$0x0];
	s2 =	stileid.u32  }
0x67: {  	s1 =	rddreg [dreg:$0x1];
	p0 =	sne.s32 s2, $0x0  }
0x68: {  	s3 =	rddreg [dreg:$0x2];
	[bflag:$0x3] =	sbarrier.arrive $0xFFFF;
	s2 =	simm.s32 @!p0 $0x1C0A  }
0x69: {  	[timem:s3], [sflag:s2] =	dma.local @!p0 [hbm:s0], s1  }
0x6a: {  	s0 =	simm.s32 @!p0 $0xA  }
0x6b: {  	_ =	swait.ge @!p0 [sflag:s0], s1  }
0x6c: {  	s1 =	ssub.s32 @!p0 $0x0, s1;
	[sflag:s0] =	ssyncset.done @!p0 $0x0  }
0x6d: {  	[sflag:s0] =	ssyncadd.s32 @!p0 s1  }
0x6e: {  	[bflag:$0x3] =	sbarrier.arrive $0xFFFF  }
0x6f: {  	_ =	shalt  }

// kernel: kernel.18.cloned.1.call-start
scs
__scs_entry_jumppad:
0x0: {  	(pc) =	sbr.rel $0x88, $3  }
0x1: {  	(tag) =	ssettag $0x0;
	lr =	simm.s32 $0x1  }
0x2: {  	[smem:$0x3F9D] =	sst lr;
	_ =	strace $0xD0000000  }
0x3: {  	_ = 	snop  }
0x4: {  	_ = 	snop  }
0x5: {  	_ = 	snop  }
0x6: {  	_ = 	snop  }
0x7: {  	_ = 	snop  }
__scs_overlays_trampoline_lowered:
0x8: {  	[smem:$0x3FAC] =	sst s0  }
0x9: {  	[smem:$0x3FAD] =	sst s1  }
0xa: {  	[smem:$0x3FAE] =	sst s2  }
0xb: {  	[smem:$0x3FAF] =	sst s3  }
0xc: {  	[smem:$0x3FB0] =	sst s4  }
0xd: {  	[smem:$0x3FB1] =	sst s5  }
0xe: {  	[smem:$0x3FB2] =	sst s6  }
0xf: {  	[smem:$0x3FB3] =	sst s7  }
0x10: {  	[smem:$0x3FB4] =	sst s8  }
0x11: {  	[smem:$0x3FB5] =	sst s9;
	s0 =	simm.s32 @!p0 $0x0  }
0x12: {  	s1 =	sld [smem:$0x3F9B];
	s0 =	simm.s32 @p0 $0x1  }
0x13: {  	[smem:$0x3FB6] =	sst s0;
	s0 =	simm.s32 @!p1 $0x0  }
0x14: {  	s2 =	sld [smem:$0x3F9A];
	s0 =	simm.s32 @p1 $0x1  }
0x15: {  	[smem:$0x3FB7] =	sst s0;
	s0 =	simm.s32 @!p2 $0x0  }
0x16: {  	s3 =	sld [smem:$0x3FDB];
	s0 =	simm.s32 @p2 $0x1  }
0x17: {  	s4 =	simm.s32 $0x1BF5;
	[smem:$0x3FB9] =	sst s0  }
0x18: {  	s0 =	sld [smem:$0x3F9C];
	_ =	swait.ge [sflag:s4], $0x0  }
0x19: {  	s7 =	sld [smem:$0x3F9D]  }
0x1a: {  	s8 =	sadd.s32 $0xFFFFE003, lr  }
0x1b: {  	s9 =	sadd.s32 $0xFFFFFEF7, lr;
	s5 =	simm.s32 $0xFFFFFFFF;
	p2 =	slt.u32 s8, $0xFFFFF086  }
0x1c: {  	p1 =	slt.u32 s9, $0xF7A;
	s5 =	simm.s32 @!p2 $0x0  }
0x1d: {  	s5 =	simm.s32 @p1 $0x1;
	p0 =	seq.s32 s7, s2  }
0x1e: {  	s7 =	smul.u32 @!p0 $0xF7A, s2;
	p2 =	seq.s32 @!p0 s5, $0x0  }
0x1f: {  	s9 =	smul.u32 $0xF7A, s1;
	s8 =	simm.s32 @!p0 $0x1BF5;
	p2 =	por !p2, p0  }
0x20: {  	[sflag:s8] =	ssyncset.s32 @!p0 $0xFFFFF086;
	s6 =	sadd.s32 @!p0 s3, s7;
	s7 =	simm.s32 @!p0 $0x108  }
0x21: {  	s3 =	sadd.s32 s3, s9;
	s6 =	sadd.s32 @!p0 $0x88, s6;
	s7 =	simm.s32 @p2 $0x1082  }
0x22: {  	[simem:s7], [sflag:s8] =	dma.local @!p0 [hbm:s6], $0xF7A  }
0x23: {  	s9 =	sor.u32 $0xD0000000, s2;
	s6 =	simm.s32 $0x108;
	_ =	swait.ge @!p0 [sflag:s8], $0x0  }
0x24: {  	s3 =	sadd.s32 $0x88, s3;
	s6 =	simm.s32 @!p1 $0x1082;
	[sflag:s4] =	ssyncset.s32 $0xFFFFF086  }
0x25: {  	[simem:s6], [sflag:s4] =	dma.local [hbm:s3], $0xF7A  }
0x26: {  	[smem:$0x3F9D] =	sst s1;
	(tag) =	ssettag s2;
	_ =	strace s9  }
0x27: {  	s1 =	sld [smem:$0x3FAD]  }
0x28: {  	s2 =	sld [smem:$0x3FAE]  }
0x29: {  	s4 =	sld [smem:$0x3FB0]  }
0x2a: {  	p0 =	seq.s32 s5, $0x0;
	s5 =	sld [smem:$0x3FB1]  }
0x2b: {  	s6 =	sld [smem:$0x3FB2]  }
0x2c: {  	s7 =	sld [smem:$0x3FB3]  }
0x2d: {  	s3 =	simm.s32 $0x108;
	s8 =	sld [smem:$0x3FB4]  }
0x2e: {  	s3 =	simm.s32 @!p0 $0x1082;
	s9 =	sld [smem:$0x3FB5]  }
0x2f: {  	lr =	sadd.s32 s0, s3;
	s0 =	sld [smem:$0x3FAC]  }
0x30: {  	s3 =	sld [smem:$0x3FAF]  }
0x31: {  	[smem:$0x3FB8] =	sst s10  }
0x32: {  	s10 =	sld [smem:$0x3FB6];
	_ =	sdelay $0x3  }
0x33: {  	p0 =	seq.s32 s10, $0x1;
	s10 =	sld [smem:$0x3FB8];
	_ =	sdelay $0x3  }
0x34: {  	[smem:$0x3FB8] =	sst s10  }
0x35: {  	s10 =	sld [smem:$0x3FB7];
	_ =	sdelay $0x3  }
0x36: {  	p1 =	seq.s32 s10, $0x1;
	s10 =	sld [smem:$0x3FB8];
	_ =	sdelay $0x3  }
0x37: {  	[smem:$0x3FB8] =	sst s10  }
0x38: {  	s10 =	sld [smem:$0x3FB9]  }
0x39: {  	_ = 	snop;
	(pc) =	sbr.ind lr, $3  }
0x3a: {  	_ = 	snop  }
0x3b: {  	_ = 	snop  }
0x3c: {  	p2 =	seq.s32 s10, $0x1;
	s10 =	sld [smem:$0x3FB8]  }
0x3d: {  	_ =	shalt  }
0x3e: {  	_ =	shalt  }
0x3f: {  	_ =	shalt  }
0x40: {  	_ =	shalt  }
0x41: {  	_ =	shalt  }
0x42: {  	_ =	shalt  }
0x43: {  	_ =	shalt  }
0x44: {  	_ =	shalt  }
0x45: {  	_ =	shalt  }
0x46: {  	_ =	shalt  }
0x47: {  	_ =	shalt  }
0x48: {  	_ =	shalt  }
0x49: {  	_ =	shalt  }
0x4a: {  	_ =	shalt  }
0x4b: {  	_ =	shalt  }
0x4c: {  	_ =	shalt  }
0x4d: {  	_ =	shalt  }
0x4e: {  	_ =	shalt  }
0x4f: {  	_ =	shalt  }
0x50: {  	_ =	shalt  }
0x51: {  	_ =	shalt  }
0x52: {  	_ =	shalt  }
0x53: {  	_ =	shalt  }
0x54: {  	_ =	shalt  }
0x55: {  	_ =	shalt  }
0x56: {  	_ =	shalt  }
0x57: {  	_ =	shalt  }
0x58: {  	_ =	shalt  }
0x59: {  	_ =	shalt  }
0x5a: {  	_ =	shalt  }
0x5b: {  	_ =	shalt  }
0x5c: {  	_ =	shalt  }
0x5d: {  	_ =	shalt  }
0x5e: {  	_ =	shalt  }
0x5f: {  	_ =	shalt  }
0x60: {  	_ =	shalt  }
0x61: {  	_ =	shalt  }
0x62: {  	_ =	shalt  }
0x63: {  	_ =	shalt  }
0x64: {  	_ =	shalt  }
0x65: {  	_ =	shalt  }
0x66: {  	_ =	shalt  }
0x67: {  	_ =	shalt  }
0x68: {  	_ =	shalt  }
0x69: {  	_ =	shalt  }
0x6a: {  	_ =	shalt  }
0x6b: {  	_ =	shalt  }
0x6c: {  	_ =	shalt  }
0x6d: {  	_ =	shalt  }
0x6e: {  	_ =	shalt  }
0x6f: {  	_ =	shalt  }
0x70: {  	_ =	shalt  }
0x71: {  	_ =	shalt  }
0x72: {  	_ =	shalt  }
0x73: {  	_ =	shalt  }
0x74: {  	_ =	shalt  }
0x75: {  	_ =	shalt  }
0x76: {  	_ =	shalt  }
0x77: {  	_ =	shalt  }
0x78: {  	_ =	shalt  }
0x79: {  	_ =	shalt  }
0x7a: {  	_ =	shalt  }
0x7b: {  	_ =	shalt  }
0x7c: {  	_ =	shalt  }
0x7d: {  	_ =	shalt  }
0x7e: {  	_ =	shalt  }
0x7f: {  	_ =	shalt  }
0x80: {  	_ =	shalt  }
0x81: {  	_ =	shalt  }
0x82: {  	_ =	shalt  }
0x83: {  	_ =	shalt  }
0x84: {  	_ =	shalt  }
0x85: {  	_ =	shalt  }
0x86: {  	_ =	shalt  }
0x87: {  	_ =	shalt  }
.Lfunc_end0:
.L_simem_size_0:
called_computation.3_lowered:
.L_overlay_start_0:
0x88: {  	s2 =	sld [smem:$0x3FD9]  }
0x89: {  	s3 =	sld [smem:$0x3FFE];
	_ =	sdelay $0x1  }
0x8a: {  	s1 =	srdreg.scid  }
0x8b: {  	s0 =	sand.u32 $0x1, s1  }
0x8c: {  	s17 =	sshll.u32 s0, $0xA;
	s2 =	sadd.s32 s3, s2  }
0x8d: {  	s2 =	sadd.s32 s2, s17  }
0x8e: {  	[smem:$0x3FC4] =	sst s2  }
0x8f: {  	_ = 	snop  }
0x90: {  	s18 =	sld [smem:$0x3FD0];
	(tm) =	ssettm $0x1  }
0x91: {  	s19 =	sld [smem:$0x3FFB];
	_ =	sdelay $0x3  }
0x92: {  	_ =	strace s19  }
0x93: {  	s2 =	sld [smem:$0x3FFC];
	_ =	sdelay $0x3  }
0x94: {  	_ =	strace s2  }
0x95: {  	s2 =	sld [smem:$0x3FFD];
	_ =	sdelay $0x3  }
0x96: {  	_ =	strace s2  }
0x97: {  	_ =	strace $0x8FFFFFFF  }
0x98: {  	s20 =	sld [smem:$0x3FDB];
	_ =	sdelay $0x1  }
0x99: {  	s4 =	simm.s32 $_scs_section_size  }
0x9a: {  	s5 =	simm.s32 $_size__tile_overlayer_lowered;
	s6 =	simm.s32 $_tile_overlayer_lowered  }
0x9b: {  	s7 =	simm.s32 $0x1BFF;
	s21 =	sshll.u32 s6, $0x1;
	s4 =	sadd.s32 s4, s20  }
0x9c: {  	s22 =	simm.s32 $0x0;
	s5 =	sshll.u32 s5, $0x1;
	s6 =	sadd.s32 s21, s4  }
0x9d: {  	[timem:s22], [sflag:s7] =	dma.local [hbm:s6], s5  }
0x9e: {  	_ =	swait.ge [sflag:s7], s5  }
0x9f: {  	s5 =	ssub.s32 $0x0, s5;
	[sflag:s7] =	ssyncset.done $0x0  }
0xa0: {  	[sflag:s7] =	ssyncadd.s32 s5;
	_ =	sdelay $0x1  }
0xa1: {  	s23 =	simm.s32 $0x1B8B  }
0xa2: {  	_ =	swait.ge [sflag:s23], $0x1  }
0xa3: {  	[sflag:s23] =	ssyncset.done $0x0  }
0xa4: {  	[sflag:s23] =	ssyncadd.s32 $0xFFFFFFFF  }
0xa5: {  	s5 =	sld [smem:$0x0]  }
0xa6: {  	s6 =	sand.u32 $0xFFFFFFFE, s1  }
0xa7: {  	p0 =	sne.s32 s1, s6  }
0xa8: {  	s6 =	sshll.u32 @p0 s6, $0xE  }
0xa9: {  	s6 =	sadd.s32 @p0 $0x11B8D, s6;
	s7 =	sshll.u32 @p0 s5, $0x11  }
0xaa: {  	s6 =	sor.u32 @p0 s7, s6  }
0xab: {  	[sflag:s6] =	ssyncadd.remote.s32 @p0 $0x1;
	_ =	sdelay $0x1  }
0xac: {  	s6 =	simm.s32 @p0 $0x1B8D  }
0xad: {  	_ =	swait.eq @p0 [sflag:s6], $0x1  }
0xae: {  	[sflag:s6] =	ssyncadd.s32 @p0 $0xFFFFFFFF  }
0xaf: {  	s7 =	sshll.u32 @!p0 s1, $0xE  }
0xb0: {  	s7 =	sor.u32 @!p0 $0x4000, s7;
	s6 =	simm.s32 @!p0 $0x1B8D  }
0xb1: {  	s5 =	sshll.u32 @!p0 s5, $0x11;
	s7 =	sadd.s32 @!p0 $0x11B8D, s7;
	_ =	swait.eq @!p0 [sflag:s6], $0x1  }
0xb2: {  	s5 =	sor.u32 @!p0 s5, s7;
	[sflag:s6] =	ssyncadd.s32 @!p0 $0xFFFFFFFF  }
0xb3: {  	s25 =	simm.s32 $0x1B8E;
	s24 =	sld [smem:$0x3FFE];
	[sflag:s5] =	ssyncadd.remote.s32 @!p0 $0x1  }
0xb4: {  	s26 =	simm.s32 $execute0_lowered;
	[smem:$0x3FD2] =	sst s25  }
0xb5: {  	s6 =	sshll.u32 s26, $0x1;
	_ =	strace $0x8000004C;
	[dreg:$0x1] =	wrdreg $0xFFFFFFFF  }
0xb6: {  	s28 =	simm.s32 $_size_execute0_lowered;
	s4 =	sadd.s32 s4, s6;
	[dreg:$0x0] =	wrdreg $0x0  }
0xb7: {  	s6 =	sshll.u32 s28, $0x1;
	[dreg:$0x2] =	wrdreg s4  }
0xb8: {  	[dreg:$0x3] =	wrdreg s6  }
0xb9: {  	[dreg:$0x4] =	wrdreg $0xC0  }
0xba: {  	_ =	task [dreg:s22], $0x5FFFF  }
0xbb: {  	[dreg:$0x1] =	wrdreg $0xFFFFFFFF  }
0xbc: {  	[dreg:$0x0] =	wrdreg $0x60  }
0xbd: {  	[dreg:$0x2] =	wrdreg s18  }
0xbe: {  	[dreg:$0x3] =	wrdreg s24  }
0xbf: {  	[dreg:$0x4] =	wrdreg $0xB  }
0xc0: {  	_ =	task.clear_ibuf [dreg:s22], $0x5FFFF;
	_ =	strace $0x9000004C  }
0xc1: {  	s29 =	simm.s32 $0xB;
	_ =	strace $0x8000004E  }
0xc2: {  	_ =	swait.ge [sflag:s29], $0x1  }
0xc3: {  	[sflag:s29] =	ssyncadd.s32 $0xFFFFFFFF  }
0xc4: {  	_ =	strace $0x9000004E  }
0xc5: {  	_ =	sfence  }
0xc6: {  	s30 =	sld [smem:$0x0];
	_ =	sdelay $0x2  }
0xc7: {  	s31 =	sshll.u32 s1, $0xD;
	s1 =	sshrl.u32 s1, $0x2  }
0xc8: {  	s4 =	sand.u32 $0x4000, s31;
	s1 =	sadd.s32 s1, s30  }
0xc9: {  	s0 =	sor.u32 s4, s0;
	s1 =	sshll.u32 s1, $0x11  }
0xca: {  	s0 =	sor.u32 s1, s0  }
0xcb: {  	s0 =	sadd.s32 $0x8F2B, s0  }
0xcc: {  	[sflag:s0] =	ssyncadd.remote.s32 $0x1  }
0xcd: {  	_ =	sfence.sel $0xFFFF  }
0xce: {  	[dreg:$0x0] =	wrdreg $0xFFFFFFFF;
	(pc) =	sbr.abs _section_cstart, $3  }
0xcf: {  	[dreg:$0x1] =	wrdreg $0xFFFFFFFF  }
0xd0: {  	_ =	task.clear_ibuf [dreg:s22], $0x2FFFF;
	_ =	strace $0x9FFFFFFF  }
0xd1: {  	(tm) =	ssettm $0x7FFFFFFF  }
tec
execute0_lowered:
.L_overlay_start_1:
0x0: {  	(tag) =	ssettag $0x1  }
0x1: {  	s1 =	rddreg [dreg:$0x0]  }
0x2: {  	s4 =	rddreg [dreg:$0x1];
	s2 =	simm.s32 $0x0  }
0x3: {  	s3 =	srdreg.scid;
	s0 =	stileid.u32;
	s15 =	simm.s32 $0x1  }
0x4: {  	s16 =	simm.s32 $0x400;
	s17 =	simm.s32 $0x2;
	s18 =	simm.s32 $0x4400  }
0x5: {  	s19 =	simm.s32 $0x3;
	s20 =	simm.s32 $0x8400;
	s21 =	simm.s32 $0x4  }
0x6: {  	s22 =	simm.s32 $0x5;
	[smem:$0x7FF] =	sst s2;
	s9 =	sand.u32 $0x1, s3  }
0x7: {  	s6 =	sadd.s32 $0x9E00, s4;
	s8 =	sshll.u32 s0, $0x1;
	s10 =	sadd.s32 $0x3FDE00, s4  }
0x8: {  	s24 =	sshll.u32 s0, $0xF;
	s12 =	sshll.u32 s0, $0x7;
	s31 =	sshll.u32 s0, $0xC  }
0x9: {  	_ =	strace $0x8000004D;
	s5 =	ssub.s32 $0x2, s9;
	s3 =	sor.u32 s9, s8  }
0xa: {  	s11 =	sshll.u32 s9, $0xE;
	s25 =	sadd.s32 s12, s6;
	s26 =	sshll.u32 s9, $0x6  }
0xb: {  	s14 =	sshll.u32 s9, $0xB;
	s7 =	sshrl.u32 s5, $0x1;
	[dreg:$0x3] =	wrdreg s3  }
0xc: {  	s23 =	sshll.u32 s3, $0x6;
	s11 =	sor.u32 s11, s24;
	s28 =	sadd.s32 s26, s25  }
0xd: {  	s24 =	simm.s32 $0x7;
	s25 =	simm.s32 $0x8;
	s26 =	simm.s32 $0x0  }
0xe: {  	s7 =	ssub.s32 s5, s7;
	s3 =	sadd.s32 s6, s23;
	s13 =	sadd.s32 $0x3E8000, s11  }
0xf: {  	s30 =	sadd.s32 $0x7D0000, s11;
	s11 =	sadd.s32 $0xBB8000, s11;
	s23 =	simm.s32 $0x6  }
.Ltmp0:
0x10: {  	[dreg:$0x4] =	wrdreg s3;
	s6 =	smax.u32 s7, $0x1;
	(pc) =	sbr.rel .LBB2_1-.Ltmp0, $4  }
0x11: {  	s29 =	sshrl.u32 s13, $0x3;
	s7 =	sadd.s32 $0x800, s28;
	s12 =	sshrl.u32 s30, $0x3  }
0x12: {  	s11 =	sshrl.u32 s11, $0x3;
	s13 =	sadd.s32 s31, s10;
	s8 =	sadd.s32 s29, s10  }
0x13: {  	s9 =	sadd.s32 s12, s10;
	s10 =	sadd.s32 s11, s10;
	s11 =	sadd.s32 s14, s13  }
0x14: {  	s12 =	simm.s32 $0x9;
	s13 =	simm.s32 $0x80;
	s14 =	simm.s32 $0xC400  }
.LBB2_5:
0x15: {  	_ =	swait.ge [sflag:s22], $0x4000  }
0x16: {  	[sflag:s22] =	ssyncset.done $0x0  }
0x17: {  	[sflag:s22] =	ssyncadd.s32 $0xFFFFC000  }
0x18: {  	_ =	swait.ge [sflag:s23], $0x4000  }
0x19: {  	[sflag:s23] =	ssyncset.done $0x0  }
0x1a: {  	s26 =	sadd.s32 $0x1, s26;
	[sflag:s23] =	ssyncadd.s32 $0xFFFFC000  }
0x1b: {  	p0 =	sne.s32 s26, s6;
	_ =	swait.ge [sflag:s24], $0x4000  }
.Ltmp1:
0x1c: {  	[sflag:s24] =	ssyncset.done $0x0;
	(pc) =	sbr.rel @!p0 .LBB2_6-.Ltmp1, $4  }
0x1d: {  	[sflag:s24] =	ssyncadd.s32 $0xFFFFC000  }
0x1e: {  	_ =	swait.ge [sflag:s25], $0x4000  }
0x1f: {  	[sflag:s25] =	ssyncset.done $0x0  }
0x20: {  	[sflag:s25] =	ssyncadd.s32 $0xFFFFC000  }
.LBB2_1:
.Ltmp2:
0x21: {  	(pc) =	sbr.rel .LBB2_2-.Ltmp2, $4  }
0x22: {  	s0 =	rddreg [dreg:$0x4]  }
0x23: {  	s28 =	rddreg [dreg:$0x3]  }
0x24: {  	s29 =	smov.u32 s7;
	s30 =	simm.s32 $0x0;
	s31 =	simm.s32 $0x0  }
0x25: {  	[tilespmem:s2], [sflag:$0x9] =	stream.linear.gather [hbm4b:s0+s2], $0x200, $0x38;
	[tilespmem:$0x10400] =	vst v63  }
.LBB2_4:
0x26: {  	s30 =	sadd.s32 $0x10000, s30  }
0x27: {  	p0 =	sne.s32 s30, $0x80000  }
.Ltmp3:
0x28: {  	_ = 	snop;
	(pc) =	sbr.rel @!p0 .LBB2_5-.Ltmp3, $2  }
0x29: {  	_ =	sdelay $0x2  }
0x2a: {  	s31 =	sadd.s32 $0x1, s31;
	s29 =	sadd.s32 $0x800, s29;
	s28 =	sadd.s32 $0x20, s28  }
.LBB2_2:
0x2b: {  	p0 =	sgt.u32 s28, $0xF9  }
.Ltmp4:
0x2c: {  	_ = 	snop;
	(pc) =	sbr.rel @p0 .LBB2_4-.Ltmp4, $1  }
0x2d: {  	_ =	sdelay $0x3  }
0x2e: {  	s0 =	sand.u32 $0x1, s31;
	_ =	swait.ge [sflag:s12], $0x200;
	p0 =	sgt.u32 s28, $0xD9  }
0x2f: {  	[sflag:s12] =	ssyncset.done $0x0;
	s3 =	sshll.u32 @!p0 s0, $0x9  }
0x30: {  	s5 =	simm.s32 @!p0 $0x0;
	[sflag:s12] =	ssyncadd.s32 $0xFFFFFE00;
	s3 =	sxor.u32 @!p0 $0x200, s3  }
0x31: {  	[tilespmem:s3], [sflag:$0x9] =	stream.linear.gather @!p0 [hbm4b:s29+s5], $0x200, $0x38;
	[tilespmem:$0x10400] =	vst v63  }
0x32: {  	p0 =	sne.s32 s30, $0x0  }
0x33: {  	s3 =	simm.s32 @p0 $0x5  }
0x34: {  	_ =	swait.ge @p0 [sflag:s3], $0x4000  }
0x35: {  	s0 =	sshll.u32 @p0 s0, $0x9;
	[sflag:s3] =	ssyncset.done @p0 $0x0  }
0x36: {  	s5 =	simm.s32 @p0 $0x400;
	[sflag:s3] =	ssyncadd.s32 @p0 $0xFFFFC000;
	s3 =	simm.s32 @p0 $0x80  }
0x37: {  	[tilespmem:s5], [sflag:$0x1] =	stream.indirect.gather @p0 [hbm4b:s1+s3], $0x80, s0, s3, $0xb8;
	[tilespmem:$0x10400] =	vst v63  }
0x38: {  	s5 =	simm.s32 @p0 $0x6  }
0x39: {  	_ =	swait.ge @p0 [sflag:s5], $0x4000  }
0x3a: {  	[sflag:s5] =	ssyncset.done @p0 $0x0  }
0x3b: {  	s4 =	simm.s32 @p0 $0x4400;
	[sflag:s5] =	ssyncadd.s32 @p0 $0xFFFFC000;
	s5 =	sor.u32 @p0 $0x80, s0  }
0x3c: {  	[tilespmem:s4], [sflag:$0x2] =	stream.indirect.gather @p0 [hbm4b:s1+s3], $0x80, s5, s3, $0xb8;
	[tilespmem:$0x10400] =	vst v63  }
0x3d: {  	s4 =	simm.s32 @p0 $0x7  }
0x3e: {  	_ =	swait.ge @p0 [sflag:s4], $0x4000  }
0x3f: {  	[sflag:s4] =	ssyncset.done @p0 $0x0  }
0x40: {  	s5 =	simm.s32 @p0 $0x8400;
	[sflag:s4] =	ssyncadd.s32 @p0 $0xFFFFC000;
	s4 =	sor.u32 @p0 $0x100, s0  }
0x41: {  	[tilespmem:s5], [sflag:$0x3] =	stream.indirect.gather @p0 [hbm4b:s1+s3], $0x80, s4, s3, $0xb8;
	[tilespmem:$0x10400] =	vst v63  }
0x42: {  	s3 =	simm.s32 @p0 $0x8  }
0x43: {  	_ =	swait.ge @p0 [sflag:s3], $0x4000  }
0x44: {  	s4 =	simm.s32 @!p0 $0x0;
	[sflag:s3] =	ssyncset.done @p0 $0x0  }
0x45: {  	s5 =	simm.s32 @!p0 $0x400;
	[sflag:s3] =	ssyncadd.s32 @p0 $0xFFFFC000;
	s3 =	simm.s32 @!p0 $0x80  }
0x46: {  	[tilespmem:s5], [sflag:$0x1] =	stream.indirect.gather @!p0 [hbm4b:s1+s3], $0x80, s4, s3, $0xb8;
	[tilespmem:$0x10400] =	vst v63  }
0x47: {  	s4 =	simm.s32 @!p0 $0x4400  }
0x48: {  	[tilespmem:s4], [sflag:$0x2] =	stream.indirect.gather @!p0 [hbm4b:s1+s3], $0x80, s3, s3, $0xb8;
	[tilespmem:$0x10400] =	vst v63  }
0x49: {  	s0 =	simm.s32 @!p0 $0x0;
	s5 =	simm.s32 @!p0 $0x8400;
	s4 =	simm.s32 @!p0 $0x100  }
0x4a: {  	[tilespmem:s5], [sflag:$0x3] =	stream.indirect.gather @!p0 [hbm4b:s1+s3], $0x80, s4, s3, $0xb8;
	[tilespmem:$0x10400] =	vst v63  }
0x4b: {  	s0 =	sadd.s32 $0x180, s0  }
0x4c: {  	[tilespmem:s14], [sflag:$0x4] =	stream.indirect.gather [hbm4b:s1+s13], $0x80, s0, s13, $0xb8;
	[tilespmem:$0x10400] =	vst v63  }
0x4d: {  	_ =	swait.ge [sflag:s15], $0x4000  }
0x4e: {  	[sflag:s15] =	ssyncset.done $0x0  }
0x4f: {  	s5 =	sadd.s32 s30, s11;
	[sflag:s15] =	ssyncadd.s32 $0xFFFFC000  }
0x50: {  	[hbm4b:s5+s2] =	stream.linear.scatter [tilespmem:s16], [sflag:$0x5], $0x4000, $0x38;
	[tilespmem:$0x10400] =	vst v63  }
0x51: {  	_ =	swait.ge [sflag:s17], $0x4000  }
0x52: {  	[sflag:s17] =	ssyncset.done $0x0  }
0x53: {  	s3 =	sadd.s32 s30, s8;
	[sflag:s17] =	ssyncadd.s32 $0xFFFFC000  }
0x54: {  	[hbm4b:s3+s2] =	stream.linear.scatter [tilespmem:s18], [sflag:$0x6], $0x4000, $0x38;
	[tilespmem:$0x10400] =	vst v63  }
0x55: {  	_ =	swait.ge [sflag:s19], $0x4000  }
0x56: {  	[sflag:s19] =	ssyncset.done $0x0  }
0x57: {  	s4 =	sadd.s32 s30, s9;
	[sflag:s19] =	ssyncadd.s32 $0xFFFFC000  }
0x58: {  	[hbm4b:s4+s2] =	stream.linear.scatter [tilespmem:s20], [sflag:$0x7], $0x4000, $0x38;
	[tilespmem:$0x10400] =	vst v63  }
.Ltmp5:
0x59: {  	_ = 	snop;
	(pc) =	sbr.rel .LBB2_4-.Ltmp5, $4  }
0x5a: {  	_ =	swait.ge [sflag:s21], $0x4000  }
0x5b: {  	[sflag:s21] =	ssyncset.done $0x0  }
0x5c: {  	s5 =	sadd.s32 s30, s10;
	[sflag:s21] =	ssyncadd.s32 $0xFFFFC000  }
0x5d: {  	[hbm4b:s5+s2] =	stream.linear.scatter [tilespmem:s14], [sflag:$0x8], $0x4000, $0x38;
	[tilespmem:$0x10400] =	vst v63  }
.LBB2_6:
0x5e: {  	_ =	sfence.sel $0x180000  }
0x5f: {  	[bflag:$0x0] =	sbarrier.arrive $0xFFFF  }
0x60: {  	_ =	strace $0x9000004D  }
0x61: {  	s0 =	stileid.u32;
	[bflag:$0x2] =	sbarrier.arrive $0xFFFF  }
0x62: {  	p0 =	sne.s32 s0, $0x0;
	s0 =	rddreg [dreg:$0x2]  }
0x63: {  	s0 =	sadd.s32 @!p0 $0x100000, s0  }
0x64: {  	[sflag:s0] =	ssyncadd.tile.s32 @!p0 $0x1;
	_ =	shalt  }
.Lfunc_end2:
_tile_overlayer_lowered:
.L_overlay_start_2:
0x65: {  	(tag) =	ssettag $0x2  }
0x66: {  	s0 =	rddreg [dreg:$0x0];
	s2 =	stileid.u32  }
0x67: {  	s1 =	rddreg [dreg:$0x1];
	p0 =	sne.s32 s2, $0x0  }
0x68: {  	s3 =	rddreg [dreg:$0x2];
	[bflag:$0x3] =	sbarrier.arrive $0xFFFF;
	s2 =	simm.s32 @!p0 $0x1C0A  }
0x69: {  	[timem:s3], [sflag:s2] =	dma.local @!p0 [hbm:s0], s1  }
0x6a: {  	s0 =	simm.s32 @!p0 $0xA  }
0x6b: {  	_ =	swait.ge @!p0 [sflag:s0], s1  }
0x6c: {  	s1 =	ssub.s32 @!p0 $0x0, s1;
	[sflag:s0] =	ssyncset.done @!p0 $0x0  }
0x6d: {  	[sflag:s0] =	ssyncadd.s32 @!p0 s1  }
0x6e: {  	[bflag:$0x3] =	sbarrier.arrive $0xFFFF  }
0x6f: {  	_ =	shalt  }

// kernel: kernel.21.cloned.1.call-start
scs
__scs_entry_jumppad:
0x0: {  	(pc) =	sbr.rel $0x88, $3  }
0x1: {  	(tag) =	ssettag $0x0;
	lr =	simm.s32 $0x1  }
0x2: {  	[smem:$0x3F9D] =	sst lr;
	_ =	strace $0xD0000000  }
0x3: {  	_ = 	snop  }
0x4: {  	_ = 	snop  }
0x5: {  	_ = 	snop  }
0x6: {  	_ = 	snop  }
0x7: {  	_ = 	snop  }
__scs_overlays_trampoline_lowered:
0x8: {  	[smem:$0x3FAC] =	sst s0  }
0x9: {  	[smem:$0x3FAD] =	sst s1  }
0xa: {  	[smem:$0x3FAE] =	sst s2  }
0xb: {  	[smem:$0x3FAF] =	sst s3  }
0xc: {  	[smem:$0x3FB0] =	sst s4  }
0xd: {  	[smem:$0x3FB1] =	sst s5  }
0xe: {  	[smem:$0x3FB2] =	sst s6  }
0xf: {  	[smem:$0x3FB3] =	sst s7  }
0x10: {  	[smem:$0x3FB4] =	sst s8  }
0x11: {  	[smem:$0x3FB5] =	sst s9;
	s0 =	simm.s32 @!p0 $0x0  }
0x12: {  	s1 =	sld [smem:$0x3F9B];
	s0 =	simm.s32 @p0 $0x1  }
0x13: {  	[smem:$0x3FB6] =	sst s0;
	s0 =	simm.s32 @!p1 $0x0  }
0x14: {  	s2 =	sld [smem:$0x3F9A];
	s0 =	simm.s32 @p1 $0x1  }
0x15: {  	[smem:$0x3FB7] =	sst s0;
	s0 =	simm.s32 @!p2 $0x0  }
0x16: {  	s3 =	sld [smem:$0x3FDB];
	s0 =	simm.s32 @p2 $0x1  }
0x17: {  	s4 =	simm.s32 $0x1BF5;
	[smem:$0x3FB9] =	sst s0  }
0x18: {  	s0 =	sld [smem:$0x3F9C];
	_ =	swait.ge [sflag:s4], $0x0  }
0x19: {  	s7 =	sld [smem:$0x3F9D]  }
0x1a: {  	s8 =	sadd.s32 $0xFFFFE003, lr  }
0x1b: {  	s9 =	sadd.s32 $0xFFFFFEF7, lr;
	s5 =	simm.s32 $0xFFFFFFFF;
	p2 =	slt.u32 s8, $0xFFFFF086  }
0x1c: {  	p1 =	slt.u32 s9, $0xF7A;
	s5 =	simm.s32 @!p2 $0x0  }
0x1d: {  	s5 =	simm.s32 @p1 $0x1;
	p0 =	seq.s32 s7, s2  }
0x1e: {  	s7 =	smul.u32 @!p0 $0xF7A, s2;
	p2 =	seq.s32 @!p0 s5, $0x0  }
0x1f: {  	s9 =	smul.u32 $0xF7A, s1;
	s8 =	simm.s32 @!p0 $0x1BF5;
	p2 =	por !p2, p0  }
0x20: {  	[sflag:s8] =	ssyncset.s32 @!p0 $0xFFFFF086;
	s6 =	sadd.s32 @!p0 s3, s7;
	s7 =	simm.s32 @!p0 $0x108  }
0x21: {  	s3 =	sadd.s32 s3, s9;
	s6 =	sadd.s32 @!p0 $0x88, s6;
	s7 =	simm.s32 @p2 $0x1082  }
0x22: {  	[simem:s7], [sflag:s8] =	dma.local @!p0 [hbm:s6], $0xF7A  }
0x23: {  	s9 =	sor.u32 $0xD0000000, s2;
	s6 =	simm.s32 $0x108;
	_ =	swait.ge @!p0 [sflag:s8], $0x0  }
0x24: {  	s3 =	sadd.s32 $0x88, s3;
	s6 =	simm.s32 @!p1 $0x1082;
	[sflag:s4] =	ssyncset.s32 $0xFFFFF086  }
0x25: {  	[simem:s6], [sflag:s4] =	dma.local [hbm:s3], $0xF7A  }
0x26: {  	[smem:$0x3F9D] =	sst s1;
	(tag) =	ssettag s2;
	_ =	strace s9  }
0x27: {  	s1 =	sld [smem:$0x3FAD]  }
0x28: {  	s2 =	sld [smem:$0x3FAE]  }
0x29: {  	s4 =	sld [smem:$0x3FB0]  }
0x2a: {  	p0 =	seq.s32 s5, $0x0;
	s5 =	sld [smem:$0x3FB1]  }
0x2b: {  	s6 =	sld [smem:$0x3FB2]  }
0x2c: {  	s7 =	sld [smem:$0x3FB3]  }
0x2d: {  	s3 =	simm.s32 $0x108;
	s8 =	sld [smem:$0x3FB4]  }
0x2e: {  	s3 =	simm.s32 @!p0 $0x1082;
	s9 =	sld [smem:$0x3FB5]  }
0x2f: {  	lr =	sadd.s32 s0, s3;
	s0 =	sld [smem:$0x3FAC]  }
0x30: {  	s3 =	sld [smem:$0x3FAF]  }
0x31: {  	[smem:$0x3FB8] =	sst s10  }
0x32: {  	s10 =	sld [smem:$0x3FB6];
	_ =	sdelay $0x3  }
0x33: {  	p0 =	seq.s32 s10, $0x1;
	s10 =	sld [smem:$0x3FB8];
	_ =	sdelay $0x3  }
0x34: {  	[smem:$0x3FB8] =	sst s10  }
0x35: {  	s10 =	sld [smem:$0x3FB7];
	_ =	sdelay $0x3  }
0x36: {  	p1 =	seq.s32 s10, $0x1;
	s10 =	sld [smem:$0x3FB8];
	_ =	sdelay $0x3  }
0x37: {  	[smem:$0x3FB8] =	sst s10  }
0x38: {  	s10 =	sld [smem:$0x3FB9]  }
0x39: {  	_ = 	snop;
	(pc) =	sbr.ind lr, $3  }
0x3a: {  	_ = 	snop  }
0x3b: {  	_ = 	snop  }
0x3c: {  	p2 =	seq.s32 s10, $0x1;
	s10 =	sld [smem:$0x3FB8]  }
0x3d: {  	_ =	shalt  }
0x3e: {  	_ =	shalt  }
0x3f: {  	_ =	shalt  }
0x40: {  	_ =	shalt  }
0x41: {  	_ =	shalt  }
0x42: {  	_ =	shalt  }
0x43: {  	_ =	shalt  }
0x44: {  	_ =	shalt  }
0x45: {  	_ =	shalt  }
0x46: {  	_ =	shalt  }
0x47: {  	_ =	shalt  }
0x48: {  	_ =	shalt  }
0x49: {  	_ =	shalt  }
0x4a: {  	_ =	shalt  }
0x4b: {  	_ =	shalt  }
0x4c: {  	_ =	shalt  }
0x4d: {  	_ =	shalt  }
0x4e: {  	_ =	shalt  }
0x4f: {  	_ =	shalt  }
0x50: {  	_ =	shalt  }
0x51: {  	_ =	shalt  }
0x52: {  	_ =	shalt  }
0x53: {  	_ =	shalt  }
0x54: {  	_ =	shalt  }
0x55: {  	_ =	shalt  }
0x56: {  	_ =	shalt  }
0x57: {  	_ =	shalt  }
0x58: {  	_ =	shalt  }
0x59: {  	_ =	shalt  }
0x5a: {  	_ =	shalt  }
0x5b: {  	_ =	shalt  }
0x5c: {  	_ =	shalt  }
0x5d: {  	_ =	shalt  }
0x5e: {  	_ =	shalt  }
0x5f: {  	_ =	shalt  }
0x60: {  	_ =	shalt  }
0x61: {  	_ =	shalt  }
0x62: {  	_ =	shalt  }
0x63: {  	_ =	shalt  }
0x64: {  	_ =	shalt  }
0x65: {  	_ =	shalt  }
0x66: {  	_ =	shalt  }
0x67: {  	_ =	shalt  }
0x68: {  	_ =	shalt  }
0x69: {  	_ =	shalt  }
0x6a: {  	_ =	shalt  }
0x6b: {  	_ =	shalt  }
0x6c: {  	_ =	shalt  }
0x6d: {  	_ =	shalt  }
0x6e: {  	_ =	shalt  }
0x6f: {  	_ =	shalt  }
0x70: {  	_ =	shalt  }
0x71: {  	_ =	shalt  }
0x72: {  	_ =	shalt  }
0x73: {  	_ =	shalt  }
0x74: {  	_ =	shalt  }
0x75: {  	_ =	shalt  }
0x76: {  	_ =	shalt  }
0x77: {  	_ =	shalt  }
0x78: {  	_ =	shalt  }
0x79: {  	_ =	shalt  }
0x7a: {  	_ =	shalt  }
0x7b: {  	_ =	shalt  }
0x7c: {  	_ =	shalt  }
0x7d: {  	_ =	shalt  }
0x7e: {  	_ =	shalt  }
0x7f: {  	_ =	shalt  }
0x80: {  	_ =	shalt  }
0x81: {  	_ =	shalt  }
0x82: {  	_ =	shalt  }
0x83: {  	_ =	shalt  }
0x84: {  	_ =	shalt  }
0x85: {  	_ =	shalt  }
0x86: {  	_ =	shalt  }
0x87: {  	_ =	shalt  }
.Lfunc_end0:
.L_simem_size_0:
called_computation.4_lowered:
.L_overlay_start_0:
0x88: {  	s2 =	sld [smem:$0x3FD9]  }
0x89: {  	s3 =	sld [smem:$0x3FFE];
	_ =	sdelay $0x1  }
0x8a: {  	s1 =	srdreg.scid  }
0x8b: {  	s0 =	sand.u32 $0x1, s1  }
0x8c: {  	s17 =	sshll.u32 s0, $0xA;
	s2 =	sadd.s32 s3, s2  }
0x8d: {  	s2 =	sadd.s32 s2, s17  }
0x8e: {  	[smem:$0x3FC4] =	sst s2  }
0x8f: {  	_ = 	snop  }
0x90: {  	s18 =	sld [smem:$0x3FD0];
	(tm) =	ssettm $0x1  }
0x91: {  	s19 =	sld [smem:$0x3FFB];
	_ =	sdelay $0x3  }
0x92: {  	_ =	strace s19  }
0x93: {  	s2 =	sld [smem:$0x3FFC];
	_ =	sdelay $0x3  }
0x94: {  	_ =	strace s2  }
0x95: {  	s2 =	sld [smem:$0x3FFD];
	_ =	sdelay $0x3  }
0x96: {  	_ =	strace s2  }
0x97: {  	_ =	strace $0x8FFFFFFF  }
0x98: {  	s20 =	sld [smem:$0x3FDB];
	_ =	sdelay $0x1  }
0x99: {  	s4 =	simm.s32 $_scs_section_size  }
0x9a: {  	s5 =	simm.s32 $_size__tile_overlayer_lowered;
	s6 =	simm.s32 $_tile_overlayer_lowered  }
0x9b: {  	s7 =	simm.s32 $0x1BFF;
	s21 =	sshll.u32 s6, $0x1;
	s4 =	sadd.s32 s4, s20  }
0x9c: {  	s22 =	simm.s32 $0x0;
	s5 =	sshll.u32 s5, $0x1;
	s6 =	sadd.s32 s21, s4  }
0x9d: {  	[timem:s22], [sflag:s7] =	dma.local [hbm:s6], s5  }
0x9e: {  	_ =	swait.ge [sflag:s7], s5  }
0x9f: {  	s5 =	ssub.s32 $0x0, s5;
	[sflag:s7] =	ssyncset.done $0x0  }
0xa0: {  	[sflag:s7] =	ssyncadd.s32 s5;
	_ =	sdelay $0x1  }
0xa1: {  	s23 =	simm.s32 $0x1B8B  }
0xa2: {  	_ =	swait.ge [sflag:s23], $0x1  }
0xa3: {  	[sflag:s23] =	ssyncset.done $0x0  }
0xa4: {  	[sflag:s23] =	ssyncadd.s32 $0xFFFFFFFF  }
0xa5: {  	s5 =	sld [smem:$0x0]  }
0xa6: {  	s6 =	sand.u32 $0xFFFFFFFE, s1  }
0xa7: {  	p0 =	sne.s32 s1, s6  }
0xa8: {  	s6 =	sshll.u32 @p0 s6, $0xE  }
0xa9: {  	s6 =	sadd.s32 @p0 $0x11B8D, s6;
	s7 =	sshll.u32 @p0 s5, $0x11  }
0xaa: {  	s6 =	sor.u32 @p0 s7, s6  }
0xab: {  	[sflag:s6] =	ssyncadd.remote.s32 @p0 $0x1;
	_ =	sdelay $0x1  }
0xac: {  	s6 =	simm.s32 @p0 $0x1B8D  }
0xad: {  	_ =	swait.eq @p0 [sflag:s6], $0x1  }
0xae: {  	[sflag:s6] =	ssyncadd.s32 @p0 $0xFFFFFFFF  }
0xaf: {  	s7 =	sshll.u32 @!p0 s1, $0xE  }
0xb0: {  	s7 =	sor.u32 @!p0 $0x4000, s7;
	s6 =	simm.s32 @!p0 $0x1B8D  }
0xb1: {  	s5 =	sshll.u32 @!p0 s5, $0x11;
	s7 =	sadd.s32 @!p0 $0x11B8D, s7;
	_ =	swait.eq @!p0 [sflag:s6], $0x1  }
0xb2: {  	s5 =	sor.u32 @!p0 s5, s7;
	[sflag:s6] =	ssyncadd.s32 @!p0 $0xFFFFFFFF  }
0xb3: {  	s25 =	simm.s32 $0x1B8E;
	s24 =	sld [smem:$0x3FFE];
	[sflag:s5] =	ssyncadd.remote.s32 @!p0 $0x1  }
0xb4: {  	s26 =	simm.s32 $execute0_lowered;
	[smem:$0x3FD2] =	sst s25  }
0xb5: {  	s6 =	sshll.u32 s26, $0x1;
	_ =	strace $0x8000004F;
	[dreg:$0x1] =	wrdreg $0xFFFFFFFF  }
0xb6: {  	s28 =	simm.s32 $_size_execute0_lowered;
	s4 =	sadd.s32 s4, s6;
	[dreg:$0x0] =	wrdreg $0x0  }
0xb7: {  	s6 =	sshll.u32 s28, $0x1;
	[dreg:$0x2] =	wrdreg s4  }
0xb8: {  	[dreg:$0x3] =	wrdreg s6  }
0xb9: {  	[dreg:$0x4] =	wrdreg $0xC0  }
0xba: {  	_ =	task [dreg:s22], $0x5FFFF  }
0xbb: {  	[dreg:$0x1] =	wrdreg $0xFFFFFFFF  }
0xbc: {  	[dreg:$0x0] =	wrdreg $0x60  }
0xbd: {  	[dreg:$0x2] =	wrdreg s18  }
0xbe: {  	[dreg:$0x3] =	wrdreg s24  }
0xbf: {  	[dreg:$0x4] =	wrdreg $0xC  }
0xc0: {  	_ =	task.clear_ibuf [dreg:s22], $0x5FFFF;
	_ =	strace $0x9000004F  }
0xc1: {  	s29 =	simm.s32 $0xC;
	_ =	strace $0x80000051  }
0xc2: {  	_ =	swait.ge [sflag:s29], $0x1  }
0xc3: {  	[sflag:s29] =	ssyncadd.s32 $0xFFFFFFFF  }
0xc4: {  	_ =	strace $0x90000051  }
0xc5: {  	_ =	sfence  }
0xc6: {  	s30 =	sld [smem:$0x0];
	_ =	sdelay $0x2  }
0xc7: {  	s31 =	sshll.u32 s1, $0xD;
	s1 =	sshrl.u32 s1, $0x2  }
0xc8: {  	s4 =	sand.u32 $0x4000, s31;
	s1 =	sadd.s32 s1, s30  }
0xc9: {  	s0 =	sor.u32 s4, s0;
	s1 =	sshll.u32 s1, $0x11  }
0xca: {  	s0 =	sor.u32 s1, s0  }
0xcb: {  	s0 =	sadd.s32 $0x8F2B, s0  }
0xcc: {  	[sflag:s0] =	ssyncadd.remote.s32 $0x1  }
0xcd: {  	_ =	sfence.sel $0xFFFF  }
0xce: {  	[dreg:$0x0] =	wrdreg $0xFFFFFFFF;
	(pc) =	sbr.abs _section_cstart, $3  }
0xcf: {  	[dreg:$0x1] =	wrdreg $0xFFFFFFFF  }
0xd0: {  	_ =	task.clear_ibuf [dreg:s22], $0x2FFFF;
	_ =	strace $0x9FFFFFFF  }
0xd1: {  	(tm) =	ssettm $0x7FFFFFFF  }
tec
execute0_lowered:
.L_overlay_start_1:
0x0: {  	(tag) =	ssettag $0x1  }
0x1: {  	s1 =	rddreg [dreg:$0x0]  }
0x2: {  	s4 =	rddreg [dreg:$0x1];
	s2 =	simm.s32 $0x0  }
0x3: {  	s3 =	srdreg.scid;
	s0 =	stileid.u32;
	s15 =	simm.s32 $0x1  }
0x4: {  	s16 =	simm.s32 $0x400;
	s17 =	simm.s32 $0x2;
	s18 =	simm.s32 $0x4400  }
0x5: {  	s19 =	simm.s32 $0x3;
	s20 =	simm.s32 $0x8400;
	s21 =	simm.s32 $0x4  }
0x6: {  	s22 =	simm.s32 $0x5;
	[smem:$0x7FF] =	sst s2;
	s9 =	sand.u32 $0x1, s3  }
0x7: {  	s6 =	sadd.s32 $0xDE00, s4;
	s8 =	sshll.u32 s0, $0x1;
	s10 =	sadd.s32 $0x5F1E00, s4  }
0x8: {  	s24 =	sshll.u32 s0, $0xF;
	s12 =	sshll.u32 s0, $0x7;
	s31 =	sshll.u32 s0, $0xC  }
0x9: {  	_ =	strace $0x80000050;
	s5 =	ssub.s32 $0x2, s9;
	s3 =	sor.u32 s9, s8  }
0xa: {  	s11 =	sshll.u32 s9, $0xE;
	s25 =	sadd.s32 s12, s6;
	s26 =	sshll.u32 s9, $0x6  }
0xb: {  	s14 =	sshll.u32 s9, $0xB;
	s7 =	sshrl.u32 s5, $0x1;
	[dreg:$0x3] =	wrdreg s3  }
0xc: {  	s23 =	sshll.u32 s3, $0x6;
	s11 =	sor.u32 s11, s24;
	s28 =	sadd.s32 s26, s25  }
0xd: {  	s24 =	simm.s32 $0x7;
	s25 =	simm.s32 $0x8;
	s26 =	simm.s32 $0x0  }
0xe: {  	s7 =	ssub.s32 s5, s7;
	s3 =	sadd.s32 s6, s23;
	s13 =	sadd.s32 $0x3E8000, s11  }
0xf: {  	s30 =	sadd.s32 $0x7D0000, s11;
	s11 =	sadd.s32 $0xBB8000, s11;
	s23 =	simm.s32 $0x6  }
.Ltmp0:
0x10: {  	[dreg:$0x4] =	wrdreg s3;
	s6 =	smax.u32 s7, $0x1;
	(pc) =	sbr.rel .LBB2_1-.Ltmp0, $4  }
0x11: {  	s29 =	sshrl.u32 s13, $0x3;
	s7 =	sadd.s32 $0x800, s28;
	s12 =	sshrl.u32 s30, $0x3  }
0x12: {  	s11 =	sshrl.u32 s11, $0x3;
	s13 =	sadd.s32 s31, s10;
	s8 =	sadd.s32 s29, s10  }
0x13: {  	s9 =	sadd.s32 s12, s10;
	s10 =	sadd.s32 s11, s10;
	s11 =	sadd.s32 s14, s13  }
0x14: {  	s12 =	simm.s32 $0x9;
	s13 =	simm.s32 $0x80;
	s14 =	simm.s32 $0xC400  }
.LBB2_5:
0x15: {  	_ =	swait.ge [sflag:s22], $0x4000  }
0x16: {  	[sflag:s22] =	ssyncset.done $0x0  }
0x17: {  	[sflag:s22] =	ssyncadd.s32 $0xFFFFC000  }
0x18: {  	_ =	swait.ge [sflag:s23], $0x4000  }
0x19: {  	[sflag:s23] =	ssyncset.done $0x0  }
0x1a: {  	s26 =	sadd.s32 $0x1, s26;
	[sflag:s23] =	ssyncadd.s32 $0xFFFFC000  }
0x1b: {  	p0 =	sne.s32 s26, s6;
	_ =	swait.ge [sflag:s24], $0x4000  }
.Ltmp1:
0x1c: {  	[sflag:s24] =	ssyncset.done $0x0;
	(pc) =	sbr.rel @!p0 .LBB2_6-.Ltmp1, $4  }
0x1d: {  	[sflag:s24] =	ssyncadd.s32 $0xFFFFC000  }
0x1e: {  	_ =	swait.ge [sflag:s25], $0x4000  }
0x1f: {  	[sflag:s25] =	ssyncset.done $0x0  }
0x20: {  	[sflag:s25] =	ssyncadd.s32 $0xFFFFC000  }
.LBB2_1:
.Ltmp2:
0x21: {  	(pc) =	sbr.rel .LBB2_2-.Ltmp2, $4  }
0x22: {  	s0 =	rddreg [dreg:$0x4]  }
0x23: {  	s28 =	rddreg [dreg:$0x3]  }
0x24: {  	s29 =	smov.u32 s7;
	s30 =	simm.s32 $0x0;
	s31 =	simm.s32 $0x0  }
0x25: {  	[tilespmem:s2], [sflag:$0x9] =	stream.linear.gather [hbm4b:s0+s2], $0x200, $0x38;
	[tilespmem:$0x10400] =	vst v63  }
.LBB2_4:
0x26: {  	s30 =	sadd.s32 $0x10000, s30  }
0x27: {  	p0 =	sne.s32 s30, $0x80000  }
.Ltmp3:
0x28: {  	_ = 	snop;
	(pc) =	sbr.rel @!p0 .LBB2_5-.Ltmp3, $2  }
0x29: {  	_ =	sdelay $0x2  }
0x2a: {  	s31 =	sadd.s32 $0x1, s31;
	s29 =	sadd.s32 $0x800, s29;
	s28 =	sadd.s32 $0x20, s28  }
.LBB2_2:
0x2b: {  	p0 =	sgt.u32 s28, $0xF9  }
.Ltmp4:
0x2c: {  	_ = 	snop;
	(pc) =	sbr.rel @p0 .LBB2_4-.Ltmp4, $1  }
0x2d: {  	_ =	sdelay $0x3  }
0x2e: {  	s0 =	sand.u32 $0x1, s31;
	_ =	swait.ge [sflag:s12], $0x200;
	p0 =	sgt.u32 s28, $0xD9  }
0x2f: {  	[sflag:s12] =	ssyncset.done $0x0;
	s3 =	sshll.u32 @!p0 s0, $0x9  }
0x30: {  	s5 =	simm.s32 @!p0 $0x0;
	[sflag:s12] =	ssyncadd.s32 $0xFFFFFE00;
	s3 =	sxor.u32 @!p0 $0x200, s3  }
0x31: {  	[tilespmem:s3], [sflag:$0x9] =	stream.linear.gather @!p0 [hbm4b:s29+s5], $0x200, $0x38;
	[tilespmem:$0x10400] =	vst v63  }
0x32: {  	p0 =	sne.s32 s30, $0x0  }
0x33: {  	s3 =	simm.s32 @p0 $0x5  }
0x34: {  	_ =	swait.ge @p0 [sflag:s3], $0x4000  }
0x35: {  	s0 =	sshll.u32 @p0 s0, $0x9;
	[sflag:s3] =	ssyncset.done @p0 $0x0  }
0x36: {  	s5 =	simm.s32 @p0 $0x400;
	[sflag:s3] =	ssyncadd.s32 @p0 $0xFFFFC000;
	s3 =	simm.s32 @p0 $0x80  }
0x37: {  	[tilespmem:s5], [sflag:$0x1] =	stream.indirect.gather @p0 [hbm4b:s1+s3], $0x80, s0, s3, $0xb8;
	[tilespmem:$0x10400] =	vst v63  }
0x38: {  	s5 =	simm.s32 @p0 $0x6  }
0x39: {  	_ =	swait.ge @p0 [sflag:s5], $0x4000  }
0x3a: {  	[sflag:s5] =	ssyncset.done @p0 $0x0  }
0x3b: {  	s4 =	simm.s32 @p0 $0x4400;
	[sflag:s5] =	ssyncadd.s32 @p0 $0xFFFFC000;
	s5 =	sor.u32 @p0 $0x80, s0  }
0x3c: {  	[tilespmem:s4], [sflag:$0x2] =	stream.indirect.gather @p0 [hbm4b:s1+s3], $0x80, s5, s3, $0xb8;
	[tilespmem:$0x10400] =	vst v63  }
0x3d: {  	s4 =	simm.s32 @p0 $0x7  }
0x3e: {  	_ =	swait.ge @p0 [sflag:s4], $0x4000  }
0x3f: {  	[sflag:s4] =	ssyncset.done @p0 $0x0  }
0x40: {  	s5 =	simm.s32 @p0 $0x8400;
	[sflag:s4] =	ssyncadd.s32 @p0 $0xFFFFC000;
	s4 =	sor.u32 @p0 $0x100, s0  }
0x41: {  	[tilespmem:s5], [sflag:$0x3] =	stream.indirect.gather @p0 [hbm4b:s1+s3], $0x80, s4, s3, $0xb8;
	[tilespmem:$0x10400] =	vst v63  }
0x42: {  	s3 =	simm.s32 @p0 $0x8  }
0x43: {  	_ =	swait.ge @p0 [sflag:s3], $0x4000  }
0x44: {  	s4 =	simm.s32 @!p0 $0x0;
	[sflag:s3] =	ssyncset.done @p0 $0x0  }
0x45: {  	s5 =	simm.s32 @!p0 $0x400;
	[sflag:s3] =	ssyncadd.s32 @p0 $0xFFFFC000;
	s3 =	simm.s32 @!p0 $0x80  }
0x46: {  	[tilespmem:s5], [sflag:$0x1] =	stream.indirect.gather @!p0 [hbm4b:s1+s3], $0x80, s4, s3, $0xb8;
	[tilespmem:$0x10400] =	vst v63  }
0x47: {  	s4 =	simm.s32 @!p0 $0x4400  }
0x48: {  	[tilespmem:s4], [sflag:$0x2] =	stream.indirect.gather @!p0 [hbm4b:s1+s3], $0x80, s3, s3, $0xb8;
	[tilespmem:$0x10400] =	vst v63  }
0x49: {  	s0 =	simm.s32 @!p0 $0x0;
	s5 =	simm.s32 @!p0 $0x8400;
	s4 =	simm.s32 @!p0 $0x100  }
0x4a: {  	[tilespmem:s5], [sflag:$0x3] =	stream.indirect.gather @!p0 [hbm4b:s1+s3], $0x80, s4, s3, $0xb8;
	[tilespmem:$0x10400] =	vst v63  }
0x4b: {  	s0 =	sadd.s32 $0x180, s0  }
0x4c: {  	[tilespmem:s14], [sflag:$0x4] =	stream.indirect.gather [hbm4b:s1+s13], $0x80, s0, s13, $0xb8;
	[tilespmem:$0x10400] =	vst v63  }
0x4d: {  	_ =	swait.ge [sflag:s15], $0x4000  }
0x4e: {  	[sflag:s15] =	ssyncset.done $0x0  }
0x4f: {  	s5 =	sadd.s32 s30, s11;
	[sflag:s15] =	ssyncadd.s32 $0xFFFFC000  }
0x50: {  	[hbm4b:s5+s2] =	stream.linear.scatter [tilespmem:s16], [sflag:$0x5], $0x4000, $0x38;
	[tilespmem:$0x10400] =	vst v63  }
0x51: {  	_ =	swait.ge [sflag:s17], $0x4000  }
0x52: {  	[sflag:s17] =	ssyncset.done $0x0  }
0x53: {  	s3 =	sadd.s32 s30, s8;
	[sflag:s17] =	ssyncadd.s32 $0xFFFFC000  }
0x54: {  	[hbm4b:s3+s2] =	stream.linear.scatter [tilespmem:s18], [sflag:$0x6], $0x4000, $0x38;
	[tilespmem:$0x10400] =	vst v63  }
0x55: {  	_ =	swait.ge [sflag:s19], $0x4000  }
0x56: {  	[sflag:s19] =	ssyncset.done $0x0  }
0x57: {  	s4 =	sadd.s32 s30, s9;
	[sflag:s19] =	ssyncadd.s32 $0xFFFFC000  }
0x58: {  	[hbm4b:s4+s2] =	stream.linear.scatter [tilespmem:s20], [sflag:$0x7], $0x4000, $0x38;
	[tilespmem:$0x10400] =	vst v63  }
.Ltmp5:
0x59: {  	_ = 	snop;
	(pc) =	sbr.rel .LBB2_4-.Ltmp5, $4  }
0x5a: {  	_ =	swait.ge [sflag:s21], $0x4000  }
0x5b: {  	[sflag:s21] =	ssyncset.done $0x0  }
0x5c: {  	s5 =	sadd.s32 s30, s10;
	[sflag:s21] =	ssyncadd.s32 $0xFFFFC000  }
0x5d: {  	[hbm4b:s5+s2] =	stream.linear.scatter [tilespmem:s14], [sflag:$0x8], $0x4000, $0x38;
	[tilespmem:$0x10400] =	vst v63  }
.LBB2_6:
0x5e: {  	_ =	sfence.sel $0x180000  }
0x5f: {  	[bflag:$0x0] =	sbarrier.arrive $0xFFFF  }
0x60: {  	_ =	strace $0x90000050  }
0x61: {  	s0 =	stileid.u32;
	[bflag:$0x2] =	sbarrier.arrive $0xFFFF  }
0x62: {  	p0 =	sne.s32 s0, $0x0;
	s0 =	rddreg [dreg:$0x2]  }
0x63: {  	s0 =	sadd.s32 @!p0 $0x100000, s0  }
0x64: {  	[sflag:s0] =	ssyncadd.tile.s32 @!p0 $0x1;
	_ =	shalt  }
.Lfunc_end2:
_tile_overlayer_lowered:
.L_overlay_start_2:
0x65: {  	(tag) =	ssettag $0x2  }
0x66: {  	s0 =	rddreg [dreg:$0x0];
	s2 =	stileid.u32  }
0x67: {  	s1 =	rddreg [dreg:$0x1];
	p0 =	sne.s32 s2, $0x0  }
0x68: {  	s3 =	rddreg [dreg:$0x2];
	[bflag:$0x3] =	sbarrier.arrive $0xFFFF;
	s2 =	simm.s32 @!p0 $0x1C0A  }
0x69: {  	[timem:s3], [sflag:s2] =	dma.local @!p0 [hbm:s0], s1  }
0x6a: {  	s0 =	simm.s32 @!p0 $0xA  }
0x6b: {  	_ =	swait.ge @!p0 [sflag:s0], s1  }
0x6c: {  	s1 =	ssub.s32 @!p0 $0x0, s1;
	[sflag:s0] =	ssyncset.done @!p0 $0x0  }
0x6d: {  	[sflag:s0] =	ssyncadd.s32 @!p0 s1  }
0x6e: {  	[bflag:$0x3] =	sbarrier.arrive $0xFFFF  }
0x6f: {  	_ =	shalt  }

// kernel: kernel.24.cloned.1.call-start
scs
__scs_entry_jumppad:
0x0: {  	(pc) =	sbr.rel $0x88, $3  }
0x1: {  	(tag) =	ssettag $0x0;
	lr =	simm.s32 $0x1  }
0x2: {  	[smem:$0x3F9D] =	sst lr;
	_ =	strace $0xD0000000  }
0x3: {  	_ = 	snop  }
0x4: {  	_ = 	snop  }
0x5: {  	_ = 	snop  }
0x6: {  	_ = 	snop  }
0x7: {  	_ = 	snop  }
__scs_overlays_trampoline_lowered:
0x8: {  	[smem:$0x3FAC] =	sst s0  }
0x9: {  	[smem:$0x3FAD] =	sst s1  }
0xa: {  	[smem:$0x3FAE] =	sst s2  }
0xb: {  	[smem:$0x3FAF] =	sst s3  }
0xc: {  	[smem:$0x3FB0] =	sst s4  }
0xd: {  	[smem:$0x3FB1] =	sst s5  }
0xe: {  	[smem:$0x3FB2] =	sst s6  }
0xf: {  	[smem:$0x3FB3] =	sst s7  }
0x10: {  	[smem:$0x3FB4] =	sst s8  }
0x11: {  	[smem:$0x3FB5] =	sst s9;
	s0 =	simm.s32 @!p0 $0x0  }
0x12: {  	s1 =	sld [smem:$0x3F9B];
	s0 =	simm.s32 @p0 $0x1  }
0x13: {  	[smem:$0x3FB6] =	sst s0;
	s0 =	simm.s32 @!p1 $0x0  }
0x14: {  	s2 =	sld [smem:$0x3F9A];
	s0 =	simm.s32 @p1 $0x1  }
0x15: {  	[smem:$0x3FB7] =	sst s0;
	s0 =	simm.s32 @!p2 $0x0  }
0x16: {  	s3 =	sld [smem:$0x3FDB];
	s0 =	simm.s32 @p2 $0x1  }
0x17: {  	s4 =	simm.s32 $0x1BF5;
	[smem:$0x3FB9] =	sst s0  }
0x18: {  	s0 =	sld [smem:$0x3F9C];
	_ =	swait.ge [sflag:s4], $0x0  }
0x19: {  	s7 =	sld [smem:$0x3F9D]  }
0x1a: {  	s8 =	sadd.s32 $0xFFFFE003, lr  }
0x1b: {  	s9 =	sadd.s32 $0xFFFFFEF7, lr;
	s5 =	simm.s32 $0xFFFFFFFF;
	p2 =	slt.u32 s8, $0xFFFFF086  }
0x1c: {  	p1 =	slt.u32 s9, $0xF7A;
	s5 =	simm.s32 @!p2 $0x0  }
0x1d: {  	s5 =	simm.s32 @p1 $0x1;
	p0 =	seq.s32 s7, s2  }
0x1e: {  	s7 =	smul.u32 @!p0 $0xF7A, s2;
	p2 =	seq.s32 @!p0 s5, $0x0  }
0x1f: {  	s9 =	smul.u32 $0xF7A, s1;
	s8 =	simm.s32 @!p0 $0x1BF5;
	p2 =	por !p2, p0  }
0x20: {  	[sflag:s8] =	ssyncset.s32 @!p0 $0xFFFFF086;
	s6 =	sadd.s32 @!p0 s3, s7;
	s7 =	simm.s32 @!p0 $0x108  }
0x21: {  	s3 =	sadd.s32 s3, s9;
	s6 =	sadd.s32 @!p0 $0x88, s6;
	s7 =	simm.s32 @p2 $0x1082  }
0x22: {  	[simem:s7], [sflag:s8] =	dma.local @!p0 [hbm:s6], $0xF7A  }
0x23: {  	s9 =	sor.u32 $0xD0000000, s2;
	s6 =	simm.s32 $0x108;
	_ =	swait.ge @!p0 [sflag:s8], $0x0  }
0x24: {  	s3 =	sadd.s32 $0x88, s3;
	s6 =	simm.s32 @!p1 $0x1082;
	[sflag:s4] =	ssyncset.s32 $0xFFFFF086  }
0x25: {  	[simem:s6], [sflag:s4] =	dma.local [hbm:s3], $0xF7A  }
0x26: {  	[smem:$0x3F9D] =	sst s1;
	(tag) =	ssettag s2;
	_ =	strace s9  }
0x27: {  	s1 =	sld [smem:$0x3FAD]  }
0x28: {  	s2 =	sld [smem:$0x3FAE]  }
0x29: {  	s4 =	sld [smem:$0x3FB0]  }
0x2a: {  	p0 =	seq.s32 s5, $0x0;
	s5 =	sld [smem:$0x3FB1]  }
0x2b: {  	s6 =	sld [smem:$0x3FB2]  }
0x2c: {  	s7 =	sld [smem:$0x3FB3]  }
0x2d: {  	s3 =	simm.s32 $0x108;
	s8 =	sld [smem:$0x3FB4]  }
0x2e: {  	s3 =	simm.s32 @!p0 $0x1082;
	s9 =	sld [smem:$0x3FB5]  }
0x2f: {  	lr =	sadd.s32 s0, s3;
	s0 =	sld [smem:$0x3FAC]  }
0x30: {  	s3 =	sld [smem:$0x3FAF]  }
0x31: {  	[smem:$0x3FB8] =	sst s10  }
0x32: {  	s10 =	sld [smem:$0x3FB6];
	_ =	sdelay $0x3  }
0x33: {  	p0 =	seq.s32 s10, $0x1;
	s10 =	sld [smem:$0x3FB8];
	_ =	sdelay $0x3  }
0x34: {  	[smem:$0x3FB8] =	sst s10  }
0x35: {  	s10 =	sld [smem:$0x3FB7];
	_ =	sdelay $0x3  }
0x36: {  	p1 =	seq.s32 s10, $0x1;
	s10 =	sld [smem:$0x3FB8];
	_ =	sdelay $0x3  }
0x37: {  	[smem:$0x3FB8] =	sst s10  }
0x38: {  	s10 =	sld [smem:$0x3FB9]  }
0x39: {  	_ = 	snop;
	(pc) =	sbr.ind lr, $3  }
0x3a: {  	_ = 	snop  }
0x3b: {  	_ = 	snop  }
0x3c: {  	p2 =	seq.s32 s10, $0x1;
	s10 =	sld [smem:$0x3FB8]  }
0x3d: {  	_ =	shalt  }
0x3e: {  	_ =	shalt  }
0x3f: {  	_ =	shalt  }
0x40: {  	_ =	shalt  }
0x41: {  	_ =	shalt  }
0x42: {  	_ =	shalt  }
0x43: {  	_ =	shalt  }
0x44: {  	_ =	shalt  }
0x45: {  	_ =	shalt  }
0x46: {  	_ =	shalt  }
0x47: {  	_ =	shalt  }
0x48: {  	_ =	shalt  }
0x49: {  	_ =	shalt  }
0x4a: {  	_ =	shalt  }
0x4b: {  	_ =	shalt  }
0x4c: {  	_ =	shalt  }
0x4d: {  	_ =	shalt  }
0x4e: {  	_ =	shalt  }
0x4f: {  	_ =	shalt  }
0x50: {  	_ =	shalt  }
0x51: {  	_ =	shalt  }
0x52: {  	_ =	shalt  }
0x53: {  	_ =	shalt  }
0x54: {  	_ =	shalt  }
0x55: {  	_ =	shalt  }
0x56: {  	_ =	shalt  }
0x57: {  	_ =	shalt  }
0x58: {  	_ =	shalt  }
0x59: {  	_ =	shalt  }
0x5a: {  	_ =	shalt  }
0x5b: {  	_ =	shalt  }
0x5c: {  	_ =	shalt  }
0x5d: {  	_ =	shalt  }
0x5e: {  	_ =	shalt  }
0x5f: {  	_ =	shalt  }
0x60: {  	_ =	shalt  }
0x61: {  	_ =	shalt  }
0x62: {  	_ =	shalt  }
0x63: {  	_ =	shalt  }
0x64: {  	_ =	shalt  }
0x65: {  	_ =	shalt  }
0x66: {  	_ =	shalt  }
0x67: {  	_ =	shalt  }
0x68: {  	_ =	shalt  }
0x69: {  	_ =	shalt  }
0x6a: {  	_ =	shalt  }
0x6b: {  	_ =	shalt  }
0x6c: {  	_ =	shalt  }
0x6d: {  	_ =	shalt  }
0x6e: {  	_ =	shalt  }
0x6f: {  	_ =	shalt  }
0x70: {  	_ =	shalt  }
0x71: {  	_ =	shalt  }
0x72: {  	_ =	shalt  }
0x73: {  	_ =	shalt  }
0x74: {  	_ =	shalt  }
0x75: {  	_ =	shalt  }
0x76: {  	_ =	shalt  }
0x77: {  	_ =	shalt  }
0x78: {  	_ =	shalt  }
0x79: {  	_ =	shalt  }
0x7a: {  	_ =	shalt  }
0x7b: {  	_ =	shalt  }
0x7c: {  	_ =	shalt  }
0x7d: {  	_ =	shalt  }
0x7e: {  	_ =	shalt  }
0x7f: {  	_ =	shalt  }
0x80: {  	_ =	shalt  }
0x81: {  	_ =	shalt  }
0x82: {  	_ =	shalt  }
0x83: {  	_ =	shalt  }
0x84: {  	_ =	shalt  }
0x85: {  	_ =	shalt  }
0x86: {  	_ =	shalt  }
0x87: {  	_ =	shalt  }
.Lfunc_end0:
.L_simem_size_0:
called_computation.5_lowered:
.L_overlay_start_0:
0x88: {  	s2 =	sld [smem:$0x3FD9]  }
0x89: {  	s3 =	sld [smem:$0x3FFE];
	_ =	sdelay $0x1  }
0x8a: {  	s1 =	srdreg.scid  }
0x8b: {  	s0 =	sand.u32 $0x1, s1  }
0x8c: {  	s17 =	sshll.u32 s0, $0xA;
	s2 =	sadd.s32 s3, s2  }
0x8d: {  	s2 =	sadd.s32 s2, s17  }
0x8e: {  	[smem:$0x3FC4] =	sst s2  }
0x8f: {  	_ = 	snop  }
0x90: {  	s18 =	sld [smem:$0x3FD0];
	(tm) =	ssettm $0x1  }
0x91: {  	s19 =	sld [smem:$0x3FFB];
	_ =	sdelay $0x3  }
0x92: {  	_ =	strace s19  }
0x93: {  	s2 =	sld [smem:$0x3FFC];
	_ =	sdelay $0x3  }
0x94: {  	_ =	strace s2  }
0x95: {  	s2 =	sld [smem:$0x3FFD];
	_ =	sdelay $0x3  }
0x96: {  	_ =	strace s2  }
0x97: {  	_ =	strace $0x8FFFFFFF  }
0x98: {  	s20 =	sld [smem:$0x3FDB];
	_ =	sdelay $0x1  }
0x99: {  	s4 =	simm.s32 $_scs_section_size  }
0x9a: {  	s5 =	simm.s32 $_size__tile_overlayer_lowered;
	s6 =	simm.s32 $_tile_overlayer_lowered  }
0x9b: {  	s7 =	simm.s32 $0x1BFF;
	s21 =	sshll.u32 s6, $0x1;
	s4 =	sadd.s32 s4, s20  }
0x9c: {  	s22 =	simm.s32 $0x0;
	s5 =	sshll.u32 s5, $0x1;
	s6 =	sadd.s32 s21, s4  }
0x9d: {  	[timem:s22], [sflag:s7] =	dma.local [hbm:s6], s5  }
0x9e: {  	_ =	swait.ge [sflag:s7], s5  }
0x9f: {  	s5 =	ssub.s32 $0x0, s5;
	[sflag:s7] =	ssyncset.done $0x0  }
0xa0: {  	[sflag:s7] =	ssyncadd.s32 s5;
	_ =	sdelay $0x1  }
0xa1: {  	s23 =	simm.s32 $0x1B8B  }
0xa2: {  	_ =	swait.ge [sflag:s23], $0x1  }
0xa3: {  	[sflag:s23] =	ssyncset.done $0x0  }
0xa4: {  	[sflag:s23] =	ssyncadd.s32 $0xFFFFFFFF  }
0xa5: {  	s5 =	sld [smem:$0x0]  }
0xa6: {  	s6 =	sand.u32 $0xFFFFFFFE, s1  }
0xa7: {  	p0 =	sne.s32 s1, s6  }
0xa8: {  	s6 =	sshll.u32 @p0 s6, $0xE  }
0xa9: {  	s6 =	sadd.s32 @p0 $0x11B8D, s6;
	s7 =	sshll.u32 @p0 s5, $0x11  }
0xaa: {  	s6 =	sor.u32 @p0 s7, s6  }
0xab: {  	[sflag:s6] =	ssyncadd.remote.s32 @p0 $0x1;
	_ =	sdelay $0x1  }
0xac: {  	s6 =	simm.s32 @p0 $0x1B8D  }
0xad: {  	_ =	swait.eq @p0 [sflag:s6], $0x1  }
0xae: {  	[sflag:s6] =	ssyncadd.s32 @p0 $0xFFFFFFFF  }
0xaf: {  	s7 =	sshll.u32 @!p0 s1, $0xE  }
0xb0: {  	s7 =	sor.u32 @!p0 $0x4000, s7;
	s6 =	simm.s32 @!p0 $0x1B8D  }
0xb1: {  	s5 =	sshll.u32 @!p0 s5, $0x11;
	s7 =	sadd.s32 @!p0 $0x11B8D, s7;
	_ =	swait.eq @!p0 [sflag:s6], $0x1  }
0xb2: {  	s5 =	sor.u32 @!p0 s5, s7;
	[sflag:s6] =	ssyncadd.s32 @!p0 $0xFFFFFFFF  }
0xb3: {  	s25 =	simm.s32 $0x1B8E;
	s24 =	sld [smem:$0x3FFE];
	[sflag:s5] =	ssyncadd.remote.s32 @!p0 $0x1  }
0xb4: {  	s26 =	simm.s32 $execute0_lowered;
	[smem:$0x3FD2] =	sst s25  }
0xb5: {  	s6 =	sshll.u32 s26, $0x1;
	_ =	strace $0x80000052;
	[dreg:$0x1] =	wrdreg $0xFFFFFFFF  }
0xb6: {  	s28 =	simm.s32 $_size_execute0_lowered;
	s4 =	sadd.s32 s4, s6;
	[dreg:$0x0] =	wrdreg $0x0  }
0xb7: {  	s6 =	sshll.u32 s28, $0x1;
	[dreg:$0x2] =	wrdreg s4  }
0xb8: {  	[dreg:$0x3] =	wrdreg s6  }
0xb9: {  	[dreg:$0x4] =	wrdreg $0xC0  }
0xba: {  	_ =	task [dreg:s22], $0x5FFFF  }
0xbb: {  	[dreg:$0x1] =	wrdreg $0xFFFFFFFF  }
0xbc: {  	[dreg:$0x0] =	wrdreg $0x60  }
0xbd: {  	[dreg:$0x2] =	wrdreg s18  }
0xbe: {  	[dreg:$0x3] =	wrdreg s24  }
0xbf: {  	[dreg:$0x4] =	wrdreg $0xD  }
0xc0: {  	_ =	task.clear_ibuf [dreg:s22], $0x5FFFF;
	_ =	strace $0x90000052  }
0xc1: {  	s29 =	simm.s32 $0xD;
	_ =	strace $0x80000054  }
0xc2: {  	_ =	swait.ge [sflag:s29], $0x1  }
0xc3: {  	[sflag:s29] =	ssyncadd.s32 $0xFFFFFFFF  }
0xc4: {  	_ =	strace $0x90000054  }
0xc5: {  	_ =	sfence  }
0xc6: {  	s30 =	sld [smem:$0x0];
	_ =	sdelay $0x2  }
0xc7: {  	s31 =	sshll.u32 s1, $0xD;
	s1 =	sshrl.u32 s1, $0x2  }
0xc8: {  	s4 =	sand.u32 $0x4000, s31;
	s1 =	sadd.s32 s1, s30  }
0xc9: {  	s0 =	sor.u32 s4, s0;
	s1 =	sshll.u32 s1, $0x11  }
0xca: {  	s0 =	sor.u32 s1, s0  }
0xcb: {  	s0 =	sadd.s32 $0x8F2B, s0  }
0xcc: {  	[sflag:s0] =	ssyncadd.remote.s32 $0x1  }
0xcd: {  	_ =	sfence.sel $0xFFFF  }
0xce: {  	[dreg:$0x0] =	wrdreg $0xFFFFFFFF;
	(pc) =	sbr.abs _section_cstart, $3  }
0xcf: {  	[dreg:$0x1] =	wrdreg $0xFFFFFFFF  }
0xd0: {  	_ =	task.clear_ibuf [dreg:s22], $0x2FFFF;
	_ =	strace $0x9FFFFFFF  }
0xd1: {  	(tm) =	ssettm $0x7FFFFFFF  }
tec
execute0_lowered:
.L_overlay_start_1:
0x0: {  	(tag) =	ssettag $0x1  }
0x1: {  	s1 =	rddreg [dreg:$0x0]  }
0x2: {  	s4 =	rddreg [dreg:$0x1];
	s2 =	simm.s32 $0x0  }
0x3: {  	s3 =	srdreg.scid;
	s0 =	stileid.u32;
	s15 =	simm.s32 $0x1  }
0x4: {  	s16 =	simm.s32 $0x400;
	s17 =	simm.s32 $0x2;
	s18 =	simm.s32 $0x4400  }
0x5: {  	s19 =	simm.s32 $0x3;
	s20 =	simm.s32 $0x8400;
	s21 =	simm.s32 $0x4  }
0x6: {  	s22 =	simm.s32 $0x5;
	[smem:$0x7FF] =	sst s2;
	s9 =	sand.u32 $0x1, s3  }
0x7: {  	s6 =	sadd.s32 $0x11E00, s4;
	s8 =	sshll.u32 s0, $0x1;
	s10 =	sadd.s32 $0x7E5E00, s4  }
0x8: {  	s24 =	sshll.u32 s0, $0xF;
	s12 =	sshll.u32 s0, $0x7;
	s31 =	sshll.u32 s0, $0xC  }
0x9: {  	_ =	strace $0x80000053;
	s5 =	ssub.s32 $0x2, s9;
	s3 =	sor.u32 s9, s8  }
0xa: {  	s11 =	sshll.u32 s9, $0xE;
	s25 =	sadd.s32 s12, s6;
	s26 =	sshll.u32 s9, $0x6  }
0xb: {  	s14 =	sshll.u32 s9, $0xB;
	s7 =	sshrl.u32 s5, $0x1;
	[dreg:$0x3] =	wrdreg s3  }
0xc: {  	s23 =	sshll.u32 s3, $0x6;
	s11 =	sor.u32 s11, s24;
	s28 =	sadd.s32 s26, s25  }
0xd: {  	s24 =	simm.s32 $0x7;
	s25 =	simm.s32 $0x8;
	s26 =	simm.s32 $0x0  }
0xe: {  	s7 =	ssub.s32 s5, s7;
	s3 =	sadd.s32 s6, s23;
	s13 =	sadd.s32 $0x3E8000, s11  }
0xf: {  	s30 =	sadd.s32 $0x7D0000, s11;
	s11 =	sadd.s32 $0xBB8000, s11;
	s23 =	simm.s32 $0x6  }
.Ltmp0:
0x10: {  	[dreg:$0x4] =	wrdreg s3;
	s6 =	smax.u32 s7, $0x1;
	(pc) =	sbr.rel .LBB2_1-.Ltmp0, $4  }
0x11: {  	s29 =	sshrl.u32 s13, $0x3;
	s7 =	sadd.s32 $0x800, s28;
	s12 =	sshrl.u32 s30, $0x3  }
0x12: {  	s11 =	sshrl.u32 s11, $0x3;
	s13 =	sadd.s32 s31, s10;
	s8 =	sadd.s32 s29, s10  }
0x13: {  	s9 =	sadd.s32 s12, s10;
	s10 =	sadd.s32 s11, s10;
	s11 =	sadd.s32 s14, s13  }
0x14: {  	s12 =	simm.s32 $0x9;
	s13 =	simm.s32 $0x80;
	s14 =	simm.s32 $0xC400  }
.LBB2_5:
0x15: {  	_ =	swait.ge [sflag:s22], $0x4000  }
0x16: {  	[sflag:s22] =	ssyncset.done $0x0  }
0x17: {  	[sflag:s22] =	ssyncadd.s32 $0xFFFFC000  }
0x18: {  	_ =	swait.ge [sflag:s23], $0x4000  }
0x19: {  	[sflag:s23] =	ssyncset.done $0x0  }
0x1a: {  	s26 =	sadd.s32 $0x1, s26;
	[sflag:s23] =	ssyncadd.s32 $0xFFFFC000  }
0x1b: {  	p0 =	sne.s32 s26, s6;
	_ =	swait.ge [sflag:s24], $0x4000  }
.Ltmp1:
0x1c: {  	[sflag:s24] =	ssyncset.done $0x0;
	(pc) =	sbr.rel @!p0 .LBB2_6-.Ltmp1, $4  }
0x1d: {  	[sflag:s24] =	ssyncadd.s32 $0xFFFFC000  }
0x1e: {  	_ =	swait.ge [sflag:s25], $0x4000  }
0x1f: {  	[sflag:s25] =	ssyncset.done $0x0  }
0x20: {  	[sflag:s25] =	ssyncadd.s32 $0xFFFFC000  }
.LBB2_1:
.Ltmp2:
0x21: {  	(pc) =	sbr.rel .LBB2_2-.Ltmp2, $4  }
0x22: {  	s0 =	rddreg [dreg:$0x4]  }
0x23: {  	s28 =	rddreg [dreg:$0x3]  }
0x24: {  	s29 =	smov.u32 s7;
	s30 =	simm.s32 $0x0;
	s31 =	simm.s32 $0x0  }
0x25: {  	[tilespmem:s2], [sflag:$0x9] =	stream.linear.gather [hbm4b:s0+s2], $0x200, $0x38;
	[tilespmem:$0x10400] =	vst v63  }
.LBB2_4:
0x26: {  	s30 =	sadd.s32 $0x10000, s30  }
0x27: {  	p0 =	sne.s32 s30, $0x80000  }
.Ltmp3:
0x28: {  	_ = 	snop;
	(pc) =	sbr.rel @!p0 .LBB2_5-.Ltmp3, $2  }
0x29: {  	_ =	sdelay $0x2  }
0x2a: {  	s31 =	sadd.s32 $0x1, s31;
	s29 =	sadd.s32 $0x800, s29;
	s28 =	sadd.s32 $0x20, s28  }
.LBB2_2:
0x2b: {  	p0 =	sgt.u32 s28, $0xF9  }
.Ltmp4:
0x2c: {  	_ = 	snop;
	(pc) =	sbr.rel @p0 .LBB2_4-.Ltmp4, $1  }
0x2d: {  	_ =	sdelay $0x3  }
0x2e: {  	s0 =	sand.u32 $0x1, s31;
	_ =	swait.ge [sflag:s12], $0x200;
	p0 =	sgt.u32 s28, $0xD9  }
0x2f: {  	[sflag:s12] =	ssyncset.done $0x0;
	s3 =	sshll.u32 @!p0 s0, $0x9  }
0x30: {  	s5 =	simm.s32 @!p0 $0x0;
	[sflag:s12] =	ssyncadd.s32 $0xFFFFFE00;
	s3 =	sxor.u32 @!p0 $0x200, s3  }
0x31: {  	[tilespmem:s3], [sflag:$0x9] =	stream.linear.gather @!p0 [hbm4b:s29+s5], $0x200, $0x38;
	[tilespmem:$0x10400] =	vst v63  }
0x32: {  	p0 =	sne.s32 s30, $0x0  }
0x33: {  	s3 =	simm.s32 @p0 $0x5  }
0x34: {  	_ =	swait.ge @p0 [sflag:s3], $0x4000  }
0x35: {  	s0 =	sshll.u32 @p0 s0, $0x9;
	[sflag:s3] =	ssyncset.done @p0 $0x0  }
0x36: {  	s5 =	simm.s32 @p0 $0x400;
	[sflag:s3] =	ssyncadd.s32 @p0 $0xFFFFC000;
	s3 =	simm.s32 @p0 $0x80  }
0x37: {  	[tilespmem:s5], [sflag:$0x1] =	stream.indirect.gather @p0 [hbm4b:s1+s3], $0x80, s0, s3, $0xb8;
	[tilespmem:$0x10400] =	vst v63  }
0x38: {  	s5 =	simm.s32 @p0 $0x6  }
0x39: {  	_ =	swait.ge @p0 [sflag:s5], $0x4000  }
0x3a: {  	[sflag:s5] =	ssyncset.done @p0 $0x0  }
0x3b: {  	s4 =	simm.s32 @p0 $0x4400;
	[sflag:s5] =	ssyncadd.s32 @p0 $0xFFFFC000;
	s5 =	sor.u32 @p0 $0x80, s0  }
0x3c: {  	[tilespmem:s4], [sflag:$0x2] =	stream.indirect.gather @p0 [hbm4b:s1+s3], $0x80, s5, s3, $0xb8;
	[tilespmem:$0x10400] =	vst v63  }
0x3d: {  	s4 =	simm.s32 @p0 $0x7  }
0x3e: {  	_ =	swait.ge @p0 [sflag:s4], $0x4000  }
0x3f: {  	[sflag:s4] =	ssyncset.done @p0 $0x0  }
0x40: {  	s5 =	simm.s32 @p0 $0x8400;
	[sflag:s4] =	ssyncadd.s32 @p0 $0xFFFFC000;
	s4 =	sor.u32 @p0 $0x100, s0  }
0x41: {  	[tilespmem:s5], [sflag:$0x3] =	stream.indirect.gather @p0 [hbm4b:s1+s3], $0x80, s4, s3, $0xb8;
	[tilespmem:$0x10400] =	vst v63  }
0x42: {  	s3 =	simm.s32 @p0 $0x8  }
0x43: {  	_ =	swait.ge @p0 [sflag:s3], $0x4000  }
0x44: {  	s4 =	simm.s32 @!p0 $0x0;
	[sflag:s3] =	ssyncset.done @p0 $0x0  }
0x45: {  	s5 =	simm.s32 @!p0 $0x400;
	[sflag:s3] =	ssyncadd.s32 @p0 $0xFFFFC000;
	s3 =	simm.s32 @!p0 $0x80  }
0x46: {  	[tilespmem:s5], [sflag:$0x1] =	stream.indirect.gather @!p0 [hbm4b:s1+s3], $0x80, s4, s3, $0xb8;
	[tilespmem:$0x10400] =	vst v63  }
0x47: {  	s4 =	simm.s32 @!p0 $0x4400  }
0x48: {  	[tilespmem:s4], [sflag:$0x2] =	stream.indirect.gather @!p0 [hbm4b:s1+s3], $0x80, s3, s3, $0xb8;
	[tilespmem:$0x10400] =	vst v63  }
0x49: {  	s0 =	simm.s32 @!p0 $0x0;
	s5 =	simm.s32 @!p0 $0x8400;
	s4 =	simm.s32 @!p0 $0x100  }
0x4a: {  	[tilespmem:s5], [sflag:$0x3] =	stream.indirect.gather @!p0 [hbm4b:s1+s3], $0x80, s4, s3, $0xb8;
	[tilespmem:$0x10400] =	vst v63  }
0x4b: {  	s0 =	sadd.s32 $0x180, s0  }
0x4c: {  	[tilespmem:s14], [sflag:$0x4] =	stream.indirect.gather [hbm4b:s1+s13], $0x80, s0, s13, $0xb8;
	[tilespmem:$0x10400] =	vst v63  }
0x4d: {  	_ =	swait.ge [sflag:s15], $0x4000  }
0x4e: {  	[sflag:s15] =	ssyncset.done $0x0  }
0x4f: {  	s5 =	sadd.s32 s30, s11;
	[sflag:s15] =	ssyncadd.s32 $0xFFFFC000  }
0x50: {  	[hbm4b:s5+s2] =	stream.linear.scatter [tilespmem:s16], [sflag:$0x5], $0x4000, $0x38;
	[tilespmem:$0x10400] =	vst v63  }
0x51: {  	_ =	swait.ge [sflag:s17], $0x4000  }
0x52: {  	[sflag:s17] =	ssyncset.done $0x0  }
0x53: {  	s3 =	sadd.s32 s30, s8;
	[sflag:s17] =	ssyncadd.s32 $0xFFFFC000  }
0x54: {  	[hbm4b:s3+s2] =	stream.linear.scatter [tilespmem:s18], [sflag:$0x6], $0x4000, $0x38;
	[tilespmem:$0x10400] =	vst v63  }
0x55: {  	_ =	swait.ge [sflag:s19], $0x4000  }
0x56: {  	[sflag:s19] =	ssyncset.done $0x0  }
0x57: {  	s4 =	sadd.s32 s30, s9;
	[sflag:s19] =	ssyncadd.s32 $0xFFFFC000  }
0x58: {  	[hbm4b:s4+s2] =	stream.linear.scatter [tilespmem:s20], [sflag:$0x7], $0x4000, $0x38;
	[tilespmem:$0x10400] =	vst v63  }
.Ltmp5:
0x59: {  	_ = 	snop;
	(pc) =	sbr.rel .LBB2_4-.Ltmp5, $4  }
0x5a: {  	_ =	swait.ge [sflag:s21], $0x4000  }
0x5b: {  	[sflag:s21] =	ssyncset.done $0x0  }
0x5c: {  	s5 =	sadd.s32 s30, s10;
	[sflag:s21] =	ssyncadd.s32 $0xFFFFC000  }
0x5d: {  	[hbm4b:s5+s2] =	stream.linear.scatter [tilespmem:s14], [sflag:$0x8], $0x4000, $0x38;
	[tilespmem:$0x10400] =	vst v63  }
.LBB2_6:
0x5e: {  	_ =	sfence.sel $0x180000  }
0x5f: {  	[bflag:$0x0] =	sbarrier.arrive $0xFFFF  }
0x60: {  	_ =	strace $0x90000053  }
0x61: {  	s0 =	stileid.u32;
	[bflag:$0x2] =	sbarrier.arrive $0xFFFF  }
0x62: {  	p0 =	sne.s32 s0, $0x0;
	s0 =	rddreg [dreg:$0x2]  }
0x63: {  	s0 =	sadd.s32 @!p0 $0x100000, s0  }
0x64: {  	[sflag:s0] =	ssyncadd.tile.s32 @!p0 $0x1;
	_ =	shalt  }
.Lfunc_end2:
_tile_overlayer_lowered:
.L_overlay_start_2:
0x65: {  	(tag) =	ssettag $0x2  }
0x66: {  	s0 =	rddreg [dreg:$0x0];
	s2 =	stileid.u32  }
0x67: {  	s1 =	rddreg [dreg:$0x1];
	p0 =	sne.s32 s2, $0x0  }
0x68: {  	s3 =	rddreg [dreg:$0x2];
	[bflag:$0x3] =	sbarrier.arrive $0xFFFF;
	s2 =	simm.s32 @!p0 $0x1C0A  }
0x69: {  	[timem:s3], [sflag:s2] =	dma.local @!p0 [hbm:s0], s1  }
0x6a: {  	s0 =	simm.s32 @!p0 $0xA  }
0x6b: {  	_ =	swait.ge @!p0 [sflag:s0], s1  }
0x6c: {  	s1 =	ssub.s32 @!p0 $0x0, s1;
	[sflag:s0] =	ssyncset.done @!p0 $0x0  }
0x6d: {  	[sflag:s0] =	ssyncadd.s32 @!p0 s1  }
0x6e: {  	[bflag:$0x3] =	sbarrier.arrive $0xFFFF  }
0x6f: {  	_ =	shalt  }

// kernel: sparse-core-data-format-call.cloned.1.call-start
scs
called_computation_lowered:
.L_overlay_start_0:
0x0: {  	s2 =	sld [smem:$0x3FD9]  }
0x1: {  	s3 =	sld [smem:$0x3FFE];
	_ =	sdelay $0x1  }
0x2: {  	s1 =	srdreg.scid  }
0x3: {  	s0 =	sand.u32 $0x1, s1  }
0x4: {  	s18 =	sshll.u32 s0, $0xA;
	s2 =	sadd.s32 s3, s2  }
0x5: {  	s2 =	sadd.s32 s2, s18  }
0x6: {  	[smem:$0x3FC4] =	sst s2  }
0x7: {  	_ = 	snop  }
0x8: {  	s2 =	sld [smem:$0x3FD0];
	(tm) =	ssettm $0x1  }
0x9: {  	s19 =	sld [smem:$0x3FFB];
	_ =	sdelay $0x3  }
0xa: {  	_ =	strace s19  }
0xb: {  	s3 =	sld [smem:$0x3FFC];
	_ =	sdelay $0x3  }
0xc: {  	_ =	strace s3  }
0xd: {  	s3 =	sld [smem:$0x3FFD];
	_ =	sdelay $0x3  }
0xe: {  	_ =	strace s3  }
0xf: {  	_ =	strace $0x8FFFFFFF  }
0x10: {  	s20 =	sld [smem:$0x3FDB];
	_ =	sdelay $0x1  }
0x11: {  	s4 =	simm.s32 $_scs_section_size  }
0x12: {  	s5 =	simm.s32 $_size__tile_overlayer_lowered;
	s6 =	simm.s32 $_tile_overlayer_lowered  }
0x13: {  	s23 =	simm.s32 $0x1BFF;
	s22 =	sshll.u32 s6, $0x1;
	s3 =	sadd.s32 s4, s20  }
0x14: {  	s7 =	simm.s32 $0x0;
	s21 =	sshll.u32 s5, $0x1;
	s5 =	sadd.s32 s22, s3  }
0x15: {  	[timem:s7], [sflag:s23] =	dma.local [hbm:s5], s21  }
0x16: {  	_ =	swait.ge [sflag:s23], s21  }
0x17: {  	s4 =	ssub.s32 $0x0, s21;
	[sflag:s23] =	ssyncset.done $0x0  }
0x18: {  	[sflag:s23] =	ssyncadd.s32 s4;
	_ =	sdelay $0x1  }
0x19: {  	s24 =	simm.s32 $0x1B8B  }
0x1a: {  	_ =	swait.ge [sflag:s24], $0x1  }
0x1b: {  	[sflag:s24] =	ssyncset.done $0x0  }
0x1c: {  	s26 =	simm.s32 $0x1B8E;
	s25 =	sld [smem:$0x3FFE];
	[sflag:s24] =	ssyncadd.s32 $0xFFFFFFFF  }
0x1d: {  	s27 =	simm.s32 $execute0_lowered;
	[smem:$0x3FD2] =	sst s26  }
0x1e: {  	s5 =	sshll.u32 s27, $0x1;
	_ =	strace $0x80000055;
	[dreg:$0x1] =	wrdreg $0xFFFFFFFF  }
0x1f: {  	s28 =	simm.s32 $_size_execute0_lowered;
	s3 =	sadd.s32 s3, s5;
	[dreg:$0x0] =	wrdreg $0x0  }
0x20: {  	s5 =	sshll.u32 s28, $0x1;
	[dreg:$0x2] =	wrdreg s3  }
0x21: {  	[dreg:$0x3] =	wrdreg s5  }
0x22: {  	[dreg:$0x4] =	wrdreg $0xC0  }
0x23: {  	_ =	task [dreg:s7], $0x5FFFF  }
0x24: {  	[dreg:$0x1] =	wrdreg $0xFFFFFFFF  }
0x25: {  	[dreg:$0x0] =	wrdreg $0x60  }
0x26: {  	[dreg:$0x2] =	wrdreg s25  }
0x27: {  	[dreg:$0x3] =	wrdreg s2  }
0x28: {  	[dreg:$0x4] =	wrdreg $0x9  }
0x29: {  	_ =	task.clear_ibuf [dreg:s7], $0x5FFFF;
	_ =	strace $0x90000055  }
0x2a: {  	s29 =	simm.s32 $0x9;
	_ =	strace $0x80000057  }
0x2b: {  	_ =	swait.ge [sflag:s29], $0x1  }
0x2c: {  	[sflag:s29] =	ssyncadd.s32 $0xFFFFFFFF  }
0x2d: {  	_ =	strace $0x90000057  }
0x2e: {  	_ =	sfence  }
0x2f: {  	s30 =	sld [smem:$0x0];
	_ =	sdelay $0x2  }
0x30: {  	s31 =	sshll.u32 s1, $0xD;
	s1 =	sshrl.u32 s1, $0x2  }
0x31: {  	s3 =	sand.u32 $0x4000, s31;
	s1 =	sadd.s32 s1, s30  }
0x32: {  	s0 =	sor.u32 s3, s0;
	s1 =	sshll.u32 s1, $0x11  }
0x33: {  	s0 =	sor.u32 s1, s0  }
0x34: {  	s0 =	sadd.s32 $0x8F2B, s0  }
0x35: {  	[sflag:s0] =	ssyncadd.remote.s32 $0x1  }
0x36: {  	_ =	sfence.sel $0xFFFF  }
0x37: {  	[dreg:$0x0] =	wrdreg $0xFFFFFFFF;
	(pc) =	sbr.abs _section_cstart, $3  }
0x38: {  	[dreg:$0x1] =	wrdreg $0xFFFFFFFF  }
0x39: {  	_ =	task.clear_ibuf [dreg:s7], $0x2FFFF;
	_ =	strace $0x9FFFFFFF  }
0x3a: {  	(tm) =	ssettm $0x7FFFFFFF  }
0x3b: {  	_ =	shalt  }
tec
execute0_lowered:
.L_overlay_start_1:
0x0: {  	(tag) =	ssettag $0x1  }
0x1: {  	s0 =	stileid.u32  }
0x2: {  	s1 =	srdreg.scid;
	s7 =	rddreg [dreg:$0x0]  }
0x3: {  	s31 =	simm.s32 $0x2;
	s14 =	simm.s32 $0x0;
	s15 =	simm.s32 $0x0  }
0x4: {  	s13 =	simm.s32 $0x0;
	s2 =	sshll.u32 s0, $0x7;
	s1 =	sshll.u32 s1, $0xB  }
0x5: {  	s3 =	sshll.u32 s0, $0x6;
	s7 =	sadd.s32 $0x9D9E00, s7;
	s1 =	sor.u32 s2, s1  }
0x6: {  	s2 =	rddreg [dreg:$0x1];
	s3 =	sand.u32 $0x40, s3;
	s4 =	sand.u32 $0xF00, s1  }
0x7: {  	s1 =	rddreg [dreg:$0x2];
	s5 =	ssub.s32 $0x80, s3;
	s6 =	ssub.s32 $0x27100, s4  }
0x8: {  	s8 =	sshrl.u32 s5, $0x7;
	s5 =	sshrl.u32 s5, $0x6;
	s9 =	sand.u32 $0xF00, s6  }
0x9: {  	s10 =	sand.u32 $0x1, s5;
	p0 =	sne.s32 s9, $0x0;
	s9 =	simm.s32 $0x1  }
.Ltmp0:
0xa: {  	s6 =	sshrl.u32 s6, $0xC;
	s9 =	simm.s32 @!p0 $0x0;
	(pc) =	sbr.rel .LBB1_1-.Ltmp0, $4  }
0xb: {  	_ =	strace $0x80000056;
	s8 =	sadd.s32 s8, s10;
	s6 =	sadd.s32 s9, s6  }
0xc: {  	s12 =	smov.u32 s3;
	s5 =	simm.s32 $0x1;
	s6 =	smul.u32 s8, s6  }
0xd: {  	s11 =	smov.u32 s4;
	[sflag:s5] =	ssyncpa.u1 $0x0;
	s10 =	simm.s32 $0x0  }
0xe: {  	[sflag:s31] =	ssyncpa.u1 $0x0;
	s9 =	simm.s32 $0x27100;
	s8 =	sadd.s32 $0x1, s6  }
.LBB1_4:
0xf: {  	_ =	sdelay $0x1  }
0x10: {  	[tilespmem:s18+$0xFFFFFFE0] =	vst v8  }
0x11: {  	[tilespmem:s18+$0xFFFFFFF0] =	vst v7  }
0x12: {  	s21 =	sor.u32 s23, s22;
	[tilespmem:s18+$0x10] =	vst v1;
	v47 =	vld.idx.msk [tilespmem:v0+s19+$0x470 ss:$0x1], $0xffff  }
0x13: {  	[tilespmem:s18+$0x20] =	vst v2;
	v57 =	vld.idx.msk [tilespmem:v0+s21+$0x410 ss:$0x1], $0xffff  }
0x14: {  	[tilespmem:s18+$0x30] =	vst v3;
	v58 =	vld.idx.msk [tilespmem:v0+s21+$0x420 ss:$0x1], $0xffff  }
0x15: {  	[tilespmem:s18+$0x40] =	vst v4;
	v59 =	vld.idx.msk [tilespmem:v0+s21+$0x430 ss:$0x1], $0xffff  }
0x16: {  	[tilespmem:s18+$0x50] =	vst v5;
	v60 =	vld.idx.msk [tilespmem:v0+s21+$0x440 ss:$0x1], $0xffff  }
0x17: {  	[tilespmem:s18+$0x60] =	vst v6;
	s22 =	sand.u32 $0x3B00, s21;
	v61 =	vld.idx.msk [tilespmem:v0+s21+$0x450 ss:$0x1], $0xffff  }
0x18: {  	s20 =	sand.u32 $0x80, s20;
	s28 =	sadd.s32 $0x100, s18;
	v62 =	vld.idx.msk [tilespmem:v0+s21+$0x460 ss:$0x1], $0xffff;
	s17 =	sadd.s32 s22, s17;
	[tilespmem:s18+$0x70] =	vst v47  }
0x19: {  	v63 =	vld.idx.msk [tilespmem:v0+s21+$0x470 ss:$0x1], $0xffff;
	s17 =	sadd.s32 s20, s17;
	[tilespmem:s28+$0x10] =	vst v57  }
0x1a: {  	v48 =	vld [tilespmem:s17+$0x400];
	[tilespmem:s28+$0x20] =	vst v58  }
0x1b: {  	v49 =	vld [tilespmem:s17+$0x0];
	[tilespmem:s28+$0x30] =	vst v59  }
0x1c: {  	v50 =	vld [tilespmem:s17+$0x10];
	[tilespmem:s28+$0x40] =	vst v60  }
0x1d: {  	v51 =	vld [tilespmem:s17+$0x20];
	[tilespmem:s28+$0x50] =	vst v61  }
0x1e: {  	v52 =	vld [tilespmem:s17+$0x30];
	[tilespmem:s28+$0x60] =	vst v62  }
0x1f: {  	v53 =	vld [tilespmem:s17+$0x40];
	[tilespmem:s28+$0x70] =	vst v63  }
0x20: {  	s29 =	smulhi.u32 $0xD1B71759, s14;
	v54 =	vld [tilespmem:s17+$0x50];
	[tilespmem:s28+$0x0] =	vst v48  }
0x21: {  	v55 =	vld [tilespmem:s17+$0x60];
	[tilespmem:s28+$0xFFFFFF80] =	vst v49  }
0x22: {  	v56 =	vld [tilespmem:s17+$0x70];
	s17 =	sshrl.u32 s29, $0x11;
	[tilespmem:s28+$0xFFFFFF90] =	vst v50  }
0x23: {  	s17 =	smul.u32 $0x27100, s17;
	[tilespmem:s28+$0xFFFFFFA0] =	vst v51  }
0x24: {  	[tilespmem:s28+$0xFFFFFFB0] =	vst v52  }
0x25: {  	s15 =	smul.u32 $0x4E20, s15;
	s30 =	ssub.s32 s14, s17;
	[tilespmem:s28+$0xFFFFFFC0] =	vst v53  }
0x26: {  	s17 =	sand.u32 $0x7, s30;
	[tilespmem:s28+$0xFFFFFFD0] =	vst v54  }
0x27: {  	s15 =	sadd.s32 s2, s15;
	s14 =	sshrl.u32 s30, $0x3;
	[tilespmem:s28+$0xFFFFFFE0] =	vst v55;
	s17 =	sshll.u32 s17, $0x12  }
0x28: {  	[tilespmem:s28+$0xFFFFFFF0] =	vst v56;
	s14 =	sadd.s32 s14, s15;
	s31 =	sor.u32 $0x100, s17  }
0x29: {  	[hbm4b:s14+s31] =	stream.strided.scatter [tilespmem:s16], [sflag:$0x2], $0x4000, s9, s31, $0x38;
	[tilespmem:$0x10000] =	vst v63  }
.LBB1_5:
0x2a: {  	s16 =	sadd.s32 $0x1000, s11  }
0x2b: {  	s14 =	sadd.s32 $0x80, s12;
	s18 =	smov.u32 s12;
	p1 =	sgt.s32 s16, $0x270FF  }
0x2c: {  	s18 =	smov.u32 @p1 s14  }
0x2d: {  	s16 =	smov.u32 @p1 s4;
	p1 =	sgt.s32 s18, $0x7F  }
0x2e: {  	s18 =	smov.u32 @p1 s3;
	p1 =	sne.s32 s13, s8  }
.Ltmp1:
0x2f: {  	p0 =	slt.u32 s13, $0x2;
	(pc) =	sbr.rel @!p1 .LBB1_6-.Ltmp1, $4  }
0x30: {  	s17 =	simm.s32 @!p0 $0x2  }
0x31: {  	s15 =	smov.u32 s12;
	s10 =	sadd.s32 $0x4000, s10;
	_ =	swait.ge @!p0 [sflag:s17], $0x4000  }
0x32: {  	s14 =	smov.u32 s11;
	[sflag:s17] =	ssyncset.done @!p0 $0x0;
	s11 =	smov.u32 s16  }
0x33: {  	s13 =	sadd.s32 $0x1, s13;
	[sflag:s17] =	ssyncadd.s32 @!p0 $0xFFFFC000;
	s12 =	smov.u32 s18  }
.LBB1_1:
0x34: {  	p0 =	sge.u32 s13, s6  }
0x35: {  	s16 =	sshrl.u32 @!p0 s12, $0x3  }
0x36: {  	s17 =	sshll.u32 @!p0 s11, $0x3;
	s16 =	smul.u32 @!p0 $0x138800, s16  }
0x37: {  	s18 =	sshll.u32 @!p0 s12, $0x7;
	s17 =	sand.u32 @!p0 $0xFFFFFC00, s17  }
0x38: {  	s16 =	sadd.s32 @!p0 s16, s17;
	s17 =	sand.u32 @!p0 $0x380, s18  }
0x39: {  	s18 =	sand.u32 @!p0 $0x7F, s11;
	s16 =	sor.u32 @!p0 s17, s16  }
0x3a: {  	s17 =	sor.u32 @!p0 s18, s16  }
0x3b: {  	s18 =	smulhi.u32 @!p0 $0xD1B71759, s17;
	_ =	sdelay $0x1  }
0x3c: {  	s16 =	smulhi.u32 @!p0 $0xD1B71759, s16;
	s18 =	sshrl.u32 @!p0 s18, $0x11  }
0x3d: {  	s18 =	smul.u32 @!p0 $0x27100, s18  }
0x3e: {  	s31 =	sadd.s32 $0xFFFFFFFF, s13;
	s19 =	sxor.u32 @!p0 $0xFFFFFFFF, s13;
	s16 =	sshrl.u32 @!p0 s16, $0x11  }
0x3f: {  	s19 =	sshll.u32 @!p0 s19, $0xE;
	s16 =	sand.u32 @!p0 $0x7F, s16;
	s17 =	ssub.s32 @!p0 s17, s18  }
0x40: {  	s16 =	smul.u32 @!p0 $0x4E20, s16;
	s18 =	sshrl.u32 @!p0 s17, $0x3;
	s17 =	sand.u32 @!p0 $0x7, s17  }
0x41: {  	s19 =	sand.u32 @!p0 $0x4000, s19;
	s18 =	sadd.s32 @!p0 s7, s18;
	s17 =	sshll.u32 @!p0 s17, $0x12  }
0x42: {  	s16 =	sadd.s32 @!p0 s16, s18;
	s17 =	sor.u32 @!p0 $0x800, s17;
	s18 =	simm.s32 @!p0 $0x138800  }
0x43: {  	[tilespmem:s19], [sflag:$0x1] =	stream.strided.gather @!p0 [hbm4b:s16+s17], $0x4000, s18, s17, $0x38;
	[tilespmem:$0x10000] =	vst v63  }
0x44: {  	p0 =	sge.u32 s31, s6  }
.Ltmp2:
0x45: {  	_ = 	snop;
	(pc) =	sbr.rel @p0 .LBB1_5-.Ltmp2, $1  }
0x46: {  	_ =	sdelay $0x3  }
0x47: {  	s30 =	simm.s32 $0x0  }
0x48: {  	s18 =	sand.u32 $0x3800, s30;
	s19 =	sand.u32 $0x380, s30  }
0x49: {  	s16 =	sshll.u32 s13, $0xE;
	s19 =	sor.u32 s19, s18  }
0x4a: {  	_ =	swait.ge [sflag:s5], $0x4000;
	s17 =	sand.u32 $0x4000, s16;
	s18 =	sand.u32 $0x3B00, s19  }
0x4b: {  	[sflag:s5] =	ssyncset.done $0x0;
	s16 =	sand.u32 $0x80, s30;
	s18 =	sadd.s32 s18, s17  }
0x4c: {  	[sflag:s5] =	ssyncadd.s32 $0xFFFFC000;
	s16 =	sadd.s32 s16, s18  }
0x4d: {  	v4 =	vld [tilespmem:s16+$0x400]  }
0x4e: {  	v5 =	vld [tilespmem:s16+$0x0]  }
0x4f: {  	v6 =	vld [tilespmem:s16+$0x10]  }
0x50: {  	v0 =	vmov s17;
	v7 =	vld [tilespmem:s16+$0x20]  }
0x51: {  	v9 =	vld [tilespmem:s16+$0x30]  }
0x52: {  	v10 =	vld [tilespmem:s16+$0x40]  }
0x53: {  	s31 =	sand.u32 $0x4000, s10;
	v11 =	vld [tilespmem:s16+$0x50]  }
0x54: {  	s18 =	sor.u32 $0x8080, s31;
	v8 =	vld [tilespmem:s16+$0x60]  }
0x55: {  	v1 =	vld.idx.msk [tilespmem:v0+s19+$0x410 ss:$0x1], $0xffff;
	[tilespmem:s18+$0x0] =	vst v4  }
0x56: {  	v2 =	vld.idx.msk [tilespmem:v0+s19+$0x420 ss:$0x1], $0xffff;
	[tilespmem:s18+$0xFFFFFF80] =	vst v5  }
0x57: {  	v3 =	vld.idx.msk [tilespmem:v0+s19+$0x430 ss:$0x1], $0xffff;
	[tilespmem:s18+$0xFFFFFF90] =	vst v6  }
0x58: {  	[tilespmem:s18+$0xFFFFFFA0] =	vst v7;
	v7 =	vld [tilespmem:s16+$0x70]  }
0x59: {  	s21 =	simm.s32 $0x100;
	[tilespmem:s18+$0xFFFFFFB0] =	vst v9;
	v4 =	vld.idx.msk [tilespmem:v0+s19+$0x440 ss:$0x1], $0xffff  }
0x5a: {  	s20 =	simm.s32 $0x80;
	s22 =	sand.u32 $0x3800, s21;
	[tilespmem:s18+$0xFFFFFFC0] =	vst v10;
	v5 =	vld.idx.msk [tilespmem:v0+s19+$0x450 ss:$0x1], $0xffff  }
0x5b: {  	s23 =	sand.u32 $0x380, s20;
	s21 =	simm.s32 $0x200;
	s16 =	sor.u32 $0x8000, s17;
	[tilespmem:s18+$0xFFFFFFD0] =	vst v11;
	v6 =	vld.idx.msk [tilespmem:v0+s19+$0x460 ss:$0x1], $0xffff  }
.LBB1_3:
0x5c: {  	p0 =	sne.s32 s21, $0x3F00;
	[tilespmem:s18+$0xFFFFFFE0] =	vst v8;
	v8 =	vld.idx.msk [tilespmem:v0+s19+$0x470 ss:$0x1], $0xffff;
	s19 =	sor.u32 s23, s22  }
0x5d: {  	s22 =	sand.u32 $0x3B00, s19;
	v9 =	vld.idx.msk [tilespmem:v0+s19+$0x410 ss:$0x1], $0xffff;
	[tilespmem:s18+$0xFFFFFFF0] =	vst v7  }
0x5e: {  	s23 =	sand.u32 $0x80, s20;
	s22 =	sadd.s32 s22, s17;
	v7 =	vld.idx.msk [tilespmem:v0+s19+$0x420 ss:$0x1], $0xffff;
	[tilespmem:s18+$0x10] =	vst v1  }
0x5f: {  	s22 =	sadd.s32 s23, s22;
	v10 =	vld.idx.msk [tilespmem:v0+s19+$0x430 ss:$0x1], $0xffff;
	[tilespmem:s18+$0x20] =	vst v2  }
0x60: {  	v11 =	vld [tilespmem:s22+$0x400];
	[tilespmem:s18+$0x30] =	vst v3  }
0x61: {  	v12 =	vld [tilespmem:s22+$0x0];
	[tilespmem:s18+$0x40] =	vst v4  }
0x62: {  	v4 =	vld [tilespmem:s22+$0x10];
	[tilespmem:s18+$0x50] =	vst v5  }
0x63: {  	v1 =	vmov v9;
	v5 =	vld [tilespmem:s22+$0x20];
	[tilespmem:s18+$0x60] =	vst v6  }
0x64: {  	v2 =	vmov v7;
	v6 =	vld [tilespmem:s22+$0x30];
	[tilespmem:s18+$0x70] =	vst v8;
	s18 =	sadd.s32 $0x100, s18  }
0x65: {  	v3 =	vmov v10;
	v9 =	vld [tilespmem:s22+$0x40];
	[tilespmem:s18+$0x0] =	vst v11  }
0x66: {  	[tilespmem:s18+$0xFFFFFF80] =	vst v12;
	v10 =	vld [tilespmem:s22+$0x50]  }
.Ltmp3:
0x67: {  	[tilespmem:s18+$0xFFFFFF90] =	vst v4;
	v8 =	vld [tilespmem:s22+$0x60];
	(pc) =	sbr.rel @p0 .LBB1_3-.Ltmp3, $4  }
0x68: {  	[tilespmem:s18+$0xFFFFFFA0] =	vst v5;
	v7 =	vld [tilespmem:s22+$0x70]  }
0x69: {  	[tilespmem:s18+$0xFFFFFFB0] =	vst v6;
	v4 =	vld.idx.msk [tilespmem:v0+s19+$0x440 ss:$0x1], $0xffff  }
0x6a: {  	s20 =	sadd.s32 $0x80, s20;
	[tilespmem:s18+$0xFFFFFFC0] =	vst v9;
	v5 =	vld.idx.msk [tilespmem:v0+s19+$0x450 ss:$0x1], $0xffff  }
0x6b: {  	s23 =	sand.u32 $0x380, s20;
	s22 =	sand.u32 $0x3800, s21;
	s21 =	sadd.s32 $0x100, s21;
	[tilespmem:s18+$0xFFFFFFD0] =	vst v10;
	v6 =	vld.idx.msk [tilespmem:v0+s19+$0x460 ss:$0x1], $0xffff  }
.Ltmp4:
0x6c: {  	_ = 	snop;
	(pc) =	sbr.rel .LBB1_4-.Ltmp4, $1  }
0x6d: {  	_ =	sdelay $0x3  }
.LBB1_6:
0x6e: {  	_ =	sfence.sel $0x180000  }
0x6f: {  	s2 =	simm.s32 $0x1;
	[bflag:$0x0] =	sbarrier.arrive $0xFFFF  }
0x70: {  	s31 =	simm.s32 $0x2;
	[sflag:s2] =	ssyncpa.u1 $0x1  }
0x71: {  	[sflag:s31] =	ssyncpa.u1 $0x1  }
0x72: {  	p0 =	sne.s32 s0, $0x0;
	_ =	strace $0x90000056  }
0x73: {  	s0 =	sadd.s32 @!p0 $0x100000, s1;
	[bflag:$0x2] =	sbarrier.arrive $0xFFFF  }
0x74: {  	[sflag:s0] =	ssyncadd.tile.s32 @!p0 $0x1;
	_ =	shalt  }
.Lfunc_end1:
_tile_overlayer_lowered:
.L_overlay_start_2:
0x75: {  	(tag) =	ssettag $0x2  }
0x76: {  	s0 =	rddreg [dreg:$0x0];
	s2 =	stileid.u32  }
0x77: {  	s1 =	rddreg [dreg:$0x1];
	p0 =	sne.s32 s2, $0x0  }
0x78: {  	s3 =	rddreg [dreg:$0x2];
	[bflag:$0x3] =	sbarrier.arrive $0xFFFF;
	s2 =	simm.s32 @!p0 $0x1C01  }
0x79: {  	[timem:s3], [sflag:s2] =	dma.local @!p0 [hbm:s0], s1  }
0x7a: {  	s0 =	simm.s32 @!p0 $0x1  }
0x7b: {  	_ =	swait.ge @!p0 [sflag:s0], s1  }
0x7c: {  	s1 =	ssub.s32 @!p0 $0x0, s1;
	[sflag:s0] =	ssyncset.done @!p0 $0x0  }
0x7d: {  	[sflag:s0] =	ssyncadd.s32 @!p0 s1  }
0x7e: {  	[bflag:$0x3] =	sbarrier.arrive $0xFFFF  }
0x7f: {  	_ =	shalt  }

</sc_bundles>
